<compile_context>
chip_gen: v7x
topology: tpu7x:2x2x1
jax: 0.10.2.dev20260603
libtpu: 0.0.44.dev20260713+nightly
codegen_flags: <defaults>
</compile_context>

<pallas_src>
import functools

import jax
import jax.numpy as jnp
from jax import lax
from jax.experimental import pallas as pl
from jax.experimental.pallas import tpu as pltpu
from jax.experimental.pallas import tpu_sc as plsc

B = 16384
V = 1000000
RN = 1000
D = 64
NC = 2
NS = 16
NW = NC * NS
BW = B // NW
IC = 128
NCH = BW // IC
CS = BW * 16
NT = CS // IC
CI = 8192


def _tc_tr_body(x_ref, o_ref):
    eye = jnp.eye(D, dtype=jnp.float32)
    y = lax.dot_general(x_ref[...], eye, (((0,), (0,)), ((), ())),
                        preferred_element_type=jnp.float32)
    yi = lax.bitcast_convert_type(y, jnp.int32)
    lo = lax.shift_right_logical(yi[:, 0:D // 2], 16)
    hi = yi[:, D // 2:D] & jnp.int32(-65536)
    w = hi | lo
    q = CI // 4
    for t in range(4):
        o_ref[:, t * 32:(t + 1) * 32] = w[t * q:(t + 1) * q, :]


def _tc_transpose(xt, n_rows):
    grid = (n_rows + CI - 1) // CI
    return pl.pallas_call(
        _tc_tr_body,
        grid=(grid,),
        in_specs=[pl.BlockSpec((D, CI), lambda b: (0, b))],
        out_specs=pl.BlockSpec((CI // 4, 128), lambda b: (b, 0)),
        out_shape=jax.ShapeDtypeStruct((grid * CI // 4, 128), jnp.int32),
    )(xt)


def _sc_body(h_idx_hbm, t_idx_hbm, r_idx_hbm, ent_hbm, rel_hbm, perm_hbm,
             out_hbm, hi_v, ti_v, ri_v, h_v, t_v, r_v, csum_v,
             perm_v, out_v, slab, sem):
    cid = lax.axis_index("c")
    sid = lax.axis_index("s")
    wid = sid * NC + cid
    row0 = wid * NCH

    pltpu.sync_copy(h_idx_hbm.at[pl.ds(row0, NCH)], hi_v)
    pltpu.sync_copy(t_idx_hbm.at[pl.ds(row0, NCH)], ti_v)
    pltpu.sync_copy(r_idx_hbm.at[pl.ds(row0, NCH)], ri_v)
    pltpu.sync_copy(perm_hbm, perm_v)

    copies = []
    for k in range(NCH):
        copies.append(pltpu.async_copy(
            ent_hbm.at[hi_v.at[k]], h_v.at[pl.ds(k * IC, IC)], sem))
        copies.append(pltpu.async_copy(
            ent_hbm.at[ti_v.at[k]], t_v.at[pl.ds(k * IC, IC)], sem))
        copies.append(pltpu.async_copy(
            rel_hbm.at[ri_v.at[k]], r_v.at[pl.ds(k * IC, IC)], sem))
    for c in copies:
        c.wait()

    mask_hi = jnp.int32(-65536)

    def row_body(rr, _):
        acc = None
        for k in range(2):
            sl = pl.ds(k * 16, 16)
            hw = h_v[rr, sl]
            rw = r_v[rr, sl]
            tw = t_v[rr, sl]
            for part in range(2):
                if part == 0:
                    hf = lax.bitcast_convert_type(lax.shift_left(hw, 16), jnp.float32)
                    rf = lax.bitcast_convert_type(lax.shift_left(rw, 16), jnp.float32)
                    tf = lax.bitcast_convert_type(lax.shift_left(tw, 16), jnp.float32)
                else:
                    hf = lax.bitcast_convert_type(hw & mask_hi, jnp.float32)
                    rf = lax.bitcast_convert_type(rw & mask_hi, jnp.float32)
                    tf = lax.bitcast_convert_type(tw & mask_hi, jnp.float32)
                d = jnp.abs(hf + rf - tf)
                acc = d if acc is None else acc + d
        csum_v[pl.ds(rr * 16, 16)] = acc
        return 0

    lax.fori_loop(0, BW, row_body, 0)

    pltpu.sync_copy(csum_v, slab.at[sid])
    tcopies = []
    for k in range(NT):
        tcopies.append(pltpu.async_copy(
            slab.at[sid].at[perm_v.at[k]],
            csum_v.at[pl.ds(k * IC, IC)], sem))
    for c in tcopies:
        c.wait()

    def grp_body(g, _):
        acc = None
        for c in range(16):
            v = csum_v[pl.ds(c * BW + g * 16, 16)]
            acc = v if acc is None else acc + v
        out_v[pl.ds(g * 16, 16)] = -acc
        return 0

    lax.fori_loop(0, BW // 16, grp_body, 0)

    pltpu.sync_copy(out_v, out_hbm.at[pl.ds(wid * BW, BW)])


@jax.jit
def _transe(h_idx, t_idx, r_idx, entity_table, relation_table):
    ent500 = _tc_transpose(entity_table.T, V)
    rel500 = _tc_transpose(relation_table.T, RN)
    ent2 = ent500.reshape(-1, 32)
    rel2 = rel500.reshape(-1, 32)

    def _qidx(idx):
        i = idx.astype(jnp.int32)
        q = CI // 4
        return ((i // CI) * CI + 4 * (i % q) + (i % CI) // q).reshape(-1, IC)

    k = jnp.arange(CS, dtype=jnp.int32)
    perm = ((k % BW) * 16 + k // BW).reshape(NT, IC)

    kfn = pl.kernel(
        _sc_body,
        out_type=jax.ShapeDtypeStruct((B,), jnp.float32),
        mesh=plsc.VectorSubcoreMesh(
            core_axis_name="c", subcore_axis_name="s",
            num_cores=NC, num_subcores=NS),
        compiler_params=pltpu.CompilerParams(use_tc_tiling_on_sc=False),
        scratch_types=[
            pltpu.VMEM((NCH, IC), jnp.int32),
            pltpu.VMEM((NCH, IC), jnp.int32),
            pltpu.VMEM((NCH, IC), jnp.int32),
            pltpu.VMEM((BW, 32), jnp.int32),
            pltpu.VMEM((BW, 32), jnp.int32),
            pltpu.VMEM((BW, 32), jnp.int32),
            pltpu.VMEM((CS,), jnp.float32),
            pltpu.VMEM((NT, IC), jnp.int32),
            pltpu.VMEM((BW,), jnp.float32),
            pltpu.VMEM_SHARED((NS, CS), jnp.float32),
            pltpu.SemaphoreType.DMA,
        ],
    )
    return kfn(_qidx(h_idx), _qidx(t_idx), _qidx(r_idx),
               ent2, rel2, perm)


def kernel(h_idx, t_idx, r_idx, entity_table, relation_table):
    return _transe(h_idx, t_idx, r_idx, entity_table, relation_table)

# --- scband reference (transcript-rebuilt; emitter-appended) ---
"""Pipeline reference for scband-trans-e-27874337751219 (READ-ONLY COPY).

The authoritative reference and input builder live on the scoring server;
editing this copy changes nothing except your own understanding.
"""

import jax, jax.numpy as jnp
import numpy as np

B = 16384
V = 1000000  # n_entity
R = 1000     # n_relation
D = 64       # embedding_dim


def setup_inputs(seed: int = 0) -> dict:
    key = jax.random.key(seed)
    k1, k2, k3, k4, k5 = jax.random.split(key, 5)
    h_idx = jax.random.randint(k1, (B,), 0, V, dtype=jnp.int64 if jax.config.jax_enable_x64 else jnp.int32)
    t_idx = jax.random.randint(k2, (B,), 0, V, dtype=jnp.int64 if jax.config.jax_enable_x64 else jnp.int32)
    r_idx = jax.random.randint(k3, (B,), 0, R, dtype=jnp.int64 if jax.config.jax_enable_x64 else jnp.int32)
    bound = 1.0 / np.sqrt(D)
    entity_table = jax.random.uniform(k4, (V, D), minval=-bound, maxval=bound, dtype=jnp.float32)
    relation_table = jax.random.uniform(k5, (R, D), minval=-bound, maxval=bound, dtype=jnp.float32)
    return {
        "h_idx": h_idx,
        "t_idx": t_idx,
        "r_idx": r_idx,
        "entity_table": entity_table,
        "relation_table": relation_table,
    }


def reference(h_idx, t_idx, r_idx, entity_table, relation_table):
    # TransE score: score(h, r, t) = -|| E[h] + R[r] - E[t] ||_1
    h = jnp.take(entity_table, h_idx, axis=0)
    t = jnp.take(entity_table, t_idx, axis=0)
    r = jnp.take(relation_table, r_idx, axis=0)
    score = -jnp.sum(jnp.abs(h + r - t), axis=1)
    return score

if __name__ == "__main__":
    import jax
    _d = setup_inputs()
    print(jax.jit(kernel)(*tuple(_d.values())))

</pallas_src>

<mosaic_0001>
#map = affine_map<(d0, d1) -> (0, 0)>
#map1 = affine_map<(d0, d1) -> (0)>
module attributes {stable_mosaic.version = 14 : i64} {
  func.func @_sc_body(%arg0: i32, %arg1: i32, %arg2: memref<128x128xi32, #tpu.memory_space<hbm>>, %arg3: memref<128x128xi32, #tpu.memory_space<hbm>>, %arg4: memref<128x128xi32, #tpu.memory_space<hbm>>, %arg5: memref<1007616x32xi32, #tpu.memory_space<hbm>>, %arg6: memref<8192x32xi32, #tpu.memory_space<hbm>>, %arg7: memref<64x128xi32, #tpu.memory_space<hbm>>, %arg8: memref<16384xf32, #tpu.memory_space<hbm>>, %arg9: memref<4x128xi32, #tpu.memory_space<vmem>>, %arg10: memref<4x128xi32, #tpu.memory_space<vmem>>, %arg11: memref<4x128xi32, #tpu.memory_space<vmem>>, %arg12: memref<512x32xi32, #tpu.memory_space<vmem>>, %arg13: memref<512x32xi32, #tpu.memory_space<vmem>>, %arg14: memref<512x32xi32, #tpu.memory_space<vmem>>, %arg15: memref<8192xf32, #tpu.memory_space<vmem>>, %arg16: memref<64x128xi32, #tpu.memory_space<vmem>>, %arg17: memref<512xf32, #tpu.memory_space<vmem>>, %arg18: memref<16x8192xf32, #tpu.memory_space<vmem_shared>>, %arg19: memref<!tpu.dma_semaphore, #tpu.memory_space<semaphore_mem>>) attributes {dimension_semantics = [#tpu.dimension_semantics<core_parallel>, #tpu.dimension_semantics<subcore_parallel>], iteration_bounds = array<i64: 2, 16>, scalar_prefetch = 0 : i64, scratch_operands = 11 : i64, tpu.core_type = #tpu.core_type<sc_vector_subcore>, window_params = [{transform_indices = #map}, {transform_indices = #map}, {transform_indices = #map}, {transform_indices = #map}, {transform_indices = #map}, {transform_indices = #map}, {transform_indices = #map1}]} {
    %mul3A = arith.constant 2 : i32
    %mul3A_0 = arith.muli %arg1, %mul3A : i32
    %add3A = arith.addi %mul3A_0, %arg0 : i32
    %mul3A_1 = arith.constant 4 : i32
    %mul3A_2 = arith.muli %add3A, %mul3A_1 : i32
    "tpu.region"() ({
      %run_scoped3A = tpu.sem_alloc : memref<!tpu.dma_semaphore, #tpu.memory_space<semaphore_mem>>
      %dma_start3A_1665 = arith.constant 0 : i32
      %dma_start3A_1666 = tpu.memref_slice %arg2[%mul3A_2, %dma_start3A_1665] : memref<128x128xi32, #tpu.memory_space<hbm>> -> memref<4x128xi32, #tpu.memory_space<hbm>>
      %dma_start3A_1667 = arith.constant 0 : i32
      %dma_start3A_1668 = tpu.memref_slice %arg2[%mul3A_2, %dma_start3A_1667] : memref<128x128xi32, #tpu.memory_space<hbm>> -> memref<4x128xi32, #tpu.memory_space<hbm>>
      tpu.enqueue_dma source(%dma_start3A_1668 : memref<4x128xi32, #tpu.memory_space<hbm>>) target(%arg9 : memref<4x128xi32, #tpu.memory_space<vmem>>) target_semaphore(%run_scoped3A : memref<!tpu.dma_semaphore, #tpu.memory_space<semaphore_mem>>)
      %dma_wait3A_1669 = arith.constant 0 : i32
      %dma_wait3A_1670 = tpu.memref_slice %arg2[%mul3A_2, %dma_wait3A_1669] : memref<128x128xi32, #tpu.memory_space<hbm>> -> memref<4x128xi32, #tpu.memory_space<hbm>>
      %dma_wait3A_1671 = arith.constant 0 : i32
      %dma_wait3A_1672 = tpu.memref_slice %arg2[%mul3A_2, %dma_wait3A_1671] : memref<128x128xi32, #tpu.memory_space<hbm>> -> memref<4x128xi32, #tpu.memory_space<hbm>>
      tpu.wait_dma2 semaphore(%run_scoped3A : memref<!tpu.dma_semaphore, #tpu.memory_space<semaphore_mem>>) src(%dma_wait3A_1672 : memref<4x128xi32, #tpu.memory_space<hbm>>) dst(%arg9 : memref<4x128xi32, #tpu.memory_space<vmem>>)
      tpu.yield
    }) : () -> ()
    "tpu.region"() ({
      %run_scoped3A = tpu.sem_alloc : memref<!tpu.dma_semaphore, #tpu.memory_space<semaphore_mem>>
      %dma_start3A_1665 = arith.constant 0 : i32
      %dma_start3A_1666 = tpu.memref_slice %arg3[%mul3A_2, %dma_start3A_1665] : memref<128x128xi32, #tpu.memory_space<hbm>> -> memref<4x128xi32, #tpu.memory_space<hbm>>
      %dma_start3A_1667 = arith.constant 0 : i32
      %dma_start3A_1668 = tpu.memref_slice %arg3[%mul3A_2, %dma_start3A_1667] : memref<128x128xi32, #tpu.memory_space<hbm>> -> memref<4x128xi32, #tpu.memory_space<hbm>>
      tpu.enqueue_dma source(%dma_start3A_1668 : memref<4x128xi32, #tpu.memory_space<hbm>>) target(%arg10 : memref<4x128xi32, #tpu.memory_space<vmem>>) target_semaphore(%run_scoped3A : memref<!tpu.dma_semaphore, #tpu.memory_space<semaphore_mem>>)
      %dma_wait3A_1669 = arith.constant 0 : i32
      %dma_wait3A_1670 = tpu.memref_slice %arg3[%mul3A_2, %dma_wait3A_1669] : memref<128x128xi32, #tpu.memory_space<hbm>> -> memref<4x128xi32, #tpu.memory_space<hbm>>
      %dma_wait3A_1671 = arith.constant 0 : i32
      %dma_wait3A_1672 = tpu.memref_slice %arg3[%mul3A_2, %dma_wait3A_1671] : memref<128x128xi32, #tpu.memory_space<hbm>> -> memref<4x128xi32, #tpu.memory_space<hbm>>
      tpu.wait_dma2 semaphore(%run_scoped3A : memref<!tpu.dma_semaphore, #tpu.memory_space<semaphore_mem>>) src(%dma_wait3A_1672 : memref<4x128xi32, #tpu.memory_space<hbm>>) dst(%arg10 : memref<4x128xi32, #tpu.memory_space<vmem>>)
      tpu.yield
    }) : () -> ()
    "tpu.region"() ({
      %run_scoped3A = tpu.sem_alloc : memref<!tpu.dma_semaphore, #tpu.memory_space<semaphore_mem>>
      %dma_start3A_1665 = arith.constant 0 : i32
      %dma_start3A_1666 = tpu.memref_slice %arg4[%mul3A_2, %dma_start3A_1665] : memref<128x128xi32, #tpu.memory_space<hbm>> -> memref<4x128xi32, #tpu.memory_space<hbm>>
      %dma_start3A_1667 = arith.constant 0 : i32
      %dma_start3A_1668 = tpu.memref_slice %arg4[%mul3A_2, %dma_start3A_1667] : memref<128x128xi32, #tpu.memory_space<hbm>> -> memref<4x128xi32, #tpu.memory_space<hbm>>
      tpu.enqueue_dma source(%dma_start3A_1668 : memref<4x128xi32, #tpu.memory_space<hbm>>) target(%arg11 : memref<4x128xi32, #tpu.memory_space<vmem>>) target_semaphore(%run_scoped3A : memref<!tpu.dma_semaphore, #tpu.memory_space<semaphore_mem>>)
      %dma_wait3A_1669 = arith.constant 0 : i32
      %dma_wait3A_1670 = tpu.memref_slice %arg4[%mul3A_2, %dma_wait3A_1669] : memref<128x128xi32, #tpu.memory_space<hbm>> -> memref<4x128xi32, #tpu.memory_space<hbm>>
      %dma_wait3A_1671 = arith.constant 0 : i32
      %dma_wait3A_1672 = tpu.memref_slice %arg4[%mul3A_2, %dma_wait3A_1671] : memref<128x128xi32, #tpu.memory_space<hbm>> -> memref<4x128xi32, #tpu.memory_space<hbm>>
      tpu.wait_dma2 semaphore(%run_scoped3A : memref<!tpu.dma_semaphore, #tpu.memory_space<semaphore_mem>>) src(%dma_wait3A_1672 : memref<4x128xi32, #tpu.memory_space<hbm>>) dst(%arg11 : memref<4x128xi32, #tpu.memory_space<vmem>>)
      tpu.yield
    }) : () -> ()
    "tpu.region"() ({
      %run_scoped3A = tpu.sem_alloc : memref<!tpu.dma_semaphore, #tpu.memory_space<semaphore_mem>>
      tpu.enqueue_dma source(%arg7 : memref<64x128xi32, #tpu.memory_space<hbm>>) target(%arg16 : memref<64x128xi32, #tpu.memory_space<vmem>>) target_semaphore(%run_scoped3A : memref<!tpu.dma_semaphore, #tpu.memory_space<semaphore_mem>>)
      tpu.wait_dma2 semaphore(%run_scoped3A : memref<!tpu.dma_semaphore, #tpu.memory_space<semaphore_mem>>) src(%arg7 : memref<64x128xi32, #tpu.memory_space<hbm>>) dst(%arg16 : memref<64x128xi32, #tpu.memory_space<vmem>>)
      tpu.yield
    }) : () -> ()
    %dma_start3A = arith.constant 0 : i32
    %dma_start3A_3 = arith.constant 0 : i32
    %dma_start3A_4 = arith.constant 0 : i32
    %dma_start3A_5 = tpu.memref_slice %arg12[%dma_start3A_3, %dma_start3A_4] : memref<512x32xi32, #tpu.memory_space<vmem>> -> memref<128x32xi32, #tpu.memory_space<vmem>>
    %dma_start3A_6 = arith.constant 0 : i32
    %dma_start3A_7 = tpu.memref_slice %arg9[%dma_start3A, %dma_start3A_6] : memref<4x128xi32, #tpu.memory_space<vmem>> -> memref<1x128xi32, #tpu.memory_space<vmem>>
    %dma_start3A_8 = tpu.memref_squeeze %dma_start3A_7 : memref<1x128xi32, #tpu.memory_space<vmem>> -> memref<128xi32, #tpu.memory_space<vmem>>
    %dma_start3A_9 = arith.constant 0 : i32
    %dma_start3A_10 = arith.constant 0 : i32
    %dma_start3A_11 = tpu.memref_slice %arg5[%dma_start3A_9, %dma_start3A_10] : memref<1007616x32xi32, #tpu.memory_space<hbm>> -> memref<1007616x32xi32, #tpu.memory_space<hbm>>
    tpu.enqueue_indirect_dma source(%dma_start3A_11 : memref<1007616x32xi32, #tpu.memory_space<hbm>>) target(%dma_start3A_5 : memref<128x32xi32, #tpu.memory_space<vmem>>) offsets(%dma_start3A_8 : memref<128xi32, #tpu.memory_space<vmem>>) semaphore(%arg19 : memref<!tpu.dma_semaphore, #tpu.memory_space<semaphore_mem>>)
    %dma_start3A_12 = arith.constant 0 : i32
    %dma_start3A_13 = arith.constant 0 : i32
    %dma_start3A_14 = arith.constant 0 : i32
    %dma_start3A_15 = tpu.memref_slice %arg13[%dma_start3A_13, %dma_start3A_14] : memref<512x32xi32, #tpu.memory_space<vmem>> -> memref<128x32xi32, #tpu.memory_space<vmem>>
    %dma_start3A_16 = arith.constant 0 : i32
    %dma_start3A_17 = tpu.memref_slice %arg10[%dma_start3A_12, %dma_start3A_16] : memref<4x128xi32, #tpu.memory_space<vmem>> -> memref<1x128xi32, #tpu.memory_space<vmem>>
    %dma_start3A_18 = tpu.memref_squeeze %dma_start3A_17 : memref<1x128xi32, #tpu.memory_space<vmem>> -> memref<128xi32, #tpu.memory_space<vmem>>
    %dma_start3A_19 = arith.constant 0 : i32
    %dma_start3A_20 = arith.constant 0 : i32
    %dma_start3A_21 = tpu.memref_slice %arg5[%dma_start3A_19, %dma_start3A_20] : memref<1007616x32xi32, #tpu.memory_space<hbm>> -> memref<1007616x32xi32, #tpu.memory_space<hbm>>
    tpu.enqueue_indirect_dma source(%dma_start3A_21 : memref<1007616x32xi32, #tpu.memory_space<hbm>>) target(%dma_start3A_15 : memref<128x32xi32, #tpu.memory_space<vmem>>) offsets(%dma_start3A_18 : memref<128xi32, #tpu.memory_space<vmem>>) semaphore(%arg19 : memref<!tpu.dma_semaphore, #tpu.memory_space<semaphore_mem>>)
    %dma_start3A_22 = arith.constant 0 : i32
    %dma_start3A_23 = arith.constant 0 : i32
    %dma_start3A_24 = arith.constant 0 : i32
    %dma_start3A_25 = tpu.memref_slice %arg14[%dma_start3A_23, %dma_start3A_24] : memref<512x32xi32, #tpu.memory_space<vmem>> -> memref<128x32xi32, #tpu.memory_space<vmem>>
    %dma_start3A_26 = arith.constant 0 : i32
    %dma_start3A_27 = tpu.memref_slice %arg11[%dma_start3A_22, %dma_start3A_26] : memref<4x128xi32, #tpu.memory_space<vmem>> -> memref<1x128xi32, #tpu.memory_space<vmem>>
    %dma_start3A_28 = tpu.memref_squeeze %dma_start3A_27 : memref<1x128xi32, #tpu.memory_space<vmem>> -> memref<128xi32, #tpu.memory_space<vmem>>
    %dma_start3A_29 = arith.constant 0 : i32
    %dma_start3A_30 = arith.constant 0 : i32
    %dma_start3A_31 = tpu.memref_slice %arg6[%dma_start3A_29, %dma_start3A_30] : memref<8192x32xi32, #tpu.memory_space<hbm>> -> memref<8192x32xi32, #tpu.memory_space<hbm>>
    tpu.enqueue_indirect_dma source(%dma_start3A_31 : memref<8192x32xi32, #tpu.memory_space<hbm>>) target(%dma_start3A_25 : memref<128x32xi32, #tpu.memory_space<vmem>>) offsets(%dma_start3A_28 : memref<128xi32, #tpu.memory_space<vmem>>) semaphore(%arg19 : memref<!tpu.dma_semaphore, #tpu.memory_space<semaphore_mem>>)
    %dma_start3A_32 = arith.constant 1 : i32
    %dma_start3A_33 = arith.constant 128 : i32
    %dma_start3A_34 = arith.constant 0 : i32
    %dma_start3A_35 = tpu.memref_slice %arg12[%dma_start3A_33, %dma_start3A_34] : memref<512x32xi32, #tpu.memory_space<vmem>> -> memref<128x32xi32, #tpu.memory_space<vmem>>
    %dma_start3A_36 = arith.constant 0 : i32
    %dma_start3A_37 = tpu.memref_slice %arg9[%dma_start3A_32, %dma_start3A_36] : memref<4x128xi32, #tpu.memory_space<vmem>> -> memref<1x128xi32, #tpu.memory_space<vmem>>
    %dma_start3A_38 = tpu.memref_squeeze %dma_start3A_37 : memref<1x128xi32, #tpu.memory_space<vmem>> -> memref<128xi32, #tpu.memory_space<vmem>>
    %dma_start3A_39 = arith.constant 0 : i32
    %dma_start3A_40 = arith.constant 0 : i32
    %dma_start3A_41 = tpu.memref_slice %arg5[%dma_start3A_39, %dma_start3A_40] : memref<1007616x32xi32, #tpu.memory_space<hbm>> -> memref<1007616x32xi32, #tpu.memory_space<hbm>>
    tpu.enqueue_indirect_dma source(%dma_start3A_41 : memref<1007616x32xi32, #tpu.memory_space<hbm>>) target(%dma_start3A_35 : memref<128x32xi32, #tpu.memory_space<vmem>>) offsets(%dma_start3A_38 : memref<128xi32, #tpu.memory_space<vmem>>) semaphore(%arg19 : memref<!tpu.dma_semaphore, #tpu.memory_space<semaphore_mem>>)
    %dma_start3A_42 = arith.constant 1 : i32
    %dma_start3A_43 = arith.constant 128 : i32
    %dma_start3A_44 = arith.constant 0 : i32
    %dma_start3A_45 = tpu.memref_slice %arg13[%dma_start3A_43, %dma_start3A_44] : memref<512x32xi32, #tpu.memory_space<vmem>> -> memref<128x32xi32, #tpu.memory_space<vmem>>
    %dma_start3A_46 = arith.constant 0 : i32
    %dma_start3A_47 = tpu.memref_slice %arg10[%dma_start3A_42, %dma_start3A_46] : memref<4x128xi32, #tpu.memory_space<vmem>> -> memref<1x128xi32, #tpu.memory_space<vmem>>
    %dma_start3A_48 = tpu.memref_squeeze %dma_start3A_47 : memref<1x128xi32, #tpu.memory_space<vmem>> -> memref<128xi32, #tpu.memory_space<vmem>>
    %dma_start3A_49 = arith.constant 0 : i32
    %dma_start3A_50 = arith.constant 0 : i32
    %dma_start3A_51 = tpu.memref_slice %arg5[%dma_start3A_49, %dma_start3A_50] : memref<1007616x32xi32, #tpu.memory_space<hbm>> -> memref<1007616x32xi32, #tpu.memory_space<hbm>>
    tpu.enqueue_indirect_dma source(%dma_start3A_51 : memref<1007616x32xi32, #tpu.memory_space<hbm>>) target(%dma_start3A_45 : memref<128x32xi32, #tpu.memory_space<vmem>>) offsets(%dma_start3A_48 : memref<128xi32, #tpu.memory_space<vmem>>) semaphore(%arg19 : memref<!tpu.dma_semaphore, #tpu.memory_space<semaphore_mem>>)
    %dma_start3A_52 = arith.constant 1 : i32
    %dma_start3A_53 = arith.constant 128 : i32
    %dma_start3A_54 = arith.constant 0 : i32
    %dma_start3A_55 = tpu.memref_slice %arg14[%dma_start3A_53, %dma_start3A_54] : memref<512x32xi32, #tpu.memory_space<vmem>> -> memref<128x32xi32, #tpu.memory_space<vmem>>
    %dma_start3A_56 = arith.constant 0 : i32
    %dma_start3A_57 = tpu.memref_slice %arg11[%dma_start3A_52, %dma_start3A_56] : memref<4x128xi32, #tpu.memory_space<vmem>> -> memref<1x128xi32, #tpu.memory_space<vmem>>
    %dma_start3A_58 = tpu.memref_squeeze %dma_start3A_57 : memref<1x128xi32, #tpu.memory_space<vmem>> -> memref<128xi32, #tpu.memory_space<vmem>>
    %dma_start3A_59 = arith.constant 0 : i32
    %dma_start3A_60 = arith.constant 0 : i32
    %dma_start3A_61 = tpu.memref_slice %arg6[%dma_start3A_59, %dma_start3A_60] : memref<8192x32xi32, #tpu.memory_space<hbm>> -> memref<8192x32xi32, #tpu.memory_space<hbm>>
    tpu.enqueue_indirect_dma source(%dma_start3A_61 : memref<8192x32xi32, #tpu.memory_space<hbm>>) target(%dma_start3A_55 : memref<128x32xi32, #tpu.memory_space<vmem>>) offsets(%dma_start3A_58 : memref<128xi32, #tpu.memory_space<vmem>>) semaphore(%arg19 : memref<!tpu.dma_semaphore, #tpu.memory_space<semaphore_mem>>)
    %dma_start3A_62 = arith.constant 2 : i32
    %dma_start3A_63 = arith.constant 256 : i32
    %dma_start3A_64 = arith.constant 0 : i32
    %dma_start3A_65 = tpu.memref_slice %arg12[%dma_start3A_63, %dma_start3A_64] : memref<512x32xi32, #tpu.memory_space<vmem>> -> memref<128x32xi32, #tpu.memory_space<vmem>>
    %dma_start3A_66 = arith.constant 0 : i32
    %dma_start3A_67 = tpu.memref_slice %arg9[%dma_start3A_62, %dma_start3A_66] : memref<4x128xi32, #tpu.memory_space<vmem>> -> memref<1x128xi32, #tpu.memory_space<vmem>>
    %dma_start3A_68 = tpu.memref_squeeze %dma_start3A_67 : memref<1x128xi32, #tpu.memory_space<vmem>> -> memref<128xi32, #tpu.memory_space<vmem>>
    %dma_start3A_69 = arith.constant 0 : i32
    %dma_start3A_70 = arith.constant 0 : i32
    %dma_start3A_71 = tpu.memref_slice %arg5[%dma_start3A_69, %dma_start3A_70] : memref<1007616x32xi32, #tpu.memory_space<hbm>> -> memref<1007616x32xi32, #tpu.memory_space<hbm>>
    tpu.enqueue_indirect_dma source(%dma_start3A_71 : memref<1007616x32xi32, #tpu.memory_space<hbm>>) target(%dma_start3A_65 : memref<128x32xi32, #tpu.memory_space<vmem>>) offsets(%dma_start3A_68 : memref<128xi32, #tpu.memory_space<vmem>>) semaphore(%arg19 : memref<!tpu.dma_semaphore, #tpu.memory_space<semaphore_mem>>)
    %dma_start3A_72 = arith.constant 2 : i32
    %dma_start3A_73 = arith.constant 256 : i32
    %dma_start3A_74 = arith.constant 0 : i32
    %dma_start3A_75 = tpu.memref_slice %arg13[%dma_start3A_73, %dma_start3A_74] : memref<512x32xi32, #tpu.memory_space<vmem>> -> memref<128x32xi32, #tpu.memory_space<vmem>>
    %dma_start3A_76 = arith.constant 0 : i32
    %dma_start3A_77 = tpu.memref_slice %arg10[%dma_start3A_72, %dma_start3A_76] : memref<4x128xi32, #tpu.memory_space<vmem>> -> memref<1x128xi32, #tpu.memory_space<vmem>>
    %dma_start3A_78 = tpu.memref_squeeze %dma_start3A_77 : memref<1x128xi32, #tpu.memory_space<vmem>> -> memref<128xi32, #tpu.memory_space<vmem>>
    %dma_start3A_79 = arith.constant 0 : i32
    %dma_start3A_80 = arith.constant 0 : i32
    %dma_start3A_81 = tpu.memref_slice %arg5[%dma_start3A_79, %dma_start3A_80] : memref<1007616x32xi32, #tpu.memory_space<hbm>> -> memref<1007616x32xi32, #tpu.memory_space<hbm>>
    tpu.enqueue_indirect_dma source(%dma_start3A_81 : memref<1007616x32xi32, #tpu.memory_space<hbm>>) target(%dma_start3A_75 : memref<128x32xi32, #tpu.memory_space<vmem>>) offsets(%dma_start3A_78 : memref<128xi32, #tpu.memory_space<vmem>>) semaphore(%arg19 : memref<!tpu.dma_semaphore, #tpu.memory_space<semaphore_mem>>)
    %dma_start3A_82 = arith.constant 2 : i32
    %dma_start3A_83 = arith.constant 256 : i32
    %dma_start3A_84 = arith.constant 0 : i32
    %dma_start3A_85 = tpu.memref_slice %arg14[%dma_start3A_83, %dma_start3A_84] : memref<512x32xi32, #tpu.memory_space<vmem>> -> memref<128x32xi32, #tpu.memory_space<vmem>>
    %dma_start3A_86 = arith.constant 0 : i32
    %dma_start3A_87 = tpu.memref_slice %arg11[%dma_start3A_82, %dma_start3A_86] : memref<4x128xi32, #tpu.memory_space<vmem>> -> memref<1x128xi32, #tpu.memory_space<vmem>>
    %dma_start3A_88 = tpu.memref_squeeze %dma_start3A_87 : memref<1x128xi32, #tpu.memory_space<vmem>> -> memref<128xi32, #tpu.memory_space<vmem>>
    %dma_start3A_89 = arith.constant 0 : i32
    %dma_start3A_90 = arith.constant 0 : i32
    %dma_start3A_91 = tpu.memref_slice %arg6[%dma_start3A_89, %dma_start3A_90] : memref<8192x32xi32, #tpu.memory_space<hbm>> -> memref<8192x32xi32, #tpu.memory_space<hbm>>
    tpu.enqueue_indirect_dma source(%dma_start3A_91 : memref<8192x32xi32, #tpu.memory_space<hbm>>) target(%dma_start3A_85 : memref<128x32xi32, #tpu.memory_space<vmem>>) offsets(%dma_start3A_88 : memref<128xi32, #tpu.memory_space<vmem>>) semaphore(%arg19 : memref<!tpu.dma_semaphore, #tpu.memory_space<semaphore_mem>>)
    %dma_start3A_92 = arith.constant 3 : i32
    %dma_start3A_93 = arith.constant 384 : i32
    %dma_start3A_94 = arith.constant 0 : i32
    %dma_start3A_95 = tpu.memref_slice %arg12[%dma_start3A_93, %dma_start3A_94] : memref<512x32xi32, #tpu.memory_space<vmem>> -> memref<128x32xi32, #tpu.memory_space<vmem>>
    %dma_start3A_96 = arith.constant 0 : i32
    %dma_start3A_97 = tpu.memref_slice %arg9[%dma_start3A_92, %dma_start3A_96] : memref<4x128xi32, #tpu.memory_space<vmem>> -> memref<1x128xi32, #tpu.memory_space<vmem>>
    %dma_start3A_98 = tpu.memref_squeeze %dma_start3A_97 : memref<1x128xi32, #tpu.memory_space<vmem>> -> memref<128xi32, #tpu.memory_space<vmem>>
    %dma_start3A_99 = arith.constant 0 : i32
    %dma_start3A_100 = arith.constant 0 : i32
    %dma_start3A_101 = tpu.memref_slice %arg5[%dma_start3A_99, %dma_start3A_100] : memref<1007616x32xi32, #tpu.memory_space<hbm>> -> memref<1007616x32xi32, #tpu.memory_space<hbm>>
    tpu.enqueue_indirect_dma source(%dma_start3A_101 : memref<1007616x32xi32, #tpu.memory_space<hbm>>) target(%dma_start3A_95 : memref<128x32xi32, #tpu.memory_space<vmem>>) offsets(%dma_start3A_98 : memref<128xi32, #tpu.memory_space<vmem>>) semaphore(%arg19 : memref<!tpu.dma_semaphore, #tpu.memory_space<semaphore_mem>>)
    %dma_start3A_102 = arith.constant 3 : i32
    %dma_start3A_103 = arith.constant 384 : i32
    %dma_start3A_104 = arith.constant 0 : i32
    %dma_start3A_105 = tpu.memref_slice %arg13[%dma_start3A_103, %dma_start3A_104] : memref<512x32xi32, #tpu.memory_space<vmem>> -> memref<128x32xi32, #tpu.memory_space<vmem>>
    %dma_start3A_106 = arith.constant 0 : i32
    %dma_start3A_107 = tpu.memref_slice %arg10[%dma_start3A_102, %dma_start3A_106] : memref<4x128xi32, #tpu.memory_space<vmem>> -> memref<1x128xi32, #tpu.memory_space<vmem>>
    %dma_start3A_108 = tpu.memref_squeeze %dma_start3A_107 : memref<1x128xi32, #tpu.memory_space<vmem>> -> memref<128xi32, #tpu.memory_space<vmem>>
    %dma_start3A_109 = arith.constant 0 : i32
    %dma_start3A_110 = arith.constant 0 : i32
    %dma_start3A_111 = tpu.memref_slice %arg5[%dma_start3A_109, %dma_start3A_110] : memref<1007616x32xi32, #tpu.memory_space<hbm>> -> memref<1007616x32xi32, #tpu.memory_space<hbm>>
    tpu.enqueue_indirect_dma source(%dma_start3A_111 : memref<1007616x32xi32, #tpu.memory_space<hbm>>) target(%dma_start3A_105 : memref<128x32xi32, #tpu.memory_space<vmem>>) offsets(%dma_start3A_108 : memref<128xi32, #tpu.memory_space<vmem>>) semaphore(%arg19 : memref<!tpu.dma_semaphore, #tpu.memory_space<semaphore_mem>>)
    %dma_start3A_112 = arith.constant 3 : i32
    %dma_start3A_113 = arith.constant 384 : i32
    %dma_start3A_114 = arith.constant 0 : i32
    %dma_start3A_115 = tpu.memref_slice %arg14[%dma_start3A_113, %dma_start3A_114] : memref<512x32xi32, #tpu.memory_space<vmem>> -> memref<128x32xi32, #tpu.memory_space<vmem>>
    %dma_start3A_116 = arith.constant 0 : i32
    %dma_start3A_117 = tpu.memref_slice %arg11[%dma_start3A_112, %dma_start3A_116] : memref<4x128xi32, #tpu.memory_space<vmem>> -> memref<1x128xi32, #tpu.memory_space<vmem>>
    %dma_start3A_118 = tpu.memref_squeeze %dma_start3A_117 : memref<1x128xi32, #tpu.memory_space<vmem>> -> memref<128xi32, #tpu.memory_space<vmem>>
    %dma_start3A_119 = arith.constant 0 : i32
    %dma_start3A_120 = arith.constant 0 : i32
    %dma_start3A_121 = tpu.memref_slice %arg6[%dma_start3A_119, %dma_start3A_120] : memref<8192x32xi32, #tpu.memory_space<hbm>> -> memref<8192x32xi32, #tpu.memory_space<hbm>>
    tpu.enqueue_indirect_dma source(%dma_start3A_121 : memref<8192x32xi32, #tpu.memory_space<hbm>>) target(%dma_start3A_115 : memref<128x32xi32, #tpu.memory_space<vmem>>) offsets(%dma_start3A_118 : memref<128xi32, #tpu.memory_space<vmem>>) semaphore(%arg19 : memref<!tpu.dma_semaphore, #tpu.memory_space<semaphore_mem>>)
    %dma_wait3A = arith.constant 0 : i32
    %dma_wait3A_122 = arith.constant 0 : i32
    %dma_wait3A_123 = arith.constant 0 : i32
    %dma_wait3A_124 = tpu.memref_slice %arg12[%dma_wait3A_122, %dma_wait3A_123] : memref<512x32xi32, #tpu.memory_space<vmem>> -> memref<128x32xi32, #tpu.memory_space<vmem>>
    %dma_wait3A_125 = arith.constant 0 : i32
    %dma_wait3A_126 = tpu.memref_slice %arg9[%dma_wait3A, %dma_wait3A_125] : memref<4x128xi32, #tpu.memory_space<vmem>> -> memref<1x128xi32, #tpu.memory_space<vmem>>
    %dma_wait3A_127 = tpu.memref_squeeze %dma_wait3A_126 : memref<1x128xi32, #tpu.memory_space<vmem>> -> memref<128xi32, #tpu.memory_space<vmem>>
    %dma_wait3A_128 = arith.constant 0 : i32
    %dma_wait3A_129 = arith.constant 0 : i32
    %dma_wait3A_130 = tpu.memref_slice %arg5[%dma_wait3A_128, %dma_wait3A_129] : memref<1007616x32xi32, #tpu.memory_space<hbm>> -> memref<1007616x32xi32, #tpu.memory_space<hbm>>
    tpu.wait_indirect_dma semaphore(%arg19 : memref<!tpu.dma_semaphore, #tpu.memory_space<semaphore_mem>>) src(%dma_wait3A_130 : memref<1007616x32xi32, #tpu.memory_space<hbm>>) dst(%dma_wait3A_124 : memref<128x32xi32, #tpu.memory_space<vmem>>)
    %dma_wait3A_131 = arith.constant 0 : i32
    %dma_wait3A_132 = arith.constant 0 : i32
    %dma_wait3A_133 = arith.constant 0 : i32
    %dma_wait3A_134 = tpu.memref_slice %arg13[%dma_wait3A_132, %dma_wait3A_133] : memref<512x32xi32, #tpu.memory_space<vmem>> -> memref<128x32xi32, #tpu.memory_space<vmem>>
    %dma_wait3A_135 = arith.constant 0 : i32
    %dma_wait3A_136 = tpu.memref_slice %arg10[%dma_wait3A_131, %dma_wait3A_135] : memref<4x128xi32, #tpu.memory_space<vmem>> -> memref<1x128xi32, #tpu.memory_space<vmem>>
    %dma_wait3A_137 = tpu.memref_squeeze %dma_wait3A_136 : memref<1x128xi32, #tpu.memory_space<vmem>> -> memref<128xi32, #tpu.memory_space<vmem>>
    %dma_wait3A_138 = arith.constant 0 : i32
    %dma_wait3A_139 = arith.constant 0 : i32
    %dma_wait3A_140 = tpu.memref_slice %arg5[%dma_wait3A_138, %dma_wait3A_139] : memref<1007616x32xi32, #tpu.memory_space<hbm>> -> memref<1007616x32xi32, #tpu.memory_space<hbm>>
    tpu.wait_indirect_dma semaphore(%arg19 : memref<!tpu.dma_semaphore, #tpu.memory_space<semaphore_mem>>) src(%dma_wait3A_140 : memref<1007616x32xi32, #tpu.memory_space<hbm>>) dst(%dma_wait3A_134 : memref<128x32xi32, #tpu.memory_space<vmem>>)
    %dma_wait3A_141 = arith.constant 0 : i32
    %dma_wait3A_142 = arith.constant 0 : i32
    %dma_wait3A_143 = arith.constant 0 : i32
    %dma_wait3A_144 = tpu.memref_slice %arg14[%dma_wait3A_142, %dma_wait3A_143] : memref<512x32xi32, #tpu.memory_space<vmem>> -> memref<128x32xi32, #tpu.memory_space<vmem>>
    %dma_wait3A_145 = arith.constant 0 : i32
    %dma_wait3A_146 = tpu.memref_slice %arg11[%dma_wait3A_141, %dma_wait3A_145] : memref<4x128xi32, #tpu.memory_space<vmem>> -> memref<1x128xi32, #tpu.memory_space<vmem>>
    %dma_wait3A_147 = tpu.memref_squeeze %dma_wait3A_146 : memref<1x128xi32, #tpu.memory_space<vmem>> -> memref<128xi32, #tpu.memory_space<vmem>>
    %dma_wait3A_148 = arith.constant 0 : i32
    %dma_wait3A_149 = arith.constant 0 : i32
    %dma_wait3A_150 = tpu.memref_slice %arg6[%dma_wait3A_148, %dma_wait3A_149] : memref<8192x32xi32, #tpu.memory_space<hbm>> -> memref<8192x32xi32, #tpu.memory_space<hbm>>
    tpu.wait_indirect_dma semaphore(%arg19 : memref<!tpu.dma_semaphore, #tpu.memory_space<semaphore_mem>>) src(%dma_wait3A_150 : memref<8192x32xi32, #tpu.memory_space<hbm>>) dst(%dma_wait3A_144 : memref<128x32xi32, #tpu.memory_space<vmem>>)
    %dma_wait3A_151 = arith.constant 1 : i32
    %dma_wait3A_152 = arith.constant 128 : i32
    %dma_wait3A_153 = arith.constant 0 : i32
    %dma_wait3A_154 = tpu.memref_slice %arg12[%dma_wait3A_152, %dma_wait3A_153] : memref<512x32xi32, #tpu.memory_space<vmem>> -> memref<128x32xi32, #tpu.memory_space<vmem>>
    %dma_wait3A_155 = arith.constant 0 : i32
    %dma_wait3A_156 = tpu.memref_slice %arg9[%dma_wait3A_151, %dma_wait3A_155] : memref<4x128xi32, #tpu.memory_space<vmem>> -> memref<1x128xi32, #tpu.memory_space<vmem>>
    %dma_wait3A_157 = tpu.memref_squeeze %dma_wait3A_156 : memref<1x128xi32, #tpu.memory_space<vmem>> -> memref<128xi32, #tpu.memory_space<vmem>>
    %dma_wait3A_158 = arith.constant 0 : i32
    %dma_wait3A_159 = arith.constant 0 : i32
    %dma_wait3A_160 = tpu.memref_slice %arg5[%dma_wait3A_158, %dma_wait3A_159] : memref<1007616x32xi32, #tpu.memory_space<hbm>> -> memref<1007616x32xi32, #tpu.memory_space<hbm>>
    tpu.wait_indirect_dma semaphore(%arg19 : memref<!tpu.dma_semaphore, #tpu.memory_space<semaphore_mem>>) src(%dma_wait3A_160 : memref<1007616x32xi32, #tpu.memory_space<hbm>>) dst(%dma_wait3A_154 : memref<128x32xi32, #tpu.memory_space<vmem>>)
    %dma_wait3A_161 = arith.constant 1 : i32
    %dma_wait3A_162 = arith.constant 128 : i32
    %dma_wait3A_163 = arith.constant 0 : i32
    %dma_wait3A_164 = tpu.memref_slice %arg13[%dma_wait3A_162, %dma_wait3A_163] : memref<512x32xi32, #tpu.memory_space<vmem>> -> memref<128x32xi32, #tpu.memory_space<vmem>>
    %dma_wait3A_165 = arith.constant 0 : i32
    %dma_wait3A_166 = tpu.memref_slice %arg10[%dma_wait3A_161, %dma_wait3A_165] : memref<4x128xi32, #tpu.memory_space<vmem>> -> memref<1x128xi32, #tpu.memory_space<vmem>>
    %dma_wait3A_167 = tpu.memref_squeeze %dma_wait3A_166 : memref<1x128xi32, #tpu.memory_space<vmem>> -> memref<128xi32, #tpu.memory_space<vmem>>
    %dma_wait3A_168 = arith.constant 0 : i32
    %dma_wait3A_169 = arith.constant 0 : i32
    %dma_wait3A_170 = tpu.memref_slice %arg5[%dma_wait3A_168, %dma_wait3A_169] : memref<1007616x32xi32, #tpu.memory_space<hbm>> -> memref<1007616x32xi32, #tpu.memory_space<hbm>>
    tpu.wait_indirect_dma semaphore(%arg19 : memref<!tpu.dma_semaphore, #tpu.memory_space<semaphore_mem>>) src(%dma_wait3A_170 : memref<1007616x32xi32, #tpu.memory_space<hbm>>) dst(%dma_wait3A_164 : memref<128x32xi32, #tpu.memory_space<vmem>>)
    %dma_wait3A_171 = arith.constant 1 : i32
    %dma_wait3A_172 = arith.constant 128 : i32
    %dma_wait3A_173 = arith.constant 0 : i32
    %dma_wait3A_174 = tpu.memref_slice %arg14[%dma_wait3A_172, %dma_wait3A_173] : memref<512x32xi32, #tpu.memory_space<vmem>> -> memref<128x32xi32, #tpu.memory_space<vmem>>
    %dma_wait3A_175 = arith.constant 0 : i32
    %dma_wait3A_176 = tpu.memref_slice %arg11[%dma_wait3A_171, %dma_wait3A_175] : memref<4x128xi32, #tpu.memory_space<vmem>> -> memref<1x128xi32, #tpu.memory_space<vmem>>
    %dma_wait3A_177 = tpu.memref_squeeze %dma_wait3A_176 : memref<1x128xi32, #tpu.memory_space<vmem>> -> memref<128xi32, #tpu.memory_space<vmem>>
    %dma_wait3A_178 = arith.constant 0 : i32
    %dma_wait3A_179 = arith.constant 0 : i32
    %dma_wait3A_180 = tpu.memref_slice %arg6[%dma_wait3A_178, %dma_wait3A_179] : memref<8192x32xi32, #tpu.memory_space<hbm>> -> memref<8192x32xi32, #tpu.memory_space<hbm>>
    tpu.wait_indirect_dma semaphore(%arg19 : memref<!tpu.dma_semaphore, #tpu.memory_space<semaphore_mem>>) src(%dma_wait3A_180 : memref<8192x32xi32, #tpu.memory_space<hbm>>) dst(%dma_wait3A_174 : memref<128x32xi32, #tpu.memory_space<vmem>>)
    %dma_wait3A_181 = arith.constant 2 : i32
    %dma_wait3A_182 = arith.constant 256 : i32
    %dma_wait3A_183 = arith.constant 0 : i32
    %dma_wait3A_184 = tpu.memref_slice %arg12[%dma_wait3A_182, %dma_wait3A_183] : memref<512x32xi32, #tpu.memory_space<vmem>> -> memref<128x32xi32, #tpu.memory_space<vmem>>
    %dma_wait3A_185 = arith.constant 0 : i32
    %dma_wait3A_186 = tpu.memref_slice %arg9[%dma_wait3A_181, %dma_wait3A_185] : memref<4x128xi32, #tpu.memory_space<vmem>> -> memref<1x128xi32, #tpu.memory_space<vmem>>
    %dma_wait3A_187 = tpu.memref_squeeze %dma_wait3A_186 : memref<1x128xi32, #tpu.memory_space<vmem>> -> memref<128xi32, #tpu.memory_space<vmem>>
    %dma_wait3A_188 = arith.constant 0 : i32
    %dma_wait3A_189 = arith.constant 0 : i32
    %dma_wait3A_190 = tpu.memref_slice %arg5[%dma_wait3A_188, %dma_wait3A_189] : memref<1007616x32xi32, #tpu.memory_space<hbm>> -> memref<1007616x32xi32, #tpu.memory_space<hbm>>
    tpu.wait_indirect_dma semaphore(%arg19 : memref<!tpu.dma_semaphore, #tpu.memory_space<semaphore_mem>>) src(%dma_wait3A_190 : memref<1007616x32xi32, #tpu.memory_space<hbm>>) dst(%dma_wait3A_184 : memref<128x32xi32, #tpu.memory_space<vmem>>)
    %dma_wait3A_191 = arith.constant 2 : i32
    %dma_wait3A_192 = arith.constant 256 : i32
    %dma_wait3A_193 = arith.constant 0 : i32
    %dma_wait3A_194 = tpu.memref_slice %arg13[%dma_wait3A_192, %dma_wait3A_193] : memref<512x32xi32, #tpu.memory_space<vmem>> -> memref<128x32xi32, #tpu.memory_space<vmem>>
    %dma_wait3A_195 = arith.constant 0 : i32
    %dma_wait3A_196 = tpu.memref_slice %arg10[%dma_wait3A_191, %dma_wait3A_195] : memref<4x128xi32, #tpu.memory_space<vmem>> -> memref<1x128xi32, #tpu.memory_space<vmem>>
    %dma_wait3A_197 = tpu.memref_squeeze %dma_wait3A_196 : memref<1x128xi32, #tpu.memory_space<vmem>> -> memref<128xi32, #tpu.memory_space<vmem>>
    %dma_wait3A_198 = arith.constant 0 : i32
    %dma_wait3A_199 = arith.constant 0 : i32
    %dma_wait3A_200 = tpu.memref_slice %arg5[%dma_wait3A_198, %dma_wait3A_199] : memref<1007616x32xi32, #tpu.memory_space<hbm>> -> memref<1007616x32xi32, #tpu.memory_space<hbm>>
    tpu.wait_indirect_dma semaphore(%arg19 : memref<!tpu.dma_semaphore, #tpu.memory_space<semaphore_mem>>) src(%dma_wait3A_200 : memref<1007616x32xi32, #tpu.memory_space<hbm>>) dst(%dma_wait3A_194 : memref<128x32xi32, #tpu.memory_space<vmem>>)
    %dma_wait3A_201 = arith.constant 2 : i32
    %dma_wait3A_202 = arith.constant 256 : i32
    %dma_wait3A_203 = arith.constant 0 : i32
    %dma_wait3A_204 = tpu.memref_slice %arg14[%dma_wait3A_202, %dma_wait3A_203] : memref<512x32xi32, #tpu.memory_space<vmem>> -> memref<128x32xi32, #tpu.memory_space<vmem>>
    %dma_wait3A_205 = arith.constant 0 : i32
    %dma_wait3A_206 = tpu.memref_slice %arg11[%dma_wait3A_201, %dma_wait3A_205] : memref<4x128xi32, #tpu.memory_space<vmem>> -> memref<1x128xi32, #tpu.memory_space<vmem>>
    %dma_wait3A_207 = tpu.memref_squeeze %dma_wait3A_206 : memref<1x128xi32, #tpu.memory_space<vmem>> -> memref<128xi32, #tpu.memory_space<vmem>>
    %dma_wait3A_208 = arith.constant 0 : i32
    %dma_wait3A_209 = arith.constant 0 : i32
    %dma_wait3A_210 = tpu.memref_slice %arg6[%dma_wait3A_208, %dma_wait3A_209] : memref<8192x32xi32, #tpu.memory_space<hbm>> -> memref<8192x32xi32, #tpu.memory_space<hbm>>
    tpu.wait_indirect_dma semaphore(%arg19 : memref<!tpu.dma_semaphore, #tpu.memory_space<semaphore_mem>>) src(%dma_wait3A_210 : memref<8192x32xi32, #tpu.memory_space<hbm>>) dst(%dma_wait3A_204 : memref<128x32xi32, #tpu.memory_space<vmem>>)
    %dma_wait3A_211 = arith.constant 3 : i32
    %dma_wait3A_212 = arith.constant 384 : i32
    %dma_wait3A_213 = arith.constant 0 : i32
    %dma_wait3A_214 = tpu.memref_slice %arg12[%dma_wait3A_212, %dma_wait3A_213] : memref<512x32xi32, #tpu.memory_space<vmem>> -> memref<128x32xi32, #tpu.memory_space<vmem>>
    %dma_wait3A_215 = arith.constant 0 : i32
    %dma_wait3A_216 = tpu.memref_slice %arg9[%dma_wait3A_211, %dma_wait3A_215] : memref<4x128xi32, #tpu.memory_space<vmem>> -> memref<1x128xi32, #tpu.memory_space<vmem>>
    %dma_wait3A_217 = tpu.memref_squeeze %dma_wait3A_216 : memref<1x128xi32, #tpu.memory_space<vmem>> -> memref<128xi32, #tpu.memory_space<vmem>>
    %dma_wait3A_218 = arith.constant 0 : i32
    %dma_wait3A_219 = arith.constant 0 : i32
    %dma_wait3A_220 = tpu.memref_slice %arg5[%dma_wait3A_218, %dma_wait3A_219] : memref<1007616x32xi32, #tpu.memory_space<hbm>> -> memref<1007616x32xi32, #tpu.memory_space<hbm>>
    tpu.wait_indirect_dma semaphore(%arg19 : memref<!tpu.dma_semaphore, #tpu.memory_space<semaphore_mem>>) src(%dma_wait3A_220 : memref<1007616x32xi32, #tpu.memory_space<hbm>>) dst(%dma_wait3A_214 : memref<128x32xi32, #tpu.memory_space<vmem>>)
    %dma_wait3A_221 = arith.constant 3 : i32
    %dma_wait3A_222 = arith.constant 384 : i32
    %dma_wait3A_223 = arith.constant 0 : i32
    %dma_wait3A_224 = tpu.memref_slice %arg13[%dma_wait3A_222, %dma_wait3A_223] : memref<512x32xi32, #tpu.memory_space<vmem>> -> memref<128x32xi32, #tpu.memory_space<vmem>>
    %dma_wait3A_225 = arith.constant 0 : i32
    %dma_wait3A_226 = tpu.memref_slice %arg10[%dma_wait3A_221, %dma_wait3A_225] : memref<4x128xi32, #tpu.memory_space<vmem>> -> memref<1x128xi32, #tpu.memory_space<vmem>>
    %dma_wait3A_227 = tpu.memref_squeeze %dma_wait3A_226 : memref<1x128xi32, #tpu.memory_space<vmem>> -> memref<128xi32, #tpu.memory_space<vmem>>
    %dma_wait3A_228 = arith.constant 0 : i32
    %dma_wait3A_229 = arith.constant 0 : i32
    %dma_wait3A_230 = tpu.memref_slice %arg5[%dma_wait3A_228, %dma_wait3A_229] : memref<1007616x32xi32, #tpu.memory_space<hbm>> -> memref<1007616x32xi32, #tpu.memory_space<hbm>>
    tpu.wait_indirect_dma semaphore(%arg19 : memref<!tpu.dma_semaphore, #tpu.memory_space<semaphore_mem>>) src(%dma_wait3A_230 : memref<1007616x32xi32, #tpu.memory_space<hbm>>) dst(%dma_wait3A_224 : memref<128x32xi32, #tpu.memory_space<vmem>>)
    %dma_wait3A_231 = arith.constant 3 : i32
    %dma_wait3A_232 = arith.constant 384 : i32
    %dma_wait3A_233 = arith.constant 0 : i32
    %dma_wait3A_234 = tpu.memref_slice %arg14[%dma_wait3A_232, %dma_wait3A_233] : memref<512x32xi32, #tpu.memory_space<vmem>> -> memref<128x32xi32, #tpu.memory_space<vmem>>
    %dma_wait3A_235 = arith.constant 0 : i32
    %dma_wait3A_236 = tpu.memref_slice %arg11[%dma_wait3A_231, %dma_wait3A_235] : memref<4x128xi32, #tpu.memory_space<vmem>> -> memref<1x128xi32, #tpu.memory_space<vmem>>
    %dma_wait3A_237 = tpu.memref_squeeze %dma_wait3A_236 : memref<1x128xi32, #tpu.memory_space<vmem>> -> memref<128xi32, #tpu.memory_space<vmem>>
    %dma_wait3A_238 = arith.constant 0 : i32
    %dma_wait3A_239 = arith.constant 0 : i32
    %dma_wait3A_240 = tpu.memref_slice %arg6[%dma_wait3A_238, %dma_wait3A_239] : memref<8192x32xi32, #tpu.memory_space<hbm>> -> memref<8192x32xi32, #tpu.memory_space<hbm>>
    tpu.wait_indirect_dma semaphore(%arg19 : memref<!tpu.dma_semaphore, #tpu.memory_space<semaphore_mem>>) src(%dma_wait3A_240 : memref<8192x32xi32, #tpu.memory_space<hbm>>) dst(%dma_wait3A_234 : memref<128x32xi32, #tpu.memory_space<vmem>>)
    %scan3A = arith.constant -65536 : i32
    %scan3A_241 = arith.constant 0 : i32
    %scan3A_242 = arith.constant 0 : i32
    %scan3A_243 = arith.constant 512 : i32
    %scan3A_244 = arith.addi %scan3A_242, %scan3A_243 : i32
    %scan3A_245 = arith.constant 1 : i32
    %scan3A_246 = scf.for %scan3A_1665 = %scan3A_242 to %scan3A_244 step %scan3A_245 iter_args(%scan3A_1666 = %scan3A_241) -> (i32)  : i32 {
      %get3A = arith.index_cast %scan3A_1665 : i32 to index
      %get3A_1667 = arith.constant 0 : index
      %get3A_1668 = tpu.vector_load %arg12[%get3A, %get3A_1667] {strides = array<i32>} : memref<512x32xi32, #tpu.memory_space<vmem>>, vector<1x16xi32>,
      %get3A_1669 = vector.shape_cast %get3A_1668 : vector<1x16xi32> to vector<16xi32>
      %get3A_1670 = arith.index_cast %scan3A_1665 : i32 to index
      %get3A_1671 = arith.constant 0 : index
      %get3A_1672 = tpu.vector_load %arg14[%get3A_1670, %get3A_1671] {strides = array<i32>} : memref<512x32xi32, #tpu.memory_space<vmem>>, vector<1x16xi32>,
      %get3A_1673 = vector.shape_cast %get3A_1672 : vector<1x16xi32> to vector<16xi32>
      %get3A_1674 = arith.index_cast %scan3A_1665 : i32 to index
      %get3A_1675 = arith.constant 0 : index
      %get3A_1676 = tpu.vector_load %arg13[%get3A_1674, %get3A_1675] {strides = array<i32>} : memref<512x32xi32, #tpu.memory_space<vmem>>, vector<1x16xi32>,
      %get3A_1677 = vector.shape_cast %get3A_1676 : vector<1x16xi32> to vector<16xi32>
      %shift_left3A = arith.constant 16 : i32
      %shift_left3A_1678 = vector.broadcast %shift_left3A : i32 to vector<16xi32>
      %shift_left3A_1679 = arith.shli %get3A_1669, %shift_left3A_1678 : vector<16xi32>
      %bitcast_convert_type3A = tpu.bitcast %shift_left3A_1679 : vector<16xi32> -> vector<16xf32>
      %shift_left3A_1680 = arith.constant 16 : i32
      %shift_left3A_1681 = vector.broadcast %shift_left3A_1680 : i32 to vector<16xi32>
      %shift_left3A_1682 = arith.shli %get3A_1673, %shift_left3A_1681 : vector<16xi32>
      %bitcast_convert_type3A_1683 = tpu.bitcast %shift_left3A_1682 : vector<16xi32> -> vector<16xf32>
      %shift_left3A_1684 = arith.constant 16 : i32
      %shift_left3A_1685 = vector.broadcast %shift_left3A_1684 : i32 to vector<16xi32>
      %shift_left3A_1686 = arith.shli %get3A_1677, %shift_left3A_1685 : vector<16xi32>
      %bitcast_convert_type3A_1687 = tpu.bitcast %shift_left3A_1686 : vector<16xi32> -> vector<16xf32>
      %add3A_1688 = arith.addf %bitcast_convert_type3A, %bitcast_convert_type3A_1683 : vector<16xf32>
      %sub3A = arith.subf %add3A_1688, %bitcast_convert_type3A_1687 : vector<16xf32>
      %abs3A = math.absf %sub3A : vector<16xf32>
      %and3A = vector.broadcast %scan3A : i32 to vector<16xi32>
      %and3A_1689 = arith.andi %get3A_1669, %and3A : vector<16xi32>
      %bitcast_convert_type3A_1690 = tpu.bitcast %and3A_1689 : vector<16xi32> -> vector<16xf32>
      %and3A_1691 = vector.broadcast %scan3A : i32 to vector<16xi32>
      %and3A_1692 = arith.andi %get3A_1673, %and3A_1691 : vector<16xi32>
      %bitcast_convert_type3A_1693 = tpu.bitcast %and3A_1692 : vector<16xi32> -> vector<16xf32>
      %and3A_1694 = vector.broadcast %scan3A : i32 to vector<16xi32>
      %and3A_1695 = arith.andi %get3A_1677, %and3A_1694 : vector<16xi32>
      %bitcast_convert_type3A_1696 = tpu.bitcast %and3A_1695 : vector<16xi32> -> vector<16xf32>
      %add3A_1697 = arith.addf %bitcast_convert_type3A_1690, %bitcast_convert_type3A_1693 : vector<16xf32>
      %sub3A_1698 = arith.subf %add3A_1697, %bitcast_convert_type3A_1696 : vector<16xf32>
      %abs3A_1699 = math.absf %sub3A_1698 : vector<16xf32>
      %add3A_1700 = arith.addf %abs3A, %abs3A_1699 : vector<16xf32>
      %get3A_1701 = arith.index_cast %scan3A_1665 : i32 to index
      %get3A_1702 = arith.constant 16 : index
      %get3A_1703 = tpu.vector_load %arg12[%get3A_1701, %get3A_1702] {strides = array<i32>} : memref<512x32xi32, #tpu.memory_space<vmem>>, vector<1x16xi32>,
      %get3A_1704 = vector.shape_cast %get3A_1703 : vector<1x16xi32> to vector<16xi32>
      %get3A_1705 = arith.index_cast %scan3A_1665 : i32 to index
      %get3A_1706 = arith.constant 16 : index
      %get3A_1707 = tpu.vector_load %arg14[%get3A_1705, %get3A_1706] {strides = array<i32>} : memref<512x32xi32, #tpu.memory_space<vmem>>, vector<1x16xi32>,
      %get3A_1708 = vector.shape_cast %get3A_1707 : vector<1x16xi32> to vector<16xi32>
      %get3A_1709 = arith.index_cast %scan3A_1665 : i32 to index
      %get3A_1710 = arith.constant 16 : index
      %get3A_1711 = tpu.vector_load %arg13[%get3A_1709, %get3A_1710] {strides = array<i32>} : memref<512x32xi32, #tpu.memory_space<vmem>>, vector<1x16xi32>,
      %get3A_1712 = vector.shape_cast %get3A_1711 : vector<1x16xi32> to vector<16xi32>
      %shift_left3A_1713 = arith.constant 16 : i32
      %shift_left3A_1714 = vector.broadcast %shift_left3A_1713 : i32 to vector<16xi32>
      %shift_left3A_1715 = arith.shli %get3A_1704, %shift_left3A_1714 : vector<16xi32>
      %bitcast_convert_type3A_1716 = tpu.bitcast %shift_left3A_1715 : vector<16xi32> -> vector<16xf32>
      %shift_left3A_1717 = arith.constant 16 : i32
      %shift_left3A_1718 = vector.broadcast %shift_left3A_1717 : i32 to vector<16xi32>
      %shift_left3A_1719 = arith.shli %get3A_1708, %shift_left3A_1718 : vector<16xi32>
      %bitcast_convert_type3A_1720 = tpu.bitcast %shift_left3A_1719 : vector<16xi32> -> vector<16xf32>
      %shift_left3A_1721 = arith.constant 16 : i32
      %shift_left3A_1722 = vector.broadcast %shift_left3A_1721 : i32 to vector<16xi32>
      %shift_left3A_1723 = arith.shli %get3A_1712, %shift_left3A_1722 : vector<16xi32>
      %bitcast_convert_type3A_1724 = tpu.bitcast %shift_left3A_1723 : vector<16xi32> -> vector<16xf32>
      %add3A_1725 = arith.addf %bitcast_convert_type3A_1716, %bitcast_convert_type3A_1720 : vector<16xf32>
      %sub3A_1726 = arith.subf %add3A_1725, %bitcast_convert_type3A_1724 : vector<16xf32>
      %abs3A_1727 = math.absf %sub3A_1726 : vector<16xf32>
      %add3A_1728 = arith.addf %add3A_1700, %abs3A_1727 : vector<16xf32>
      %and3A_1729 = vector.broadcast %scan3A : i32 to vector<16xi32>
      %and3A_1730 = arith.andi %get3A_1704, %and3A_1729 : vector<16xi32>
      %bitcast_convert_type3A_1731 = tpu.bitcast %and3A_1730 : vector<16xi32> -> vector<16xf32>
      %and3A_1732 = vector.broadcast %scan3A : i32 to vector<16xi32>
      %and3A_1733 = arith.andi %get3A_1708, %and3A_1732 : vector<16xi32>
      %bitcast_convert_type3A_1734 = tpu.bitcast %and3A_1733 : vector<16xi32> -> vector<16xf32>
      %and3A_1735 = vector.broadcast %scan3A : i32 to vector<16xi32>
      %and3A_1736 = arith.andi %get3A_1712, %and3A_1735 : vector<16xi32>
      %bitcast_convert_type3A_1737 = tpu.bitcast %and3A_1736 : vector<16xi32> -> vector<16xf32>
      %add3A_1738 = arith.addf %bitcast_convert_type3A_1731, %bitcast_convert_type3A_1734 : vector<16xf32>
      %sub3A_1739 = arith.subf %add3A_1738, %bitcast_convert_type3A_1737 : vector<16xf32>
      %abs3A_1740 = math.absf %sub3A_1739 : vector<16xf32>
      %add3A_1741 = arith.addf %add3A_1728, %abs3A_1740 : vector<16xf32>
      %mul3A_1742 = arith.constant 16 : i32
      %mul3A_1743 = arith.muli %scan3A_1665, %mul3A_1742 : i32
      %swap3A = arith.index_cast %mul3A_1743 : i32 to index
      %swap3A_1744 = tpu.vector_load %arg15[%swap3A] {strides = array<i32>} : memref<8192xf32, #tpu.memory_space<vmem>>, vector<16xf32>,
      %swap3A_1745 = vector.shape_cast %swap3A_1744 : vector<16xf32> to vector<16xf32>
      %swap3A_1746 = vector.shape_cast %add3A_1741 : vector<16xf32> to vector<16xf32>
      tpu.vector_store %arg15[%swap3A], %swap3A_1746 {strides = array<i32>} : memref<8192xf32, #tpu.memory_space<vmem>>, vector<16xf32>,
      %scan3A_1747 = arith.constant 0 : i32
      scf.yield %scan3A_1747 : i32
    }
    %scan3A_247 = arith.constant 512 : i32
    "tpu.region"() ({
      %run_scoped3A = tpu.sem_alloc : memref<!tpu.dma_semaphore, #tpu.memory_space<semaphore_mem>>
      %dma_start3A_1665 = arith.constant 0 : i32
      %dma_start3A_1666 = tpu.memref_slice %arg18[%arg1, %dma_start3A_1665] : memref<16x8192xf32, #tpu.memory_space<vmem_shared>> -> memref<1x8192xf32, #tpu.memory_space<vmem_shared>>
      %dma_start3A_1667 = tpu.memref_squeeze %dma_start3A_1666 : memref<1x8192xf32, #tpu.memory_space<vmem_shared>> -> memref<8192xf32, #tpu.memory_space<vmem_shared>>
      %dma_start3A_1668 = arith.constant 0 : i32
      %dma_start3A_1669 = tpu.memref_slice %arg18[%arg1, %dma_start3A_1668] : memref<16x8192xf32, #tpu.memory_space<vmem_shared>> -> memref<1x8192xf32, #tpu.memory_space<vmem_shared>>
      %dma_start3A_1670 = tpu.memref_squeeze %dma_start3A_1669 : memref<1x8192xf32, #tpu.memory_space<vmem_shared>> -> memref<8192xf32, #tpu.memory_space<vmem_shared>>
      tpu.enqueue_dma source(%arg15 : memref<8192xf32, #tpu.memory_space<vmem>>) target(%dma_start3A_1670 : memref<8192xf32, #tpu.memory_space<vmem_shared>>) target_semaphore(%run_scoped3A : memref<!tpu.dma_semaphore, #tpu.memory_space<semaphore_mem>>)
      %dma_wait3A_1671 = arith.constant 0 : i32
      %dma_wait3A_1672 = tpu.memref_slice %arg18[%arg1, %dma_wait3A_1671] : memref<16x8192xf32, #tpu.memory_space<vmem_shared>> -> memref<1x8192xf32, #tpu.memory_space<vmem_shared>>
      %dma_wait3A_1673 = tpu.memref_squeeze %dma_wait3A_1672 : memref<1x8192xf32, #tpu.memory_space<vmem_shared>> -> memref<8192xf32, #tpu.memory_space<vmem_shared>>
      %dma_wait3A_1674 = arith.constant 0 : i32
      %dma_wait3A_1675 = tpu.memref_slice %arg18[%arg1, %dma_wait3A_1674] : memref<16x8192xf32, #tpu.memory_space<vmem_shared>> -> memref<1x8192xf32, #tpu.memory_space<vmem_shared>>
      %dma_wait3A_1676 = tpu.memref_squeeze %dma_wait3A_1675 : memref<1x8192xf32, #tpu.memory_space<vmem_shared>> -> memref<8192xf32, #tpu.memory_space<vmem_shared>>
      tpu.wait_dma2 semaphore(%run_scoped3A : memref<!tpu.dma_semaphore, #tpu.memory_space<semaphore_mem>>) src(%arg15 : memref<8192xf32, #tpu.memory_space<vmem>>) dst(%dma_wait3A_1676 : memref<8192xf32, #tpu.memory_space<vmem_shared>>)
      tpu.yield
    }) : () -> ()
    %dma_start3A_248 = arith.constant 0 : i32
    %dma_start3A_249 = arith.constant 0 : i32
    %dma_start3A_250 = tpu.memref_slice %arg15[%dma_start3A_249] : memref<8192xf32, #tpu.memory_space<vmem>> -> memref<128xf32, #tpu.memory_space<vmem>>
    %dma_start3A_251 = arith.constant 0 : i32
    %dma_start3A_252 = tpu.memref_slice %arg16[%dma_start3A_248, %dma_start3A_251] : memref<64x128xi32, #tpu.memory_space<vmem>> -> memref<1x128xi32, #tpu.memory_space<vmem>>
    %dma_start3A_253 = tpu.memref_squeeze %dma_start3A_252 : memref<1x128xi32, #tpu.memory_space<vmem>> -> memref<128xi32, #tpu.memory_space<vmem>>
    %dma_start3A_254 = arith.constant 0 : i32
    %dma_start3A_255 = tpu.memref_slice %arg18[%arg1, %dma_start3A_254] : memref<16x8192xf32, #tpu.memory_space<vmem_shared>> -> memref<1x8192xf32, #tpu.memory_space<vmem_shared>>
    %dma_start3A_256 = tpu.memref_squeeze %dma_start3A_255 : memref<1x8192xf32, #tpu.memory_space<vmem_shared>> -> memref<8192xf32, #tpu.memory_space<vmem_shared>>
    %dma_start3A_257 = arith.constant 0 : i32
    %dma_start3A_258 = tpu.memref_slice %dma_start3A_256[%dma_start3A_257] : memref<8192xf32, #tpu.memory_space<vmem_shared>> -> memref<8192xf32, #tpu.memory_space<vmem_shared>>
    tpu.enqueue_indirect_dma source(%dma_start3A_258 : memref<8192xf32, #tpu.memory_space<vmem_shared>>) target(%dma_start3A_250 : memref<128xf32, #tpu.memory_space<vmem>>) offsets(%dma_start3A_253 : memref<128xi32, #tpu.memory_space<vmem>>) semaphore(%arg19 : memref<!tpu.dma_semaphore, #tpu.memory_space<semaphore_mem>>)
    %dma_start3A_259 = arith.constant 1 : i32
    %dma_start3A_260 = arith.constant 128 : i32
    %dma_start3A_261 = tpu.memref_slice %arg15[%dma_start3A_260] : memref<8192xf32, #tpu.memory_space<vmem>> -> memref<128xf32, #tpu.memory_space<vmem>>
    %dma_start3A_262 = arith.constant 0 : i32
    %dma_start3A_263 = tpu.memref_slice %arg16[%dma_start3A_259, %dma_start3A_262] : memref<64x128xi32, #tpu.memory_space<vmem>> -> memref<1x128xi32, #tpu.memory_space<vmem>>
    %dma_start3A_264 = tpu.memref_squeeze %dma_start3A_263 : memref<1x128xi32, #tpu.memory_space<vmem>> -> memref<128xi32, #tpu.memory_space<vmem>>
    %dma_start3A_265 = arith.constant 0 : i32
    %dma_start3A_266 = tpu.memref_slice %arg18[%arg1, %dma_start3A_265] : memref<16x8192xf32, #tpu.memory_space<vmem_shared>> -> memref<1x8192xf32, #tpu.memory_space<vmem_shared>>
    %dma_start3A_267 = tpu.memref_squeeze %dma_start3A_266 : memref<1x8192xf32, #tpu.memory_space<vmem_shared>> -> memref<8192xf32, #tpu.memory_space<vmem_shared>>
    %dma_start3A_268 = arith.constant 0 : i32
    %dma_start3A_269 = tpu.memref_slice %dma_start3A_267[%dma_start3A_268] : memref<8192xf32, #tpu.memory_space<vmem_shared>> -> memref<8192xf32, #tpu.memory_space<vmem_shared>>
    tpu.enqueue_indirect_dma source(%dma_start3A_269 : memref<8192xf32, #tpu.memory_space<vmem_shared>>) target(%dma_start3A_261 : memref<128xf32, #tpu.memory_space<vmem>>) offsets(%dma_start3A_264 : memref<128xi32, #tpu.memory_space<vmem>>) semaphore(%arg19 : memref<!tpu.dma_semaphore, #tpu.memory_space<semaphore_mem>>)
    %dma_start3A_270 = arith.constant 2 : i32
    %dma_start3A_271 = arith.constant 256 : i32
    %dma_start3A_272 = tpu.memref_slice %arg15[%dma_start3A_271] : memref<8192xf32, #tpu.memory_space<vmem>> -> memref<128xf32, #tpu.memory_space<vmem>>
    %dma_start3A_273 = arith.constant 0 : i32
    %dma_start3A_274 = tpu.memref_slice %arg16[%dma_start3A_270, %dma_start3A_273] : memref<64x128xi32, #tpu.memory_space<vmem>> -> memref<1x128xi32, #tpu.memory_space<vmem>>
    %dma_start3A_275 = tpu.memref_squeeze %dma_start3A_274 : memref<1x128xi32, #tpu.memory_space<vmem>> -> memref<128xi32, #tpu.memory_space<vmem>>
    %dma_start3A_276 = arith.constant 0 : i32
    %dma_start3A_277 = tpu.memref_slice %arg18[%arg1, %dma_start3A_276] : memref<16x8192xf32, #tpu.memory_space<vmem_shared>> -> memref<1x8192xf32, #tpu.memory_space<vmem_shared>>
    %dma_start3A_278 = tpu.memref_squeeze %dma_start3A_277 : memref<1x8192xf32, #tpu.memory_space<vmem_shared>> -> memref<8192xf32, #tpu.memory_space<vmem_shared>>
    %dma_start3A_279 = arith.constant 0 : i32
    %dma_start3A_280 = tpu.memref_slice %dma_start3A_278[%dma_start3A_279] : memref<8192xf32, #tpu.memory_space<vmem_shared>> -> memref<8192xf32, #tpu.memory_space<vmem_shared>>
    tpu.enqueue_indirect_dma source(%dma_start3A_280 : memref<8192xf32, #tpu.memory_space<vmem_shared>>) target(%dma_start3A_272 : memref<128xf32, #tpu.memory_space<vmem>>) offsets(%dma_start3A_275 : memref<128xi32, #tpu.memory_space<vmem>>) semaphore(%arg19 : memref<!tpu.dma_semaphore, #tpu.memory_space<semaphore_mem>>)
    %dma_start3A_281 = arith.constant 3 : i32
    %dma_start3A_282 = arith.constant 384 : i32
    %dma_start3A_283 = tpu.memref_slice %arg15[%dma_start3A_282] : memref<8192xf32, #tpu.memory_space<vmem>> -> memref<128xf32, #tpu.memory_space<vmem>>
    %dma_start3A_284 = arith.constant 0 : i32
    %dma_start3A_285 = tpu.memref_slice %arg16[%dma_start3A_281, %dma_start3A_284] : memref<64x128xi32, #tpu.memory_space<vmem>> -> memref<1x128xi32, #tpu.memory_space<vmem>>
    %dma_start3A_286 = tpu.memref_squeeze %dma_start3A_285 : memref<1x128xi32, #tpu.memory_space<vmem>> -> memref<128xi32, #tpu.memory_space<vmem>>
    %dma_start3A_287 = arith.constant 0 : i32
    %dma_start3A_288 = tpu.memref_slice %arg18[%arg1, %dma_start3A_287] : memref<16x8192xf32, #tpu.memory_space<vmem_shared>> -> memref<1x8192xf32, #tpu.memory_space<vmem_shared>>
    %dma_start3A_289 = tpu.memref_squeeze %dma_start3A_288 : memref<1x8192xf32, #tpu.memory_space<vmem_shared>> -> memref<8192xf32, #tpu.memory_space<vmem_shared>>
    %dma_start3A_290 = arith.constant 0 : i32
    %dma_start3A_291 = tpu.memref_slice %dma_start3A_289[%dma_start3A_290] : memref<8192xf32, #tpu.memory_space<vmem_shared>> -> memref<8192xf32, #tpu.memory_space<vmem_shared>>
    tpu.enqueue_indirect_dma source(%dma_start3A_291 : memref<8192xf32, #tpu.memory_space<vmem_shared>>) target(%dma_start3A_283 : memref<128xf32, #tpu.memory_space<vmem>>) offsets(%dma_start3A_286 : memref<128xi32, #tpu.memory_space<vmem>>) semaphore(%arg19 : memref<!tpu.dma_semaphore, #tpu.memory_space<semaphore_mem>>)
    %dma_start3A_292 = arith.constant 4 : i32
    %dma_start3A_293 = arith.constant 512 : i32
    %dma_start3A_294 = tpu.memref_slice %arg15[%dma_start3A_293] : memref<8192xf32, #tpu.memory_space<vmem>> -> memref<128xf32, #tpu.memory_space<vmem>>
    %dma_start3A_295 = arith.constant 0 : i32
    %dma_start3A_296 = tpu.memref_slice %arg16[%dma_start3A_292, %dma_start3A_295] : memref<64x128xi32, #tpu.memory_space<vmem>> -> memref<1x128xi32, #tpu.memory_space<vmem>>
    %dma_start3A_297 = tpu.memref_squeeze %dma_start3A_296 : memref<1x128xi32, #tpu.memory_space<vmem>> -> memref<128xi32, #tpu.memory_space<vmem>>
    %dma_start3A_298 = arith.constant 0 : i32
    %dma_start3A_299 = tpu.memref_slice %arg18[%arg1, %dma_start3A_298] : memref<16x8192xf32, #tpu.memory_space<vmem_shared>> -> memref<1x8192xf32, #tpu.memory_space<vmem_shared>>
    %dma_start3A_300 = tpu.memref_squeeze %dma_start3A_299 : memref<1x8192xf32, #tpu.memory_space<vmem_shared>> -> memref<8192xf32, #tpu.memory_space<vmem_shared>>
    %dma_start3A_301 = arith.constant 0 : i32
    %dma_start3A_302 = tpu.memref_slice %dma_start3A_300[%dma_start3A_301] : memref<8192xf32, #tpu.memory_space<vmem_shared>> -> memref<8192xf32, #tpu.memory_space<vmem_shared>>
    tpu.enqueue_indirect_dma source(%dma_start3A_302 : memref<8192xf32, #tpu.memory_space<vmem_shared>>) target(%dma_start3A_294 : memref<128xf32, #tpu.memory_space<vmem>>) offsets(%dma_start3A_297 : memref<128xi32, #tpu.memory_space<vmem>>) semaphore(%arg19 : memref<!tpu.dma_semaphore, #tpu.memory_space<semaphore_mem>>)
    %dma_start3A_303 = arith.constant 5 : i32
    %dma_start3A_304 = arith.constant 640 : i32
    %dma_start3A_305 = tpu.memref_slice %arg15[%dma_start3A_304] : memref<8192xf32, #tpu.memory_space<vmem>> -> memref<128xf32, #tpu.memory_space<vmem>>
    %dma_start3A_306 = arith.constant 0 : i32
    %dma_start3A_307 = tpu.memref_slice %arg16[%dma_start3A_303, %dma_start3A_306] : memref<64x128xi32, #tpu.memory_space<vmem>> -> memref<1x128xi32, #tpu.memory_space<vmem>>
    %dma_start3A_308 = tpu.memref_squeeze %dma_start3A_307 : memref<1x128xi32, #tpu.memory_space<vmem>> -> memref<128xi32, #tpu.memory_space<vmem>>
    %dma_start3A_309 = arith.constant 0 : i32
    %dma_start3A_310 = tpu.memref_slice %arg18[%arg1, %dma_start3A_309] : memref<16x8192xf32, #tpu.memory_space<vmem_shared>> -> memref<1x8192xf32, #tpu.memory_space<vmem_shared>>
    %dma_start3A_311 = tpu.memref_squeeze %dma_start3A_310 : memref<1x8192xf32, #tpu.memory_space<vmem_shared>> -> memref<8192xf32, #tpu.memory_space<vmem_shared>>
    %dma_start3A_312 = arith.constant 0 : i32
    %dma_start3A_313 = tpu.memref_slice %dma_start3A_311[%dma_start3A_312] : memref<8192xf32, #tpu.memory_space<vmem_shared>> -> memref<8192xf32, #tpu.memory_space<vmem_shared>>
    tpu.enqueue_indirect_dma source(%dma_start3A_313 : memref<8192xf32, #tpu.memory_space<vmem_shared>>) target(%dma_start3A_305 : memref<128xf32, #tpu.memory_space<vmem>>) offsets(%dma_start3A_308 : memref<128xi32, #tpu.memory_space<vmem>>) semaphore(%arg19 : memref<!tpu.dma_semaphore, #tpu.memory_space<semaphore_mem>>)
    %dma_start3A_314 = arith.constant 6 : i32
    %dma_start3A_315 = arith.constant 768 : i32
    %dma_start3A_316 = tpu.memref_slice %arg15[%dma_start3A_315] : memref<8192xf32, #tpu.memory_space<vmem>> -> memref<128xf32, #tpu.memory_space<vmem>>
    %dma_start3A_317 = arith.constant 0 : i32
    %dma_start3A_318 = tpu.memref_slice %arg16[%dma_start3A_314, %dma_start3A_317] : memref<64x128xi32, #tpu.memory_space<vmem>> -> memref<1x128xi32, #tpu.memory_space<vmem>>
    %dma_start3A_319 = tpu.memref_squeeze %dma_start3A_318 : memref<1x128xi32, #tpu.memory_space<vmem>> -> memref<128xi32, #tpu.memory_space<vmem>>
    %dma_start3A_320 = arith.constant 0 : i32
    %dma_start3A_321 = tpu.memref_slice %arg18[%arg1, %dma_start3A_320] : memref<16x8192xf32, #tpu.memory_space<vmem_shared>> -> memref<1x8192xf32, #tpu.memory_space<vmem_shared>>
    %dma_start3A_322 = tpu.memref_squeeze %dma_start3A_321 : memref<1x8192xf32, #tpu.memory_space<vmem_shared>> -> memref<8192xf32, #tpu.memory_space<vmem_shared>>
    %dma_start3A_323 = arith.constant 0 : i32
    %dma_start3A_324 = tpu.memref_slice %dma_start3A_322[%dma_start3A_323] : memref<8192xf32, #tpu.memory_space<vmem_shared>> -> memref<8192xf32, #tpu.memory_space<vmem_shared>>
    tpu.enqueue_indirect_dma source(%dma_start3A_324 : memref<8192xf32, #tpu.memory_space<vmem_shared>>) target(%dma_start3A_316 : memref<128xf32, #tpu.memory_space<vmem>>) offsets(%dma_start3A_319 : memref<128xi32, #tpu.memory_space<vmem>>) semaphore(%arg19 : memref<!tpu.dma_semaphore, #tpu.memory_space<semaphore_mem>>)
    %dma_start3A_325 = arith.constant 7 : i32
    %dma_start3A_326 = arith.constant 896 : i32
    %dma_start3A_327 = tpu.memref_slice %arg15[%dma_start3A_326] : memref<8192xf32, #tpu.memory_space<vmem>> -> memref<128xf32, #tpu.memory_space<vmem>>
    %dma_start3A_328 = arith.constant 0 : i32
    %dma_start3A_329 = tpu.memref_slice %arg16[%dma_start3A_325, %dma_start3A_328] : memref<64x128xi32, #tpu.memory_space<vmem>> -> memref<1x128xi32, #tpu.memory_space<vmem>>
    %dma_start3A_330 = tpu.memref_squeeze %dma_start3A_329 : memref<1x128xi32, #tpu.memory_space<vmem>> -> memref<128xi32, #tpu.memory_space<vmem>>
    %dma_start3A_331 = arith.constant 0 : i32
    %dma_start3A_332 = tpu.memref_slice %arg18[%arg1, %dma_start3A_331] : memref<16x8192xf32, #tpu.memory_space<vmem_shared>> -> memref<1x8192xf32, #tpu.memory_space<vmem_shared>>
    %dma_start3A_333 = tpu.memref_squeeze %dma_start3A_332 : memref<1x8192xf32, #tpu.memory_space<vmem_shared>> -> memref<8192xf32, #tpu.memory_space<vmem_shared>>
    %dma_start3A_334 = arith.constant 0 : i32
    %dma_start3A_335 = tpu.memref_slice %dma_start3A_333[%dma_start3A_334] : memref<8192xf32, #tpu.memory_space<vmem_shared>> -> memref<8192xf32, #tpu.memory_space<vmem_shared>>
    tpu.enqueue_indirect_dma source(%dma_start3A_335 : memref<8192xf32, #tpu.memory_space<vmem_shared>>) target(%dma_start3A_327 : memref<128xf32, #tpu.memory_space<vmem>>) offsets(%dma_start3A_330 : memref<128xi32, #tpu.memory_space<vmem>>) semaphore(%arg19 : memref<!tpu.dma_semaphore, #tpu.memory_space<semaphore_mem>>)
    %dma_start3A_336 = arith.constant 8 : i32
    %dma_start3A_337 = arith.constant 1024 : i32
    %dma_start3A_338 = tpu.memref_slice %arg15[%dma_start3A_337] : memref<8192xf32, #tpu.memory_space<vmem>> -> memref<128xf32, #tpu.memory_space<vmem>>
    %dma_start3A_339 = arith.constant 0 : i32
    %dma_start3A_340 = tpu.memref_slice %arg16[%dma_start3A_336, %dma_start3A_339] : memref<64x128xi32, #tpu.memory_space<vmem>> -> memref<1x128xi32, #tpu.memory_space<vmem>>
    %dma_start3A_341 = tpu.memref_squeeze %dma_start3A_340 : memref<1x128xi32, #tpu.memory_space<vmem>> -> memref<128xi32, #tpu.memory_space<vmem>>
    %dma_start3A_342 = arith.constant 0 : i32
    %dma_start3A_343 = tpu.memref_slice %arg18[%arg1, %dma_start3A_342] : memref<16x8192xf32, #tpu.memory_space<vmem_shared>> -> memref<1x8192xf32, #tpu.memory_space<vmem_shared>>
    %dma_start3A_344 = tpu.memref_squeeze %dma_start3A_343 : memref<1x8192xf32, #tpu.memory_space<vmem_shared>> -> memref<8192xf32, #tpu.memory_space<vmem_shared>>
    %dma_start3A_345 = arith.constant 0 : i32
    %dma_start3A_346 = tpu.memref_slice %dma_start3A_344[%dma_start3A_345] : memref<8192xf32, #tpu.memory_space<vmem_shared>> -> memref<8192xf32, #tpu.memory_space<vmem_shared>>
    tpu.enqueue_indirect_dma source(%dma_start3A_346 : memref<8192xf32, #tpu.memory_space<vmem_shared>>) target(%dma_start3A_338 : memref<128xf32, #tpu.memory_space<vmem>>) offsets(%dma_start3A_341 : memref<128xi32, #tpu.memory_space<vmem>>) semaphore(%arg19 : memref<!tpu.dma_semaphore, #tpu.memory_space<semaphore_mem>>)
    %dma_start3A_347 = arith.constant 9 : i32
    %dma_start3A_348 = arith.constant 1152 : i32
    %dma_start3A_349 = tpu.memref_slice %arg15[%dma_start3A_348] : memref<8192xf32, #tpu.memory_space<vmem>> -> memref<128xf32, #tpu.memory_space<vmem>>
    %dma_start3A_350 = arith.constant 0 : i32
    %dma_start3A_351 = tpu.memref_slice %arg16[%dma_start3A_347, %dma_start3A_350] : memref<64x128xi32, #tpu.memory_space<vmem>> -> memref<1x128xi32, #tpu.memory_space<vmem>>
    %dma_start3A_352 = tpu.memref_squeeze %dma_start3A_351 : memref<1x128xi32, #tpu.memory_space<vmem>> -> memref<128xi32, #tpu.memory_space<vmem>>
    %dma_start3A_353 = arith.constant 0 : i32
    %dma_start3A_354 = tpu.memref_slice %arg18[%arg1, %dma_start3A_353] : memref<16x8192xf32, #tpu.memory_space<vmem_shared>> -> memref<1x8192xf32, #tpu.memory_space<vmem_shared>>
    %dma_start3A_355 = tpu.memref_squeeze %dma_start3A_354 : memref<1x8192xf32, #tpu.memory_space<vmem_shared>> -> memref<8192xf32, #tpu.memory_space<vmem_shared>>
    %dma_start3A_356 = arith.constant 0 : i32
    %dma_start3A_357 = tpu.memref_slice %dma_start3A_355[%dma_start3A_356] : memref<8192xf32, #tpu.memory_space<vmem_shared>> -> memref<8192xf32, #tpu.memory_space<vmem_shared>>
    tpu.enqueue_indirect_dma source(%dma_start3A_357 : memref<8192xf32, #tpu.memory_space<vmem_shared>>) target(%dma_start3A_349 : memref<128xf32, #tpu.memory_space<vmem>>) offsets(%dma_start3A_352 : memref<128xi32, #tpu.memory_space<vmem>>) semaphore(%arg19 : memref<!tpu.dma_semaphore, #tpu.memory_space<semaphore_mem>>)
    %dma_start3A_358 = arith.constant 10 : i32
    %dma_start3A_359 = arith.constant 1280 : i32
    %dma_start3A_360 = tpu.memref_slice %arg15[%dma_start3A_359] : memref<8192xf32, #tpu.memory_space<vmem>> -> memref<128xf32, #tpu.memory_space<vmem>>
    %dma_start3A_361 = arith.constant 0 : i32
    %dma_start3A_362 = tpu.memref_slice %arg16[%dma_start3A_358, %dma_start3A_361] : memref<64x128xi32, #tpu.memory_space<vmem>> -> memref<1x128xi32, #tpu.memory_space<vmem>>
    %dma_start3A_363 = tpu.memref_squeeze %dma_start3A_362 : memref<1x128xi32, #tpu.memory_space<vmem>> -> memref<128xi32, #tpu.memory_space<vmem>>
    %dma_start3A_364 = arith.constant 0 : i32
    %dma_start3A_365 = tpu.memref_slice %arg18[%arg1, %dma_start3A_364] : memref<16x8192xf32, #tpu.memory_space<vmem_shared>> -> memref<1x8192xf32, #tpu.memory_space<vmem_shared>>
    %dma_start3A_366 = tpu.memref_squeeze %dma_start3A_365 : memref<1x8192xf32, #tpu.memory_space<vmem_shared>> -> memref<8192xf32, #tpu.memory_space<vmem_shared>>
    %dma_start3A_367 = arith.constant 0 : i32
    %dma_start3A_368 = tpu.memref_slice %dma_start3A_366[%dma_start3A_367] : memref<8192xf32, #tpu.memory_space<vmem_shared>> -> memref<8192xf32, #tpu.memory_space<vmem_shared>>
    tpu.enqueue_indirect_dma source(%dma_start3A_368 : memref<8192xf32, #tpu.memory_space<vmem_shared>>) target(%dma_start3A_360 : memref<128xf32, #tpu.memory_space<vmem>>) offsets(%dma_start3A_363 : memref<128xi32, #tpu.memory_space<vmem>>) semaphore(%arg19 : memref<!tpu.dma_semaphore, #tpu.memory_space<semaphore_mem>>)
    %dma_start3A_369 = arith.constant 11 : i32
    %dma_start3A_370 = arith.constant 1408 : i32
    %dma_start3A_371 = tpu.memref_slice %arg15[%dma_start3A_370] : memref<8192xf32, #tpu.memory_space<vmem>> -> memref<128xf32, #tpu.memory_space<vmem>>
    %dma_start3A_372 = arith.constant 0 : i32
    %dma_start3A_373 = tpu.memref_slice %arg16[%dma_start3A_369, %dma_start3A_372] : memref<64x128xi32, #tpu.memory_space<vmem>> -> memref<1x128xi32, #tpu.memory_space<vmem>>
    %dma_start3A_374 = tpu.memref_squeeze %dma_start3A_373 : memref<1x128xi32, #tpu.memory_space<vmem>> -> memref<128xi32, #tpu.memory_space<vmem>>
    %dma_start3A_375 = arith.constant 0 : i32
    %dma_start3A_376 = tpu.memref_slice %arg18[%arg1, %dma_start3A_375] : memref<16x8192xf32, #tpu.memory_space<vmem_shared>> -> memref<1x8192xf32, #tpu.memory_space<vmem_shared>>
    %dma_start3A_377 = tpu.memref_squeeze %dma_start3A_376 : memref<1x8192xf32, #tpu.memory_space<vmem_shared>> -> memref<8192xf32, #tpu.memory_space<vmem_shared>>
    %dma_start3A_378 = arith.constant 0 : i32
    %dma_start3A_379 = tpu.memref_slice %dma_start3A_377[%dma_start3A_378] : memref<8192xf32, #tpu.memory_space<vmem_shared>> -> memref<8192xf32, #tpu.memory_space<vmem_shared>>
    tpu.enqueue_indirect_dma source(%dma_start3A_379 : memref<8192xf32, #tpu.memory_space<vmem_shared>>) target(%dma_start3A_371 : memref<128xf32, #tpu.memory_space<vmem>>) offsets(%dma_start3A_374 : memref<128xi32, #tpu.memory_space<vmem>>) semaphore(%arg19 : memref<!tpu.dma_semaphore, #tpu.memory_space<semaphore_mem>>)
    %dma_start3A_380 = arith.constant 12 : i32
    %dma_start3A_381 = arith.constant 1536 : i32
    %dma_start3A_382 = tpu.memref_slice %arg15[%dma_start3A_381] : memref<8192xf32, #tpu.memory_space<vmem>> -> memref<128xf32, #tpu.memory_space<vmem>>
    %dma_start3A_383 = arith.constant 0 : i32
    %dma_start3A_384 = tpu.memref_slice %arg16[%dma_start3A_380, %dma_start3A_383] : memref<64x128xi32, #tpu.memory_space<vmem>> -> memref<1x128xi32, #tpu.memory_space<vmem>>
    %dma_start3A_385 = tpu.memref_squeeze %dma_start3A_384 : memref<1x128xi32, #tpu.memory_space<vmem>> -> memref<128xi32, #tpu.memory_space<vmem>>
    %dma_start3A_386 = arith.constant 0 : i32
    %dma_start3A_387 = tpu.memref_slice %arg18[%arg1, %dma_start3A_386] : memref<16x8192xf32, #tpu.memory_space<vmem_shared>> -> memref<1x8192xf32, #tpu.memory_space<vmem_shared>>
    %dma_start3A_388 = tpu.memref_squeeze %dma_start3A_387 : memref<1x8192xf32, #tpu.memory_space<vmem_shared>> -> memref<8192xf32, #tpu.memory_space<vmem_shared>>
    %dma_start3A_389 = arith.constant 0 : i32
    %dma_start3A_390 = tpu.memref_slice %dma_start3A_388[%dma_start3A_389] : memref<8192xf32, #tpu.memory_space<vmem_shared>> -> memref<8192xf32, #tpu.memory_space<vmem_shared>>
    tpu.enqueue_indirect_dma source(%dma_start3A_390 : memref<8192xf32, #tpu.memory_space<vmem_shared>>) target(%dma_start3A_382 : memref<128xf32, #tpu.memory_space<vmem>>) offsets(%dma_start3A_385 : memref<128xi32, #tpu.memory_space<vmem>>) semaphore(%arg19 : memref<!tpu.dma_semaphore, #tpu.memory_space<semaphore_mem>>)
    %dma_start3A_391 = arith.constant 13 : i32
    %dma_start3A_392 = arith.constant 1664 : i32
    %dma_start3A_393 = tpu.memref_slice %arg15[%dma_start3A_392] : memref<8192xf32, #tpu.memory_space<vmem>> -> memref<128xf32, #tpu.memory_space<vmem>>
    %dma_start3A_394 = arith.constant 0 : i32
    %dma_start3A_395 = tpu.memref_slice %arg16[%dma_start3A_391, %dma_start3A_394] : memref<64x128xi32, #tpu.memory_space<vmem>> -> memref<1x128xi32, #tpu.memory_space<vmem>>
    %dma_start3A_396 = tpu.memref_squeeze %dma_start3A_395 : memref<1x128xi32, #tpu.memory_space<vmem>> -> memref<128xi32, #tpu.memory_space<vmem>>
    %dma_start3A_397 = arith.constant 0 : i32
    %dma_start3A_398 = tpu.memref_slice %arg18[%arg1, %dma_start3A_397] : memref<16x8192xf32, #tpu.memory_space<vmem_shared>> -> memref<1x8192xf32, #tpu.memory_space<vmem_shared>>
    %dma_start3A_399 = tpu.memref_squeeze %dma_start3A_398 : memref<1x8192xf32, #tpu.memory_space<vmem_shared>> -> memref<8192xf32, #tpu.memory_space<vmem_shared>>
    %dma_start3A_400 = arith.constant 0 : i32
    %dma_start3A_401 = tpu.memref_slice %dma_start3A_399[%dma_start3A_400] : memref<8192xf32, #tpu.memory_space<vmem_shared>> -> memref<8192xf32, #tpu.memory_space<vmem_shared>>
    tpu.enqueue_indirect_dma source(%dma_start3A_401 : memref<8192xf32, #tpu.memory_space<vmem_shared>>) target(%dma_start3A_393 : memref<128xf32, #tpu.memory_space<vmem>>) offsets(%dma_start3A_396 : memref<128xi32, #tpu.memory_space<vmem>>) semaphore(%arg19 : memref<!tpu.dma_semaphore, #tpu.memory_space<semaphore_mem>>)
    %dma_start3A_402 = arith.constant 14 : i32
    %dma_start3A_403 = arith.constant 1792 : i32
    %dma_start3A_404 = tpu.memref_slice %arg15[%dma_start3A_403] : memref<8192xf32, #tpu.memory_space<vmem>> -> memref<128xf32, #tpu.memory_space<vmem>>
    %dma_start3A_405 = arith.constant 0 : i32
    %dma_start3A_406 = tpu.memref_slice %arg16[%dma_start3A_402, %dma_start3A_405] : memref<64x128xi32, #tpu.memory_space<vmem>> -> memref<1x128xi32, #tpu.memory_space<vmem>>
    %dma_start3A_407 = tpu.memref_squeeze %dma_start3A_406 : memref<1x128xi32, #tpu.memory_space<vmem>> -> memref<128xi32, #tpu.memory_space<vmem>>
    %dma_start3A_408 = arith.constant 0 : i32
    %dma_start3A_409 = tpu.memref_slice %arg18[%arg1, %dma_start3A_408] : memref<16x8192xf32, #tpu.memory_space<vmem_shared>> -> memref<1x8192xf32, #tpu.memory_space<vmem_shared>>
    %dma_start3A_410 = tpu.memref_squeeze %dma_start3A_409 : memref<1x8192xf32, #tpu.memory_space<vmem_shared>> -> memref<8192xf32, #tpu.memory_space<vmem_shared>>
    %dma_start3A_411 = arith.constant 0 : i32
    %dma_start3A_412 = tpu.memref_slice %dma_start3A_410[%dma_start3A_411] : memref<8192xf32, #tpu.memory_space<vmem_shared>> -> memref<8192xf32, #tpu.memory_space<vmem_shared>>
    tpu.enqueue_indirect_dma source(%dma_start3A_412 : memref<8192xf32, #tpu.memory_space<vmem_shared>>) target(%dma_start3A_404 : memref<128xf32, #tpu.memory_space<vmem>>) offsets(%dma_start3A_407 : memref<128xi32, #tpu.memory_space<vmem>>) semaphore(%arg19 : memref<!tpu.dma_semaphore, #tpu.memory_space<semaphore_mem>>)
    %dma_start3A_413 = arith.constant 15 : i32
    %dma_start3A_414 = arith.constant 1920 : i32
    %dma_start3A_415 = tpu.memref_slice %arg15[%dma_start3A_414] : memref<8192xf32, #tpu.memory_space<vmem>> -> memref<128xf32, #tpu.memory_space<vmem>>
    %dma_start3A_416 = arith.constant 0 : i32
    %dma_start3A_417 = tpu.memref_slice %arg16[%dma_start3A_413, %dma_start3A_416] : memref<64x128xi32, #tpu.memory_space<vmem>> -> memref<1x128xi32, #tpu.memory_space<vmem>>
    %dma_start3A_418 = tpu.memref_squeeze %dma_start3A_417 : memref<1x128xi32, #tpu.memory_space<vmem>> -> memref<128xi32, #tpu.memory_space<vmem>>
    %dma_start3A_419 = arith.constant 0 : i32
    %dma_start3A_420 = tpu.memref_slice %arg18[%arg1, %dma_start3A_419] : memref<16x8192xf32, #tpu.memory_space<vmem_shared>> -> memref<1x8192xf32, #tpu.memory_space<vmem_shared>>
    %dma_start3A_421 = tpu.memref_squeeze %dma_start3A_420 : memref<1x8192xf32, #tpu.memory_space<vmem_shared>> -> memref<8192xf32, #tpu.memory_space<vmem_shared>>
    %dma_start3A_422 = arith.constant 0 : i32
    %dma_start3A_423 = tpu.memref_slice %dma_start3A_421[%dma_start3A_422] : memref<8192xf32, #tpu.memory_space<vmem_shared>> -> memref<8192xf32, #tpu.memory_space<vmem_shared>>
    tpu.enqueue_indirect_dma source(%dma_start3A_423 : memref<8192xf32, #tpu.memory_space<vmem_shared>>) target(%dma_start3A_415 : memref<128xf32, #tpu.memory_space<vmem>>) offsets(%dma_start3A_418 : memref<128xi32, #tpu.memory_space<vmem>>) semaphore(%arg19 : memref<!tpu.dma_semaphore, #tpu.memory_space<semaphore_mem>>)
    %dma_start3A_424 = arith.constant 16 : i32
    %dma_start3A_425 = arith.constant 2048 : i32
    %dma_start3A_426 = tpu.memref_slice %arg15[%dma_start3A_425] : memref<8192xf32, #tpu.memory_space<vmem>> -> memref<128xf32, #tpu.memory_space<vmem>>
    %dma_start3A_427 = arith.constant 0 : i32
    %dma_start3A_428 = tpu.memref_slice %arg16[%dma_start3A_424, %dma_start3A_427] : memref<64x128xi32, #tpu.memory_space<vmem>> -> memref<1x128xi32, #tpu.memory_space<vmem>>
    %dma_start3A_429 = tpu.memref_squeeze %dma_start3A_428 : memref<1x128xi32, #tpu.memory_space<vmem>> -> memref<128xi32, #tpu.memory_space<vmem>>
    %dma_start3A_430 = arith.constant 0 : i32
    %dma_start3A_431 = tpu.memref_slice %arg18[%arg1, %dma_start3A_430] : memref<16x8192xf32, #tpu.memory_space<vmem_shared>> -> memref<1x8192xf32, #tpu.memory_space<vmem_shared>>
    %dma_start3A_432 = tpu.memref_squeeze %dma_start3A_431 : memref<1x8192xf32, #tpu.memory_space<vmem_shared>> -> memref<8192xf32, #tpu.memory_space<vmem_shared>>
    %dma_start3A_433 = arith.constant 0 : i32
    %dma_start3A_434 = tpu.memref_slice %dma_start3A_432[%dma_start3A_433] : memref<8192xf32, #tpu.memory_space<vmem_shared>> -> memref<8192xf32, #tpu.memory_space<vmem_shared>>
    tpu.enqueue_indirect_dma source(%dma_start3A_434 : memref<8192xf32, #tpu.memory_space<vmem_shared>>) target(%dma_start3A_426 : memref<128xf32, #tpu.memory_space<vmem>>) offsets(%dma_start3A_429 : memref<128xi32, #tpu.memory_space<vmem>>) semaphore(%arg19 : memref<!tpu.dma_semaphore, #tpu.memory_space<semaphore_mem>>)
    %dma_start3A_435 = arith.constant 17 : i32
    %dma_start3A_436 = arith.constant 2176 : i32
    %dma_start3A_437 = tpu.memref_slice %arg15[%dma_start3A_436] : memref<8192xf32, #tpu.memory_space<vmem>> -> memref<128xf32, #tpu.memory_space<vmem>>
    %dma_start3A_438 = arith.constant 0 : i32
    %dma_start3A_439 = tpu.memref_slice %arg16[%dma_start3A_435, %dma_start3A_438] : memref<64x128xi32, #tpu.memory_space<vmem>> -> memref<1x128xi32, #tpu.memory_space<vmem>>
    %dma_start3A_440 = tpu.memref_squeeze %dma_start3A_439 : memref<1x128xi32, #tpu.memory_space<vmem>> -> memref<128xi32, #tpu.memory_space<vmem>>
    %dma_start3A_441 = arith.constant 0 : i32
    %dma_start3A_442 = tpu.memref_slice %arg18[%arg1, %dma_start3A_441] : memref<16x8192xf32, #tpu.memory_space<vmem_shared>> -> memref<1x8192xf32, #tpu.memory_space<vmem_shared>>
    %dma_start3A_443 = tpu.memref_squeeze %dma_start3A_442 : memref<1x8192xf32, #tpu.memory_space<vmem_shared>> -> memref<8192xf32, #tpu.memory_space<vmem_shared>>
    %dma_start3A_444 = arith.constant 0 : i32
    %dma_start3A_445 = tpu.memref_slice %dma_start3A_443[%dma_start3A_444] : memref<8192xf32, #tpu.memory_space<vmem_shared>> -> memref<8192xf32, #tpu.memory_space<vmem_shared>>
    tpu.enqueue_indirect_dma source(%dma_start3A_445 : memref<8192xf32, #tpu.memory_space<vmem_shared>>) target(%dma_start3A_437 : memref<128xf32, #tpu.memory_space<vmem>>) offsets(%dma_start3A_440 : memref<128xi32, #tpu.memory_space<vmem>>) semaphore(%arg19 : memref<!tpu.dma_semaphore, #tpu.memory_space<semaphore_mem>>)
    %dma_start3A_446 = arith.constant 18 : i32
    %dma_start3A_447 = arith.constant 2304 : i32
    %dma_start3A_448 = tpu.memref_slice %arg15[%dma_start3A_447] : memref<8192xf32, #tpu.memory_space<vmem>> -> memref<128xf32, #tpu.memory_space<vmem>>
    %dma_start3A_449 = arith.constant 0 : i32
    %dma_start3A_450 = tpu.memref_slice %arg16[%dma_start3A_446, %dma_start3A_449] : memref<64x128xi32, #tpu.memory_space<vmem>> -> memref<1x128xi32, #tpu.memory_space<vmem>>
    %dma_start3A_451 = tpu.memref_squeeze %dma_start3A_450 : memref<1x128xi32, #tpu.memory_space<vmem>> -> memref<128xi32, #tpu.memory_space<vmem>>
    %dma_start3A_452 = arith.constant 0 : i32
    %dma_start3A_453 = tpu.memref_slice %arg18[%arg1, %dma_start3A_452] : memref<16x8192xf32, #tpu.memory_space<vmem_shared>> -> memref<1x8192xf32, #tpu.memory_space<vmem_shared>>
    %dma_start3A_454 = tpu.memref_squeeze %dma_start3A_453 : memref<1x8192xf32, #tpu.memory_space<vmem_shared>> -> memref<8192xf32, #tpu.memory_space<vmem_shared>>
    %dma_start3A_455 = arith.constant 0 : i32
    %dma_start3A_456 = tpu.memref_slice %dma_start3A_454[%dma_start3A_455] : memref<8192xf32, #tpu.memory_space<vmem_shared>> -> memref<8192xf32, #tpu.memory_space<vmem_shared>>
    tpu.enqueue_indirect_dma source(%dma_start3A_456 : memref<8192xf32, #tpu.memory_space<vmem_shared>>) target(%dma_start3A_448 : memref<128xf32, #tpu.memory_space<vmem>>) offsets(%dma_start3A_451 : memref<128xi32, #tpu.memory_space<vmem>>) semaphore(%arg19 : memref<!tpu.dma_semaphore, #tpu.memory_space<semaphore_mem>>)
    %dma_start3A_457 = arith.constant 19 : i32
    %dma_start3A_458 = arith.constant 2432 : i32
    %dma_start3A_459 = tpu.memref_slice %arg15[%dma_start3A_458] : memref<8192xf32, #tpu.memory_space<vmem>> -> memref<128xf32, #tpu.memory_space<vmem>>
    %dma_start3A_460 = arith.constant 0 : i32
    %dma_start3A_461 = tpu.memref_slice %arg16[%dma_start3A_457, %dma_start3A_460] : memref<64x128xi32, #tpu.memory_space<vmem>> -> memref<1x128xi32, #tpu.memory_space<vmem>>
    %dma_start3A_462 = tpu.memref_squeeze %dma_start3A_461 : memref<1x128xi32, #tpu.memory_space<vmem>> -> memref<128xi32, #tpu.memory_space<vmem>>
    %dma_start3A_463 = arith.constant 0 : i32
    %dma_start3A_464 = tpu.memref_slice %arg18[%arg1, %dma_start3A_463] : memref<16x8192xf32, #tpu.memory_space<vmem_shared>> -> memref<1x8192xf32, #tpu.memory_space<vmem_shared>>
    %dma_start3A_465 = tpu.memref_squeeze %dma_start3A_464 : memref<1x8192xf32, #tpu.memory_space<vmem_shared>> -> memref<8192xf32, #tpu.memory_space<vmem_shared>>
    %dma_start3A_466 = arith.constant 0 : i32
    %dma_start3A_467 = tpu.memref_slice %dma_start3A_465[%dma_start3A_466] : memref<8192xf32, #tpu.memory_space<vmem_shared>> -> memref<8192xf32, #tpu.memory_space<vmem_shared>>
    tpu.enqueue_indirect_dma source(%dma_start3A_467 : memref<8192xf32, #tpu.memory_space<vmem_shared>>) target(%dma_start3A_459 : memref<128xf32, #tpu.memory_space<vmem>>) offsets(%dma_start3A_462 : memref<128xi32, #tpu.memory_space<vmem>>) semaphore(%arg19 : memref<!tpu.dma_semaphore, #tpu.memory_space<semaphore_mem>>)
    %dma_start3A_468 = arith.constant 20 : i32
    %dma_start3A_469 = arith.constant 2560 : i32
    %dma_start3A_470 = tpu.memref_slice %arg15[%dma_start3A_469] : memref<8192xf32, #tpu.memory_space<vmem>> -> memref<128xf32, #tpu.memory_space<vmem>>
    %dma_start3A_471 = arith.constant 0 : i32
    %dma_start3A_472 = tpu.memref_slice %arg16[%dma_start3A_468, %dma_start3A_471] : memref<64x128xi32, #tpu.memory_space<vmem>> -> memref<1x128xi32, #tpu.memory_space<vmem>>
    %dma_start3A_473 = tpu.memref_squeeze %dma_start3A_472 : memref<1x128xi32, #tpu.memory_space<vmem>> -> memref<128xi32, #tpu.memory_space<vmem>>
    %dma_start3A_474 = arith.constant 0 : i32
    %dma_start3A_475 = tpu.memref_slice %arg18[%arg1, %dma_start3A_474] : memref<16x8192xf32, #tpu.memory_space<vmem_shared>> -> memref<1x8192xf32, #tpu.memory_space<vmem_shared>>
    %dma_start3A_476 = tpu.memref_squeeze %dma_start3A_475 : memref<1x8192xf32, #tpu.memory_space<vmem_shared>> -> memref<8192xf32, #tpu.memory_space<vmem_shared>>
    %dma_start3A_477 = arith.constant 0 : i32
    %dma_start3A_478 = tpu.memref_slice %dma_start3A_476[%dma_start3A_477] : memref<8192xf32, #tpu.memory_space<vmem_shared>> -> memref<8192xf32, #tpu.memory_space<vmem_shared>>
    tpu.enqueue_indirect_dma source(%dma_start3A_478 : memref<8192xf32, #tpu.memory_space<vmem_shared>>) target(%dma_start3A_470 : memref<128xf32, #tpu.memory_space<vmem>>) offsets(%dma_start3A_473 : memref<128xi32, #tpu.memory_space<vmem>>) semaphore(%arg19 : memref<!tpu.dma_semaphore, #tpu.memory_space<semaphore_mem>>)
    %dma_start3A_479 = arith.constant 21 : i32
    %dma_start3A_480 = arith.constant 2688 : i32
    %dma_start3A_481 = tpu.memref_slice %arg15[%dma_start3A_480] : memref<8192xf32, #tpu.memory_space<vmem>> -> memref<128xf32, #tpu.memory_space<vmem>>
    %dma_start3A_482 = arith.constant 0 : i32
    %dma_start3A_483 = tpu.memref_slice %arg16[%dma_start3A_479, %dma_start3A_482] : memref<64x128xi32, #tpu.memory_space<vmem>> -> memref<1x128xi32, #tpu.memory_space<vmem>>
    %dma_start3A_484 = tpu.memref_squeeze %dma_start3A_483 : memref<1x128xi32, #tpu.memory_space<vmem>> -> memref<128xi32, #tpu.memory_space<vmem>>
    %dma_start3A_485 = arith.constant 0 : i32
    %dma_start3A_486 = tpu.memref_slice %arg18[%arg1, %dma_start3A_485] : memref<16x8192xf32, #tpu.memory_space<vmem_shared>> -> memref<1x8192xf32, #tpu.memory_space<vmem_shared>>
    %dma_start3A_487 = tpu.memref_squeeze %dma_start3A_486 : memref<1x8192xf32, #tpu.memory_space<vmem_shared>> -> memref<8192xf32, #tpu.memory_space<vmem_shared>>
    %dma_start3A_488 = arith.constant 0 : i32
    %dma_start3A_489 = tpu.memref_slice %dma_start3A_487[%dma_start3A_488] : memref<8192xf32, #tpu.memory_space<vmem_shared>> -> memref<8192xf32, #tpu.memory_space<vmem_shared>>
    tpu.enqueue_indirect_dma source(%dma_start3A_489 : memref<8192xf32, #tpu.memory_space<vmem_shared>>) target(%dma_start3A_481 : memref<128xf32, #tpu.memory_space<vmem>>) offsets(%dma_start3A_484 : memref<128xi32, #tpu.memory_space<vmem>>) semaphore(%arg19 : memref<!tpu.dma_semaphore, #tpu.memory_space<semaphore_mem>>)
    %dma_start3A_490 = arith.constant 22 : i32
    %dma_start3A_491 = arith.constant 2816 : i32
    %dma_start3A_492 = tpu.memref_slice %arg15[%dma_start3A_491] : memref<8192xf32, #tpu.memory_space<vmem>> -> memref<128xf32, #tpu.memory_space<vmem>>
    %dma_start3A_493 = arith.constant 0 : i32
    %dma_start3A_494 = tpu.memref_slice %arg16[%dma_start3A_490, %dma_start3A_493] : memref<64x128xi32, #tpu.memory_space<vmem>> -> memref<1x128xi32, #tpu.memory_space<vmem>>
    %dma_start3A_495 = tpu.memref_squeeze %dma_start3A_494 : memref<1x128xi32, #tpu.memory_space<vmem>> -> memref<128xi32, #tpu.memory_space<vmem>>
    %dma_start3A_496 = arith.constant 0 : i32
    %dma_start3A_497 = tpu.memref_slice %arg18[%arg1, %dma_start3A_496] : memref<16x8192xf32, #tpu.memory_space<vmem_shared>> -> memref<1x8192xf32, #tpu.memory_space<vmem_shared>>
    %dma_start3A_498 = tpu.memref_squeeze %dma_start3A_497 : memref<1x8192xf32, #tpu.memory_space<vmem_shared>> -> memref<8192xf32, #tpu.memory_space<vmem_shared>>
    %dma_start3A_499 = arith.constant 0 : i32
    %dma_start3A_500 = tpu.memref_slice %dma_start3A_498[%dma_start3A_499] : memref<8192xf32, #tpu.memory_space<vmem_shared>> -> memref<8192xf32, #tpu.memory_space<vmem_shared>>
    tpu.enqueue_indirect_dma source(%dma_start3A_500 : memref<8192xf32, #tpu.memory_space<vmem_shared>>) target(%dma_start3A_492 : memref<128xf32, #tpu.memory_space<vmem>>) offsets(%dma_start3A_495 : memref<128xi32, #tpu.memory_space<vmem>>) semaphore(%arg19 : memref<!tpu.dma_semaphore, #tpu.memory_space<semaphore_mem>>)
    %dma_start3A_501 = arith.constant 23 : i32
    %dma_start3A_502 = arith.constant 2944 : i32
    %dma_start3A_503 = tpu.memref_slice %arg15[%dma_start3A_502] : memref<8192xf32, #tpu.memory_space<vmem>> -> memref<128xf32, #tpu.memory_space<vmem>>
    %dma_start3A_504 = arith.constant 0 : i32
    %dma_start3A_505 = tpu.memref_slice %arg16[%dma_start3A_501, %dma_start3A_504] : memref<64x128xi32, #tpu.memory_space<vmem>> -> memref<1x128xi32, #tpu.memory_space<vmem>>
    %dma_start3A_506 = tpu.memref_squeeze %dma_start3A_505 : memref<1x128xi32, #tpu.memory_space<vmem>> -> memref<128xi32, #tpu.memory_space<vmem>>
    %dma_start3A_507 = arith.constant 0 : i32
    %dma_start3A_508 = tpu.memref_slice %arg18[%arg1, %dma_start3A_507] : memref<16x8192xf32, #tpu.memory_space<vmem_shared>> -> memref<1x8192xf32, #tpu.memory_space<vmem_shared>>
    %dma_start3A_509 = tpu.memref_squeeze %dma_start3A_508 : memref<1x8192xf32, #tpu.memory_space<vmem_shared>> -> memref<8192xf32, #tpu.memory_space<vmem_shared>>
    %dma_start3A_510 = arith.constant 0 : i32
    %dma_start3A_511 = tpu.memref_slice %dma_start3A_509[%dma_start3A_510] : memref<8192xf32, #tpu.memory_space<vmem_shared>> -> memref<8192xf32, #tpu.memory_space<vmem_shared>>
    tpu.enqueue_indirect_dma source(%dma_start3A_511 : memref<8192xf32, #tpu.memory_space<vmem_shared>>) target(%dma_start3A_503 : memref<128xf32, #tpu.memory_space<vmem>>) offsets(%dma_start3A_506 : memref<128xi32, #tpu.memory_space<vmem>>) semaphore(%arg19 : memref<!tpu.dma_semaphore, #tpu.memory_space<semaphore_mem>>)
    %dma_start3A_512 = arith.constant 24 : i32
    %dma_start3A_513 = arith.constant 3072 : i32
    %dma_start3A_514 = tpu.memref_slice %arg15[%dma_start3A_513] : memref<8192xf32, #tpu.memory_space<vmem>> -> memref<128xf32, #tpu.memory_space<vmem>>
    %dma_start3A_515 = arith.constant 0 : i32
    %dma_start3A_516 = tpu.memref_slice %arg16[%dma_start3A_512, %dma_start3A_515] : memref<64x128xi32, #tpu.memory_space<vmem>> -> memref<1x128xi32, #tpu.memory_space<vmem>>
    %dma_start3A_517 = tpu.memref_squeeze %dma_start3A_516 : memref<1x128xi32, #tpu.memory_space<vmem>> -> memref<128xi32, #tpu.memory_space<vmem>>
    %dma_start3A_518 = arith.constant 0 : i32
    %dma_start3A_519 = tpu.memref_slice %arg18[%arg1, %dma_start3A_518] : memref<16x8192xf32, #tpu.memory_space<vmem_shared>> -> memref<1x8192xf32, #tpu.memory_space<vmem_shared>>
    %dma_start3A_520 = tpu.memref_squeeze %dma_start3A_519 : memref<1x8192xf32, #tpu.memory_space<vmem_shared>> -> memref<8192xf32, #tpu.memory_space<vmem_shared>>
    %dma_start3A_521 = arith.constant 0 : i32
    %dma_start3A_522 = tpu.memref_slice %dma_start3A_520[%dma_start3A_521] : memref<8192xf32, #tpu.memory_space<vmem_shared>> -> memref<8192xf32, #tpu.memory_space<vmem_shared>>
    tpu.enqueue_indirect_dma source(%dma_start3A_522 : memref<8192xf32, #tpu.memory_space<vmem_shared>>) target(%dma_start3A_514 : memref<128xf32, #tpu.memory_space<vmem>>) offsets(%dma_start3A_517 : memref<128xi32, #tpu.memory_space<vmem>>) semaphore(%arg19 : memref<!tpu.dma_semaphore, #tpu.memory_space<semaphore_mem>>)
    %dma_start3A_523 = arith.constant 25 : i32
    %dma_start3A_524 = arith.constant 3200 : i32
    %dma_start3A_525 = tpu.memref_slice %arg15[%dma_start3A_524] : memref<8192xf32, #tpu.memory_space<vmem>> -> memref<128xf32, #tpu.memory_space<vmem>>
    %dma_start3A_526 = arith.constant 0 : i32
    %dma_start3A_527 = tpu.memref_slice %arg16[%dma_start3A_523, %dma_start3A_526] : memref<64x128xi32, #tpu.memory_space<vmem>> -> memref<1x128xi32, #tpu.memory_space<vmem>>
    %dma_start3A_528 = tpu.memref_squeeze %dma_start3A_527 : memref<1x128xi32, #tpu.memory_space<vmem>> -> memref<128xi32, #tpu.memory_space<vmem>>
    %dma_start3A_529 = arith.constant 0 : i32
    %dma_start3A_530 = tpu.memref_slice %arg18[%arg1, %dma_start3A_529] : memref<16x8192xf32, #tpu.memory_space<vmem_shared>> -> memref<1x8192xf32, #tpu.memory_space<vmem_shared>>
    %dma_start3A_531 = tpu.memref_squeeze %dma_start3A_530 : memref<1x8192xf32, #tpu.memory_space<vmem_shared>> -> memref<8192xf32, #tpu.memory_space<vmem_shared>>
    %dma_start3A_532 = arith.constant 0 : i32
    %dma_start3A_533 = tpu.memref_slice %dma_start3A_531[%dma_start3A_532] : memref<8192xf32, #tpu.memory_space<vmem_shared>> -> memref<8192xf32, #tpu.memory_space<vmem_shared>>
    tpu.enqueue_indirect_dma source(%dma_start3A_533 : memref<8192xf32, #tpu.memory_space<vmem_shared>>) target(%dma_start3A_525 : memref<128xf32, #tpu.memory_space<vmem>>) offsets(%dma_start3A_528 : memref<128xi32, #tpu.memory_space<vmem>>) semaphore(%arg19 : memref<!tpu.dma_semaphore, #tpu.memory_space<semaphore_mem>>)
    %dma_start3A_534 = arith.constant 26 : i32
    %dma_start3A_535 = arith.constant 3328 : i32
    %dma_start3A_536 = tpu.memref_slice %arg15[%dma_start3A_535] : memref<8192xf32, #tpu.memory_space<vmem>> -> memref<128xf32, #tpu.memory_space<vmem>>
    %dma_start3A_537 = arith.constant 0 : i32
    %dma_start3A_538 = tpu.memref_slice %arg16[%dma_start3A_534, %dma_start3A_537] : memref<64x128xi32, #tpu.memory_space<vmem>> -> memref<1x128xi32, #tpu.memory_space<vmem>>
    %dma_start3A_539 = tpu.memref_squeeze %dma_start3A_538 : memref<1x128xi32, #tpu.memory_space<vmem>> -> memref<128xi32, #tpu.memory_space<vmem>>
    %dma_start3A_540 = arith.constant 0 : i32
    %dma_start3A_541 = tpu.memref_slice %arg18[%arg1, %dma_start3A_540] : memref<16x8192xf32, #tpu.memory_space<vmem_shared>> -> memref<1x8192xf32, #tpu.memory_space<vmem_shared>>
    %dma_start3A_542 = tpu.memref_squeeze %dma_start3A_541 : memref<1x8192xf32, #tpu.memory_space<vmem_shared>> -> memref<8192xf32, #tpu.memory_space<vmem_shared>>
    %dma_start3A_543 = arith.constant 0 : i32
    %dma_start3A_544 = tpu.memref_slice %dma_start3A_542[%dma_start3A_543] : memref<8192xf32, #tpu.memory_space<vmem_shared>> -> memref<8192xf32, #tpu.memory_space<vmem_shared>>
    tpu.enqueue_indirect_dma source(%dma_start3A_544 : memref<8192xf32, #tpu.memory_space<vmem_shared>>) target(%dma_start3A_536 : memref<128xf32, #tpu.memory_space<vmem>>) offsets(%dma_start3A_539 : memref<128xi32, #tpu.memory_space<vmem>>) semaphore(%arg19 : memref<!tpu.dma_semaphore, #tpu.memory_space<semaphore_mem>>)
    %dma_start3A_545 = arith.constant 27 : i32
    %dma_start3A_546 = arith.constant 3456 : i32
    %dma_start3A_547 = tpu.memref_slice %arg15[%dma_start3A_546] : memref<8192xf32, #tpu.memory_space<vmem>> -> memref<128xf32, #tpu.memory_space<vmem>>
    %dma_start3A_548 = arith.constant 0 : i32
    %dma_start3A_549 = tpu.memref_slice %arg16[%dma_start3A_545, %dma_start3A_548] : memref<64x128xi32, #tpu.memory_space<vmem>> -> memref<1x128xi32, #tpu.memory_space<vmem>>
    %dma_start3A_550 = tpu.memref_squeeze %dma_start3A_549 : memref<1x128xi32, #tpu.memory_space<vmem>> -> memref<128xi32, #tpu.memory_space<vmem>>
    %dma_start3A_551 = arith.constant 0 : i32
    %dma_start3A_552 = tpu.memref_slice %arg18[%arg1, %dma_start3A_551] : memref<16x8192xf32, #tpu.memory_space<vmem_shared>> -> memref<1x8192xf32, #tpu.memory_space<vmem_shared>>
    %dma_start3A_553 = tpu.memref_squeeze %dma_start3A_552 : memref<1x8192xf32, #tpu.memory_space<vmem_shared>> -> memref<8192xf32, #tpu.memory_space<vmem_shared>>
    %dma_start3A_554 = arith.constant 0 : i32
    %dma_start3A_555 = tpu.memref_slice %dma_start3A_553[%dma_start3A_554] : memref<8192xf32, #tpu.memory_space<vmem_shared>> -> memref<8192xf32, #tpu.memory_space<vmem_shared>>
    tpu.enqueue_indirect_dma source(%dma_start3A_555 : memref<8192xf32, #tpu.memory_space<vmem_shared>>) target(%dma_start3A_547 : memref<128xf32, #tpu.memory_space<vmem>>) offsets(%dma_start3A_550 : memref<128xi32, #tpu.memory_space<vmem>>) semaphore(%arg19 : memref<!tpu.dma_semaphore, #tpu.memory_space<semaphore_mem>>)
    %dma_start3A_556 = arith.constant 28 : i32
    %dma_start3A_557 = arith.constant 3584 : i32
    %dma_start3A_558 = tpu.memref_slice %arg15[%dma_start3A_557] : memref<8192xf32, #tpu.memory_space<vmem>> -> memref<128xf32, #tpu.memory_space<vmem>>
    %dma_start3A_559 = arith.constant 0 : i32
    %dma_start3A_560 = tpu.memref_slice %arg16[%dma_start3A_556, %dma_start3A_559] : memref<64x128xi32, #tpu.memory_space<vmem>> -> memref<1x128xi32, #tpu.memory_space<vmem>>
    %dma_start3A_561 = tpu.memref_squeeze %dma_start3A_560 : memref<1x128xi32, #tpu.memory_space<vmem>> -> memref<128xi32, #tpu.memory_space<vmem>>
    %dma_start3A_562 = arith.constant 0 : i32
    %dma_start3A_563 = tpu.memref_slice %arg18[%arg1, %dma_start3A_562] : memref<16x8192xf32, #tpu.memory_space<vmem_shared>> -> memref<1x8192xf32, #tpu.memory_space<vmem_shared>>
    %dma_start3A_564 = tpu.memref_squeeze %dma_start3A_563 : memref<1x8192xf32, #tpu.memory_space<vmem_shared>> -> memref<8192xf32, #tpu.memory_space<vmem_shared>>
    %dma_start3A_565 = arith.constant 0 : i32
    %dma_start3A_566 = tpu.memref_slice %dma_start3A_564[%dma_start3A_565] : memref<8192xf32, #tpu.memory_space<vmem_shared>> -> memref<8192xf32, #tpu.memory_space<vmem_shared>>
    tpu.enqueue_indirect_dma source(%dma_start3A_566 : memref<8192xf32, #tpu.memory_space<vmem_shared>>) target(%dma_start3A_558 : memref<128xf32, #tpu.memory_space<vmem>>) offsets(%dma_start3A_561 : memref<128xi32, #tpu.memory_space<vmem>>) semaphore(%arg19 : memref<!tpu.dma_semaphore, #tpu.memory_space<semaphore_mem>>)
    %dma_start3A_567 = arith.constant 29 : i32
    %dma_start3A_568 = arith.constant 3712 : i32
    %dma_start3A_569 = tpu.memref_slice %arg15[%dma_start3A_568] : memref<8192xf32, #tpu.memory_space<vmem>> -> memref<128xf32, #tpu.memory_space<vmem>>
    %dma_start3A_570 = arith.constant 0 : i32
    %dma_start3A_571 = tpu.memref_slice %arg16[%dma_start3A_567, %dma_start3A_570] : memref<64x128xi32, #tpu.memory_space<vmem>> -> memref<1x128xi32, #tpu.memory_space<vmem>>
    %dma_start3A_572 = tpu.memref_squeeze %dma_start3A_571 : memref<1x128xi32, #tpu.memory_space<vmem>> -> memref<128xi32, #tpu.memory_space<vmem>>
    %dma_start3A_573 = arith.constant 0 : i32
    %dma_start3A_574 = tpu.memref_slice %arg18[%arg1, %dma_start3A_573] : memref<16x8192xf32, #tpu.memory_space<vmem_shared>> -> memref<1x8192xf32, #tpu.memory_space<vmem_shared>>
    %dma_start3A_575 = tpu.memref_squeeze %dma_start3A_574 : memref<1x8192xf32, #tpu.memory_space<vmem_shared>> -> memref<8192xf32, #tpu.memory_space<vmem_shared>>
    %dma_start3A_576 = arith.constant 0 : i32
    %dma_start3A_577 = tpu.memref_slice %dma_start3A_575[%dma_start3A_576] : memref<8192xf32, #tpu.memory_space<vmem_shared>> -> memref<8192xf32, #tpu.memory_space<vmem_shared>>
    tpu.enqueue_indirect_dma source(%dma_start3A_577 : memref<8192xf32, #tpu.memory_space<vmem_shared>>) target(%dma_start3A_569 : memref<128xf32, #tpu.memory_space<vmem>>) offsets(%dma_start3A_572 : memref<128xi32, #tpu.memory_space<vmem>>) semaphore(%arg19 : memref<!tpu.dma_semaphore, #tpu.memory_space<semaphore_mem>>)
    %dma_start3A_578 = arith.constant 30 : i32
    %dma_start3A_579 = arith.constant 3840 : i32
    %dma_start3A_580 = tpu.memref_slice %arg15[%dma_start3A_579] : memref<8192xf32, #tpu.memory_space<vmem>> -> memref<128xf32, #tpu.memory_space<vmem>>
    %dma_start3A_581 = arith.constant 0 : i32
    %dma_start3A_582 = tpu.memref_slice %arg16[%dma_start3A_578, %dma_start3A_581] : memref<64x128xi32, #tpu.memory_space<vmem>> -> memref<1x128xi32, #tpu.memory_space<vmem>>
    %dma_start3A_583 = tpu.memref_squeeze %dma_start3A_582 : memref<1x128xi32, #tpu.memory_space<vmem>> -> memref<128xi32, #tpu.memory_space<vmem>>
    %dma_start3A_584 = arith.constant 0 : i32
    %dma_start3A_585 = tpu.memref_slice %arg18[%arg1, %dma_start3A_584] : memref<16x8192xf32, #tpu.memory_space<vmem_shared>> -> memref<1x8192xf32, #tpu.memory_space<vmem_shared>>
    %dma_start3A_586 = tpu.memref_squeeze %dma_start3A_585 : memref<1x8192xf32, #tpu.memory_space<vmem_shared>> -> memref<8192xf32, #tpu.memory_space<vmem_shared>>
    %dma_start3A_587 = arith.constant 0 : i32
    %dma_start3A_588 = tpu.memref_slice %dma_start3A_586[%dma_start3A_587] : memref<8192xf32, #tpu.memory_space<vmem_shared>> -> memref<8192xf32, #tpu.memory_space<vmem_shared>>
    tpu.enqueue_indirect_dma source(%dma_start3A_588 : memref<8192xf32, #tpu.memory_space<vmem_shared>>) target(%dma_start3A_580 : memref<128xf32, #tpu.memory_space<vmem>>) offsets(%dma_start3A_583 : memref<128xi32, #tpu.memory_space<vmem>>) semaphore(%arg19 : memref<!tpu.dma_semaphore, #tpu.memory_space<semaphore_mem>>)
    %dma_start3A_589 = arith.constant 31 : i32
    %dma_start3A_590 = arith.constant 3968 : i32
    %dma_start3A_591 = tpu.memref_slice %arg15[%dma_start3A_590] : memref<8192xf32, #tpu.memory_space<vmem>> -> memref<128xf32, #tpu.memory_space<vmem>>
    %dma_start3A_592 = arith.constant 0 : i32
    %dma_start3A_593 = tpu.memref_slice %arg16[%dma_start3A_589, %dma_start3A_592] : memref<64x128xi32, #tpu.memory_space<vmem>> -> memref<1x128xi32, #tpu.memory_space<vmem>>
    %dma_start3A_594 = tpu.memref_squeeze %dma_start3A_593 : memref<1x128xi32, #tpu.memory_space<vmem>> -> memref<128xi32, #tpu.memory_space<vmem>>
    %dma_start3A_595 = arith.constant 0 : i32
    %dma_start3A_596 = tpu.memref_slice %arg18[%arg1, %dma_start3A_595] : memref<16x8192xf32, #tpu.memory_space<vmem_shared>> -> memref<1x8192xf32, #tpu.memory_space<vmem_shared>>
    %dma_start3A_597 = tpu.memref_squeeze %dma_start3A_596 : memref<1x8192xf32, #tpu.memory_space<vmem_shared>> -> memref<8192xf32, #tpu.memory_space<vmem_shared>>
    %dma_start3A_598 = arith.constant 0 : i32
    %dma_start3A_599 = tpu.memref_slice %dma_start3A_597[%dma_start3A_598] : memref<8192xf32, #tpu.memory_space<vmem_shared>> -> memref<8192xf32, #tpu.memory_space<vmem_shared>>
    tpu.enqueue_indirect_dma source(%dma_start3A_599 : memref<8192xf32, #tpu.memory_space<vmem_shared>>) target(%dma_start3A_591 : memref<128xf32, #tpu.memory_space<vmem>>) offsets(%dma_start3A_594 : memref<128xi32, #tpu.memory_space<vmem>>) semaphore(%arg19 : memref<!tpu.dma_semaphore, #tpu.memory_space<semaphore_mem>>)
    %dma_start3A_600 = arith.constant 32 : i32
    %dma_start3A_601 = arith.constant 4096 : i32
    %dma_start3A_602 = tpu.memref_slice %arg15[%dma_start3A_601] : memref<8192xf32, #tpu.memory_space<vmem>> -> memref<128xf32, #tpu.memory_space<vmem>>
    %dma_start3A_603 = arith.constant 0 : i32
    %dma_start3A_604 = tpu.memref_slice %arg16[%dma_start3A_600, %dma_start3A_603] : memref<64x128xi32, #tpu.memory_space<vmem>> -> memref<1x128xi32, #tpu.memory_space<vmem>>
    %dma_start3A_605 = tpu.memref_squeeze %dma_start3A_604 : memref<1x128xi32, #tpu.memory_space<vmem>> -> memref<128xi32, #tpu.memory_space<vmem>>
    %dma_start3A_606 = arith.constant 0 : i32
    %dma_start3A_607 = tpu.memref_slice %arg18[%arg1, %dma_start3A_606] : memref<16x8192xf32, #tpu.memory_space<vmem_shared>> -> memref<1x8192xf32, #tpu.memory_space<vmem_shared>>
    %dma_start3A_608 = tpu.memref_squeeze %dma_start3A_607 : memref<1x8192xf32, #tpu.memory_space<vmem_shared>> -> memref<8192xf32, #tpu.memory_space<vmem_shared>>
    %dma_start3A_609 = arith.constant 0 : i32
    %dma_start3A_610 = tpu.memref_slice %dma_start3A_608[%dma_start3A_609] : memref<8192xf32, #tpu.memory_space<vmem_shared>> -> memref<8192xf32, #tpu.memory_space<vmem_shared>>
    tpu.enqueue_indirect_dma source(%dma_start3A_610 : memref<8192xf32, #tpu.memory_space<vmem_shared>>) target(%dma_start3A_602 : memref<128xf32, #tpu.memory_space<vmem>>) offsets(%dma_start3A_605 : memref<128xi32, #tpu.memory_space<vmem>>) semaphore(%arg19 : memref<!tpu.dma_semaphore, #tpu.memory_space<semaphore_mem>>)
    %dma_start3A_611 = arith.constant 33 : i32
    %dma_start3A_612 = arith.constant 4224 : i32
    %dma_start3A_613 = tpu.memref_slice %arg15[%dma_start3A_612] : memref<8192xf32, #tpu.memory_space<vmem>> -> memref<128xf32, #tpu.memory_space<vmem>>
    %dma_start3A_614 = arith.constant 0 : i32
    %dma_start3A_615 = tpu.memref_slice %arg16[%dma_start3A_611, %dma_start3A_614] : memref<64x128xi32, #tpu.memory_space<vmem>> -> memref<1x128xi32, #tpu.memory_space<vmem>>
    %dma_start3A_616 = tpu.memref_squeeze %dma_start3A_615 : memref<1x128xi32, #tpu.memory_space<vmem>> -> memref<128xi32, #tpu.memory_space<vmem>>
    %dma_start3A_617 = arith.constant 0 : i32
    %dma_start3A_618 = tpu.memref_slice %arg18[%arg1, %dma_start3A_617] : memref<16x8192xf32, #tpu.memory_space<vmem_shared>> -> memref<1x8192xf32, #tpu.memory_space<vmem_shared>>
    %dma_start3A_619 = tpu.memref_squeeze %dma_start3A_618 : memref<1x8192xf32, #tpu.memory_space<vmem_shared>> -> memref<8192xf32, #tpu.memory_space<vmem_shared>>
    %dma_start3A_620 = arith.constant 0 : i32
    %dma_start3A_621 = tpu.memref_slice %dma_start3A_619[%dma_start3A_620] : memref<8192xf32, #tpu.memory_space<vmem_shared>> -> memref<8192xf32, #tpu.memory_space<vmem_shared>>
    tpu.enqueue_indirect_dma source(%dma_start3A_621 : memref<8192xf32, #tpu.memory_space<vmem_shared>>) target(%dma_start3A_613 : memref<128xf32, #tpu.memory_space<vmem>>) offsets(%dma_start3A_616 : memref<128xi32, #tpu.memory_space<vmem>>) semaphore(%arg19 : memref<!tpu.dma_semaphore, #tpu.memory_space<semaphore_mem>>)
    %dma_start3A_622 = arith.constant 34 : i32
    %dma_start3A_623 = arith.constant 4352 : i32
    %dma_start3A_624 = tpu.memref_slice %arg15[%dma_start3A_623] : memref<8192xf32, #tpu.memory_space<vmem>> -> memref<128xf32, #tpu.memory_space<vmem>>
    %dma_start3A_625 = arith.constant 0 : i32
    %dma_start3A_626 = tpu.memref_slice %arg16[%dma_start3A_622, %dma_start3A_625] : memref<64x128xi32, #tpu.memory_space<vmem>> -> memref<1x128xi32, #tpu.memory_space<vmem>>
    %dma_start3A_627 = tpu.memref_squeeze %dma_start3A_626 : memref<1x128xi32, #tpu.memory_space<vmem>> -> memref<128xi32, #tpu.memory_space<vmem>>
    %dma_start3A_628 = arith.constant 0 : i32
    %dma_start3A_629 = tpu.memref_slice %arg18[%arg1, %dma_start3A_628] : memref<16x8192xf32, #tpu.memory_space<vmem_shared>> -> memref<1x8192xf32, #tpu.memory_space<vmem_shared>>
    %dma_start3A_630 = tpu.memref_squeeze %dma_start3A_629 : memref<1x8192xf32, #tpu.memory_space<vmem_shared>> -> memref<8192xf32, #tpu.memory_space<vmem_shared>>
    %dma_start3A_631 = arith.constant 0 : i32
    %dma_start3A_632 = tpu.memref_slice %dma_start3A_630[%dma_start3A_631] : memref<8192xf32, #tpu.memory_space<vmem_shared>> -> memref<8192xf32, #tpu.memory_space<vmem_shared>>
    tpu.enqueue_indirect_dma source(%dma_start3A_632 : memref<8192xf32, #tpu.memory_space<vmem_shared>>) target(%dma_start3A_624 : memref<128xf32, #tpu.memory_space<vmem>>) offsets(%dma_start3A_627 : memref<128xi32, #tpu.memory_space<vmem>>) semaphore(%arg19 : memref<!tpu.dma_semaphore, #tpu.memory_space<semaphore_mem>>)
    %dma_start3A_633 = arith.constant 35 : i32
    %dma_start3A_634 = arith.constant 4480 : i32
    %dma_start3A_635 = tpu.memref_slice %arg15[%dma_start3A_634] : memref<8192xf32, #tpu.memory_space<vmem>> -> memref<128xf32, #tpu.memory_space<vmem>>
    %dma_start3A_636 = arith.constant 0 : i32
    %dma_start3A_637 = tpu.memref_slice %arg16[%dma_start3A_633, %dma_start3A_636] : memref<64x128xi32, #tpu.memory_space<vmem>> -> memref<1x128xi32, #tpu.memory_space<vmem>>
    %dma_start3A_638 = tpu.memref_squeeze %dma_start3A_637 : memref<1x128xi32, #tpu.memory_space<vmem>> -> memref<128xi32, #tpu.memory_space<vmem>>
    %dma_start3A_639 = arith.constant 0 : i32
    %dma_start3A_640 = tpu.memref_slice %arg18[%arg1, %dma_start3A_639] : memref<16x8192xf32, #tpu.memory_space<vmem_shared>> -> memref<1x8192xf32, #tpu.memory_space<vmem_shared>>
    %dma_start3A_641 = tpu.memref_squeeze %dma_start3A_640 : memref<1x8192xf32, #tpu.memory_space<vmem_shared>> -> memref<8192xf32, #tpu.memory_space<vmem_shared>>
    %dma_start3A_642 = arith.constant 0 : i32
    %dma_start3A_643 = tpu.memref_slice %dma_start3A_641[%dma_start3A_642] : memref<8192xf32, #tpu.memory_space<vmem_shared>> -> memref<8192xf32, #tpu.memory_space<vmem_shared>>
    tpu.enqueue_indirect_dma source(%dma_start3A_643 : memref<8192xf32, #tpu.memory_space<vmem_shared>>) target(%dma_start3A_635 : memref<128xf32, #tpu.memory_space<vmem>>) offsets(%dma_start3A_638 : memref<128xi32, #tpu.memory_space<vmem>>) semaphore(%arg19 : memref<!tpu.dma_semaphore, #tpu.memory_space<semaphore_mem>>)
    %dma_start3A_644 = arith.constant 36 : i32
    %dma_start3A_645 = arith.constant 4608 : i32
    %dma_start3A_646 = tpu.memref_slice %arg15[%dma_start3A_645] : memref<8192xf32, #tpu.memory_space<vmem>> -> memref<128xf32, #tpu.memory_space<vmem>>
    %dma_start3A_647 = arith.constant 0 : i32
    %dma_start3A_648 = tpu.memref_slice %arg16[%dma_start3A_644, %dma_start3A_647] : memref<64x128xi32, #tpu.memory_space<vmem>> -> memref<1x128xi32, #tpu.memory_space<vmem>>
    %dma_start3A_649 = tpu.memref_squeeze %dma_start3A_648 : memref<1x128xi32, #tpu.memory_space<vmem>> -> memref<128xi32, #tpu.memory_space<vmem>>
    %dma_start3A_650 = arith.constant 0 : i32
    %dma_start3A_651 = tpu.memref_slice %arg18[%arg1, %dma_start3A_650] : memref<16x8192xf32, #tpu.memory_space<vmem_shared>> -> memref<1x8192xf32, #tpu.memory_space<vmem_shared>>
    %dma_start3A_652 = tpu.memref_squeeze %dma_start3A_651 : memref<1x8192xf32, #tpu.memory_space<vmem_shared>> -> memref<8192xf32, #tpu.memory_space<vmem_shared>>
    %dma_start3A_653 = arith.constant 0 : i32
    %dma_start3A_654 = tpu.memref_slice %dma_start3A_652[%dma_start3A_653] : memref<8192xf32, #tpu.memory_space<vmem_shared>> -> memref<8192xf32, #tpu.memory_space<vmem_shared>>
    tpu.enqueue_indirect_dma source(%dma_start3A_654 : memref<8192xf32, #tpu.memory_space<vmem_shared>>) target(%dma_start3A_646 : memref<128xf32, #tpu.memory_space<vmem>>) offsets(%dma_start3A_649 : memref<128xi32, #tpu.memory_space<vmem>>) semaphore(%arg19 : memref<!tpu.dma_semaphore, #tpu.memory_space<semaphore_mem>>)
    %dma_start3A_655 = arith.constant 37 : i32
    %dma_start3A_656 = arith.constant 4736 : i32
    %dma_start3A_657 = tpu.memref_slice %arg15[%dma_start3A_656] : memref<8192xf32, #tpu.memory_space<vmem>> -> memref<128xf32, #tpu.memory_space<vmem>>
    %dma_start3A_658 = arith.constant 0 : i32
    %dma_start3A_659 = tpu.memref_slice %arg16[%dma_start3A_655, %dma_start3A_658] : memref<64x128xi32, #tpu.memory_space<vmem>> -> memref<1x128xi32, #tpu.memory_space<vmem>>
    %dma_start3A_660 = tpu.memref_squeeze %dma_start3A_659 : memref<1x128xi32, #tpu.memory_space<vmem>> -> memref<128xi32, #tpu.memory_space<vmem>>
    %dma_start3A_661 = arith.constant 0 : i32
    %dma_start3A_662 = tpu.memref_slice %arg18[%arg1, %dma_start3A_661] : memref<16x8192xf32, #tpu.memory_space<vmem_shared>> -> memref<1x8192xf32, #tpu.memory_space<vmem_shared>>
    %dma_start3A_663 = tpu.memref_squeeze %dma_start3A_662 : memref<1x8192xf32, #tpu.memory_space<vmem_shared>> -> memref<8192xf32, #tpu.memory_space<vmem_shared>>
    %dma_start3A_664 = arith.constant 0 : i32
    %dma_start3A_665 = tpu.memref_slice %dma_start3A_663[%dma_start3A_664] : memref<8192xf32, #tpu.memory_space<vmem_shared>> -> memref<8192xf32, #tpu.memory_space<vmem_shared>>
    tpu.enqueue_indirect_dma source(%dma_start3A_665 : memref<8192xf32, #tpu.memory_space<vmem_shared>>) target(%dma_start3A_657 : memref<128xf32, #tpu.memory_space<vmem>>) offsets(%dma_start3A_660 : memref<128xi32, #tpu.memory_space<vmem>>) semaphore(%arg19 : memref<!tpu.dma_semaphore, #tpu.memory_space<semaphore_mem>>)
    %dma_start3A_666 = arith.constant 38 : i32
    %dma_start3A_667 = arith.constant 4864 : i32
    %dma_start3A_668 = tpu.memref_slice %arg15[%dma_start3A_667] : memref<8192xf32, #tpu.memory_space<vmem>> -> memref<128xf32, #tpu.memory_space<vmem>>
    %dma_start3A_669 = arith.constant 0 : i32
    %dma_start3A_670 = tpu.memref_slice %arg16[%dma_start3A_666, %dma_start3A_669] : memref<64x128xi32, #tpu.memory_space<vmem>> -> memref<1x128xi32, #tpu.memory_space<vmem>>
    %dma_start3A_671 = tpu.memref_squeeze %dma_start3A_670 : memref<1x128xi32, #tpu.memory_space<vmem>> -> memref<128xi32, #tpu.memory_space<vmem>>
    %dma_start3A_672 = arith.constant 0 : i32
    %dma_start3A_673 = tpu.memref_slice %arg18[%arg1, %dma_start3A_672] : memref<16x8192xf32, #tpu.memory_space<vmem_shared>> -> memref<1x8192xf32, #tpu.memory_space<vmem_shared>>
    %dma_start3A_674 = tpu.memref_squeeze %dma_start3A_673 : memref<1x8192xf32, #tpu.memory_space<vmem_shared>> -> memref<8192xf32, #tpu.memory_space<vmem_shared>>
    %dma_start3A_675 = arith.constant 0 : i32
    %dma_start3A_676 = tpu.memref_slice %dma_start3A_674[%dma_start3A_675] : memref<8192xf32, #tpu.memory_space<vmem_shared>> -> memref<8192xf32, #tpu.memory_space<vmem_shared>>
    tpu.enqueue_indirect_dma source(%dma_start3A_676 : memref<8192xf32, #tpu.memory_space<vmem_shared>>) target(%dma_start3A_668 : memref<128xf32, #tpu.memory_space<vmem>>) offsets(%dma_start3A_671 : memref<128xi32, #tpu.memory_space<vmem>>) semaphore(%arg19 : memref<!tpu.dma_semaphore, #tpu.memory_space<semaphore_mem>>)
    %dma_start3A_677 = arith.constant 39 : i32
    %dma_start3A_678 = arith.constant 4992 : i32
    %dma_start3A_679 = tpu.memref_slice %arg15[%dma_start3A_678] : memref<8192xf32, #tpu.memory_space<vmem>> -> memref<128xf32, #tpu.memory_space<vmem>>
    %dma_start3A_680 = arith.constant 0 : i32
    %dma_start3A_681 = tpu.memref_slice %arg16[%dma_start3A_677, %dma_start3A_680] : memref<64x128xi32, #tpu.memory_space<vmem>> -> memref<1x128xi32, #tpu.memory_space<vmem>>
    %dma_start3A_682 = tpu.memref_squeeze %dma_start3A_681 : memref<1x128xi32, #tpu.memory_space<vmem>> -> memref<128xi32, #tpu.memory_space<vmem>>
    %dma_start3A_683 = arith.constant 0 : i32
    %dma_start3A_684 = tpu.memref_slice %arg18[%arg1, %dma_start3A_683] : memref<16x8192xf32, #tpu.memory_space<vmem_shared>> -> memref<1x8192xf32, #tpu.memory_space<vmem_shared>>
    %dma_start3A_685 = tpu.memref_squeeze %dma_start3A_684 : memref<1x8192xf32, #tpu.memory_space<vmem_shared>> -> memref<8192xf32, #tpu.memory_space<vmem_shared>>
    %dma_start3A_686 = arith.constant 0 : i32
    %dma_start3A_687 = tpu.memref_slice %dma_start3A_685[%dma_start3A_686] : memref<8192xf32, #tpu.memory_space<vmem_shared>> -> memref<8192xf32, #tpu.memory_space<vmem_shared>>
    tpu.enqueue_indirect_dma source(%dma_start3A_687 : memref<8192xf32, #tpu.memory_space<vmem_shared>>) target(%dma_start3A_679 : memref<128xf32, #tpu.memory_space<vmem>>) offsets(%dma_start3A_682 : memref<128xi32, #tpu.memory_space<vmem>>) semaphore(%arg19 : memref<!tpu.dma_semaphore, #tpu.memory_space<semaphore_mem>>)
    %dma_start3A_688 = arith.constant 40 : i32
    %dma_start3A_689 = arith.constant 5120 : i32
    %dma_start3A_690 = tpu.memref_slice %arg15[%dma_start3A_689] : memref<8192xf32, #tpu.memory_space<vmem>> -> memref<128xf32, #tpu.memory_space<vmem>>
    %dma_start3A_691 = arith.constant 0 : i32
    %dma_start3A_692 = tpu.memref_slice %arg16[%dma_start3A_688, %dma_start3A_691] : memref<64x128xi32, #tpu.memory_space<vmem>> -> memref<1x128xi32, #tpu.memory_space<vmem>>
    %dma_start3A_693 = tpu.memref_squeeze %dma_start3A_692 : memref<1x128xi32, #tpu.memory_space<vmem>> -> memref<128xi32, #tpu.memory_space<vmem>>
    %dma_start3A_694 = arith.constant 0 : i32
    %dma_start3A_695 = tpu.memref_slice %arg18[%arg1, %dma_start3A_694] : memref<16x8192xf32, #tpu.memory_space<vmem_shared>> -> memref<1x8192xf32, #tpu.memory_space<vmem_shared>>
    %dma_start3A_696 = tpu.memref_squeeze %dma_start3A_695 : memref<1x8192xf32, #tpu.memory_space<vmem_shared>> -> memref<8192xf32, #tpu.memory_space<vmem_shared>>
    %dma_start3A_697 = arith.constant 0 : i32
    %dma_start3A_698 = tpu.memref_slice %dma_start3A_696[%dma_start3A_697] : memref<8192xf32, #tpu.memory_space<vmem_shared>> -> memref<8192xf32, #tpu.memory_space<vmem_shared>>
    tpu.enqueue_indirect_dma source(%dma_start3A_698 : memref<8192xf32, #tpu.memory_space<vmem_shared>>) target(%dma_start3A_690 : memref<128xf32, #tpu.memory_space<vmem>>) offsets(%dma_start3A_693 : memref<128xi32, #tpu.memory_space<vmem>>) semaphore(%arg19 : memref<!tpu.dma_semaphore, #tpu.memory_space<semaphore_mem>>)
    %dma_start3A_699 = arith.constant 41 : i32
    %dma_start3A_700 = arith.constant 5248 : i32
    %dma_start3A_701 = tpu.memref_slice %arg15[%dma_start3A_700] : memref<8192xf32, #tpu.memory_space<vmem>> -> memref<128xf32, #tpu.memory_space<vmem>>
    %dma_start3A_702 = arith.constant 0 : i32
    %dma_start3A_703 = tpu.memref_slice %arg16[%dma_start3A_699, %dma_start3A_702] : memref<64x128xi32, #tpu.memory_space<vmem>> -> memref<1x128xi32, #tpu.memory_space<vmem>>
    %dma_start3A_704 = tpu.memref_squeeze %dma_start3A_703 : memref<1x128xi32, #tpu.memory_space<vmem>> -> memref<128xi32, #tpu.memory_space<vmem>>
    %dma_start3A_705 = arith.constant 0 : i32
    %dma_start3A_706 = tpu.memref_slice %arg18[%arg1, %dma_start3A_705] : memref<16x8192xf32, #tpu.memory_space<vmem_shared>> -> memref<1x8192xf32, #tpu.memory_space<vmem_shared>>
    %dma_start3A_707 = tpu.memref_squeeze %dma_start3A_706 : memref<1x8192xf32, #tpu.memory_space<vmem_shared>> -> memref<8192xf32, #tpu.memory_space<vmem_shared>>
    %dma_start3A_708 = arith.constant 0 : i32
    %dma_start3A_709 = tpu.memref_slice %dma_start3A_707[%dma_start3A_708] : memref<8192xf32, #tpu.memory_space<vmem_shared>> -> memref<8192xf32, #tpu.memory_space<vmem_shared>>
    tpu.enqueue_indirect_dma source(%dma_start3A_709 : memref<8192xf32, #tpu.memory_space<vmem_shared>>) target(%dma_start3A_701 : memref<128xf32, #tpu.memory_space<vmem>>) offsets(%dma_start3A_704 : memref<128xi32, #tpu.memory_space<vmem>>) semaphore(%arg19 : memref<!tpu.dma_semaphore, #tpu.memory_space<semaphore_mem>>)
    %dma_start3A_710 = arith.constant 42 : i32
    %dma_start3A_711 = arith.constant 5376 : i32
    %dma_start3A_712 = tpu.memref_slice %arg15[%dma_start3A_711] : memref<8192xf32, #tpu.memory_space<vmem>> -> memref<128xf32, #tpu.memory_space<vmem>>
    %dma_start3A_713 = arith.constant 0 : i32
    %dma_start3A_714 = tpu.memref_slice %arg16[%dma_start3A_710, %dma_start3A_713] : memref<64x128xi32, #tpu.memory_space<vmem>> -> memref<1x128xi32, #tpu.memory_space<vmem>>
    %dma_start3A_715 = tpu.memref_squeeze %dma_start3A_714 : memref<1x128xi32, #tpu.memory_space<vmem>> -> memref<128xi32, #tpu.memory_space<vmem>>
    %dma_start3A_716 = arith.constant 0 : i32
    %dma_start3A_717 = tpu.memref_slice %arg18[%arg1, %dma_start3A_716] : memref<16x8192xf32, #tpu.memory_space<vmem_shared>> -> memref<1x8192xf32, #tpu.memory_space<vmem_shared>>
    %dma_start3A_718 = tpu.memref_squeeze %dma_start3A_717 : memref<1x8192xf32, #tpu.memory_space<vmem_shared>> -> memref<8192xf32, #tpu.memory_space<vmem_shared>>
    %dma_start3A_719 = arith.constant 0 : i32
    %dma_start3A_720 = tpu.memref_slice %dma_start3A_718[%dma_start3A_719] : memref<8192xf32, #tpu.memory_space<vmem_shared>> -> memref<8192xf32, #tpu.memory_space<vmem_shared>>
    tpu.enqueue_indirect_dma source(%dma_start3A_720 : memref<8192xf32, #tpu.memory_space<vmem_shared>>) target(%dma_start3A_712 : memref<128xf32, #tpu.memory_space<vmem>>) offsets(%dma_start3A_715 : memref<128xi32, #tpu.memory_space<vmem>>) semaphore(%arg19 : memref<!tpu.dma_semaphore, #tpu.memory_space<semaphore_mem>>)
    %dma_start3A_721 = arith.constant 43 : i32
    %dma_start3A_722 = arith.constant 5504 : i32
    %dma_start3A_723 = tpu.memref_slice %arg15[%dma_start3A_722] : memref<8192xf32, #tpu.memory_space<vmem>> -> memref<128xf32, #tpu.memory_space<vmem>>
    %dma_start3A_724 = arith.constant 0 : i32
    %dma_start3A_725 = tpu.memref_slice %arg16[%dma_start3A_721, %dma_start3A_724] : memref<64x128xi32, #tpu.memory_space<vmem>> -> memref<1x128xi32, #tpu.memory_space<vmem>>
    %dma_start3A_726 = tpu.memref_squeeze %dma_start3A_725 : memref<1x128xi32, #tpu.memory_space<vmem>> -> memref<128xi32, #tpu.memory_space<vmem>>
    %dma_start3A_727 = arith.constant 0 : i32
    %dma_start3A_728 = tpu.memref_slice %arg18[%arg1, %dma_start3A_727] : memref<16x8192xf32, #tpu.memory_space<vmem_shared>> -> memref<1x8192xf32, #tpu.memory_space<vmem_shared>>
    %dma_start3A_729 = tpu.memref_squeeze %dma_start3A_728 : memref<1x8192xf32, #tpu.memory_space<vmem_shared>> -> memref<8192xf32, #tpu.memory_space<vmem_shared>>
    %dma_start3A_730 = arith.constant 0 : i32
    %dma_start3A_731 = tpu.memref_slice %dma_start3A_729[%dma_start3A_730] : memref<8192xf32, #tpu.memory_space<vmem_shared>> -> memref<8192xf32, #tpu.memory_space<vmem_shared>>
    tpu.enqueue_indirect_dma source(%dma_start3A_731 : memref<8192xf32, #tpu.memory_space<vmem_shared>>) target(%dma_start3A_723 : memref<128xf32, #tpu.memory_space<vmem>>) offsets(%dma_start3A_726 : memref<128xi32, #tpu.memory_space<vmem>>) semaphore(%arg19 : memref<!tpu.dma_semaphore, #tpu.memory_space<semaphore_mem>>)
    %dma_start3A_732 = arith.constant 44 : i32
    %dma_start3A_733 = arith.constant 5632 : i32
    %dma_start3A_734 = tpu.memref_slice %arg15[%dma_start3A_733] : memref<8192xf32, #tpu.memory_space<vmem>> -> memref<128xf32, #tpu.memory_space<vmem>>
    %dma_start3A_735 = arith.constant 0 : i32
    %dma_start3A_736 = tpu.memref_slice %arg16[%dma_start3A_732, %dma_start3A_735] : memref<64x128xi32, #tpu.memory_space<vmem>> -> memref<1x128xi32, #tpu.memory_space<vmem>>
    %dma_start3A_737 = tpu.memref_squeeze %dma_start3A_736 : memref<1x128xi32, #tpu.memory_space<vmem>> -> memref<128xi32, #tpu.memory_space<vmem>>
    %dma_start3A_738 = arith.constant 0 : i32
    %dma_start3A_739 = tpu.memref_slice %arg18[%arg1, %dma_start3A_738] : memref<16x8192xf32, #tpu.memory_space<vmem_shared>> -> memref<1x8192xf32, #tpu.memory_space<vmem_shared>>
    %dma_start3A_740 = tpu.memref_squeeze %dma_start3A_739 : memref<1x8192xf32, #tpu.memory_space<vmem_shared>> -> memref<8192xf32, #tpu.memory_space<vmem_shared>>
    %dma_start3A_741 = arith.constant 0 : i32
    %dma_start3A_742 = tpu.memref_slice %dma_start3A_740[%dma_start3A_741] : memref<8192xf32, #tpu.memory_space<vmem_shared>> -> memref<8192xf32, #tpu.memory_space<vmem_shared>>
    tpu.enqueue_indirect_dma source(%dma_start3A_742 : memref<8192xf32, #tpu.memory_space<vmem_shared>>) target(%dma_start3A_734 : memref<128xf32, #tpu.memory_space<vmem>>) offsets(%dma_start3A_737 : memref<128xi32, #tpu.memory_space<vmem>>) semaphore(%arg19 : memref<!tpu.dma_semaphore, #tpu.memory_space<semaphore_mem>>)
    %dma_start3A_743 = arith.constant 45 : i32
    %dma_start3A_744 = arith.constant 5760 : i32
    %dma_start3A_745 = tpu.memref_slice %arg15[%dma_start3A_744] : memref<8192xf32, #tpu.memory_space<vmem>> -> memref<128xf32, #tpu.memory_space<vmem>>
    %dma_start3A_746 = arith.constant 0 : i32
    %dma_start3A_747 = tpu.memref_slice %arg16[%dma_start3A_743, %dma_start3A_746] : memref<64x128xi32, #tpu.memory_space<vmem>> -> memref<1x128xi32, #tpu.memory_space<vmem>>
    %dma_start3A_748 = tpu.memref_squeeze %dma_start3A_747 : memref<1x128xi32, #tpu.memory_space<vmem>> -> memref<128xi32, #tpu.memory_space<vmem>>
    %dma_start3A_749 = arith.constant 0 : i32
    %dma_start3A_750 = tpu.memref_slice %arg18[%arg1, %dma_start3A_749] : memref<16x8192xf32, #tpu.memory_space<vmem_shared>> -> memref<1x8192xf32, #tpu.memory_space<vmem_shared>>
    %dma_start3A_751 = tpu.memref_squeeze %dma_start3A_750 : memref<1x8192xf32, #tpu.memory_space<vmem_shared>> -> memref<8192xf32, #tpu.memory_space<vmem_shared>>
    %dma_start3A_752 = arith.constant 0 : i32
    %dma_start3A_753 = tpu.memref_slice %dma_start3A_751[%dma_start3A_752] : memref<8192xf32, #tpu.memory_space<vmem_shared>> -> memref<8192xf32, #tpu.memory_space<vmem_shared>>
    tpu.enqueue_indirect_dma source(%dma_start3A_753 : memref<8192xf32, #tpu.memory_space<vmem_shared>>) target(%dma_start3A_745 : memref<128xf32, #tpu.memory_space<vmem>>) offsets(%dma_start3A_748 : memref<128xi32, #tpu.memory_space<vmem>>) semaphore(%arg19 : memref<!tpu.dma_semaphore, #tpu.memory_space<semaphore_mem>>)
    %dma_start3A_754 = arith.constant 46 : i32
    %dma_start3A_755 = arith.constant 5888 : i32
    %dma_start3A_756 = tpu.memref_slice %arg15[%dma_start3A_755] : memref<8192xf32, #tpu.memory_space<vmem>> -> memref<128xf32, #tpu.memory_space<vmem>>
    %dma_start3A_757 = arith.constant 0 : i32
    %dma_start3A_758 = tpu.memref_slice %arg16[%dma_start3A_754, %dma_start3A_757] : memref<64x128xi32, #tpu.memory_space<vmem>> -> memref<1x128xi32, #tpu.memory_space<vmem>>
    %dma_start3A_759 = tpu.memref_squeeze %dma_start3A_758 : memref<1x128xi32, #tpu.memory_space<vmem>> -> memref<128xi32, #tpu.memory_space<vmem>>
    %dma_start3A_760 = arith.constant 0 : i32
    %dma_start3A_761 = tpu.memref_slice %arg18[%arg1, %dma_start3A_760] : memref<16x8192xf32, #tpu.memory_space<vmem_shared>> -> memref<1x8192xf32, #tpu.memory_space<vmem_shared>>
    %dma_start3A_762 = tpu.memref_squeeze %dma_start3A_761 : memref<1x8192xf32, #tpu.memory_space<vmem_shared>> -> memref<8192xf32, #tpu.memory_space<vmem_shared>>
    %dma_start3A_763 = arith.constant 0 : i32
    %dma_start3A_764 = tpu.memref_slice %dma_start3A_762[%dma_start3A_763] : memref<8192xf32, #tpu.memory_space<vmem_shared>> -> memref<8192xf32, #tpu.memory_space<vmem_shared>>
    tpu.enqueue_indirect_dma source(%dma_start3A_764 : memref<8192xf32, #tpu.memory_space<vmem_shared>>) target(%dma_start3A_756 : memref<128xf32, #tpu.memory_space<vmem>>) offsets(%dma_start3A_759 : memref<128xi32, #tpu.memory_space<vmem>>) semaphore(%arg19 : memref<!tpu.dma_semaphore, #tpu.memory_space<semaphore_mem>>)
    %dma_start3A_765 = arith.constant 47 : i32
    %dma_start3A_766 = arith.constant 6016 : i32
    %dma_start3A_767 = tpu.memref_slice %arg15[%dma_start3A_766] : memref<8192xf32, #tpu.memory_space<vmem>> -> memref<128xf32, #tpu.memory_space<vmem>>
    %dma_start3A_768 = arith.constant 0 : i32
    %dma_start3A_769 = tpu.memref_slice %arg16[%dma_start3A_765, %dma_start3A_768] : memref<64x128xi32, #tpu.memory_space<vmem>> -> memref<1x128xi32, #tpu.memory_space<vmem>>
    %dma_start3A_770 = tpu.memref_squeeze %dma_start3A_769 : memref<1x128xi32, #tpu.memory_space<vmem>> -> memref<128xi32, #tpu.memory_space<vmem>>
    %dma_start3A_771 = arith.constant 0 : i32
    %dma_start3A_772 = tpu.memref_slice %arg18[%arg1, %dma_start3A_771] : memref<16x8192xf32, #tpu.memory_space<vmem_shared>> -> memref<1x8192xf32, #tpu.memory_space<vmem_shared>>
    %dma_start3A_773 = tpu.memref_squeeze %dma_start3A_772 : memref<1x8192xf32, #tpu.memory_space<vmem_shared>> -> memref<8192xf32, #tpu.memory_space<vmem_shared>>
    %dma_start3A_774 = arith.constant 0 : i32
    %dma_start3A_775 = tpu.memref_slice %dma_start3A_773[%dma_start3A_774] : memref<8192xf32, #tpu.memory_space<vmem_shared>> -> memref<8192xf32, #tpu.memory_space<vmem_shared>>
    tpu.enqueue_indirect_dma source(%dma_start3A_775 : memref<8192xf32, #tpu.memory_space<vmem_shared>>) target(%dma_start3A_767 : memref<128xf32, #tpu.memory_space<vmem>>) offsets(%dma_start3A_770 : memref<128xi32, #tpu.memory_space<vmem>>) semaphore(%arg19 : memref<!tpu.dma_semaphore, #tpu.memory_space<semaphore_mem>>)
    %dma_start3A_776 = arith.constant 48 : i32
    %dma_start3A_777 = arith.constant 6144 : i32
    %dma_start3A_778 = tpu.memref_slice %arg15[%dma_start3A_777] : memref<8192xf32, #tpu.memory_space<vmem>> -> memref<128xf32, #tpu.memory_space<vmem>>
    %dma_start3A_779 = arith.constant 0 : i32
    %dma_start3A_780 = tpu.memref_slice %arg16[%dma_start3A_776, %dma_start3A_779] : memref<64x128xi32, #tpu.memory_space<vmem>> -> memref<1x128xi32, #tpu.memory_space<vmem>>
    %dma_start3A_781 = tpu.memref_squeeze %dma_start3A_780 : memref<1x128xi32, #tpu.memory_space<vmem>> -> memref<128xi32, #tpu.memory_space<vmem>>
    %dma_start3A_782 = arith.constant 0 : i32
    %dma_start3A_783 = tpu.memref_slice %arg18[%arg1, %dma_start3A_782] : memref<16x8192xf32, #tpu.memory_space<vmem_shared>> -> memref<1x8192xf32, #tpu.memory_space<vmem_shared>>
    %dma_start3A_784 = tpu.memref_squeeze %dma_start3A_783 : memref<1x8192xf32, #tpu.memory_space<vmem_shared>> -> memref<8192xf32, #tpu.memory_space<vmem_shared>>
    %dma_start3A_785 = arith.constant 0 : i32
    %dma_start3A_786 = tpu.memref_slice %dma_start3A_784[%dma_start3A_785] : memref<8192xf32, #tpu.memory_space<vmem_shared>> -> memref<8192xf32, #tpu.memory_space<vmem_shared>>
    tpu.enqueue_indirect_dma source(%dma_start3A_786 : memref<8192xf32, #tpu.memory_space<vmem_shared>>) target(%dma_start3A_778 : memref<128xf32, #tpu.memory_space<vmem>>) offsets(%dma_start3A_781 : memref<128xi32, #tpu.memory_space<vmem>>) semaphore(%arg19 : memref<!tpu.dma_semaphore, #tpu.memory_space<semaphore_mem>>)
    %dma_start3A_787 = arith.constant 49 : i32
    %dma_start3A_788 = arith.constant 6272 : i32
    %dma_start3A_789 = tpu.memref_slice %arg15[%dma_start3A_788] : memref<8192xf32, #tpu.memory_space<vmem>> -> memref<128xf32, #tpu.memory_space<vmem>>
    %dma_start3A_790 = arith.constant 0 : i32
    %dma_start3A_791 = tpu.memref_slice %arg16[%dma_start3A_787, %dma_start3A_790] : memref<64x128xi32, #tpu.memory_space<vmem>> -> memref<1x128xi32, #tpu.memory_space<vmem>>
    %dma_start3A_792 = tpu.memref_squeeze %dma_start3A_791 : memref<1x128xi32, #tpu.memory_space<vmem>> -> memref<128xi32, #tpu.memory_space<vmem>>
    %dma_start3A_793 = arith.constant 0 : i32
    %dma_start3A_794 = tpu.memref_slice %arg18[%arg1, %dma_start3A_793] : memref<16x8192xf32, #tpu.memory_space<vmem_shared>> -> memref<1x8192xf32, #tpu.memory_space<vmem_shared>>
    %dma_start3A_795 = tpu.memref_squeeze %dma_start3A_794 : memref<1x8192xf32, #tpu.memory_space<vmem_shared>> -> memref<8192xf32, #tpu.memory_space<vmem_shared>>
    %dma_start3A_796 = arith.constant 0 : i32
    %dma_start3A_797 = tpu.memref_slice %dma_start3A_795[%dma_start3A_796] : memref<8192xf32, #tpu.memory_space<vmem_shared>> -> memref<8192xf32, #tpu.memory_space<vmem_shared>>
    tpu.enqueue_indirect_dma source(%dma_start3A_797 : memref<8192xf32, #tpu.memory_space<vmem_shared>>) target(%dma_start3A_789 : memref<128xf32, #tpu.memory_space<vmem>>) offsets(%dma_start3A_792 : memref<128xi32, #tpu.memory_space<vmem>>) semaphore(%arg19 : memref<!tpu.dma_semaphore, #tpu.memory_space<semaphore_mem>>)
    %dma_start3A_798 = arith.constant 50 : i32
    %dma_start3A_799 = arith.constant 6400 : i32
    %dma_start3A_800 = tpu.memref_slice %arg15[%dma_start3A_799] : memref<8192xf32, #tpu.memory_space<vmem>> -> memref<128xf32, #tpu.memory_space<vmem>>
    %dma_start3A_801 = arith.constant 0 : i32
    %dma_start3A_802 = tpu.memref_slice %arg16[%dma_start3A_798, %dma_start3A_801] : memref<64x128xi32, #tpu.memory_space<vmem>> -> memref<1x128xi32, #tpu.memory_space<vmem>>
    %dma_start3A_803 = tpu.memref_squeeze %dma_start3A_802 : memref<1x128xi32, #tpu.memory_space<vmem>> -> memref<128xi32, #tpu.memory_space<vmem>>
    %dma_start3A_804 = arith.constant 0 : i32
    %dma_start3A_805 = tpu.memref_slice %arg18[%arg1, %dma_start3A_804] : memref<16x8192xf32, #tpu.memory_space<vmem_shared>> -> memref<1x8192xf32, #tpu.memory_space<vmem_shared>>
    %dma_start3A_806 = tpu.memref_squeeze %dma_start3A_805 : memref<1x8192xf32, #tpu.memory_space<vmem_shared>> -> memref<8192xf32, #tpu.memory_space<vmem_shared>>
    %dma_start3A_807 = arith.constant 0 : i32
    %dma_start3A_808 = tpu.memref_slice %dma_start3A_806[%dma_start3A_807] : memref<8192xf32, #tpu.memory_space<vmem_shared>> -> memref<8192xf32, #tpu.memory_space<vmem_shared>>
    tpu.enqueue_indirect_dma source(%dma_start3A_808 : memref<8192xf32, #tpu.memory_space<vmem_shared>>) target(%dma_start3A_800 : memref<128xf32, #tpu.memory_space<vmem>>) offsets(%dma_start3A_803 : memref<128xi32, #tpu.memory_space<vmem>>) semaphore(%arg19 : memref<!tpu.dma_semaphore, #tpu.memory_space<semaphore_mem>>)
    %dma_start3A_809 = arith.constant 51 : i32
    %dma_start3A_810 = arith.constant 6528 : i32
    %dma_start3A_811 = tpu.memref_slice %arg15[%dma_start3A_810] : memref<8192xf32, #tpu.memory_space<vmem>> -> memref<128xf32, #tpu.memory_space<vmem>>
    %dma_start3A_812 = arith.constant 0 : i32
    %dma_start3A_813 = tpu.memref_slice %arg16[%dma_start3A_809, %dma_start3A_812] : memref<64x128xi32, #tpu.memory_space<vmem>> -> memref<1x128xi32, #tpu.memory_space<vmem>>
    %dma_start3A_814 = tpu.memref_squeeze %dma_start3A_813 : memref<1x128xi32, #tpu.memory_space<vmem>> -> memref<128xi32, #tpu.memory_space<vmem>>
    %dma_start3A_815 = arith.constant 0 : i32
    %dma_start3A_816 = tpu.memref_slice %arg18[%arg1, %dma_start3A_815] : memref<16x8192xf32, #tpu.memory_space<vmem_shared>> -> memref<1x8192xf32, #tpu.memory_space<vmem_shared>>
    %dma_start3A_817 = tpu.memref_squeeze %dma_start3A_816 : memref<1x8192xf32, #tpu.memory_space<vmem_shared>> -> memref<8192xf32, #tpu.memory_space<vmem_shared>>
    %dma_start3A_818 = arith.constant 0 : i32
    %dma_start3A_819 = tpu.memref_slice %dma_start3A_817[%dma_start3A_818] : memref<8192xf32, #tpu.memory_space<vmem_shared>> -> memref<8192xf32, #tpu.memory_space<vmem_shared>>
    tpu.enqueue_indirect_dma source(%dma_start3A_819 : memref<8192xf32, #tpu.memory_space<vmem_shared>>) target(%dma_start3A_811 : memref<128xf32, #tpu.memory_space<vmem>>) offsets(%dma_start3A_814 : memref<128xi32, #tpu.memory_space<vmem>>) semaphore(%arg19 : memref<!tpu.dma_semaphore, #tpu.memory_space<semaphore_mem>>)
    %dma_start3A_820 = arith.constant 52 : i32
    %dma_start3A_821 = arith.constant 6656 : i32
    %dma_start3A_822 = tpu.memref_slice %arg15[%dma_start3A_821] : memref<8192xf32, #tpu.memory_space<vmem>> -> memref<128xf32, #tpu.memory_space<vmem>>
    %dma_start3A_823 = arith.constant 0 : i32
    %dma_start3A_824 = tpu.memref_slice %arg16[%dma_start3A_820, %dma_start3A_823] : memref<64x128xi32, #tpu.memory_space<vmem>> -> memref<1x128xi32, #tpu.memory_space<vmem>>
    %dma_start3A_825 = tpu.memref_squeeze %dma_start3A_824 : memref<1x128xi32, #tpu.memory_space<vmem>> -> memref<128xi32, #tpu.memory_space<vmem>>
    %dma_start3A_826 = arith.constant 0 : i32
    %dma_start3A_827 = tpu.memref_slice %arg18[%arg1, %dma_start3A_826] : memref<16x8192xf32, #tpu.memory_space<vmem_shared>> -> memref<1x8192xf32, #tpu.memory_space<vmem_shared>>
    %dma_start3A_828 = tpu.memref_squeeze %dma_start3A_827 : memref<1x8192xf32, #tpu.memory_space<vmem_shared>> -> memref<8192xf32, #tpu.memory_space<vmem_shared>>
    %dma_start3A_829 = arith.constant 0 : i32
    %dma_start3A_830 = tpu.memref_slice %dma_start3A_828[%dma_start3A_829] : memref<8192xf32, #tpu.memory_space<vmem_shared>> -> memref<8192xf32, #tpu.memory_space<vmem_shared>>
    tpu.enqueue_indirect_dma source(%dma_start3A_830 : memref<8192xf32, #tpu.memory_space<vmem_shared>>) target(%dma_start3A_822 : memref<128xf32, #tpu.memory_space<vmem>>) offsets(%dma_start3A_825 : memref<128xi32, #tpu.memory_space<vmem>>) semaphore(%arg19 : memref<!tpu.dma_semaphore, #tpu.memory_space<semaphore_mem>>)
    %dma_start3A_831 = arith.constant 53 : i32
    %dma_start3A_832 = arith.constant 6784 : i32
    %dma_start3A_833 = tpu.memref_slice %arg15[%dma_start3A_832] : memref<8192xf32, #tpu.memory_space<vmem>> -> memref<128xf32, #tpu.memory_space<vmem>>
    %dma_start3A_834 = arith.constant 0 : i32
    %dma_start3A_835 = tpu.memref_slice %arg16[%dma_start3A_831, %dma_start3A_834] : memref<64x128xi32, #tpu.memory_space<vmem>> -> memref<1x128xi32, #tpu.memory_space<vmem>>
    %dma_start3A_836 = tpu.memref_squeeze %dma_start3A_835 : memref<1x128xi32, #tpu.memory_space<vmem>> -> memref<128xi32, #tpu.memory_space<vmem>>
    %dma_start3A_837 = arith.constant 0 : i32
    %dma_start3A_838 = tpu.memref_slice %arg18[%arg1, %dma_start3A_837] : memref<16x8192xf32, #tpu.memory_space<vmem_shared>> -> memref<1x8192xf32, #tpu.memory_space<vmem_shared>>
    %dma_start3A_839 = tpu.memref_squeeze %dma_start3A_838 : memref<1x8192xf32, #tpu.memory_space<vmem_shared>> -> memref<8192xf32, #tpu.memory_space<vmem_shared>>
    %dma_start3A_840 = arith.constant 0 : i32
    %dma_start3A_841 = tpu.memref_slice %dma_start3A_839[%dma_start3A_840] : memref<8192xf32, #tpu.memory_space<vmem_shared>> -> memref<8192xf32, #tpu.memory_space<vmem_shared>>
    tpu.enqueue_indirect_dma source(%dma_start3A_841 : memref<8192xf32, #tpu.memory_space<vmem_shared>>) target(%dma_start3A_833 : memref<128xf32, #tpu.memory_space<vmem>>) offsets(%dma_start3A_836 : memref<128xi32, #tpu.memory_space<vmem>>) semaphore(%arg19 : memref<!tpu.dma_semaphore, #tpu.memory_space<semaphore_mem>>)
    %dma_start3A_842 = arith.constant 54 : i32
    %dma_start3A_843 = arith.constant 6912 : i32
    %dma_start3A_844 = tpu.memref_slice %arg15[%dma_start3A_843] : memref<8192xf32, #tpu.memory_space<vmem>> -> memref<128xf32, #tpu.memory_space<vmem>>
    %dma_start3A_845 = arith.constant 0 : i32
    %dma_start3A_846 = tpu.memref_slice %arg16[%dma_start3A_842, %dma_start3A_845] : memref<64x128xi32, #tpu.memory_space<vmem>> -> memref<1x128xi32, #tpu.memory_space<vmem>>
    %dma_start3A_847 = tpu.memref_squeeze %dma_start3A_846 : memref<1x128xi32, #tpu.memory_space<vmem>> -> memref<128xi32, #tpu.memory_space<vmem>>
    %dma_start3A_848 = arith.constant 0 : i32
    %dma_start3A_849 = tpu.memref_slice %arg18[%arg1, %dma_start3A_848] : memref<16x8192xf32, #tpu.memory_space<vmem_shared>> -> memref<1x8192xf32, #tpu.memory_space<vmem_shared>>
    %dma_start3A_850 = tpu.memref_squeeze %dma_start3A_849 : memref<1x8192xf32, #tpu.memory_space<vmem_shared>> -> memref<8192xf32, #tpu.memory_space<vmem_shared>>
    %dma_start3A_851 = arith.constant 0 : i32
    %dma_start3A_852 = tpu.memref_slice %dma_start3A_850[%dma_start3A_851] : memref<8192xf32, #tpu.memory_space<vmem_shared>> -> memref<8192xf32, #tpu.memory_space<vmem_shared>>
    tpu.enqueue_indirect_dma source(%dma_start3A_852 : memref<8192xf32, #tpu.memory_space<vmem_shared>>) target(%dma_start3A_844 : memref<128xf32, #tpu.memory_space<vmem>>) offsets(%dma_start3A_847 : memref<128xi32, #tpu.memory_space<vmem>>) semaphore(%arg19 : memref<!tpu.dma_semaphore, #tpu.memory_space<semaphore_mem>>)
    %dma_start3A_853 = arith.constant 55 : i32
    %dma_start3A_854 = arith.constant 7040 : i32
    %dma_start3A_855 = tpu.memref_slice %arg15[%dma_start3A_854] : memref<8192xf32, #tpu.memory_space<vmem>> -> memref<128xf32, #tpu.memory_space<vmem>>
    %dma_start3A_856 = arith.constant 0 : i32
    %dma_start3A_857 = tpu.memref_slice %arg16[%dma_start3A_853, %dma_start3A_856] : memref<64x128xi32, #tpu.memory_space<vmem>> -> memref<1x128xi32, #tpu.memory_space<vmem>>
    %dma_start3A_858 = tpu.memref_squeeze %dma_start3A_857 : memref<1x128xi32, #tpu.memory_space<vmem>> -> memref<128xi32, #tpu.memory_space<vmem>>
    %dma_start3A_859 = arith.constant 0 : i32
    %dma_start3A_860 = tpu.memref_slice %arg18[%arg1, %dma_start3A_859] : memref<16x8192xf32, #tpu.memory_space<vmem_shared>> -> memref<1x8192xf32, #tpu.memory_space<vmem_shared>>
    %dma_start3A_861 = tpu.memref_squeeze %dma_start3A_860 : memref<1x8192xf32, #tpu.memory_space<vmem_shared>> -> memref<8192xf32, #tpu.memory_space<vmem_shared>>
    %dma_start3A_862 = arith.constant 0 : i32
    %dma_start3A_863 = tpu.memref_slice %dma_start3A_861[%dma_start3A_862] : memref<8192xf32, #tpu.memory_space<vmem_shared>> -> memref<8192xf32, #tpu.memory_space<vmem_shared>>
    tpu.enqueue_indirect_dma source(%dma_start3A_863 : memref<8192xf32, #tpu.memory_space<vmem_shared>>) target(%dma_start3A_855 : memref<128xf32, #tpu.memory_space<vmem>>) offsets(%dma_start3A_858 : memref<128xi32, #tpu.memory_space<vmem>>) semaphore(%arg19 : memref<!tpu.dma_semaphore, #tpu.memory_space<semaphore_mem>>)
    %dma_start3A_864 = arith.constant 56 : i32
    %dma_start3A_865 = arith.constant 7168 : i32
    %dma_start3A_866 = tpu.memref_slice %arg15[%dma_start3A_865] : memref<8192xf32, #tpu.memory_space<vmem>> -> memref<128xf32, #tpu.memory_space<vmem>>
    %dma_start3A_867 = arith.constant 0 : i32
    %dma_start3A_868 = tpu.memref_slice %arg16[%dma_start3A_864, %dma_start3A_867] : memref<64x128xi32, #tpu.memory_space<vmem>> -> memref<1x128xi32, #tpu.memory_space<vmem>>
    %dma_start3A_869 = tpu.memref_squeeze %dma_start3A_868 : memref<1x128xi32, #tpu.memory_space<vmem>> -> memref<128xi32, #tpu.memory_space<vmem>>
    %dma_start3A_870 = arith.constant 0 : i32
    %dma_start3A_871 = tpu.memref_slice %arg18[%arg1, %dma_start3A_870] : memref<16x8192xf32, #tpu.memory_space<vmem_shared>> -> memref<1x8192xf32, #tpu.memory_space<vmem_shared>>
    %dma_start3A_872 = tpu.memref_squeeze %dma_start3A_871 : memref<1x8192xf32, #tpu.memory_space<vmem_shared>> -> memref<8192xf32, #tpu.memory_space<vmem_shared>>
    %dma_start3A_873 = arith.constant 0 : i32
    %dma_start3A_874 = tpu.memref_slice %dma_start3A_872[%dma_start3A_873] : memref<8192xf32, #tpu.memory_space<vmem_shared>> -> memref<8192xf32, #tpu.memory_space<vmem_shared>>
    tpu.enqueue_indirect_dma source(%dma_start3A_874 : memref<8192xf32, #tpu.memory_space<vmem_shared>>) target(%dma_start3A_866 : memref<128xf32, #tpu.memory_space<vmem>>) offsets(%dma_start3A_869 : memref<128xi32, #tpu.memory_space<vmem>>) semaphore(%arg19 : memref<!tpu.dma_semaphore, #tpu.memory_space<semaphore_mem>>)
    %dma_start3A_875 = arith.constant 57 : i32
    %dma_start3A_876 = arith.constant 7296 : i32
    %dma_start3A_877 = tpu.memref_slice %arg15[%dma_start3A_876] : memref<8192xf32, #tpu.memory_space<vmem>> -> memref<128xf32, #tpu.memory_space<vmem>>
    %dma_start3A_878 = arith.constant 0 : i32
    %dma_start3A_879 = tpu.memref_slice %arg16[%dma_start3A_875, %dma_start3A_878] : memref<64x128xi32, #tpu.memory_space<vmem>> -> memref<1x128xi32, #tpu.memory_space<vmem>>
    %dma_start3A_880 = tpu.memref_squeeze %dma_start3A_879 : memref<1x128xi32, #tpu.memory_space<vmem>> -> memref<128xi32, #tpu.memory_space<vmem>>
    %dma_start3A_881 = arith.constant 0 : i32
    %dma_start3A_882 = tpu.memref_slice %arg18[%arg1, %dma_start3A_881] : memref<16x8192xf32, #tpu.memory_space<vmem_shared>> -> memref<1x8192xf32, #tpu.memory_space<vmem_shared>>
    %dma_start3A_883 = tpu.memref_squeeze %dma_start3A_882 : memref<1x8192xf32, #tpu.memory_space<vmem_shared>> -> memref<8192xf32, #tpu.memory_space<vmem_shared>>
    %dma_start3A_884 = arith.constant 0 : i32
    %dma_start3A_885 = tpu.memref_slice %dma_start3A_883[%dma_start3A_884] : memref<8192xf32, #tpu.memory_space<vmem_shared>> -> memref<8192xf32, #tpu.memory_space<vmem_shared>>
    tpu.enqueue_indirect_dma source(%dma_start3A_885 : memref<8192xf32, #tpu.memory_space<vmem_shared>>) target(%dma_start3A_877 : memref<128xf32, #tpu.memory_space<vmem>>) offsets(%dma_start3A_880 : memref<128xi32, #tpu.memory_space<vmem>>) semaphore(%arg19 : memref<!tpu.dma_semaphore, #tpu.memory_space<semaphore_mem>>)
    %dma_start3A_886 = arith.constant 58 : i32
    %dma_start3A_887 = arith.constant 7424 : i32
    %dma_start3A_888 = tpu.memref_slice %arg15[%dma_start3A_887] : memref<8192xf32, #tpu.memory_space<vmem>> -> memref<128xf32, #tpu.memory_space<vmem>>
    %dma_start3A_889 = arith.constant 0 : i32
    %dma_start3A_890 = tpu.memref_slice %arg16[%dma_start3A_886, %dma_start3A_889] : memref<64x128xi32, #tpu.memory_space<vmem>> -> memref<1x128xi32, #tpu.memory_space<vmem>>
    %dma_start3A_891 = tpu.memref_squeeze %dma_start3A_890 : memref<1x128xi32, #tpu.memory_space<vmem>> -> memref<128xi32, #tpu.memory_space<vmem>>
    %dma_start3A_892 = arith.constant 0 : i32
    %dma_start3A_893 = tpu.memref_slice %arg18[%arg1, %dma_start3A_892] : memref<16x8192xf32, #tpu.memory_space<vmem_shared>> -> memref<1x8192xf32, #tpu.memory_space<vmem_shared>>
    %dma_start3A_894 = tpu.memref_squeeze %dma_start3A_893 : memref<1x8192xf32, #tpu.memory_space<vmem_shared>> -> memref<8192xf32, #tpu.memory_space<vmem_shared>>
    %dma_start3A_895 = arith.constant 0 : i32
    %dma_start3A_896 = tpu.memref_slice %dma_start3A_894[%dma_start3A_895] : memref<8192xf32, #tpu.memory_space<vmem_shared>> -> memref<8192xf32, #tpu.memory_space<vmem_shared>>
    tpu.enqueue_indirect_dma source(%dma_start3A_896 : memref<8192xf32, #tpu.memory_space<vmem_shared>>) target(%dma_start3A_888 : memref<128xf32, #tpu.memory_space<vmem>>) offsets(%dma_start3A_891 : memref<128xi32, #tpu.memory_space<vmem>>) semaphore(%arg19 : memref<!tpu.dma_semaphore, #tpu.memory_space<semaphore_mem>>)
    %dma_start3A_897 = arith.constant 59 : i32
    %dma_start3A_898 = arith.constant 7552 : i32
    %dma_start3A_899 = tpu.memref_slice %arg15[%dma_start3A_898] : memref<8192xf32, #tpu.memory_space<vmem>> -> memref<128xf32, #tpu.memory_space<vmem>>
    %dma_start3A_900 = arith.constant 0 : i32
    %dma_start3A_901 = tpu.memref_slice %arg16[%dma_start3A_897, %dma_start3A_900] : memref<64x128xi32, #tpu.memory_space<vmem>> -> memref<1x128xi32, #tpu.memory_space<vmem>>
    %dma_start3A_902 = tpu.memref_squeeze %dma_start3A_901 : memref<1x128xi32, #tpu.memory_space<vmem>> -> memref<128xi32, #tpu.memory_space<vmem>>
    %dma_start3A_903 = arith.constant 0 : i32
    %dma_start3A_904 = tpu.memref_slice %arg18[%arg1, %dma_start3A_903] : memref<16x8192xf32, #tpu.memory_space<vmem_shared>> -> memref<1x8192xf32, #tpu.memory_space<vmem_shared>>
    %dma_start3A_905 = tpu.memref_squeeze %dma_start3A_904 : memref<1x8192xf32, #tpu.memory_space<vmem_shared>> -> memref<8192xf32, #tpu.memory_space<vmem_shared>>
    %dma_start3A_906 = arith.constant 0 : i32
    %dma_start3A_907 = tpu.memref_slice %dma_start3A_905[%dma_start3A_906] : memref<8192xf32, #tpu.memory_space<vmem_shared>> -> memref<8192xf32, #tpu.memory_space<vmem_shared>>
    tpu.enqueue_indirect_dma source(%dma_start3A_907 : memref<8192xf32, #tpu.memory_space<vmem_shared>>) target(%dma_start3A_899 : memref<128xf32, #tpu.memory_space<vmem>>) offsets(%dma_start3A_902 : memref<128xi32, #tpu.memory_space<vmem>>) semaphore(%arg19 : memref<!tpu.dma_semaphore, #tpu.memory_space<semaphore_mem>>)
    %dma_start3A_908 = arith.constant 60 : i32
    %dma_start3A_909 = arith.constant 7680 : i32
    %dma_start3A_910 = tpu.memref_slice %arg15[%dma_start3A_909] : memref<8192xf32, #tpu.memory_space<vmem>> -> memref<128xf32, #tpu.memory_space<vmem>>
    %dma_start3A_911 = arith.constant 0 : i32
    %dma_start3A_912 = tpu.memref_slice %arg16[%dma_start3A_908, %dma_start3A_911] : memref<64x128xi32, #tpu.memory_space<vmem>> -> memref<1x128xi32, #tpu.memory_space<vmem>>
    %dma_start3A_913 = tpu.memref_squeeze %dma_start3A_912 : memref<1x128xi32, #tpu.memory_space<vmem>> -> memref<128xi32, #tpu.memory_space<vmem>>
    %dma_start3A_914 = arith.constant 0 : i32
    %dma_start3A_915 = tpu.memref_slice %arg18[%arg1, %dma_start3A_914] : memref<16x8192xf32, #tpu.memory_space<vmem_shared>> -> memref<1x8192xf32, #tpu.memory_space<vmem_shared>>
    %dma_start3A_916 = tpu.memref_squeeze %dma_start3A_915 : memref<1x8192xf32, #tpu.memory_space<vmem_shared>> -> memref<8192xf32, #tpu.memory_space<vmem_shared>>
    %dma_start3A_917 = arith.constant 0 : i32
    %dma_start3A_918 = tpu.memref_slice %dma_start3A_916[%dma_start3A_917] : memref<8192xf32, #tpu.memory_space<vmem_shared>> -> memref<8192xf32, #tpu.memory_space<vmem_shared>>
    tpu.enqueue_indirect_dma source(%dma_start3A_918 : memref<8192xf32, #tpu.memory_space<vmem_shared>>) target(%dma_start3A_910 : memref<128xf32, #tpu.memory_space<vmem>>) offsets(%dma_start3A_913 : memref<128xi32, #tpu.memory_space<vmem>>) semaphore(%arg19 : memref<!tpu.dma_semaphore, #tpu.memory_space<semaphore_mem>>)
    %dma_start3A_919 = arith.constant 61 : i32
    %dma_start3A_920 = arith.constant 7808 : i32
    %dma_start3A_921 = tpu.memref_slice %arg15[%dma_start3A_920] : memref<8192xf32, #tpu.memory_space<vmem>> -> memref<128xf32, #tpu.memory_space<vmem>>
    %dma_start3A_922 = arith.constant 0 : i32
    %dma_start3A_923 = tpu.memref_slice %arg16[%dma_start3A_919, %dma_start3A_922] : memref<64x128xi32, #tpu.memory_space<vmem>> -> memref<1x128xi32, #tpu.memory_space<vmem>>
    %dma_start3A_924 = tpu.memref_squeeze %dma_start3A_923 : memref<1x128xi32, #tpu.memory_space<vmem>> -> memref<128xi32, #tpu.memory_space<vmem>>
    %dma_start3A_925 = arith.constant 0 : i32
    %dma_start3A_926 = tpu.memref_slice %arg18[%arg1, %dma_start3A_925] : memref<16x8192xf32, #tpu.memory_space<vmem_shared>> -> memref<1x8192xf32, #tpu.memory_space<vmem_shared>>
    %dma_start3A_927 = tpu.memref_squeeze %dma_start3A_926 : memref<1x8192xf32, #tpu.memory_space<vmem_shared>> -> memref<8192xf32, #tpu.memory_space<vmem_shared>>
    %dma_start3A_928 = arith.constant 0 : i32
    %dma_start3A_929 = tpu.memref_slice %dma_start3A_927[%dma_start3A_928] : memref<8192xf32, #tpu.memory_space<vmem_shared>> -> memref<8192xf32, #tpu.memory_space<vmem_shared>>
    tpu.enqueue_indirect_dma source(%dma_start3A_929 : memref<8192xf32, #tpu.memory_space<vmem_shared>>) target(%dma_start3A_921 : memref<128xf32, #tpu.memory_space<vmem>>) offsets(%dma_start3A_924 : memref<128xi32, #tpu.memory_space<vmem>>) semaphore(%arg19 : memref<!tpu.dma_semaphore, #tpu.memory_space<semaphore_mem>>)
    %dma_start3A_930 = arith.constant 62 : i32
    %dma_start3A_931 = arith.constant 7936 : i32
    %dma_start3A_932 = tpu.memref_slice %arg15[%dma_start3A_931] : memref<8192xf32, #tpu.memory_space<vmem>> -> memref<128xf32, #tpu.memory_space<vmem>>
    %dma_start3A_933 = arith.constant 0 : i32
    %dma_start3A_934 = tpu.memref_slice %arg16[%dma_start3A_930, %dma_start3A_933] : memref<64x128xi32, #tpu.memory_space<vmem>> -> memref<1x128xi32, #tpu.memory_space<vmem>>
    %dma_start3A_935 = tpu.memref_squeeze %dma_start3A_934 : memref<1x128xi32, #tpu.memory_space<vmem>> -> memref<128xi32, #tpu.memory_space<vmem>>
    %dma_start3A_936 = arith.constant 0 : i32
    %dma_start3A_937 = tpu.memref_slice %arg18[%arg1, %dma_start3A_936] : memref<16x8192xf32, #tpu.memory_space<vmem_shared>> -> memref<1x8192xf32, #tpu.memory_space<vmem_shared>>
    %dma_start3A_938 = tpu.memref_squeeze %dma_start3A_937 : memref<1x8192xf32, #tpu.memory_space<vmem_shared>> -> memref<8192xf32, #tpu.memory_space<vmem_shared>>
    %dma_start3A_939 = arith.constant 0 : i32
    %dma_start3A_940 = tpu.memref_slice %dma_start3A_938[%dma_start3A_939] : memref<8192xf32, #tpu.memory_space<vmem_shared>> -> memref<8192xf32, #tpu.memory_space<vmem_shared>>
    tpu.enqueue_indirect_dma source(%dma_start3A_940 : memref<8192xf32, #tpu.memory_space<vmem_shared>>) target(%dma_start3A_932 : memref<128xf32, #tpu.memory_space<vmem>>) offsets(%dma_start3A_935 : memref<128xi32, #tpu.memory_space<vmem>>) semaphore(%arg19 : memref<!tpu.dma_semaphore, #tpu.memory_space<semaphore_mem>>)
    %dma_start3A_941 = arith.constant 63 : i32
    %dma_start3A_942 = arith.constant 8064 : i32
    %dma_start3A_943 = tpu.memref_slice %arg15[%dma_start3A_942] : memref<8192xf32, #tpu.memory_space<vmem>> -> memref<128xf32, #tpu.memory_space<vmem>>
    %dma_start3A_944 = arith.constant 0 : i32
    %dma_start3A_945 = tpu.memref_slice %arg16[%dma_start3A_941, %dma_start3A_944] : memref<64x128xi32, #tpu.memory_space<vmem>> -> memref<1x128xi32, #tpu.memory_space<vmem>>
    %dma_start3A_946 = tpu.memref_squeeze %dma_start3A_945 : memref<1x128xi32, #tpu.memory_space<vmem>> -> memref<128xi32, #tpu.memory_space<vmem>>
    %dma_start3A_947 = arith.constant 0 : i32
    %dma_start3A_948 = tpu.memref_slice %arg18[%arg1, %dma_start3A_947] : memref<16x8192xf32, #tpu.memory_space<vmem_shared>> -> memref<1x8192xf32, #tpu.memory_space<vmem_shared>>
    %dma_start3A_949 = tpu.memref_squeeze %dma_start3A_948 : memref<1x8192xf32, #tpu.memory_space<vmem_shared>> -> memref<8192xf32, #tpu.memory_space<vmem_shared>>
    %dma_start3A_950 = arith.constant 0 : i32
    %dma_start3A_951 = tpu.memref_slice %dma_start3A_949[%dma_start3A_950] : memref<8192xf32, #tpu.memory_space<vmem_shared>> -> memref<8192xf32, #tpu.memory_space<vmem_shared>>
    tpu.enqueue_indirect_dma source(%dma_start3A_951 : memref<8192xf32, #tpu.memory_space<vmem_shared>>) target(%dma_start3A_943 : memref<128xf32, #tpu.memory_space<vmem>>) offsets(%dma_start3A_946 : memref<128xi32, #tpu.memory_space<vmem>>) semaphore(%arg19 : memref<!tpu.dma_semaphore, #tpu.memory_space<semaphore_mem>>)
    %dma_wait3A_952 = arith.constant 0 : i32
    %dma_wait3A_953 = arith.constant 0 : i32
    %dma_wait3A_954 = tpu.memref_slice %arg15[%dma_wait3A_953] : memref<8192xf32, #tpu.memory_space<vmem>> -> memref<128xf32, #tpu.memory_space<vmem>>
    %dma_wait3A_955 = arith.constant 0 : i32
    %dma_wait3A_956 = tpu.memref_slice %arg16[%dma_wait3A_952, %dma_wait3A_955] : memref<64x128xi32, #tpu.memory_space<vmem>> -> memref<1x128xi32, #tpu.memory_space<vmem>>
    %dma_wait3A_957 = tpu.memref_squeeze %dma_wait3A_956 : memref<1x128xi32, #tpu.memory_space<vmem>> -> memref<128xi32, #tpu.memory_space<vmem>>
    %dma_wait3A_958 = arith.constant 0 : i32
    %dma_wait3A_959 = tpu.memref_slice %arg18[%arg1, %dma_wait3A_958] : memref<16x8192xf32, #tpu.memory_space<vmem_shared>> -> memref<1x8192xf32, #tpu.memory_space<vmem_shared>>
    %dma_wait3A_960 = tpu.memref_squeeze %dma_wait3A_959 : memref<1x8192xf32, #tpu.memory_space<vmem_shared>> -> memref<8192xf32, #tpu.memory_space<vmem_shared>>
    %dma_wait3A_961 = arith.constant 0 : i32
    %dma_wait3A_962 = tpu.memref_slice %dma_wait3A_960[%dma_wait3A_961] : memref<8192xf32, #tpu.memory_space<vmem_shared>> -> memref<8192xf32, #tpu.memory_space<vmem_shared>>
    tpu.wait_indirect_dma semaphore(%arg19 : memref<!tpu.dma_semaphore, #tpu.memory_space<semaphore_mem>>) src(%dma_wait3A_962 : memref<8192xf32, #tpu.memory_space<vmem_shared>>) dst(%dma_wait3A_954 : memref<128xf32, #tpu.memory_space<vmem>>)
    %dma_wait3A_963 = arith.constant 1 : i32
    %dma_wait3A_964 = arith.constant 128 : i32
    %dma_wait3A_965 = tpu.memref_slice %arg15[%dma_wait3A_964] : memref<8192xf32, #tpu.memory_space<vmem>> -> memref<128xf32, #tpu.memory_space<vmem>>
    %dma_wait3A_966 = arith.constant 0 : i32
    %dma_wait3A_967 = tpu.memref_slice %arg16[%dma_wait3A_963, %dma_wait3A_966] : memref<64x128xi32, #tpu.memory_space<vmem>> -> memref<1x128xi32, #tpu.memory_space<vmem>>
    %dma_wait3A_968 = tpu.memref_squeeze %dma_wait3A_967 : memref<1x128xi32, #tpu.memory_space<vmem>> -> memref<128xi32, #tpu.memory_space<vmem>>
    %dma_wait3A_969 = arith.constant 0 : i32
    %dma_wait3A_970 = tpu.memref_slice %arg18[%arg1, %dma_wait3A_969] : memref<16x8192xf32, #tpu.memory_space<vmem_shared>> -> memref<1x8192xf32, #tpu.memory_space<vmem_shared>>
    %dma_wait3A_971 = tpu.memref_squeeze %dma_wait3A_970 : memref<1x8192xf32, #tpu.memory_space<vmem_shared>> -> memref<8192xf32, #tpu.memory_space<vmem_shared>>
    %dma_wait3A_972 = arith.constant 0 : i32
    %dma_wait3A_973 = tpu.memref_slice %dma_wait3A_971[%dma_wait3A_972] : memref<8192xf32, #tpu.memory_space<vmem_shared>> -> memref<8192xf32, #tpu.memory_space<vmem_shared>>
    tpu.wait_indirect_dma semaphore(%arg19 : memref<!tpu.dma_semaphore, #tpu.memory_space<semaphore_mem>>) src(%dma_wait3A_973 : memref<8192xf32, #tpu.memory_space<vmem_shared>>) dst(%dma_wait3A_965 : memref<128xf32, #tpu.memory_space<vmem>>)
    %dma_wait3A_974 = arith.constant 2 : i32
    %dma_wait3A_975 = arith.constant 256 : i32
    %dma_wait3A_976 = tpu.memref_slice %arg15[%dma_wait3A_975] : memref<8192xf32, #tpu.memory_space<vmem>> -> memref<128xf32, #tpu.memory_space<vmem>>
    %dma_wait3A_977 = arith.constant 0 : i32
    %dma_wait3A_978 = tpu.memref_slice %arg16[%dma_wait3A_974, %dma_wait3A_977] : memref<64x128xi32, #tpu.memory_space<vmem>> -> memref<1x128xi32, #tpu.memory_space<vmem>>
    %dma_wait3A_979 = tpu.memref_squeeze %dma_wait3A_978 : memref<1x128xi32, #tpu.memory_space<vmem>> -> memref<128xi32, #tpu.memory_space<vmem>>
    %dma_wait3A_980 = arith.constant 0 : i32
    %dma_wait3A_981 = tpu.memref_slice %arg18[%arg1, %dma_wait3A_980] : memref<16x8192xf32, #tpu.memory_space<vmem_shared>> -> memref<1x8192xf32, #tpu.memory_space<vmem_shared>>
    %dma_wait3A_982 = tpu.memref_squeeze %dma_wait3A_981 : memref<1x8192xf32, #tpu.memory_space<vmem_shared>> -> memref<8192xf32, #tpu.memory_space<vmem_shared>>
    %dma_wait3A_983 = arith.constant 0 : i32
    %dma_wait3A_984 = tpu.memref_slice %dma_wait3A_982[%dma_wait3A_983] : memref<8192xf32, #tpu.memory_space<vmem_shared>> -> memref<8192xf32, #tpu.memory_space<vmem_shared>>
    tpu.wait_indirect_dma semaphore(%arg19 : memref<!tpu.dma_semaphore, #tpu.memory_space<semaphore_mem>>) src(%dma_wait3A_984 : memref<8192xf32, #tpu.memory_space<vmem_shared>>) dst(%dma_wait3A_976 : memref<128xf32, #tpu.memory_space<vmem>>)
    %dma_wait3A_985 = arith.constant 3 : i32
    %dma_wait3A_986 = arith.constant 384 : i32
    %dma_wait3A_987 = tpu.memref_slice %arg15[%dma_wait3A_986] : memref<8192xf32, #tpu.memory_space<vmem>> -> memref<128xf32, #tpu.memory_space<vmem>>
    %dma_wait3A_988 = arith.constant 0 : i32
    %dma_wait3A_989 = tpu.memref_slice %arg16[%dma_wait3A_985, %dma_wait3A_988] : memref<64x128xi32, #tpu.memory_space<vmem>> -> memref<1x128xi32, #tpu.memory_space<vmem>>
    %dma_wait3A_990 = tpu.memref_squeeze %dma_wait3A_989 : memref<1x128xi32, #tpu.memory_space<vmem>> -> memref<128xi32, #tpu.memory_space<vmem>>
    %dma_wait3A_991 = arith.constant 0 : i32
    %dma_wait3A_992 = tpu.memref_slice %arg18[%arg1, %dma_wait3A_991] : memref<16x8192xf32, #tpu.memory_space<vmem_shared>> -> memref<1x8192xf32, #tpu.memory_space<vmem_shared>>
    %dma_wait3A_993 = tpu.memref_squeeze %dma_wait3A_992 : memref<1x8192xf32, #tpu.memory_space<vmem_shared>> -> memref<8192xf32, #tpu.memory_space<vmem_shared>>
    %dma_wait3A_994 = arith.constant 0 : i32
    %dma_wait3A_995 = tpu.memref_slice %dma_wait3A_993[%dma_wait3A_994] : memref<8192xf32, #tpu.memory_space<vmem_shared>> -> memref<8192xf32, #tpu.memory_space<vmem_shared>>
    tpu.wait_indirect_dma semaphore(%arg19 : memref<!tpu.dma_semaphore, #tpu.memory_space<semaphore_mem>>) src(%dma_wait3A_995 : memref<8192xf32, #tpu.memory_space<vmem_shared>>) dst(%dma_wait3A_987 : memref<128xf32, #tpu.memory_space<vmem>>)
    %dma_wait3A_996 = arith.constant 4 : i32
    %dma_wait3A_997 = arith.constant 512 : i32
    %dma_wait3A_998 = tpu.memref_slice %arg15[%dma_wait3A_997] : memref<8192xf32, #tpu.memory_space<vmem>> -> memref<128xf32, #tpu.memory_space<vmem>>
    %dma_wait3A_999 = arith.constant 0 : i32
    %dma_wait3A_1000 = tpu.memref_slice %arg16[%dma_wait3A_996, %dma_wait3A_999] : memref<64x128xi32, #tpu.memory_space<vmem>> -> memref<1x128xi32, #tpu.memory_space<vmem>>
    %dma_wait3A_1001 = tpu.memref_squeeze %dma_wait3A_1000 : memref<1x128xi32, #tpu.memory_space<vmem>> -> memref<128xi32, #tpu.memory_space<vmem>>
    %dma_wait3A_1002 = arith.constant 0 : i32
    %dma_wait3A_1003 = tpu.memref_slice %arg18[%arg1, %dma_wait3A_1002] : memref<16x8192xf32, #tpu.memory_space<vmem_shared>> -> memref<1x8192xf32, #tpu.memory_space<vmem_shared>>
    %dma_wait3A_1004 = tpu.memref_squeeze %dma_wait3A_1003 : memref<1x8192xf32, #tpu.memory_space<vmem_shared>> -> memref<8192xf32, #tpu.memory_space<vmem_shared>>
    %dma_wait3A_1005 = arith.constant 0 : i32
    %dma_wait3A_1006 = tpu.memref_slice %dma_wait3A_1004[%dma_wait3A_1005] : memref<8192xf32, #tpu.memory_space<vmem_shared>> -> memref<8192xf32, #tpu.memory_space<vmem_shared>>
    tpu.wait_indirect_dma semaphore(%arg19 : memref<!tpu.dma_semaphore, #tpu.memory_space<semaphore_mem>>) src(%dma_wait3A_1006 : memref<8192xf32, #tpu.memory_space<vmem_shared>>) dst(%dma_wait3A_998 : memref<128xf32, #tpu.memory_space<vmem>>)
    %dma_wait3A_1007 = arith.constant 5 : i32
    %dma_wait3A_1008 = arith.constant 640 : i32
    %dma_wait3A_1009 = tpu.memref_slice %arg15[%dma_wait3A_1008] : memref<8192xf32, #tpu.memory_space<vmem>> -> memref<128xf32, #tpu.memory_space<vmem>>
    %dma_wait3A_1010 = arith.constant 0 : i32
    %dma_wait3A_1011 = tpu.memref_slice %arg16[%dma_wait3A_1007, %dma_wait3A_1010] : memref<64x128xi32, #tpu.memory_space<vmem>> -> memref<1x128xi32, #tpu.memory_space<vmem>>
    %dma_wait3A_1012 = tpu.memref_squeeze %dma_wait3A_1011 : memref<1x128xi32, #tpu.memory_space<vmem>> -> memref<128xi32, #tpu.memory_space<vmem>>
    %dma_wait3A_1013 = arith.constant 0 : i32
    %dma_wait3A_1014 = tpu.memref_slice %arg18[%arg1, %dma_wait3A_1013] : memref<16x8192xf32, #tpu.memory_space<vmem_shared>> -> memref<1x8192xf32, #tpu.memory_space<vmem_shared>>
    %dma_wait3A_1015 = tpu.memref_squeeze %dma_wait3A_1014 : memref<1x8192xf32, #tpu.memory_space<vmem_shared>> -> memref<8192xf32, #tpu.memory_space<vmem_shared>>
    %dma_wait3A_1016 = arith.constant 0 : i32
    %dma_wait3A_1017 = tpu.memref_slice %dma_wait3A_1015[%dma_wait3A_1016] : memref<8192xf32, #tpu.memory_space<vmem_shared>> -> memref<8192xf32, #tpu.memory_space<vmem_shared>>
    tpu.wait_indirect_dma semaphore(%arg19 : memref<!tpu.dma_semaphore, #tpu.memory_space<semaphore_mem>>) src(%dma_wait3A_1017 : memref<8192xf32, #tpu.memory_space<vmem_shared>>) dst(%dma_wait3A_1009 : memref<128xf32, #tpu.memory_space<vmem>>)
    %dma_wait3A_1018 = arith.constant 6 : i32
    %dma_wait3A_1019 = arith.constant 768 : i32
    %dma_wait3A_1020 = tpu.memref_slice %arg15[%dma_wait3A_1019] : memref<8192xf32, #tpu.memory_space<vmem>> -> memref<128xf32, #tpu.memory_space<vmem>>
    %dma_wait3A_1021 = arith.constant 0 : i32
    %dma_wait3A_1022 = tpu.memref_slice %arg16[%dma_wait3A_1018, %dma_wait3A_1021] : memref<64x128xi32, #tpu.memory_space<vmem>> -> memref<1x128xi32, #tpu.memory_space<vmem>>
    %dma_wait3A_1023 = tpu.memref_squeeze %dma_wait3A_1022 : memref<1x128xi32, #tpu.memory_space<vmem>> -> memref<128xi32, #tpu.memory_space<vmem>>
    %dma_wait3A_1024 = arith.constant 0 : i32
    %dma_wait3A_1025 = tpu.memref_slice %arg18[%arg1, %dma_wait3A_1024] : memref<16x8192xf32, #tpu.memory_space<vmem_shared>> -> memref<1x8192xf32, #tpu.memory_space<vmem_shared>>
    %dma_wait3A_1026 = tpu.memref_squeeze %dma_wait3A_1025 : memref<1x8192xf32, #tpu.memory_space<vmem_shared>> -> memref<8192xf32, #tpu.memory_space<vmem_shared>>
    %dma_wait3A_1027 = arith.constant 0 : i32
    %dma_wait3A_1028 = tpu.memref_slice %dma_wait3A_1026[%dma_wait3A_1027] : memref<8192xf32, #tpu.memory_space<vmem_shared>> -> memref<8192xf32, #tpu.memory_space<vmem_shared>>
    tpu.wait_indirect_dma semaphore(%arg19 : memref<!tpu.dma_semaphore, #tpu.memory_space<semaphore_mem>>) src(%dma_wait3A_1028 : memref<8192xf32, #tpu.memory_space<vmem_shared>>) dst(%dma_wait3A_1020 : memref<128xf32, #tpu.memory_space<vmem>>)
    %dma_wait3A_1029 = arith.constant 7 : i32
    %dma_wait3A_1030 = arith.constant 896 : i32
    %dma_wait3A_1031 = tpu.memref_slice %arg15[%dma_wait3A_1030] : memref<8192xf32, #tpu.memory_space<vmem>> -> memref<128xf32, #tpu.memory_space<vmem>>
    %dma_wait3A_1032 = arith.constant 0 : i32
    %dma_wait3A_1033 = tpu.memref_slice %arg16[%dma_wait3A_1029, %dma_wait3A_1032] : memref<64x128xi32, #tpu.memory_space<vmem>> -> memref<1x128xi32, #tpu.memory_space<vmem>>
    %dma_wait3A_1034 = tpu.memref_squeeze %dma_wait3A_1033 : memref<1x128xi32, #tpu.memory_space<vmem>> -> memref<128xi32, #tpu.memory_space<vmem>>
    %dma_wait3A_1035 = arith.constant 0 : i32
    %dma_wait3A_1036 = tpu.memref_slice %arg18[%arg1, %dma_wait3A_1035] : memref<16x8192xf32, #tpu.memory_space<vmem_shared>> -> memref<1x8192xf32, #tpu.memory_space<vmem_shared>>
    %dma_wait3A_1037 = tpu.memref_squeeze %dma_wait3A_1036 : memref<1x8192xf32, #tpu.memory_space<vmem_shared>> -> memref<8192xf32, #tpu.memory_space<vmem_shared>>
    %dma_wait3A_1038 = arith.constant 0 : i32
    %dma_wait3A_1039 = tpu.memref_slice %dma_wait3A_1037[%dma_wait3A_1038] : memref<8192xf32, #tpu.memory_space<vmem_shared>> -> memref<8192xf32, #tpu.memory_space<vmem_shared>>
    tpu.wait_indirect_dma semaphore(%arg19 : memref<!tpu.dma_semaphore, #tpu.memory_space<semaphore_mem>>) src(%dma_wait3A_1039 : memref<8192xf32, #tpu.memory_space<vmem_shared>>) dst(%dma_wait3A_1031 : memref<128xf32, #tpu.memory_space<vmem>>)
    %dma_wait3A_1040 = arith.constant 8 : i32
    %dma_wait3A_1041 = arith.constant 1024 : i32
    %dma_wait3A_1042 = tpu.memref_slice %arg15[%dma_wait3A_1041] : memref<8192xf32, #tpu.memory_space<vmem>> -> memref<128xf32, #tpu.memory_space<vmem>>
    %dma_wait3A_1043 = arith.constant 0 : i32
    %dma_wait3A_1044 = tpu.memref_slice %arg16[%dma_wait3A_1040, %dma_wait3A_1043] : memref<64x128xi32, #tpu.memory_space<vmem>> -> memref<1x128xi32, #tpu.memory_space<vmem>>
    %dma_wait3A_1045 = tpu.memref_squeeze %dma_wait3A_1044 : memref<1x128xi32, #tpu.memory_space<vmem>> -> memref<128xi32, #tpu.memory_space<vmem>>
    %dma_wait3A_1046 = arith.constant 0 : i32
    %dma_wait3A_1047 = tpu.memref_slice %arg18[%arg1, %dma_wait3A_1046] : memref<16x8192xf32, #tpu.memory_space<vmem_shared>> -> memref<1x8192xf32, #tpu.memory_space<vmem_shared>>
    %dma_wait3A_1048 = tpu.memref_squeeze %dma_wait3A_1047 : memref<1x8192xf32, #tpu.memory_space<vmem_shared>> -> memref<8192xf32, #tpu.memory_space<vmem_shared>>
    %dma_wait3A_1049 = arith.constant 0 : i32
    %dma_wait3A_1050 = tpu.memref_slice %dma_wait3A_1048[%dma_wait3A_1049] : memref<8192xf32, #tpu.memory_space<vmem_shared>> -> memref<8192xf32, #tpu.memory_space<vmem_shared>>
    tpu.wait_indirect_dma semaphore(%arg19 : memref<!tpu.dma_semaphore, #tpu.memory_space<semaphore_mem>>) src(%dma_wait3A_1050 : memref<8192xf32, #tpu.memory_space<vmem_shared>>) dst(%dma_wait3A_1042 : memref<128xf32, #tpu.memory_space<vmem>>)
    %dma_wait3A_1051 = arith.constant 9 : i32
    %dma_wait3A_1052 = arith.constant 1152 : i32
    %dma_wait3A_1053 = tpu.memref_slice %arg15[%dma_wait3A_1052] : memref<8192xf32, #tpu.memory_space<vmem>> -> memref<128xf32, #tpu.memory_space<vmem>>
    %dma_wait3A_1054 = arith.constant 0 : i32
    %dma_wait3A_1055 = tpu.memref_slice %arg16[%dma_wait3A_1051, %dma_wait3A_1054] : memref<64x128xi32, #tpu.memory_space<vmem>> -> memref<1x128xi32, #tpu.memory_space<vmem>>
    %dma_wait3A_1056 = tpu.memref_squeeze %dma_wait3A_1055 : memref<1x128xi32, #tpu.memory_space<vmem>> -> memref<128xi32, #tpu.memory_space<vmem>>
    %dma_wait3A_1057 = arith.constant 0 : i32
    %dma_wait3A_1058 = tpu.memref_slice %arg18[%arg1, %dma_wait3A_1057] : memref<16x8192xf32, #tpu.memory_space<vmem_shared>> -> memref<1x8192xf32, #tpu.memory_space<vmem_shared>>
    %dma_wait3A_1059 = tpu.memref_squeeze %dma_wait3A_1058 : memref<1x8192xf32, #tpu.memory_space<vmem_shared>> -> memref<8192xf32, #tpu.memory_space<vmem_shared>>
    %dma_wait3A_1060 = arith.constant 0 : i32
    %dma_wait3A_1061 = tpu.memref_slice %dma_wait3A_1059[%dma_wait3A_1060] : memref<8192xf32, #tpu.memory_space<vmem_shared>> -> memref<8192xf32, #tpu.memory_space<vmem_shared>>
    tpu.wait_indirect_dma semaphore(%arg19 : memref<!tpu.dma_semaphore, #tpu.memory_space<semaphore_mem>>) src(%dma_wait3A_1061 : memref<8192xf32, #tpu.memory_space<vmem_shared>>) dst(%dma_wait3A_1053 : memref<128xf32, #tpu.memory_space<vmem>>)
    %dma_wait3A_1062 = arith.constant 10 : i32
    %dma_wait3A_1063 = arith.constant 1280 : i32
    %dma_wait3A_1064 = tpu.memref_slice %arg15[%dma_wait3A_1063] : memref<8192xf32, #tpu.memory_space<vmem>> -> memref<128xf32, #tpu.memory_space<vmem>>
    %dma_wait3A_1065 = arith.constant 0 : i32
    %dma_wait3A_1066 = tpu.memref_slice %arg16[%dma_wait3A_1062, %dma_wait3A_1065] : memref<64x128xi32, #tpu.memory_space<vmem>> -> memref<1x128xi32, #tpu.memory_space<vmem>>
    %dma_wait3A_1067 = tpu.memref_squeeze %dma_wait3A_1066 : memref<1x128xi32, #tpu.memory_space<vmem>> -> memref<128xi32, #tpu.memory_space<vmem>>
    %dma_wait3A_1068 = arith.constant 0 : i32
    %dma_wait3A_1069 = tpu.memref_slice %arg18[%arg1, %dma_wait3A_1068] : memref<16x8192xf32, #tpu.memory_space<vmem_shared>> -> memref<1x8192xf32, #tpu.memory_space<vmem_shared>>
    %dma_wait3A_1070 = tpu.memref_squeeze %dma_wait3A_1069 : memref<1x8192xf32, #tpu.memory_space<vmem_shared>> -> memref<8192xf32, #tpu.memory_space<vmem_shared>>
    %dma_wait3A_1071 = arith.constant 0 : i32
    %dma_wait3A_1072 = tpu.memref_slice %dma_wait3A_1070[%dma_wait3A_1071] : memref<8192xf32, #tpu.memory_space<vmem_shared>> -> memref<8192xf32, #tpu.memory_space<vmem_shared>>
    tpu.wait_indirect_dma semaphore(%arg19 : memref<!tpu.dma_semaphore, #tpu.memory_space<semaphore_mem>>) src(%dma_wait3A_1072 : memref<8192xf32, #tpu.memory_space<vmem_shared>>) dst(%dma_wait3A_1064 : memref<128xf32, #tpu.memory_space<vmem>>)
    %dma_wait3A_1073 = arith.constant 11 : i32
    %dma_wait3A_1074 = arith.constant 1408 : i32
    %dma_wait3A_1075 = tpu.memref_slice %arg15[%dma_wait3A_1074] : memref<8192xf32, #tpu.memory_space<vmem>> -> memref<128xf32, #tpu.memory_space<vmem>>
    %dma_wait3A_1076 = arith.constant 0 : i32
    %dma_wait3A_1077 = tpu.memref_slice %arg16[%dma_wait3A_1073, %dma_wait3A_1076] : memref<64x128xi32, #tpu.memory_space<vmem>> -> memref<1x128xi32, #tpu.memory_space<vmem>>
    %dma_wait3A_1078 = tpu.memref_squeeze %dma_wait3A_1077 : memref<1x128xi32, #tpu.memory_space<vmem>> -> memref<128xi32, #tpu.memory_space<vmem>>
    %dma_wait3A_1079 = arith.constant 0 : i32
    %dma_wait3A_1080 = tpu.memref_slice %arg18[%arg1, %dma_wait3A_1079] : memref<16x8192xf32, #tpu.memory_space<vmem_shared>> -> memref<1x8192xf32, #tpu.memory_space<vmem_shared>>
    %dma_wait3A_1081 = tpu.memref_squeeze %dma_wait3A_1080 : memref<1x8192xf32, #tpu.memory_space<vmem_shared>> -> memref<8192xf32, #tpu.memory_space<vmem_shared>>
    %dma_wait3A_1082 = arith.constant 0 : i32
    %dma_wait3A_1083 = tpu.memref_slice %dma_wait3A_1081[%dma_wait3A_1082] : memref<8192xf32, #tpu.memory_space<vmem_shared>> -> memref<8192xf32, #tpu.memory_space<vmem_shared>>
    tpu.wait_indirect_dma semaphore(%arg19 : memref<!tpu.dma_semaphore, #tpu.memory_space<semaphore_mem>>) src(%dma_wait3A_1083 : memref<8192xf32, #tpu.memory_space<vmem_shared>>) dst(%dma_wait3A_1075 : memref<128xf32, #tpu.memory_space<vmem>>)
    %dma_wait3A_1084 = arith.constant 12 : i32
    %dma_wait3A_1085 = arith.constant 1536 : i32
    %dma_wait3A_1086 = tpu.memref_slice %arg15[%dma_wait3A_1085] : memref<8192xf32, #tpu.memory_space<vmem>> -> memref<128xf32, #tpu.memory_space<vmem>>
    %dma_wait3A_1087 = arith.constant 0 : i32
    %dma_wait3A_1088 = tpu.memref_slice %arg16[%dma_wait3A_1084, %dma_wait3A_1087] : memref<64x128xi32, #tpu.memory_space<vmem>> -> memref<1x128xi32, #tpu.memory_space<vmem>>
    %dma_wait3A_1089 = tpu.memref_squeeze %dma_wait3A_1088 : memref<1x128xi32, #tpu.memory_space<vmem>> -> memref<128xi32, #tpu.memory_space<vmem>>
    %dma_wait3A_1090 = arith.constant 0 : i32
    %dma_wait3A_1091 = tpu.memref_slice %arg18[%arg1, %dma_wait3A_1090] : memref<16x8192xf32, #tpu.memory_space<vmem_shared>> -> memref<1x8192xf32, #tpu.memory_space<vmem_shared>>
    %dma_wait3A_1092 = tpu.memref_squeeze %dma_wait3A_1091 : memref<1x8192xf32, #tpu.memory_space<vmem_shared>> -> memref<8192xf32, #tpu.memory_space<vmem_shared>>
    %dma_wait3A_1093 = arith.constant 0 : i32
    %dma_wait3A_1094 = tpu.memref_slice %dma_wait3A_1092[%dma_wait3A_1093] : memref<8192xf32, #tpu.memory_space<vmem_shared>> -> memref<8192xf32, #tpu.memory_space<vmem_shared>>
    tpu.wait_indirect_dma semaphore(%arg19 : memref<!tpu.dma_semaphore, #tpu.memory_space<semaphore_mem>>) src(%dma_wait3A_1094 : memref<8192xf32, #tpu.memory_space<vmem_shared>>) dst(%dma_wait3A_1086 : memref<128xf32, #tpu.memory_space<vmem>>)
    %dma_wait3A_1095 = arith.constant 13 : i32
    %dma_wait3A_1096 = arith.constant 1664 : i32
    %dma_wait3A_1097 = tpu.memref_slice %arg15[%dma_wait3A_1096] : memref<8192xf32, #tpu.memory_space<vmem>> -> memref<128xf32, #tpu.memory_space<vmem>>
    %dma_wait3A_1098 = arith.constant 0 : i32
    %dma_wait3A_1099 = tpu.memref_slice %arg16[%dma_wait3A_1095, %dma_wait3A_1098] : memref<64x128xi32, #tpu.memory_space<vmem>> -> memref<1x128xi32, #tpu.memory_space<vmem>>
    %dma_wait3A_1100 = tpu.memref_squeeze %dma_wait3A_1099 : memref<1x128xi32, #tpu.memory_space<vmem>> -> memref<128xi32, #tpu.memory_space<vmem>>
    %dma_wait3A_1101 = arith.constant 0 : i32
    %dma_wait3A_1102 = tpu.memref_slice %arg18[%arg1, %dma_wait3A_1101] : memref<16x8192xf32, #tpu.memory_space<vmem_shared>> -> memref<1x8192xf32, #tpu.memory_space<vmem_shared>>
    %dma_wait3A_1103 = tpu.memref_squeeze %dma_wait3A_1102 : memref<1x8192xf32, #tpu.memory_space<vmem_shared>> -> memref<8192xf32, #tpu.memory_space<vmem_shared>>
    %dma_wait3A_1104 = arith.constant 0 : i32
    %dma_wait3A_1105 = tpu.memref_slice %dma_wait3A_1103[%dma_wait3A_1104] : memref<8192xf32, #tpu.memory_space<vmem_shared>> -> memref<8192xf32, #tpu.memory_space<vmem_shared>>
    tpu.wait_indirect_dma semaphore(%arg19 : memref<!tpu.dma_semaphore, #tpu.memory_space<semaphore_mem>>) src(%dma_wait3A_1105 : memref<8192xf32, #tpu.memory_space<vmem_shared>>) dst(%dma_wait3A_1097 : memref<128xf32, #tpu.memory_space<vmem>>)
    %dma_wait3A_1106 = arith.constant 14 : i32
    %dma_wait3A_1107 = arith.constant 1792 : i32
    %dma_wait3A_1108 = tpu.memref_slice %arg15[%dma_wait3A_1107] : memref<8192xf32, #tpu.memory_space<vmem>> -> memref<128xf32, #tpu.memory_space<vmem>>
    %dma_wait3A_1109 = arith.constant 0 : i32
    %dma_wait3A_1110 = tpu.memref_slice %arg16[%dma_wait3A_1106, %dma_wait3A_1109] : memref<64x128xi32, #tpu.memory_space<vmem>> -> memref<1x128xi32, #tpu.memory_space<vmem>>
    %dma_wait3A_1111 = tpu.memref_squeeze %dma_wait3A_1110 : memref<1x128xi32, #tpu.memory_space<vmem>> -> memref<128xi32, #tpu.memory_space<vmem>>
    %dma_wait3A_1112 = arith.constant 0 : i32
    %dma_wait3A_1113 = tpu.memref_slice %arg18[%arg1, %dma_wait3A_1112] : memref<16x8192xf32, #tpu.memory_space<vmem_shared>> -> memref<1x8192xf32, #tpu.memory_space<vmem_shared>>
    %dma_wait3A_1114 = tpu.memref_squeeze %dma_wait3A_1113 : memref<1x8192xf32, #tpu.memory_space<vmem_shared>> -> memref<8192xf32, #tpu.memory_space<vmem_shared>>
    %dma_wait3A_1115 = arith.constant 0 : i32
    %dma_wait3A_1116 = tpu.memref_slice %dma_wait3A_1114[%dma_wait3A_1115] : memref<8192xf32, #tpu.memory_space<vmem_shared>> -> memref<8192xf32, #tpu.memory_space<vmem_shared>>
    tpu.wait_indirect_dma semaphore(%arg19 : memref<!tpu.dma_semaphore, #tpu.memory_space<semaphore_mem>>) src(%dma_wait3A_1116 : memref<8192xf32, #tpu.memory_space<vmem_shared>>) dst(%dma_wait3A_1108 : memref<128xf32, #tpu.memory_space<vmem>>)
    %dma_wait3A_1117 = arith.constant 15 : i32
    %dma_wait3A_1118 = arith.constant 1920 : i32
    %dma_wait3A_1119 = tpu.memref_slice %arg15[%dma_wait3A_1118] : memref<8192xf32, #tpu.memory_space<vmem>> -> memref<128xf32, #tpu.memory_space<vmem>>
    %dma_wait3A_1120 = arith.constant 0 : i32
    %dma_wait3A_1121 = tpu.memref_slice %arg16[%dma_wait3A_1117, %dma_wait3A_1120] : memref<64x128xi32, #tpu.memory_space<vmem>> -> memref<1x128xi32, #tpu.memory_space<vmem>>
    %dma_wait3A_1122 = tpu.memref_squeeze %dma_wait3A_1121 : memref<1x128xi32, #tpu.memory_space<vmem>> -> memref<128xi32, #tpu.memory_space<vmem>>
    %dma_wait3A_1123 = arith.constant 0 : i32
    %dma_wait3A_1124 = tpu.memref_slice %arg18[%arg1, %dma_wait3A_1123] : memref<16x8192xf32, #tpu.memory_space<vmem_shared>> -> memref<1x8192xf32, #tpu.memory_space<vmem_shared>>
    %dma_wait3A_1125 = tpu.memref_squeeze %dma_wait3A_1124 : memref<1x8192xf32, #tpu.memory_space<vmem_shared>> -> memref<8192xf32, #tpu.memory_space<vmem_shared>>
    %dma_wait3A_1126 = arith.constant 0 : i32
    %dma_wait3A_1127 = tpu.memref_slice %dma_wait3A_1125[%dma_wait3A_1126] : memref<8192xf32, #tpu.memory_space<vmem_shared>> -> memref<8192xf32, #tpu.memory_space<vmem_shared>>
    tpu.wait_indirect_dma semaphore(%arg19 : memref<!tpu.dma_semaphore, #tpu.memory_space<semaphore_mem>>) src(%dma_wait3A_1127 : memref<8192xf32, #tpu.memory_space<vmem_shared>>) dst(%dma_wait3A_1119 : memref<128xf32, #tpu.memory_space<vmem>>)
    %dma_wait3A_1128 = arith.constant 16 : i32
    %dma_wait3A_1129 = arith.constant 2048 : i32
    %dma_wait3A_1130 = tpu.memref_slice %arg15[%dma_wait3A_1129] : memref<8192xf32, #tpu.memory_space<vmem>> -> memref<128xf32, #tpu.memory_space<vmem>>
    %dma_wait3A_1131 = arith.constant 0 : i32
    %dma_wait3A_1132 = tpu.memref_slice %arg16[%dma_wait3A_1128, %dma_wait3A_1131] : memref<64x128xi32, #tpu.memory_space<vmem>> -> memref<1x128xi32, #tpu.memory_space<vmem>>
    %dma_wait3A_1133 = tpu.memref_squeeze %dma_wait3A_1132 : memref<1x128xi32, #tpu.memory_space<vmem>> -> memref<128xi32, #tpu.memory_space<vmem>>
    %dma_wait3A_1134 = arith.constant 0 : i32
    %dma_wait3A_1135 = tpu.memref_slice %arg18[%arg1, %dma_wait3A_1134] : memref<16x8192xf32, #tpu.memory_space<vmem_shared>> -> memref<1x8192xf32, #tpu.memory_space<vmem_shared>>
    %dma_wait3A_1136 = tpu.memref_squeeze %dma_wait3A_1135 : memref<1x8192xf32, #tpu.memory_space<vmem_shared>> -> memref<8192xf32, #tpu.memory_space<vmem_shared>>
    %dma_wait3A_1137 = arith.constant 0 : i32
    %dma_wait3A_1138 = tpu.memref_slice %dma_wait3A_1136[%dma_wait3A_1137] : memref<8192xf32, #tpu.memory_space<vmem_shared>> -> memref<8192xf32, #tpu.memory_space<vmem_shared>>
    tpu.wait_indirect_dma semaphore(%arg19 : memref<!tpu.dma_semaphore, #tpu.memory_space<semaphore_mem>>) src(%dma_wait3A_1138 : memref<8192xf32, #tpu.memory_space<vmem_shared>>) dst(%dma_wait3A_1130 : memref<128xf32, #tpu.memory_space<vmem>>)
    %dma_wait3A_1139 = arith.constant 17 : i32
    %dma_wait3A_1140 = arith.constant 2176 : i32
    %dma_wait3A_1141 = tpu.memref_slice %arg15[%dma_wait3A_1140] : memref<8192xf32, #tpu.memory_space<vmem>> -> memref<128xf32, #tpu.memory_space<vmem>>
    %dma_wait3A_1142 = arith.constant 0 : i32
    %dma_wait3A_1143 = tpu.memref_slice %arg16[%dma_wait3A_1139, %dma_wait3A_1142] : memref<64x128xi32, #tpu.memory_space<vmem>> -> memref<1x128xi32, #tpu.memory_space<vmem>>
    %dma_wait3A_1144 = tpu.memref_squeeze %dma_wait3A_1143 : memref<1x128xi32, #tpu.memory_space<vmem>> -> memref<128xi32, #tpu.memory_space<vmem>>
    %dma_wait3A_1145 = arith.constant 0 : i32
    %dma_wait3A_1146 = tpu.memref_slice %arg18[%arg1, %dma_wait3A_1145] : memref<16x8192xf32, #tpu.memory_space<vmem_shared>> -> memref<1x8192xf32, #tpu.memory_space<vmem_shared>>
    %dma_wait3A_1147 = tpu.memref_squeeze %dma_wait3A_1146 : memref<1x8192xf32, #tpu.memory_space<vmem_shared>> -> memref<8192xf32, #tpu.memory_space<vmem_shared>>
    %dma_wait3A_1148 = arith.constant 0 : i32
    %dma_wait3A_1149 = tpu.memref_slice %dma_wait3A_1147[%dma_wait3A_1148] : memref<8192xf32, #tpu.memory_space<vmem_shared>> -> memref<8192xf32, #tpu.memory_space<vmem_shared>>
    tpu.wait_indirect_dma semaphore(%arg19 : memref<!tpu.dma_semaphore, #tpu.memory_space<semaphore_mem>>) src(%dma_wait3A_1149 : memref<8192xf32, #tpu.memory_space<vmem_shared>>) dst(%dma_wait3A_1141 : memref<128xf32, #tpu.memory_space<vmem>>)
    %dma_wait3A_1150 = arith.constant 18 : i32
    %dma_wait3A_1151 = arith.constant 2304 : i32
    %dma_wait3A_1152 = tpu.memref_slice %arg15[%dma_wait3A_1151] : memref<8192xf32, #tpu.memory_space<vmem>> -> memref<128xf32, #tpu.memory_space<vmem>>
    %dma_wait3A_1153 = arith.constant 0 : i32
    %dma_wait3A_1154 = tpu.memref_slice %arg16[%dma_wait3A_1150, %dma_wait3A_1153] : memref<64x128xi32, #tpu.memory_space<vmem>> -> memref<1x128xi32, #tpu.memory_space<vmem>>
    %dma_wait3A_1155 = tpu.memref_squeeze %dma_wait3A_1154 : memref<1x128xi32, #tpu.memory_space<vmem>> -> memref<128xi32, #tpu.memory_space<vmem>>
    %dma_wait3A_1156 = arith.constant 0 : i32
    %dma_wait3A_1157 = tpu.memref_slice %arg18[%arg1, %dma_wait3A_1156] : memref<16x8192xf32, #tpu.memory_space<vmem_shared>> -> memref<1x8192xf32, #tpu.memory_space<vmem_shared>>
    %dma_wait3A_1158 = tpu.memref_squeeze %dma_wait3A_1157 : memref<1x8192xf32, #tpu.memory_space<vmem_shared>> -> memref<8192xf32, #tpu.memory_space<vmem_shared>>
    %dma_wait3A_1159 = arith.constant 0 : i32
    %dma_wait3A_1160 = tpu.memref_slice %dma_wait3A_1158[%dma_wait3A_1159] : memref<8192xf32, #tpu.memory_space<vmem_shared>> -> memref<8192xf32, #tpu.memory_space<vmem_shared>>
    tpu.wait_indirect_dma semaphore(%arg19 : memref<!tpu.dma_semaphore, #tpu.memory_space<semaphore_mem>>) src(%dma_wait3A_1160 : memref<8192xf32, #tpu.memory_space<vmem_shared>>) dst(%dma_wait3A_1152 : memref<128xf32, #tpu.memory_space<vmem>>)
    %dma_wait3A_1161 = arith.constant 19 : i32
    %dma_wait3A_1162 = arith.constant 2432 : i32
    %dma_wait3A_1163 = tpu.memref_slice %arg15[%dma_wait3A_1162] : memref<8192xf32, #tpu.memory_space<vmem>> -> memref<128xf32, #tpu.memory_space<vmem>>
    %dma_wait3A_1164 = arith.constant 0 : i32
    %dma_wait3A_1165 = tpu.memref_slice %arg16[%dma_wait3A_1161, %dma_wait3A_1164] : memref<64x128xi32, #tpu.memory_space<vmem>> -> memref<1x128xi32, #tpu.memory_space<vmem>>
    %dma_wait3A_1166 = tpu.memref_squeeze %dma_wait3A_1165 : memref<1x128xi32, #tpu.memory_space<vmem>> -> memref<128xi32, #tpu.memory_space<vmem>>
    %dma_wait3A_1167 = arith.constant 0 : i32
    %dma_wait3A_1168 = tpu.memref_slice %arg18[%arg1, %dma_wait3A_1167] : memref<16x8192xf32, #tpu.memory_space<vmem_shared>> -> memref<1x8192xf32, #tpu.memory_space<vmem_shared>>
    %dma_wait3A_1169 = tpu.memref_squeeze %dma_wait3A_1168 : memref<1x8192xf32, #tpu.memory_space<vmem_shared>> -> memref<8192xf32, #tpu.memory_space<vmem_shared>>
    %dma_wait3A_1170 = arith.constant 0 : i32
    %dma_wait3A_1171 = tpu.memref_slice %dma_wait3A_1169[%dma_wait3A_1170] : memref<8192xf32, #tpu.memory_space<vmem_shared>> -> memref<8192xf32, #tpu.memory_space<vmem_shared>>
    tpu.wait_indirect_dma semaphore(%arg19 : memref<!tpu.dma_semaphore, #tpu.memory_space<semaphore_mem>>) src(%dma_wait3A_1171 : memref<8192xf32, #tpu.memory_space<vmem_shared>>) dst(%dma_wait3A_1163 : memref<128xf32, #tpu.memory_space<vmem>>)
    %dma_wait3A_1172 = arith.constant 20 : i32
    %dma_wait3A_1173 = arith.constant 2560 : i32
    %dma_wait3A_1174 = tpu.memref_slice %arg15[%dma_wait3A_1173] : memref<8192xf32, #tpu.memory_space<vmem>> -> memref<128xf32, #tpu.memory_space<vmem>>
    %dma_wait3A_1175 = arith.constant 0 : i32
    %dma_wait3A_1176 = tpu.memref_slice %arg16[%dma_wait3A_1172, %dma_wait3A_1175] : memref<64x128xi32, #tpu.memory_space<vmem>> -> memref<1x128xi32, #tpu.memory_space<vmem>>
    %dma_wait3A_1177 = tpu.memref_squeeze %dma_wait3A_1176 : memref<1x128xi32, #tpu.memory_space<vmem>> -> memref<128xi32, #tpu.memory_space<vmem>>
    %dma_wait3A_1178 = arith.constant 0 : i32
    %dma_wait3A_1179 = tpu.memref_slice %arg18[%arg1, %dma_wait3A_1178] : memref<16x8192xf32, #tpu.memory_space<vmem_shared>> -> memref<1x8192xf32, #tpu.memory_space<vmem_shared>>
    %dma_wait3A_1180 = tpu.memref_squeeze %dma_wait3A_1179 : memref<1x8192xf32, #tpu.memory_space<vmem_shared>> -> memref<8192xf32, #tpu.memory_space<vmem_shared>>
    %dma_wait3A_1181 = arith.constant 0 : i32
    %dma_wait3A_1182 = tpu.memref_slice %dma_wait3A_1180[%dma_wait3A_1181] : memref<8192xf32, #tpu.memory_space<vmem_shared>> -> memref<8192xf32, #tpu.memory_space<vmem_shared>>
    tpu.wait_indirect_dma semaphore(%arg19 : memref<!tpu.dma_semaphore, #tpu.memory_space<semaphore_mem>>) src(%dma_wait3A_1182 : memref<8192xf32, #tpu.memory_space<vmem_shared>>) dst(%dma_wait3A_1174 : memref<128xf32, #tpu.memory_space<vmem>>)
    %dma_wait3A_1183 = arith.constant 21 : i32
    %dma_wait3A_1184 = arith.constant 2688 : i32
    %dma_wait3A_1185 = tpu.memref_slice %arg15[%dma_wait3A_1184] : memref<8192xf32, #tpu.memory_space<vmem>> -> memref<128xf32, #tpu.memory_space<vmem>>
    %dma_wait3A_1186 = arith.constant 0 : i32
    %dma_wait3A_1187 = tpu.memref_slice %arg16[%dma_wait3A_1183, %dma_wait3A_1186] : memref<64x128xi32, #tpu.memory_space<vmem>> -> memref<1x128xi32, #tpu.memory_space<vmem>>
    %dma_wait3A_1188 = tpu.memref_squeeze %dma_wait3A_1187 : memref<1x128xi32, #tpu.memory_space<vmem>> -> memref<128xi32, #tpu.memory_space<vmem>>
    %dma_wait3A_1189 = arith.constant 0 : i32
    %dma_wait3A_1190 = tpu.memref_slice %arg18[%arg1, %dma_wait3A_1189] : memref<16x8192xf32, #tpu.memory_space<vmem_shared>> -> memref<1x8192xf32, #tpu.memory_space<vmem_shared>>
    %dma_wait3A_1191 = tpu.memref_squeeze %dma_wait3A_1190 : memref<1x8192xf32, #tpu.memory_space<vmem_shared>> -> memref<8192xf32, #tpu.memory_space<vmem_shared>>
    %dma_wait3A_1192 = arith.constant 0 : i32
    %dma_wait3A_1193 = tpu.memref_slice %dma_wait3A_1191[%dma_wait3A_1192] : memref<8192xf32, #tpu.memory_space<vmem_shared>> -> memref<8192xf32, #tpu.memory_space<vmem_shared>>
    tpu.wait_indirect_dma semaphore(%arg19 : memref<!tpu.dma_semaphore, #tpu.memory_space<semaphore_mem>>) src(%dma_wait3A_1193 : memref<8192xf32, #tpu.memory_space<vmem_shared>>) dst(%dma_wait3A_1185 : memref<128xf32, #tpu.memory_space<vmem>>)
    %dma_wait3A_1194 = arith.constant 22 : i32
    %dma_wait3A_1195 = arith.constant 2816 : i32
    %dma_wait3A_1196 = tpu.memref_slice %arg15[%dma_wait3A_1195] : memref<8192xf32, #tpu.memory_space<vmem>> -> memref<128xf32, #tpu.memory_space<vmem>>
    %dma_wait3A_1197 = arith.constant 0 : i32
    %dma_wait3A_1198 = tpu.memref_slice %arg16[%dma_wait3A_1194, %dma_wait3A_1197] : memref<64x128xi32, #tpu.memory_space<vmem>> -> memref<1x128xi32, #tpu.memory_space<vmem>>
    %dma_wait3A_1199 = tpu.memref_squeeze %dma_wait3A_1198 : memref<1x128xi32, #tpu.memory_space<vmem>> -> memref<128xi32, #tpu.memory_space<vmem>>
    %dma_wait3A_1200 = arith.constant 0 : i32
    %dma_wait3A_1201 = tpu.memref_slice %arg18[%arg1, %dma_wait3A_1200] : memref<16x8192xf32, #tpu.memory_space<vmem_shared>> -> memref<1x8192xf32, #tpu.memory_space<vmem_shared>>
    %dma_wait3A_1202 = tpu.memref_squeeze %dma_wait3A_1201 : memref<1x8192xf32, #tpu.memory_space<vmem_shared>> -> memref<8192xf32, #tpu.memory_space<vmem_shared>>
    %dma_wait3A_1203 = arith.constant 0 : i32
    %dma_wait3A_1204 = tpu.memref_slice %dma_wait3A_1202[%dma_wait3A_1203] : memref<8192xf32, #tpu.memory_space<vmem_shared>> -> memref<8192xf32, #tpu.memory_space<vmem_shared>>
    tpu.wait_indirect_dma semaphore(%arg19 : memref<!tpu.dma_semaphore, #tpu.memory_space<semaphore_mem>>) src(%dma_wait3A_1204 : memref<8192xf32, #tpu.memory_space<vmem_shared>>) dst(%dma_wait3A_1196 : memref<128xf32, #tpu.memory_space<vmem>>)
    %dma_wait3A_1205 = arith.constant 23 : i32
    %dma_wait3A_1206 = arith.constant 2944 : i32
    %dma_wait3A_1207 = tpu.memref_slice %arg15[%dma_wait3A_1206] : memref<8192xf32, #tpu.memory_space<vmem>> -> memref<128xf32, #tpu.memory_space<vmem>>
    %dma_wait3A_1208 = arith.constant 0 : i32
    %dma_wait3A_1209 = tpu.memref_slice %arg16[%dma_wait3A_1205, %dma_wait3A_1208] : memref<64x128xi32, #tpu.memory_space<vmem>> -> memref<1x128xi32, #tpu.memory_space<vmem>>
    %dma_wait3A_1210 = tpu.memref_squeeze %dma_wait3A_1209 : memref<1x128xi32, #tpu.memory_space<vmem>> -> memref<128xi32, #tpu.memory_space<vmem>>
    %dma_wait3A_1211 = arith.constant 0 : i32
    %dma_wait3A_1212 = tpu.memref_slice %arg18[%arg1, %dma_wait3A_1211] : memref<16x8192xf32, #tpu.memory_space<vmem_shared>> -> memref<1x8192xf32, #tpu.memory_space<vmem_shared>>
    %dma_wait3A_1213 = tpu.memref_squeeze %dma_wait3A_1212 : memref<1x8192xf32, #tpu.memory_space<vmem_shared>> -> memref<8192xf32, #tpu.memory_space<vmem_shared>>
    %dma_wait3A_1214 = arith.constant 0 : i32
    %dma_wait3A_1215 = tpu.memref_slice %dma_wait3A_1213[%dma_wait3A_1214] : memref<8192xf32, #tpu.memory_space<vmem_shared>> -> memref<8192xf32, #tpu.memory_space<vmem_shared>>
    tpu.wait_indirect_dma semaphore(%arg19 : memref<!tpu.dma_semaphore, #tpu.memory_space<semaphore_mem>>) src(%dma_wait3A_1215 : memref<8192xf32, #tpu.memory_space<vmem_shared>>) dst(%dma_wait3A_1207 : memref<128xf32, #tpu.memory_space<vmem>>)
    %dma_wait3A_1216 = arith.constant 24 : i32
    %dma_wait3A_1217 = arith.constant 3072 : i32
    %dma_wait3A_1218 = tpu.memref_slice %arg15[%dma_wait3A_1217] : memref<8192xf32, #tpu.memory_space<vmem>> -> memref<128xf32, #tpu.memory_space<vmem>>
    %dma_wait3A_1219 = arith.constant 0 : i32
    %dma_wait3A_1220 = tpu.memref_slice %arg16[%dma_wait3A_1216, %dma_wait3A_1219] : memref<64x128xi32, #tpu.memory_space<vmem>> -> memref<1x128xi32, #tpu.memory_space<vmem>>
    %dma_wait3A_1221 = tpu.memref_squeeze %dma_wait3A_1220 : memref<1x128xi32, #tpu.memory_space<vmem>> -> memref<128xi32, #tpu.memory_space<vmem>>
    %dma_wait3A_1222 = arith.constant 0 : i32
    %dma_wait3A_1223 = tpu.memref_slice %arg18[%arg1, %dma_wait3A_1222] : memref<16x8192xf32, #tpu.memory_space<vmem_shared>> -> memref<1x8192xf32, #tpu.memory_space<vmem_shared>>
    %dma_wait3A_1224 = tpu.memref_squeeze %dma_wait3A_1223 : memref<1x8192xf32, #tpu.memory_space<vmem_shared>> -> memref<8192xf32, #tpu.memory_space<vmem_shared>>
    %dma_wait3A_1225 = arith.constant 0 : i32
    %dma_wait3A_1226 = tpu.memref_slice %dma_wait3A_1224[%dma_wait3A_1225] : memref<8192xf32, #tpu.memory_space<vmem_shared>> -> memref<8192xf32, #tpu.memory_space<vmem_shared>>
    tpu.wait_indirect_dma semaphore(%arg19 : memref<!tpu.dma_semaphore, #tpu.memory_space<semaphore_mem>>) src(%dma_wait3A_1226 : memref<8192xf32, #tpu.memory_space<vmem_shared>>) dst(%dma_wait3A_1218 : memref<128xf32, #tpu.memory_space<vmem>>)
    %dma_wait3A_1227 = arith.constant 25 : i32
    %dma_wait3A_1228 = arith.constant 3200 : i32
    %dma_wait3A_1229 = tpu.memref_slice %arg15[%dma_wait3A_1228] : memref<8192xf32, #tpu.memory_space<vmem>> -> memref<128xf32, #tpu.memory_space<vmem>>
    %dma_wait3A_1230 = arith.constant 0 : i32
    %dma_wait3A_1231 = tpu.memref_slice %arg16[%dma_wait3A_1227, %dma_wait3A_1230] : memref<64x128xi32, #tpu.memory_space<vmem>> -> memref<1x128xi32, #tpu.memory_space<vmem>>
    %dma_wait3A_1232 = tpu.memref_squeeze %dma_wait3A_1231 : memref<1x128xi32, #tpu.memory_space<vmem>> -> memref<128xi32, #tpu.memory_space<vmem>>
    %dma_wait3A_1233 = arith.constant 0 : i32
    %dma_wait3A_1234 = tpu.memref_slice %arg18[%arg1, %dma_wait3A_1233] : memref<16x8192xf32, #tpu.memory_space<vmem_shared>> -> memref<1x8192xf32, #tpu.memory_space<vmem_shared>>
    %dma_wait3A_1235 = tpu.memref_squeeze %dma_wait3A_1234 : memref<1x8192xf32, #tpu.memory_space<vmem_shared>> -> memref<8192xf32, #tpu.memory_space<vmem_shared>>
    %dma_wait3A_1236 = arith.constant 0 : i32
    %dma_wait3A_1237 = tpu.memref_slice %dma_wait3A_1235[%dma_wait3A_1236] : memref<8192xf32, #tpu.memory_space<vmem_shared>> -> memref<8192xf32, #tpu.memory_space<vmem_shared>>
    tpu.wait_indirect_dma semaphore(%arg19 : memref<!tpu.dma_semaphore, #tpu.memory_space<semaphore_mem>>) src(%dma_wait3A_1237 : memref<8192xf32, #tpu.memory_space<vmem_shared>>) dst(%dma_wait3A_1229 : memref<128xf32, #tpu.memory_space<vmem>>)
    %dma_wait3A_1238 = arith.constant 26 : i32
    %dma_wait3A_1239 = arith.constant 3328 : i32
    %dma_wait3A_1240 = tpu.memref_slice %arg15[%dma_wait3A_1239] : memref<8192xf32, #tpu.memory_space<vmem>> -> memref<128xf32, #tpu.memory_space<vmem>>
    %dma_wait3A_1241 = arith.constant 0 : i32
    %dma_wait3A_1242 = tpu.memref_slice %arg16[%dma_wait3A_1238, %dma_wait3A_1241] : memref<64x128xi32, #tpu.memory_space<vmem>> -> memref<1x128xi32, #tpu.memory_space<vmem>>
    %dma_wait3A_1243 = tpu.memref_squeeze %dma_wait3A_1242 : memref<1x128xi32, #tpu.memory_space<vmem>> -> memref<128xi32, #tpu.memory_space<vmem>>
    %dma_wait3A_1244 = arith.constant 0 : i32
    %dma_wait3A_1245 = tpu.memref_slice %arg18[%arg1, %dma_wait3A_1244] : memref<16x8192xf32, #tpu.memory_space<vmem_shared>> -> memref<1x8192xf32, #tpu.memory_space<vmem_shared>>
    %dma_wait3A_1246 = tpu.memref_squeeze %dma_wait3A_1245 : memref<1x8192xf32, #tpu.memory_space<vmem_shared>> -> memref<8192xf32, #tpu.memory_space<vmem_shared>>
    %dma_wait3A_1247 = arith.constant 0 : i32
    %dma_wait3A_1248 = tpu.memref_slice %dma_wait3A_1246[%dma_wait3A_1247] : memref<8192xf32, #tpu.memory_space<vmem_shared>> -> memref<8192xf32, #tpu.memory_space<vmem_shared>>
    tpu.wait_indirect_dma semaphore(%arg19 : memref<!tpu.dma_semaphore, #tpu.memory_space<semaphore_mem>>) src(%dma_wait3A_1248 : memref<8192xf32, #tpu.memory_space<vmem_shared>>) dst(%dma_wait3A_1240 : memref<128xf32, #tpu.memory_space<vmem>>)
    %dma_wait3A_1249 = arith.constant 27 : i32
    %dma_wait3A_1250 = arith.constant 3456 : i32
    %dma_wait3A_1251 = tpu.memref_slice %arg15[%dma_wait3A_1250] : memref<8192xf32, #tpu.memory_space<vmem>> -> memref<128xf32, #tpu.memory_space<vmem>>
    %dma_wait3A_1252 = arith.constant 0 : i32
    %dma_wait3A_1253 = tpu.memref_slice %arg16[%dma_wait3A_1249, %dma_wait3A_1252] : memref<64x128xi32, #tpu.memory_space<vmem>> -> memref<1x128xi32, #tpu.memory_space<vmem>>
    %dma_wait3A_1254 = tpu.memref_squeeze %dma_wait3A_1253 : memref<1x128xi32, #tpu.memory_space<vmem>> -> memref<128xi32, #tpu.memory_space<vmem>>
    %dma_wait3A_1255 = arith.constant 0 : i32
    %dma_wait3A_1256 = tpu.memref_slice %arg18[%arg1, %dma_wait3A_1255] : memref<16x8192xf32, #tpu.memory_space<vmem_shared>> -> memref<1x8192xf32, #tpu.memory_space<vmem_shared>>
    %dma_wait3A_1257 = tpu.memref_squeeze %dma_wait3A_1256 : memref<1x8192xf32, #tpu.memory_space<vmem_shared>> -> memref<8192xf32, #tpu.memory_space<vmem_shared>>
    %dma_wait3A_1258 = arith.constant 0 : i32
    %dma_wait3A_1259 = tpu.memref_slice %dma_wait3A_1257[%dma_wait3A_1258] : memref<8192xf32, #tpu.memory_space<vmem_shared>> -> memref<8192xf32, #tpu.memory_space<vmem_shared>>
    tpu.wait_indirect_dma semaphore(%arg19 : memref<!tpu.dma_semaphore, #tpu.memory_space<semaphore_mem>>) src(%dma_wait3A_1259 : memref<8192xf32, #tpu.memory_space<vmem_shared>>) dst(%dma_wait3A_1251 : memref<128xf32, #tpu.memory_space<vmem>>)
    %dma_wait3A_1260 = arith.constant 28 : i32
    %dma_wait3A_1261 = arith.constant 3584 : i32
    %dma_wait3A_1262 = tpu.memref_slice %arg15[%dma_wait3A_1261] : memref<8192xf32, #tpu.memory_space<vmem>> -> memref<128xf32, #tpu.memory_space<vmem>>
    %dma_wait3A_1263 = arith.constant 0 : i32
    %dma_wait3A_1264 = tpu.memref_slice %arg16[%dma_wait3A_1260, %dma_wait3A_1263] : memref<64x128xi32, #tpu.memory_space<vmem>> -> memref<1x128xi32, #tpu.memory_space<vmem>>
    %dma_wait3A_1265 = tpu.memref_squeeze %dma_wait3A_1264 : memref<1x128xi32, #tpu.memory_space<vmem>> -> memref<128xi32, #tpu.memory_space<vmem>>
    %dma_wait3A_1266 = arith.constant 0 : i32
    %dma_wait3A_1267 = tpu.memref_slice %arg18[%arg1, %dma_wait3A_1266] : memref<16x8192xf32, #tpu.memory_space<vmem_shared>> -> memref<1x8192xf32, #tpu.memory_space<vmem_shared>>
    %dma_wait3A_1268 = tpu.memref_squeeze %dma_wait3A_1267 : memref<1x8192xf32, #tpu.memory_space<vmem_shared>> -> memref<8192xf32, #tpu.memory_space<vmem_shared>>
    %dma_wait3A_1269 = arith.constant 0 : i32
    %dma_wait3A_1270 = tpu.memref_slice %dma_wait3A_1268[%dma_wait3A_1269] : memref<8192xf32, #tpu.memory_space<vmem_shared>> -> memref<8192xf32, #tpu.memory_space<vmem_shared>>
    tpu.wait_indirect_dma semaphore(%arg19 : memref<!tpu.dma_semaphore, #tpu.memory_space<semaphore_mem>>) src(%dma_wait3A_1270 : memref<8192xf32, #tpu.memory_space<vmem_shared>>) dst(%dma_wait3A_1262 : memref<128xf32, #tpu.memory_space<vmem>>)
    %dma_wait3A_1271 = arith.constant 29 : i32
    %dma_wait3A_1272 = arith.constant 3712 : i32
    %dma_wait3A_1273 = tpu.memref_slice %arg15[%dma_wait3A_1272] : memref<8192xf32, #tpu.memory_space<vmem>> -> memref<128xf32, #tpu.memory_space<vmem>>
    %dma_wait3A_1274 = arith.constant 0 : i32
    %dma_wait3A_1275 = tpu.memref_slice %arg16[%dma_wait3A_1271, %dma_wait3A_1274] : memref<64x128xi32, #tpu.memory_space<vmem>> -> memref<1x128xi32, #tpu.memory_space<vmem>>
    %dma_wait3A_1276 = tpu.memref_squeeze %dma_wait3A_1275 : memref<1x128xi32, #tpu.memory_space<vmem>> -> memref<128xi32, #tpu.memory_space<vmem>>
    %dma_wait3A_1277 = arith.constant 0 : i32
    %dma_wait3A_1278 = tpu.memref_slice %arg18[%arg1, %dma_wait3A_1277] : memref<16x8192xf32, #tpu.memory_space<vmem_shared>> -> memref<1x8192xf32, #tpu.memory_space<vmem_shared>>
    %dma_wait3A_1279 = tpu.memref_squeeze %dma_wait3A_1278 : memref<1x8192xf32, #tpu.memory_space<vmem_shared>> -> memref<8192xf32, #tpu.memory_space<vmem_shared>>
    %dma_wait3A_1280 = arith.constant 0 : i32
    %dma_wait3A_1281 = tpu.memref_slice %dma_wait3A_1279[%dma_wait3A_1280] : memref<8192xf32, #tpu.memory_space<vmem_shared>> -> memref<8192xf32, #tpu.memory_space<vmem_shared>>
    tpu.wait_indirect_dma semaphore(%arg19 : memref<!tpu.dma_semaphore, #tpu.memory_space<semaphore_mem>>) src(%dma_wait3A_1281 : memref<8192xf32, #tpu.memory_space<vmem_shared>>) dst(%dma_wait3A_1273 : memref<128xf32, #tpu.memory_space<vmem>>)
    %dma_wait3A_1282 = arith.constant 30 : i32
    %dma_wait3A_1283 = arith.constant 3840 : i32
    %dma_wait3A_1284 = tpu.memref_slice %arg15[%dma_wait3A_1283] : memref<8192xf32, #tpu.memory_space<vmem>> -> memref<128xf32, #tpu.memory_space<vmem>>
    %dma_wait3A_1285 = arith.constant 0 : i32
    %dma_wait3A_1286 = tpu.memref_slice %arg16[%dma_wait3A_1282, %dma_wait3A_1285] : memref<64x128xi32, #tpu.memory_space<vmem>> -> memref<1x128xi32, #tpu.memory_space<vmem>>
    %dma_wait3A_1287 = tpu.memref_squeeze %dma_wait3A_1286 : memref<1x128xi32, #tpu.memory_space<vmem>> -> memref<128xi32, #tpu.memory_space<vmem>>
    %dma_wait3A_1288 = arith.constant 0 : i32
    %dma_wait3A_1289 = tpu.memref_slice %arg18[%arg1, %dma_wait3A_1288] : memref<16x8192xf32, #tpu.memory_space<vmem_shared>> -> memref<1x8192xf32, #tpu.memory_space<vmem_shared>>
    %dma_wait3A_1290 = tpu.memref_squeeze %dma_wait3A_1289 : memref<1x8192xf32, #tpu.memory_space<vmem_shared>> -> memref<8192xf32, #tpu.memory_space<vmem_shared>>
    %dma_wait3A_1291 = arith.constant 0 : i32
    %dma_wait3A_1292 = tpu.memref_slice %dma_wait3A_1290[%dma_wait3A_1291] : memref<8192xf32, #tpu.memory_space<vmem_shared>> -> memref<8192xf32, #tpu.memory_space<vmem_shared>>
    tpu.wait_indirect_dma semaphore(%arg19 : memref<!tpu.dma_semaphore, #tpu.memory_space<semaphore_mem>>) src(%dma_wait3A_1292 : memref<8192xf32, #tpu.memory_space<vmem_shared>>) dst(%dma_wait3A_1284 : memref<128xf32, #tpu.memory_space<vmem>>)
    %dma_wait3A_1293 = arith.constant 31 : i32
    %dma_wait3A_1294 = arith.constant 3968 : i32
    %dma_wait3A_1295 = tpu.memref_slice %arg15[%dma_wait3A_1294] : memref<8192xf32, #tpu.memory_space<vmem>> -> memref<128xf32, #tpu.memory_space<vmem>>
    %dma_wait3A_1296 = arith.constant 0 : i32
    %dma_wait3A_1297 = tpu.memref_slice %arg16[%dma_wait3A_1293, %dma_wait3A_1296] : memref<64x128xi32, #tpu.memory_space<vmem>> -> memref<1x128xi32, #tpu.memory_space<vmem>>
    %dma_wait3A_1298 = tpu.memref_squeeze %dma_wait3A_1297 : memref<1x128xi32, #tpu.memory_space<vmem>> -> memref<128xi32, #tpu.memory_space<vmem>>
    %dma_wait3A_1299 = arith.constant 0 : i32
    %dma_wait3A_1300 = tpu.memref_slice %arg18[%arg1, %dma_wait3A_1299] : memref<16x8192xf32, #tpu.memory_space<vmem_shared>> -> memref<1x8192xf32, #tpu.memory_space<vmem_shared>>
    %dma_wait3A_1301 = tpu.memref_squeeze %dma_wait3A_1300 : memref<1x8192xf32, #tpu.memory_space<vmem_shared>> -> memref<8192xf32, #tpu.memory_space<vmem_shared>>
    %dma_wait3A_1302 = arith.constant 0 : i32
    %dma_wait3A_1303 = tpu.memref_slice %dma_wait3A_1301[%dma_wait3A_1302] : memref<8192xf32, #tpu.memory_space<vmem_shared>> -> memref<8192xf32, #tpu.memory_space<vmem_shared>>
    tpu.wait_indirect_dma semaphore(%arg19 : memref<!tpu.dma_semaphore, #tpu.memory_space<semaphore_mem>>) src(%dma_wait3A_1303 : memref<8192xf32, #tpu.memory_space<vmem_shared>>) dst(%dma_wait3A_1295 : memref<128xf32, #tpu.memory_space<vmem>>)
    %dma_wait3A_1304 = arith.constant 32 : i32
    %dma_wait3A_1305 = arith.constant 4096 : i32
    %dma_wait3A_1306 = tpu.memref_slice %arg15[%dma_wait3A_1305] : memref<8192xf32, #tpu.memory_space<vmem>> -> memref<128xf32, #tpu.memory_space<vmem>>
    %dma_wait3A_1307 = arith.constant 0 : i32
    %dma_wait3A_1308 = tpu.memref_slice %arg16[%dma_wait3A_1304, %dma_wait3A_1307] : memref<64x128xi32, #tpu.memory_space<vmem>> -> memref<1x128xi32, #tpu.memory_space<vmem>>
    %dma_wait3A_1309 = tpu.memref_squeeze %dma_wait3A_1308 : memref<1x128xi32, #tpu.memory_space<vmem>> -> memref<128xi32, #tpu.memory_space<vmem>>
    %dma_wait3A_1310 = arith.constant 0 : i32
    %dma_wait3A_1311 = tpu.memref_slice %arg18[%arg1, %dma_wait3A_1310] : memref<16x8192xf32, #tpu.memory_space<vmem_shared>> -> memref<1x8192xf32, #tpu.memory_space<vmem_shared>>
    %dma_wait3A_1312 = tpu.memref_squeeze %dma_wait3A_1311 : memref<1x8192xf32, #tpu.memory_space<vmem_shared>> -> memref<8192xf32, #tpu.memory_space<vmem_shared>>
    %dma_wait3A_1313 = arith.constant 0 : i32
    %dma_wait3A_1314 = tpu.memref_slice %dma_wait3A_1312[%dma_wait3A_1313] : memref<8192xf32, #tpu.memory_space<vmem_shared>> -> memref<8192xf32, #tpu.memory_space<vmem_shared>>
    tpu.wait_indirect_dma semaphore(%arg19 : memref<!tpu.dma_semaphore, #tpu.memory_space<semaphore_mem>>) src(%dma_wait3A_1314 : memref<8192xf32, #tpu.memory_space<vmem_shared>>) dst(%dma_wait3A_1306 : memref<128xf32, #tpu.memory_space<vmem>>)
    %dma_wait3A_1315 = arith.constant 33 : i32
    %dma_wait3A_1316 = arith.constant 4224 : i32
    %dma_wait3A_1317 = tpu.memref_slice %arg15[%dma_wait3A_1316] : memref<8192xf32, #tpu.memory_space<vmem>> -> memref<128xf32, #tpu.memory_space<vmem>>
    %dma_wait3A_1318 = arith.constant 0 : i32
    %dma_wait3A_1319 = tpu.memref_slice %arg16[%dma_wait3A_1315, %dma_wait3A_1318] : memref<64x128xi32, #tpu.memory_space<vmem>> -> memref<1x128xi32, #tpu.memory_space<vmem>>
    %dma_wait3A_1320 = tpu.memref_squeeze %dma_wait3A_1319 : memref<1x128xi32, #tpu.memory_space<vmem>> -> memref<128xi32, #tpu.memory_space<vmem>>
    %dma_wait3A_1321 = arith.constant 0 : i32
    %dma_wait3A_1322 = tpu.memref_slice %arg18[%arg1, %dma_wait3A_1321] : memref<16x8192xf32, #tpu.memory_space<vmem_shared>> -> memref<1x8192xf32, #tpu.memory_space<vmem_shared>>
    %dma_wait3A_1323 = tpu.memref_squeeze %dma_wait3A_1322 : memref<1x8192xf32, #tpu.memory_space<vmem_shared>> -> memref<8192xf32, #tpu.memory_space<vmem_shared>>
    %dma_wait3A_1324 = arith.constant 0 : i32
    %dma_wait3A_1325 = tpu.memref_slice %dma_wait3A_1323[%dma_wait3A_1324] : memref<8192xf32, #tpu.memory_space<vmem_shared>> -> memref<8192xf32, #tpu.memory_space<vmem_shared>>
    tpu.wait_indirect_dma semaphore(%arg19 : memref<!tpu.dma_semaphore, #tpu.memory_space<semaphore_mem>>) src(%dma_wait3A_1325 : memref<8192xf32, #tpu.memory_space<vmem_shared>>) dst(%dma_wait3A_1317 : memref<128xf32, #tpu.memory_space<vmem>>)
    %dma_wait3A_1326 = arith.constant 34 : i32
    %dma_wait3A_1327 = arith.constant 4352 : i32
    %dma_wait3A_1328 = tpu.memref_slice %arg15[%dma_wait3A_1327] : memref<8192xf32, #tpu.memory_space<vmem>> -> memref<128xf32, #tpu.memory_space<vmem>>
    %dma_wait3A_1329 = arith.constant 0 : i32
    %dma_wait3A_1330 = tpu.memref_slice %arg16[%dma_wait3A_1326, %dma_wait3A_1329] : memref<64x128xi32, #tpu.memory_space<vmem>> -> memref<1x128xi32, #tpu.memory_space<vmem>>
    %dma_wait3A_1331 = tpu.memref_squeeze %dma_wait3A_1330 : memref<1x128xi32, #tpu.memory_space<vmem>> -> memref<128xi32, #tpu.memory_space<vmem>>
    %dma_wait3A_1332 = arith.constant 0 : i32
    %dma_wait3A_1333 = tpu.memref_slice %arg18[%arg1, %dma_wait3A_1332] : memref<16x8192xf32, #tpu.memory_space<vmem_shared>> -> memref<1x8192xf32, #tpu.memory_space<vmem_shared>>
    %dma_wait3A_1334 = tpu.memref_squeeze %dma_wait3A_1333 : memref<1x8192xf32, #tpu.memory_space<vmem_shared>> -> memref<8192xf32, #tpu.memory_space<vmem_shared>>
    %dma_wait3A_1335 = arith.constant 0 : i32
    %dma_wait3A_1336 = tpu.memref_slice %dma_wait3A_1334[%dma_wait3A_1335] : memref<8192xf32, #tpu.memory_space<vmem_shared>> -> memref<8192xf32, #tpu.memory_space<vmem_shared>>
    tpu.wait_indirect_dma semaphore(%arg19 : memref<!tpu.dma_semaphore, #tpu.memory_space<semaphore_mem>>) src(%dma_wait3A_1336 : memref<8192xf32, #tpu.memory_space<vmem_shared>>) dst(%dma_wait3A_1328 : memref<128xf32, #tpu.memory_space<vmem>>)
    %dma_wait3A_1337 = arith.constant 35 : i32
    %dma_wait3A_1338 = arith.constant 4480 : i32
    %dma_wait3A_1339 = tpu.memref_slice %arg15[%dma_wait3A_1338] : memref<8192xf32, #tpu.memory_space<vmem>> -> memref<128xf32, #tpu.memory_space<vmem>>
    %dma_wait3A_1340 = arith.constant 0 : i32
    %dma_wait3A_1341 = tpu.memref_slice %arg16[%dma_wait3A_1337, %dma_wait3A_1340] : memref<64x128xi32, #tpu.memory_space<vmem>> -> memref<1x128xi32, #tpu.memory_space<vmem>>
    %dma_wait3A_1342 = tpu.memref_squeeze %dma_wait3A_1341 : memref<1x128xi32, #tpu.memory_space<vmem>> -> memref<128xi32, #tpu.memory_space<vmem>>
    %dma_wait3A_1343 = arith.constant 0 : i32
    %dma_wait3A_1344 = tpu.memref_slice %arg18[%arg1, %dma_wait3A_1343] : memref<16x8192xf32, #tpu.memory_space<vmem_shared>> -> memref<1x8192xf32, #tpu.memory_space<vmem_shared>>
    %dma_wait3A_1345 = tpu.memref_squeeze %dma_wait3A_1344 : memref<1x8192xf32, #tpu.memory_space<vmem_shared>> -> memref<8192xf32, #tpu.memory_space<vmem_shared>>
    %dma_wait3A_1346 = arith.constant 0 : i32
    %dma_wait3A_1347 = tpu.memref_slice %dma_wait3A_1345[%dma_wait3A_1346] : memref<8192xf32, #tpu.memory_space<vmem_shared>> -> memref<8192xf32, #tpu.memory_space<vmem_shared>>
    tpu.wait_indirect_dma semaphore(%arg19 : memref<!tpu.dma_semaphore, #tpu.memory_space<semaphore_mem>>) src(%dma_wait3A_1347 : memref<8192xf32, #tpu.memory_space<vmem_shared>>) dst(%dma_wait3A_1339 : memref<128xf32, #tpu.memory_space<vmem>>)
    %dma_wait3A_1348 = arith.constant 36 : i32
    %dma_wait3A_1349 = arith.constant 4608 : i32
    %dma_wait3A_1350 = tpu.memref_slice %arg15[%dma_wait3A_1349] : memref<8192xf32, #tpu.memory_space<vmem>> -> memref<128xf32, #tpu.memory_space<vmem>>
    %dma_wait3A_1351 = arith.constant 0 : i32
    %dma_wait3A_1352 = tpu.memref_slice %arg16[%dma_wait3A_1348, %dma_wait3A_1351] : memref<64x128xi32, #tpu.memory_space<vmem>> -> memref<1x128xi32, #tpu.memory_space<vmem>>
    %dma_wait3A_1353 = tpu.memref_squeeze %dma_wait3A_1352 : memref<1x128xi32, #tpu.memory_space<vmem>> -> memref<128xi32, #tpu.memory_space<vmem>>
    %dma_wait3A_1354 = arith.constant 0 : i32
    %dma_wait3A_1355 = tpu.memref_slice %arg18[%arg1, %dma_wait3A_1354] : memref<16x8192xf32, #tpu.memory_space<vmem_shared>> -> memref<1x8192xf32, #tpu.memory_space<vmem_shared>>
    %dma_wait3A_1356 = tpu.memref_squeeze %dma_wait3A_1355 : memref<1x8192xf32, #tpu.memory_space<vmem_shared>> -> memref<8192xf32, #tpu.memory_space<vmem_shared>>
    %dma_wait3A_1357 = arith.constant 0 : i32
    %dma_wait3A_1358 = tpu.memref_slice %dma_wait3A_1356[%dma_wait3A_1357] : memref<8192xf32, #tpu.memory_space<vmem_shared>> -> memref<8192xf32, #tpu.memory_space<vmem_shared>>
    tpu.wait_indirect_dma semaphore(%arg19 : memref<!tpu.dma_semaphore, #tpu.memory_space<semaphore_mem>>) src(%dma_wait3A_1358 : memref<8192xf32, #tpu.memory_space<vmem_shared>>) dst(%dma_wait3A_1350 : memref<128xf32, #tpu.memory_space<vmem>>)
    %dma_wait3A_1359 = arith.constant 37 : i32
    %dma_wait3A_1360 = arith.constant 4736 : i32
    %dma_wait3A_1361 = tpu.memref_slice %arg15[%dma_wait3A_1360] : memref<8192xf32, #tpu.memory_space<vmem>> -> memref<128xf32, #tpu.memory_space<vmem>>
    %dma_wait3A_1362 = arith.constant 0 : i32
    %dma_wait3A_1363 = tpu.memref_slice %arg16[%dma_wait3A_1359, %dma_wait3A_1362] : memref<64x128xi32, #tpu.memory_space<vmem>> -> memref<1x128xi32, #tpu.memory_space<vmem>>
    %dma_wait3A_1364 = tpu.memref_squeeze %dma_wait3A_1363 : memref<1x128xi32, #tpu.memory_space<vmem>> -> memref<128xi32, #tpu.memory_space<vmem>>
    %dma_wait3A_1365 = arith.constant 0 : i32
    %dma_wait3A_1366 = tpu.memref_slice %arg18[%arg1, %dma_wait3A_1365] : memref<16x8192xf32, #tpu.memory_space<vmem_shared>> -> memref<1x8192xf32, #tpu.memory_space<vmem_shared>>
    %dma_wait3A_1367 = tpu.memref_squeeze %dma_wait3A_1366 : memref<1x8192xf32, #tpu.memory_space<vmem_shared>> -> memref<8192xf32, #tpu.memory_space<vmem_shared>>
    %dma_wait3A_1368 = arith.constant 0 : i32
    %dma_wait3A_1369 = tpu.memref_slice %dma_wait3A_1367[%dma_wait3A_1368] : memref<8192xf32, #tpu.memory_space<vmem_shared>> -> memref<8192xf32, #tpu.memory_space<vmem_shared>>
    tpu.wait_indirect_dma semaphore(%arg19 : memref<!tpu.dma_semaphore, #tpu.memory_space<semaphore_mem>>) src(%dma_wait3A_1369 : memref<8192xf32, #tpu.memory_space<vmem_shared>>) dst(%dma_wait3A_1361 : memref<128xf32, #tpu.memory_space<vmem>>)
    %dma_wait3A_1370 = arith.constant 38 : i32
    %dma_wait3A_1371 = arith.constant 4864 : i32
    %dma_wait3A_1372 = tpu.memref_slice %arg15[%dma_wait3A_1371] : memref<8192xf32, #tpu.memory_space<vmem>> -> memref<128xf32, #tpu.memory_space<vmem>>
    %dma_wait3A_1373 = arith.constant 0 : i32
    %dma_wait3A_1374 = tpu.memref_slice %arg16[%dma_wait3A_1370, %dma_wait3A_1373] : memref<64x128xi32, #tpu.memory_space<vmem>> -> memref<1x128xi32, #tpu.memory_space<vmem>>
    %dma_wait3A_1375 = tpu.memref_squeeze %dma_wait3A_1374 : memref<1x128xi32, #tpu.memory_space<vmem>> -> memref<128xi32, #tpu.memory_space<vmem>>
    %dma_wait3A_1376 = arith.constant 0 : i32
    %dma_wait3A_1377 = tpu.memref_slice %arg18[%arg1, %dma_wait3A_1376] : memref<16x8192xf32, #tpu.memory_space<vmem_shared>> -> memref<1x8192xf32, #tpu.memory_space<vmem_shared>>
    %dma_wait3A_1378 = tpu.memref_squeeze %dma_wait3A_1377 : memref<1x8192xf32, #tpu.memory_space<vmem_shared>> -> memref<8192xf32, #tpu.memory_space<vmem_shared>>
    %dma_wait3A_1379 = arith.constant 0 : i32
    %dma_wait3A_1380 = tpu.memref_slice %dma_wait3A_1378[%dma_wait3A_1379] : memref<8192xf32, #tpu.memory_space<vmem_shared>> -> memref<8192xf32, #tpu.memory_space<vmem_shared>>
    tpu.wait_indirect_dma semaphore(%arg19 : memref<!tpu.dma_semaphore, #tpu.memory_space<semaphore_mem>>) src(%dma_wait3A_1380 : memref<8192xf32, #tpu.memory_space<vmem_shared>>) dst(%dma_wait3A_1372 : memref<128xf32, #tpu.memory_space<vmem>>)
    %dma_wait3A_1381 = arith.constant 39 : i32
    %dma_wait3A_1382 = arith.constant 4992 : i32
    %dma_wait3A_1383 = tpu.memref_slice %arg15[%dma_wait3A_1382] : memref<8192xf32, #tpu.memory_space<vmem>> -> memref<128xf32, #tpu.memory_space<vmem>>
    %dma_wait3A_1384 = arith.constant 0 : i32
    %dma_wait3A_1385 = tpu.memref_slice %arg16[%dma_wait3A_1381, %dma_wait3A_1384] : memref<64x128xi32, #tpu.memory_space<vmem>> -> memref<1x128xi32, #tpu.memory_space<vmem>>
    %dma_wait3A_1386 = tpu.memref_squeeze %dma_wait3A_1385 : memref<1x128xi32, #tpu.memory_space<vmem>> -> memref<128xi32, #tpu.memory_space<vmem>>
    %dma_wait3A_1387 = arith.constant 0 : i32
    %dma_wait3A_1388 = tpu.memref_slice %arg18[%arg1, %dma_wait3A_1387] : memref<16x8192xf32, #tpu.memory_space<vmem_shared>> -> memref<1x8192xf32, #tpu.memory_space<vmem_shared>>
    %dma_wait3A_1389 = tpu.memref_squeeze %dma_wait3A_1388 : memref<1x8192xf32, #tpu.memory_space<vmem_shared>> -> memref<8192xf32, #tpu.memory_space<vmem_shared>>
    %dma_wait3A_1390 = arith.constant 0 : i32
    %dma_wait3A_1391 = tpu.memref_slice %dma_wait3A_1389[%dma_wait3A_1390] : memref<8192xf32, #tpu.memory_space<vmem_shared>> -> memref<8192xf32, #tpu.memory_space<vmem_shared>>
    tpu.wait_indirect_dma semaphore(%arg19 : memref<!tpu.dma_semaphore, #tpu.memory_space<semaphore_mem>>) src(%dma_wait3A_1391 : memref<8192xf32, #tpu.memory_space<vmem_shared>>) dst(%dma_wait3A_1383 : memref<128xf32, #tpu.memory_space<vmem>>)
    %dma_wait3A_1392 = arith.constant 40 : i32
    %dma_wait3A_1393 = arith.constant 5120 : i32
    %dma_wait3A_1394 = tpu.memref_slice %arg15[%dma_wait3A_1393] : memref<8192xf32, #tpu.memory_space<vmem>> -> memref<128xf32, #tpu.memory_space<vmem>>
    %dma_wait3A_1395 = arith.constant 0 : i32
    %dma_wait3A_1396 = tpu.memref_slice %arg16[%dma_wait3A_1392, %dma_wait3A_1395] : memref<64x128xi32, #tpu.memory_space<vmem>> -> memref<1x128xi32, #tpu.memory_space<vmem>>
    %dma_wait3A_1397 = tpu.memref_squeeze %dma_wait3A_1396 : memref<1x128xi32, #tpu.memory_space<vmem>> -> memref<128xi32, #tpu.memory_space<vmem>>
    %dma_wait3A_1398 = arith.constant 0 : i32
    %dma_wait3A_1399 = tpu.memref_slice %arg18[%arg1, %dma_wait3A_1398] : memref<16x8192xf32, #tpu.memory_space<vmem_shared>> -> memref<1x8192xf32, #tpu.memory_space<vmem_shared>>
    %dma_wait3A_1400 = tpu.memref_squeeze %dma_wait3A_1399 : memref<1x8192xf32, #tpu.memory_space<vmem_shared>> -> memref<8192xf32, #tpu.memory_space<vmem_shared>>
    %dma_wait3A_1401 = arith.constant 0 : i32
    %dma_wait3A_1402 = tpu.memref_slice %dma_wait3A_1400[%dma_wait3A_1401] : memref<8192xf32, #tpu.memory_space<vmem_shared>> -> memref<8192xf32, #tpu.memory_space<vmem_shared>>
    tpu.wait_indirect_dma semaphore(%arg19 : memref<!tpu.dma_semaphore, #tpu.memory_space<semaphore_mem>>) src(%dma_wait3A_1402 : memref<8192xf32, #tpu.memory_space<vmem_shared>>) dst(%dma_wait3A_1394 : memref<128xf32, #tpu.memory_space<vmem>>)
    %dma_wait3A_1403 = arith.constant 41 : i32
    %dma_wait3A_1404 = arith.constant 5248 : i32
    %dma_wait3A_1405 = tpu.memref_slice %arg15[%dma_wait3A_1404] : memref<8192xf32, #tpu.memory_space<vmem>> -> memref<128xf32, #tpu.memory_space<vmem>>
    %dma_wait3A_1406 = arith.constant 0 : i32
    %dma_wait3A_1407 = tpu.memref_slice %arg16[%dma_wait3A_1403, %dma_wait3A_1406] : memref<64x128xi32, #tpu.memory_space<vmem>> -> memref<1x128xi32, #tpu.memory_space<vmem>>
    %dma_wait3A_1408 = tpu.memref_squeeze %dma_wait3A_1407 : memref<1x128xi32, #tpu.memory_space<vmem>> -> memref<128xi32, #tpu.memory_space<vmem>>
    %dma_wait3A_1409 = arith.constant 0 : i32
    %dma_wait3A_1410 = tpu.memref_slice %arg18[%arg1, %dma_wait3A_1409] : memref<16x8192xf32, #tpu.memory_space<vmem_shared>> -> memref<1x8192xf32, #tpu.memory_space<vmem_shared>>
    %dma_wait3A_1411 = tpu.memref_squeeze %dma_wait3A_1410 : memref<1x8192xf32, #tpu.memory_space<vmem_shared>> -> memref<8192xf32, #tpu.memory_space<vmem_shared>>
    %dma_wait3A_1412 = arith.constant 0 : i32
    %dma_wait3A_1413 = tpu.memref_slice %dma_wait3A_1411[%dma_wait3A_1412] : memref<8192xf32, #tpu.memory_space<vmem_shared>> -> memref<8192xf32, #tpu.memory_space<vmem_shared>>
    tpu.wait_indirect_dma semaphore(%arg19 : memref<!tpu.dma_semaphore, #tpu.memory_space<semaphore_mem>>) src(%dma_wait3A_1413 : memref<8192xf32, #tpu.memory_space<vmem_shared>>) dst(%dma_wait3A_1405 : memref<128xf32, #tpu.memory_space<vmem>>)
    %dma_wait3A_1414 = arith.constant 42 : i32
    %dma_wait3A_1415 = arith.constant 5376 : i32
    %dma_wait3A_1416 = tpu.memref_slice %arg15[%dma_wait3A_1415] : memref<8192xf32, #tpu.memory_space<vmem>> -> memref<128xf32, #tpu.memory_space<vmem>>
    %dma_wait3A_1417 = arith.constant 0 : i32
    %dma_wait3A_1418 = tpu.memref_slice %arg16[%dma_wait3A_1414, %dma_wait3A_1417] : memref<64x128xi32, #tpu.memory_space<vmem>> -> memref<1x128xi32, #tpu.memory_space<vmem>>
    %dma_wait3A_1419 = tpu.memref_squeeze %dma_wait3A_1418 : memref<1x128xi32, #tpu.memory_space<vmem>> -> memref<128xi32, #tpu.memory_space<vmem>>
    %dma_wait3A_1420 = arith.constant 0 : i32
    %dma_wait3A_1421 = tpu.memref_slice %arg18[%arg1, %dma_wait3A_1420] : memref<16x8192xf32, #tpu.memory_space<vmem_shared>> -> memref<1x8192xf32, #tpu.memory_space<vmem_shared>>
    %dma_wait3A_1422 = tpu.memref_squeeze %dma_wait3A_1421 : memref<1x8192xf32, #tpu.memory_space<vmem_shared>> -> memref<8192xf32, #tpu.memory_space<vmem_shared>>
    %dma_wait3A_1423 = arith.constant 0 : i32
    %dma_wait3A_1424 = tpu.memref_slice %dma_wait3A_1422[%dma_wait3A_1423] : memref<8192xf32, #tpu.memory_space<vmem_shared>> -> memref<8192xf32, #tpu.memory_space<vmem_shared>>
    tpu.wait_indirect_dma semaphore(%arg19 : memref<!tpu.dma_semaphore, #tpu.memory_space<semaphore_mem>>) src(%dma_wait3A_1424 : memref<8192xf32, #tpu.memory_space<vmem_shared>>) dst(%dma_wait3A_1416 : memref<128xf32, #tpu.memory_space<vmem>>)
    %dma_wait3A_1425 = arith.constant 43 : i32
    %dma_wait3A_1426 = arith.constant 5504 : i32
    %dma_wait3A_1427 = tpu.memref_slice %arg15[%dma_wait3A_1426] : memref<8192xf32, #tpu.memory_space<vmem>> -> memref<128xf32, #tpu.memory_space<vmem>>
    %dma_wait3A_1428 = arith.constant 0 : i32
    %dma_wait3A_1429 = tpu.memref_slice %arg16[%dma_wait3A_1425, %dma_wait3A_1428] : memref<64x128xi32, #tpu.memory_space<vmem>> -> memref<1x128xi32, #tpu.memory_space<vmem>>
    %dma_wait3A_1430 = tpu.memref_squeeze %dma_wait3A_1429 : memref<1x128xi32, #tpu.memory_space<vmem>> -> memref<128xi32, #tpu.memory_space<vmem>>
    %dma_wait3A_1431 = arith.constant 0 : i32
    %dma_wait3A_1432 = tpu.memref_slice %arg18[%arg1, %dma_wait3A_1431] : memref<16x8192xf32, #tpu.memory_space<vmem_shared>> -> memref<1x8192xf32, #tpu.memory_space<vmem_shared>>
    %dma_wait3A_1433 = tpu.memref_squeeze %dma_wait3A_1432 : memref<1x8192xf32, #tpu.memory_space<vmem_shared>> -> memref<8192xf32, #tpu.memory_space<vmem_shared>>
    %dma_wait3A_1434 = arith.constant 0 : i32
    %dma_wait3A_1435 = tpu.memref_slice %dma_wait3A_1433[%dma_wait3A_1434] : memref<8192xf32, #tpu.memory_space<vmem_shared>> -> memref<8192xf32, #tpu.memory_space<vmem_shared>>
    tpu.wait_indirect_dma semaphore(%arg19 : memref<!tpu.dma_semaphore, #tpu.memory_space<semaphore_mem>>) src(%dma_wait3A_1435 : memref<8192xf32, #tpu.memory_space<vmem_shared>>) dst(%dma_wait3A_1427 : memref<128xf32, #tpu.memory_space<vmem>>)
    %dma_wait3A_1436 = arith.constant 44 : i32
    %dma_wait3A_1437 = arith.constant 5632 : i32
    %dma_wait3A_1438 = tpu.memref_slice %arg15[%dma_wait3A_1437] : memref<8192xf32, #tpu.memory_space<vmem>> -> memref<128xf32, #tpu.memory_space<vmem>>
    %dma_wait3A_1439 = arith.constant 0 : i32
    %dma_wait3A_1440 = tpu.memref_slice %arg16[%dma_wait3A_1436, %dma_wait3A_1439] : memref<64x128xi32, #tpu.memory_space<vmem>> -> memref<1x128xi32, #tpu.memory_space<vmem>>
    %dma_wait3A_1441 = tpu.memref_squeeze %dma_wait3A_1440 : memref<1x128xi32, #tpu.memory_space<vmem>> -> memref<128xi32, #tpu.memory_space<vmem>>
    %dma_wait3A_1442 = arith.constant 0 : i32
    %dma_wait3A_1443 = tpu.memref_slice %arg18[%arg1, %dma_wait3A_1442] : memref<16x8192xf32, #tpu.memory_space<vmem_shared>> -> memref<1x8192xf32, #tpu.memory_space<vmem_shared>>
    %dma_wait3A_1444 = tpu.memref_squeeze %dma_wait3A_1443 : memref<1x8192xf32, #tpu.memory_space<vmem_shared>> -> memref<8192xf32, #tpu.memory_space<vmem_shared>>
    %dma_wait3A_1445 = arith.constant 0 : i32
    %dma_wait3A_1446 = tpu.memref_slice %dma_wait3A_1444[%dma_wait3A_1445] : memref<8192xf32, #tpu.memory_space<vmem_shared>> -> memref<8192xf32, #tpu.memory_space<vmem_shared>>
    tpu.wait_indirect_dma semaphore(%arg19 : memref<!tpu.dma_semaphore, #tpu.memory_space<semaphore_mem>>) src(%dma_wait3A_1446 : memref<8192xf32, #tpu.memory_space<vmem_shared>>) dst(%dma_wait3A_1438 : memref<128xf32, #tpu.memory_space<vmem>>)
    %dma_wait3A_1447 = arith.constant 45 : i32
    %dma_wait3A_1448 = arith.constant 5760 : i32
    %dma_wait3A_1449 = tpu.memref_slice %arg15[%dma_wait3A_1448] : memref<8192xf32, #tpu.memory_space<vmem>> -> memref<128xf32, #tpu.memory_space<vmem>>
    %dma_wait3A_1450 = arith.constant 0 : i32
    %dma_wait3A_1451 = tpu.memref_slice %arg16[%dma_wait3A_1447, %dma_wait3A_1450] : memref<64x128xi32, #tpu.memory_space<vmem>> -> memref<1x128xi32, #tpu.memory_space<vmem>>
    %dma_wait3A_1452 = tpu.memref_squeeze %dma_wait3A_1451 : memref<1x128xi32, #tpu.memory_space<vmem>> -> memref<128xi32, #tpu.memory_space<vmem>>
    %dma_wait3A_1453 = arith.constant 0 : i32
    %dma_wait3A_1454 = tpu.memref_slice %arg18[%arg1, %dma_wait3A_1453] : memref<16x8192xf32, #tpu.memory_space<vmem_shared>> -> memref<1x8192xf32, #tpu.memory_space<vmem_shared>>
    %dma_wait3A_1455 = tpu.memref_squeeze %dma_wait3A_1454 : memref<1x8192xf32, #tpu.memory_space<vmem_shared>> -> memref<8192xf32, #tpu.memory_space<vmem_shared>>
    %dma_wait3A_1456 = arith.constant 0 : i32
    %dma_wait3A_1457 = tpu.memref_slice %dma_wait3A_1455[%dma_wait3A_1456] : memref<8192xf32, #tpu.memory_space<vmem_shared>> -> memref<8192xf32, #tpu.memory_space<vmem_shared>>
    tpu.wait_indirect_dma semaphore(%arg19 : memref<!tpu.dma_semaphore, #tpu.memory_space<semaphore_mem>>) src(%dma_wait3A_1457 : memref<8192xf32, #tpu.memory_space<vmem_shared>>) dst(%dma_wait3A_1449 : memref<128xf32, #tpu.memory_space<vmem>>)
    %dma_wait3A_1458 = arith.constant 46 : i32
    %dma_wait3A_1459 = arith.constant 5888 : i32
    %dma_wait3A_1460 = tpu.memref_slice %arg15[%dma_wait3A_1459] : memref<8192xf32, #tpu.memory_space<vmem>> -> memref<128xf32, #tpu.memory_space<vmem>>
    %dma_wait3A_1461 = arith.constant 0 : i32
    %dma_wait3A_1462 = tpu.memref_slice %arg16[%dma_wait3A_1458, %dma_wait3A_1461] : memref<64x128xi32, #tpu.memory_space<vmem>> -> memref<1x128xi32, #tpu.memory_space<vmem>>
    %dma_wait3A_1463 = tpu.memref_squeeze %dma_wait3A_1462 : memref<1x128xi32, #tpu.memory_space<vmem>> -> memref<128xi32, #tpu.memory_space<vmem>>
    %dma_wait3A_1464 = arith.constant 0 : i32
    %dma_wait3A_1465 = tpu.memref_slice %arg18[%arg1, %dma_wait3A_1464] : memref<16x8192xf32, #tpu.memory_space<vmem_shared>> -> memref<1x8192xf32, #tpu.memory_space<vmem_shared>>
    %dma_wait3A_1466 = tpu.memref_squeeze %dma_wait3A_1465 : memref<1x8192xf32, #tpu.memory_space<vmem_shared>> -> memref<8192xf32, #tpu.memory_space<vmem_shared>>
    %dma_wait3A_1467 = arith.constant 0 : i32
    %dma_wait3A_1468 = tpu.memref_slice %dma_wait3A_1466[%dma_wait3A_1467] : memref<8192xf32, #tpu.memory_space<vmem_shared>> -> memref<8192xf32, #tpu.memory_space<vmem_shared>>
    tpu.wait_indirect_dma semaphore(%arg19 : memref<!tpu.dma_semaphore, #tpu.memory_space<semaphore_mem>>) src(%dma_wait3A_1468 : memref<8192xf32, #tpu.memory_space<vmem_shared>>) dst(%dma_wait3A_1460 : memref<128xf32, #tpu.memory_space<vmem>>)
    %dma_wait3A_1469 = arith.constant 47 : i32
    %dma_wait3A_1470 = arith.constant 6016 : i32
    %dma_wait3A_1471 = tpu.memref_slice %arg15[%dma_wait3A_1470] : memref<8192xf32, #tpu.memory_space<vmem>> -> memref<128xf32, #tpu.memory_space<vmem>>
    %dma_wait3A_1472 = arith.constant 0 : i32
    %dma_wait3A_1473 = tpu.memref_slice %arg16[%dma_wait3A_1469, %dma_wait3A_1472] : memref<64x128xi32, #tpu.memory_space<vmem>> -> memref<1x128xi32, #tpu.memory_space<vmem>>
    %dma_wait3A_1474 = tpu.memref_squeeze %dma_wait3A_1473 : memref<1x128xi32, #tpu.memory_space<vmem>> -> memref<128xi32, #tpu.memory_space<vmem>>
    %dma_wait3A_1475 = arith.constant 0 : i32
    %dma_wait3A_1476 = tpu.memref_slice %arg18[%arg1, %dma_wait3A_1475] : memref<16x8192xf32, #tpu.memory_space<vmem_shared>> -> memref<1x8192xf32, #tpu.memory_space<vmem_shared>>
    %dma_wait3A_1477 = tpu.memref_squeeze %dma_wait3A_1476 : memref<1x8192xf32, #tpu.memory_space<vmem_shared>> -> memref<8192xf32, #tpu.memory_space<vmem_shared>>
    %dma_wait3A_1478 = arith.constant 0 : i32
    %dma_wait3A_1479 = tpu.memref_slice %dma_wait3A_1477[%dma_wait3A_1478] : memref<8192xf32, #tpu.memory_space<vmem_shared>> -> memref<8192xf32, #tpu.memory_space<vmem_shared>>
    tpu.wait_indirect_dma semaphore(%arg19 : memref<!tpu.dma_semaphore, #tpu.memory_space<semaphore_mem>>) src(%dma_wait3A_1479 : memref<8192xf32, #tpu.memory_space<vmem_shared>>) dst(%dma_wait3A_1471 : memref<128xf32, #tpu.memory_space<vmem>>)
    %dma_wait3A_1480 = arith.constant 48 : i32
    %dma_wait3A_1481 = arith.constant 6144 : i32
    %dma_wait3A_1482 = tpu.memref_slice %arg15[%dma_wait3A_1481] : memref<8192xf32, #tpu.memory_space<vmem>> -> memref<128xf32, #tpu.memory_space<vmem>>
    %dma_wait3A_1483 = arith.constant 0 : i32
    %dma_wait3A_1484 = tpu.memref_slice %arg16[%dma_wait3A_1480, %dma_wait3A_1483] : memref<64x128xi32, #tpu.memory_space<vmem>> -> memref<1x128xi32, #tpu.memory_space<vmem>>
    %dma_wait3A_1485 = tpu.memref_squeeze %dma_wait3A_1484 : memref<1x128xi32, #tpu.memory_space<vmem>> -> memref<128xi32, #tpu.memory_space<vmem>>
    %dma_wait3A_1486 = arith.constant 0 : i32
    %dma_wait3A_1487 = tpu.memref_slice %arg18[%arg1, %dma_wait3A_1486] : memref<16x8192xf32, #tpu.memory_space<vmem_shared>> -> memref<1x8192xf32, #tpu.memory_space<vmem_shared>>
    %dma_wait3A_1488 = tpu.memref_squeeze %dma_wait3A_1487 : memref<1x8192xf32, #tpu.memory_space<vmem_shared>> -> memref<8192xf32, #tpu.memory_space<vmem_shared>>
    %dma_wait3A_1489 = arith.constant 0 : i32
    %dma_wait3A_1490 = tpu.memref_slice %dma_wait3A_1488[%dma_wait3A_1489] : memref<8192xf32, #tpu.memory_space<vmem_shared>> -> memref<8192xf32, #tpu.memory_space<vmem_shared>>
    tpu.wait_indirect_dma semaphore(%arg19 : memref<!tpu.dma_semaphore, #tpu.memory_space<semaphore_mem>>) src(%dma_wait3A_1490 : memref<8192xf32, #tpu.memory_space<vmem_shared>>) dst(%dma_wait3A_1482 : memref<128xf32, #tpu.memory_space<vmem>>)
    %dma_wait3A_1491 = arith.constant 49 : i32
    %dma_wait3A_1492 = arith.constant 6272 : i32
    %dma_wait3A_1493 = tpu.memref_slice %arg15[%dma_wait3A_1492] : memref<8192xf32, #tpu.memory_space<vmem>> -> memref<128xf32, #tpu.memory_space<vmem>>
    %dma_wait3A_1494 = arith.constant 0 : i32
    %dma_wait3A_1495 = tpu.memref_slice %arg16[%dma_wait3A_1491, %dma_wait3A_1494] : memref<64x128xi32, #tpu.memory_space<vmem>> -> memref<1x128xi32, #tpu.memory_space<vmem>>
    %dma_wait3A_1496 = tpu.memref_squeeze %dma_wait3A_1495 : memref<1x128xi32, #tpu.memory_space<vmem>> -> memref<128xi32, #tpu.memory_space<vmem>>
    %dma_wait3A_1497 = arith.constant 0 : i32
    %dma_wait3A_1498 = tpu.memref_slice %arg18[%arg1, %dma_wait3A_1497] : memref<16x8192xf32, #tpu.memory_space<vmem_shared>> -> memref<1x8192xf32, #tpu.memory_space<vmem_shared>>
    %dma_wait3A_1499 = tpu.memref_squeeze %dma_wait3A_1498 : memref<1x8192xf32, #tpu.memory_space<vmem_shared>> -> memref<8192xf32, #tpu.memory_space<vmem_shared>>
    %dma_wait3A_1500 = arith.constant 0 : i32
    %dma_wait3A_1501 = tpu.memref_slice %dma_wait3A_1499[%dma_wait3A_1500] : memref<8192xf32, #tpu.memory_space<vmem_shared>> -> memref<8192xf32, #tpu.memory_space<vmem_shared>>
    tpu.wait_indirect_dma semaphore(%arg19 : memref<!tpu.dma_semaphore, #tpu.memory_space<semaphore_mem>>) src(%dma_wait3A_1501 : memref<8192xf32, #tpu.memory_space<vmem_shared>>) dst(%dma_wait3A_1493 : memref<128xf32, #tpu.memory_space<vmem>>)
    %dma_wait3A_1502 = arith.constant 50 : i32
    %dma_wait3A_1503 = arith.constant 6400 : i32
    %dma_wait3A_1504 = tpu.memref_slice %arg15[%dma_wait3A_1503] : memref<8192xf32, #tpu.memory_space<vmem>> -> memref<128xf32, #tpu.memory_space<vmem>>
    %dma_wait3A_1505 = arith.constant 0 : i32
    %dma_wait3A_1506 = tpu.memref_slice %arg16[%dma_wait3A_1502, %dma_wait3A_1505] : memref<64x128xi32, #tpu.memory_space<vmem>> -> memref<1x128xi32, #tpu.memory_space<vmem>>
    %dma_wait3A_1507 = tpu.memref_squeeze %dma_wait3A_1506 : memref<1x128xi32, #tpu.memory_space<vmem>> -> memref<128xi32, #tpu.memory_space<vmem>>
    %dma_wait3A_1508 = arith.constant 0 : i32
    %dma_wait3A_1509 = tpu.memref_slice %arg18[%arg1, %dma_wait3A_1508] : memref<16x8192xf32, #tpu.memory_space<vmem_shared>> -> memref<1x8192xf32, #tpu.memory_space<vmem_shared>>
    %dma_wait3A_1510 = tpu.memref_squeeze %dma_wait3A_1509 : memref<1x8192xf32, #tpu.memory_space<vmem_shared>> -> memref<8192xf32, #tpu.memory_space<vmem_shared>>
    %dma_wait3A_1511 = arith.constant 0 : i32
    %dma_wait3A_1512 = tpu.memref_slice %dma_wait3A_1510[%dma_wait3A_1511] : memref<8192xf32, #tpu.memory_space<vmem_shared>> -> memref<8192xf32, #tpu.memory_space<vmem_shared>>
    tpu.wait_indirect_dma semaphore(%arg19 : memref<!tpu.dma_semaphore, #tpu.memory_space<semaphore_mem>>) src(%dma_wait3A_1512 : memref<8192xf32, #tpu.memory_space<vmem_shared>>) dst(%dma_wait3A_1504 : memref<128xf32, #tpu.memory_space<vmem>>)
    %dma_wait3A_1513 = arith.constant 51 : i32
    %dma_wait3A_1514 = arith.constant 6528 : i32
    %dma_wait3A_1515 = tpu.memref_slice %arg15[%dma_wait3A_1514] : memref<8192xf32, #tpu.memory_space<vmem>> -> memref<128xf32, #tpu.memory_space<vmem>>
    %dma_wait3A_1516 = arith.constant 0 : i32
    %dma_wait3A_1517 = tpu.memref_slice %arg16[%dma_wait3A_1513, %dma_wait3A_1516] : memref<64x128xi32, #tpu.memory_space<vmem>> -> memref<1x128xi32, #tpu.memory_space<vmem>>
    %dma_wait3A_1518 = tpu.memref_squeeze %dma_wait3A_1517 : memref<1x128xi32, #tpu.memory_space<vmem>> -> memref<128xi32, #tpu.memory_space<vmem>>
    %dma_wait3A_1519 = arith.constant 0 : i32
    %dma_wait3A_1520 = tpu.memref_slice %arg18[%arg1, %dma_wait3A_1519] : memref<16x8192xf32, #tpu.memory_space<vmem_shared>> -> memref<1x8192xf32, #tpu.memory_space<vmem_shared>>
    %dma_wait3A_1521 = tpu.memref_squeeze %dma_wait3A_1520 : memref<1x8192xf32, #tpu.memory_space<vmem_shared>> -> memref<8192xf32, #tpu.memory_space<vmem_shared>>
    %dma_wait3A_1522 = arith.constant 0 : i32
    %dma_wait3A_1523 = tpu.memref_slice %dma_wait3A_1521[%dma_wait3A_1522] : memref<8192xf32, #tpu.memory_space<vmem_shared>> -> memref<8192xf32, #tpu.memory_space<vmem_shared>>
    tpu.wait_indirect_dma semaphore(%arg19 : memref<!tpu.dma_semaphore, #tpu.memory_space<semaphore_mem>>) src(%dma_wait3A_1523 : memref<8192xf32, #tpu.memory_space<vmem_shared>>) dst(%dma_wait3A_1515 : memref<128xf32, #tpu.memory_space<vmem>>)
    %dma_wait3A_1524 = arith.constant 52 : i32
    %dma_wait3A_1525 = arith.constant 6656 : i32
    %dma_wait3A_1526 = tpu.memref_slice %arg15[%dma_wait3A_1525] : memref<8192xf32, #tpu.memory_space<vmem>> -> memref<128xf32, #tpu.memory_space<vmem>>
    %dma_wait3A_1527 = arith.constant 0 : i32
    %dma_wait3A_1528 = tpu.memref_slice %arg16[%dma_wait3A_1524, %dma_wait3A_1527] : memref<64x128xi32, #tpu.memory_space<vmem>> -> memref<1x128xi32, #tpu.memory_space<vmem>>
    %dma_wait3A_1529 = tpu.memref_squeeze %dma_wait3A_1528 : memref<1x128xi32, #tpu.memory_space<vmem>> -> memref<128xi32, #tpu.memory_space<vmem>>
    %dma_wait3A_1530 = arith.constant 0 : i32
    %dma_wait3A_1531 = tpu.memref_slice %arg18[%arg1, %dma_wait3A_1530] : memref<16x8192xf32, #tpu.memory_space<vmem_shared>> -> memref<1x8192xf32, #tpu.memory_space<vmem_shared>>
    %dma_wait3A_1532 = tpu.memref_squeeze %dma_wait3A_1531 : memref<1x8192xf32, #tpu.memory_space<vmem_shared>> -> memref<8192xf32, #tpu.memory_space<vmem_shared>>
    %dma_wait3A_1533 = arith.constant 0 : i32
    %dma_wait3A_1534 = tpu.memref_slice %dma_wait3A_1532[%dma_wait3A_1533] : memref<8192xf32, #tpu.memory_space<vmem_shared>> -> memref<8192xf32, #tpu.memory_space<vmem_shared>>
    tpu.wait_indirect_dma semaphore(%arg19 : memref<!tpu.dma_semaphore, #tpu.memory_space<semaphore_mem>>) src(%dma_wait3A_1534 : memref<8192xf32, #tpu.memory_space<vmem_shared>>) dst(%dma_wait3A_1526 : memref<128xf32, #tpu.memory_space<vmem>>)
    %dma_wait3A_1535 = arith.constant 53 : i32
    %dma_wait3A_1536 = arith.constant 6784 : i32
    %dma_wait3A_1537 = tpu.memref_slice %arg15[%dma_wait3A_1536] : memref<8192xf32, #tpu.memory_space<vmem>> -> memref<128xf32, #tpu.memory_space<vmem>>
    %dma_wait3A_1538 = arith.constant 0 : i32
    %dma_wait3A_1539 = tpu.memref_slice %arg16[%dma_wait3A_1535, %dma_wait3A_1538] : memref<64x128xi32, #tpu.memory_space<vmem>> -> memref<1x128xi32, #tpu.memory_space<vmem>>
    %dma_wait3A_1540 = tpu.memref_squeeze %dma_wait3A_1539 : memref<1x128xi32, #tpu.memory_space<vmem>> -> memref<128xi32, #tpu.memory_space<vmem>>
    %dma_wait3A_1541 = arith.constant 0 : i32
    %dma_wait3A_1542 = tpu.memref_slice %arg18[%arg1, %dma_wait3A_1541] : memref<16x8192xf32, #tpu.memory_space<vmem_shared>> -> memref<1x8192xf32, #tpu.memory_space<vmem_shared>>
    %dma_wait3A_1543 = tpu.memref_squeeze %dma_wait3A_1542 : memref<1x8192xf32, #tpu.memory_space<vmem_shared>> -> memref<8192xf32, #tpu.memory_space<vmem_shared>>
    %dma_wait3A_1544 = arith.constant 0 : i32
    %dma_wait3A_1545 = tpu.memref_slice %dma_wait3A_1543[%dma_wait3A_1544] : memref<8192xf32, #tpu.memory_space<vmem_shared>> -> memref<8192xf32, #tpu.memory_space<vmem_shared>>
    tpu.wait_indirect_dma semaphore(%arg19 : memref<!tpu.dma_semaphore, #tpu.memory_space<semaphore_mem>>) src(%dma_wait3A_1545 : memref<8192xf32, #tpu.memory_space<vmem_shared>>) dst(%dma_wait3A_1537 : memref<128xf32, #tpu.memory_space<vmem>>)
    %dma_wait3A_1546 = arith.constant 54 : i32
    %dma_wait3A_1547 = arith.constant 6912 : i32
    %dma_wait3A_1548 = tpu.memref_slice %arg15[%dma_wait3A_1547] : memref<8192xf32, #tpu.memory_space<vmem>> -> memref<128xf32, #tpu.memory_space<vmem>>
    %dma_wait3A_1549 = arith.constant 0 : i32
    %dma_wait3A_1550 = tpu.memref_slice %arg16[%dma_wait3A_1546, %dma_wait3A_1549] : memref<64x128xi32, #tpu.memory_space<vmem>> -> memref<1x128xi32, #tpu.memory_space<vmem>>
    %dma_wait3A_1551 = tpu.memref_squeeze %dma_wait3A_1550 : memref<1x128xi32, #tpu.memory_space<vmem>> -> memref<128xi32, #tpu.memory_space<vmem>>
    %dma_wait3A_1552 = arith.constant 0 : i32
    %dma_wait3A_1553 = tpu.memref_slice %arg18[%arg1, %dma_wait3A_1552] : memref<16x8192xf32, #tpu.memory_space<vmem_shared>> -> memref<1x8192xf32, #tpu.memory_space<vmem_shared>>
    %dma_wait3A_1554 = tpu.memref_squeeze %dma_wait3A_1553 : memref<1x8192xf32, #tpu.memory_space<vmem_shared>> -> memref<8192xf32, #tpu.memory_space<vmem_shared>>
    %dma_wait3A_1555 = arith.constant 0 : i32
    %dma_wait3A_1556 = tpu.memref_slice %dma_wait3A_1554[%dma_wait3A_1555] : memref<8192xf32, #tpu.memory_space<vmem_shared>> -> memref<8192xf32, #tpu.memory_space<vmem_shared>>
    tpu.wait_indirect_dma semaphore(%arg19 : memref<!tpu.dma_semaphore, #tpu.memory_space<semaphore_mem>>) src(%dma_wait3A_1556 : memref<8192xf32, #tpu.memory_space<vmem_shared>>) dst(%dma_wait3A_1548 : memref<128xf32, #tpu.memory_space<vmem>>)
    %dma_wait3A_1557 = arith.constant 55 : i32
    %dma_wait3A_1558 = arith.constant 7040 : i32
    %dma_wait3A_1559 = tpu.memref_slice %arg15[%dma_wait3A_1558] : memref<8192xf32, #tpu.memory_space<vmem>> -> memref<128xf32, #tpu.memory_space<vmem>>
    %dma_wait3A_1560 = arith.constant 0 : i32
    %dma_wait3A_1561 = tpu.memref_slice %arg16[%dma_wait3A_1557, %dma_wait3A_1560] : memref<64x128xi32, #tpu.memory_space<vmem>> -> memref<1x128xi32, #tpu.memory_space<vmem>>
    %dma_wait3A_1562 = tpu.memref_squeeze %dma_wait3A_1561 : memref<1x128xi32, #tpu.memory_space<vmem>> -> memref<128xi32, #tpu.memory_space<vmem>>
    %dma_wait3A_1563 = arith.constant 0 : i32
    %dma_wait3A_1564 = tpu.memref_slice %arg18[%arg1, %dma_wait3A_1563] : memref<16x8192xf32, #tpu.memory_space<vmem_shared>> -> memref<1x8192xf32, #tpu.memory_space<vmem_shared>>
    %dma_wait3A_1565 = tpu.memref_squeeze %dma_wait3A_1564 : memref<1x8192xf32, #tpu.memory_space<vmem_shared>> -> memref<8192xf32, #tpu.memory_space<vmem_shared>>
    %dma_wait3A_1566 = arith.constant 0 : i32
    %dma_wait3A_1567 = tpu.memref_slice %dma_wait3A_1565[%dma_wait3A_1566] : memref<8192xf32, #tpu.memory_space<vmem_shared>> -> memref<8192xf32, #tpu.memory_space<vmem_shared>>
    tpu.wait_indirect_dma semaphore(%arg19 : memref<!tpu.dma_semaphore, #tpu.memory_space<semaphore_mem>>) src(%dma_wait3A_1567 : memref<8192xf32, #tpu.memory_space<vmem_shared>>) dst(%dma_wait3A_1559 : memref<128xf32, #tpu.memory_space<vmem>>)
    %dma_wait3A_1568 = arith.constant 56 : i32
    %dma_wait3A_1569 = arith.constant 7168 : i32
    %dma_wait3A_1570 = tpu.memref_slice %arg15[%dma_wait3A_1569] : memref<8192xf32, #tpu.memory_space<vmem>> -> memref<128xf32, #tpu.memory_space<vmem>>
    %dma_wait3A_1571 = arith.constant 0 : i32
    %dma_wait3A_1572 = tpu.memref_slice %arg16[%dma_wait3A_1568, %dma_wait3A_1571] : memref<64x128xi32, #tpu.memory_space<vmem>> -> memref<1x128xi32, #tpu.memory_space<vmem>>
    %dma_wait3A_1573 = tpu.memref_squeeze %dma_wait3A_1572 : memref<1x128xi32, #tpu.memory_space<vmem>> -> memref<128xi32, #tpu.memory_space<vmem>>
    %dma_wait3A_1574 = arith.constant 0 : i32
    %dma_wait3A_1575 = tpu.memref_slice %arg18[%arg1, %dma_wait3A_1574] : memref<16x8192xf32, #tpu.memory_space<vmem_shared>> -> memref<1x8192xf32, #tpu.memory_space<vmem_shared>>
    %dma_wait3A_1576 = tpu.memref_squeeze %dma_wait3A_1575 : memref<1x8192xf32, #tpu.memory_space<vmem_shared>> -> memref<8192xf32, #tpu.memory_space<vmem_shared>>
    %dma_wait3A_1577 = arith.constant 0 : i32
    %dma_wait3A_1578 = tpu.memref_slice %dma_wait3A_1576[%dma_wait3A_1577] : memref<8192xf32, #tpu.memory_space<vmem_shared>> -> memref<8192xf32, #tpu.memory_space<vmem_shared>>
    tpu.wait_indirect_dma semaphore(%arg19 : memref<!tpu.dma_semaphore, #tpu.memory_space<semaphore_mem>>) src(%dma_wait3A_1578 : memref<8192xf32, #tpu.memory_space<vmem_shared>>) dst(%dma_wait3A_1570 : memref<128xf32, #tpu.memory_space<vmem>>)
    %dma_wait3A_1579 = arith.constant 57 : i32
    %dma_wait3A_1580 = arith.constant 7296 : i32
    %dma_wait3A_1581 = tpu.memref_slice %arg15[%dma_wait3A_1580] : memref<8192xf32, #tpu.memory_space<vmem>> -> memref<128xf32, #tpu.memory_space<vmem>>
    %dma_wait3A_1582 = arith.constant 0 : i32
    %dma_wait3A_1583 = tpu.memref_slice %arg16[%dma_wait3A_1579, %dma_wait3A_1582] : memref<64x128xi32, #tpu.memory_space<vmem>> -> memref<1x128xi32, #tpu.memory_space<vmem>>
    %dma_wait3A_1584 = tpu.memref_squeeze %dma_wait3A_1583 : memref<1x128xi32, #tpu.memory_space<vmem>> -> memref<128xi32, #tpu.memory_space<vmem>>
    %dma_wait3A_1585 = arith.constant 0 : i32
    %dma_wait3A_1586 = tpu.memref_slice %arg18[%arg1, %dma_wait3A_1585] : memref<16x8192xf32, #tpu.memory_space<vmem_shared>> -> memref<1x8192xf32, #tpu.memory_space<vmem_shared>>
    %dma_wait3A_1587 = tpu.memref_squeeze %dma_wait3A_1586 : memref<1x8192xf32, #tpu.memory_space<vmem_shared>> -> memref<8192xf32, #tpu.memory_space<vmem_shared>>
    %dma_wait3A_1588 = arith.constant 0 : i32
    %dma_wait3A_1589 = tpu.memref_slice %dma_wait3A_1587[%dma_wait3A_1588] : memref<8192xf32, #tpu.memory_space<vmem_shared>> -> memref<8192xf32, #tpu.memory_space<vmem_shared>>
    tpu.wait_indirect_dma semaphore(%arg19 : memref<!tpu.dma_semaphore, #tpu.memory_space<semaphore_mem>>) src(%dma_wait3A_1589 : memref<8192xf32, #tpu.memory_space<vmem_shared>>) dst(%dma_wait3A_1581 : memref<128xf32, #tpu.memory_space<vmem>>)
    %dma_wait3A_1590 = arith.constant 58 : i32
    %dma_wait3A_1591 = arith.constant 7424 : i32
    %dma_wait3A_1592 = tpu.memref_slice %arg15[%dma_wait3A_1591] : memref<8192xf32, #tpu.memory_space<vmem>> -> memref<128xf32, #tpu.memory_space<vmem>>
    %dma_wait3A_1593 = arith.constant 0 : i32
    %dma_wait3A_1594 = tpu.memref_slice %arg16[%dma_wait3A_1590, %dma_wait3A_1593] : memref<64x128xi32, #tpu.memory_space<vmem>> -> memref<1x128xi32, #tpu.memory_space<vmem>>
    %dma_wait3A_1595 = tpu.memref_squeeze %dma_wait3A_1594 : memref<1x128xi32, #tpu.memory_space<vmem>> -> memref<128xi32, #tpu.memory_space<vmem>>
    %dma_wait3A_1596 = arith.constant 0 : i32
    %dma_wait3A_1597 = tpu.memref_slice %arg18[%arg1, %dma_wait3A_1596] : memref<16x8192xf32, #tpu.memory_space<vmem_shared>> -> memref<1x8192xf32, #tpu.memory_space<vmem_shared>>
    %dma_wait3A_1598 = tpu.memref_squeeze %dma_wait3A_1597 : memref<1x8192xf32, #tpu.memory_space<vmem_shared>> -> memref<8192xf32, #tpu.memory_space<vmem_shared>>
    %dma_wait3A_1599 = arith.constant 0 : i32
    %dma_wait3A_1600 = tpu.memref_slice %dma_wait3A_1598[%dma_wait3A_1599] : memref<8192xf32, #tpu.memory_space<vmem_shared>> -> memref<8192xf32, #tpu.memory_space<vmem_shared>>
    tpu.wait_indirect_dma semaphore(%arg19 : memref<!tpu.dma_semaphore, #tpu.memory_space<semaphore_mem>>) src(%dma_wait3A_1600 : memref<8192xf32, #tpu.memory_space<vmem_shared>>) dst(%dma_wait3A_1592 : memref<128xf32, #tpu.memory_space<vmem>>)
    %dma_wait3A_1601 = arith.constant 59 : i32
    %dma_wait3A_1602 = arith.constant 7552 : i32
    %dma_wait3A_1603 = tpu.memref_slice %arg15[%dma_wait3A_1602] : memref<8192xf32, #tpu.memory_space<vmem>> -> memref<128xf32, #tpu.memory_space<vmem>>
    %dma_wait3A_1604 = arith.constant 0 : i32
    %dma_wait3A_1605 = tpu.memref_slice %arg16[%dma_wait3A_1601, %dma_wait3A_1604] : memref<64x128xi32, #tpu.memory_space<vmem>> -> memref<1x128xi32, #tpu.memory_space<vmem>>
    %dma_wait3A_1606 = tpu.memref_squeeze %dma_wait3A_1605 : memref<1x128xi32, #tpu.memory_space<vmem>> -> memref<128xi32, #tpu.memory_space<vmem>>
    %dma_wait3A_1607 = arith.constant 0 : i32
    %dma_wait3A_1608 = tpu.memref_slice %arg18[%arg1, %dma_wait3A_1607] : memref<16x8192xf32, #tpu.memory_space<vmem_shared>> -> memref<1x8192xf32, #tpu.memory_space<vmem_shared>>
    %dma_wait3A_1609 = tpu.memref_squeeze %dma_wait3A_1608 : memref<1x8192xf32, #tpu.memory_space<vmem_shared>> -> memref<8192xf32, #tpu.memory_space<vmem_shared>>
    %dma_wait3A_1610 = arith.constant 0 : i32
    %dma_wait3A_1611 = tpu.memref_slice %dma_wait3A_1609[%dma_wait3A_1610] : memref<8192xf32, #tpu.memory_space<vmem_shared>> -> memref<8192xf32, #tpu.memory_space<vmem_shared>>
    tpu.wait_indirect_dma semaphore(%arg19 : memref<!tpu.dma_semaphore, #tpu.memory_space<semaphore_mem>>) src(%dma_wait3A_1611 : memref<8192xf32, #tpu.memory_space<vmem_shared>>) dst(%dma_wait3A_1603 : memref<128xf32, #tpu.memory_space<vmem>>)
    %dma_wait3A_1612 = arith.constant 60 : i32
    %dma_wait3A_1613 = arith.constant 7680 : i32
    %dma_wait3A_1614 = tpu.memref_slice %arg15[%dma_wait3A_1613] : memref<8192xf32, #tpu.memory_space<vmem>> -> memref<128xf32, #tpu.memory_space<vmem>>
    %dma_wait3A_1615 = arith.constant 0 : i32
    %dma_wait3A_1616 = tpu.memref_slice %arg16[%dma_wait3A_1612, %dma_wait3A_1615] : memref<64x128xi32, #tpu.memory_space<vmem>> -> memref<1x128xi32, #tpu.memory_space<vmem>>
    %dma_wait3A_1617 = tpu.memref_squeeze %dma_wait3A_1616 : memref<1x128xi32, #tpu.memory_space<vmem>> -> memref<128xi32, #tpu.memory_space<vmem>>
    %dma_wait3A_1618 = arith.constant 0 : i32
    %dma_wait3A_1619 = tpu.memref_slice %arg18[%arg1, %dma_wait3A_1618] : memref<16x8192xf32, #tpu.memory_space<vmem_shared>> -> memref<1x8192xf32, #tpu.memory_space<vmem_shared>>
    %dma_wait3A_1620 = tpu.memref_squeeze %dma_wait3A_1619 : memref<1x8192xf32, #tpu.memory_space<vmem_shared>> -> memref<8192xf32, #tpu.memory_space<vmem_shared>>
    %dma_wait3A_1621 = arith.constant 0 : i32
    %dma_wait3A_1622 = tpu.memref_slice %dma_wait3A_1620[%dma_wait3A_1621] : memref<8192xf32, #tpu.memory_space<vmem_shared>> -> memref<8192xf32, #tpu.memory_space<vmem_shared>>
    tpu.wait_indirect_dma semaphore(%arg19 : memref<!tpu.dma_semaphore, #tpu.memory_space<semaphore_mem>>) src(%dma_wait3A_1622 : memref<8192xf32, #tpu.memory_space<vmem_shared>>) dst(%dma_wait3A_1614 : memref<128xf32, #tpu.memory_space<vmem>>)
    %dma_wait3A_1623 = arith.constant 61 : i32
    %dma_wait3A_1624 = arith.constant 7808 : i32
    %dma_wait3A_1625 = tpu.memref_slice %arg15[%dma_wait3A_1624] : memref<8192xf32, #tpu.memory_space<vmem>> -> memref<128xf32, #tpu.memory_space<vmem>>
    %dma_wait3A_1626 = arith.constant 0 : i32
    %dma_wait3A_1627 = tpu.memref_slice %arg16[%dma_wait3A_1623, %dma_wait3A_1626] : memref<64x128xi32, #tpu.memory_space<vmem>> -> memref<1x128xi32, #tpu.memory_space<vmem>>
    %dma_wait3A_1628 = tpu.memref_squeeze %dma_wait3A_1627 : memref<1x128xi32, #tpu.memory_space<vmem>> -> memref<128xi32, #tpu.memory_space<vmem>>
    %dma_wait3A_1629 = arith.constant 0 : i32
    %dma_wait3A_1630 = tpu.memref_slice %arg18[%arg1, %dma_wait3A_1629] : memref<16x8192xf32, #tpu.memory_space<vmem_shared>> -> memref<1x8192xf32, #tpu.memory_space<vmem_shared>>
    %dma_wait3A_1631 = tpu.memref_squeeze %dma_wait3A_1630 : memref<1x8192xf32, #tpu.memory_space<vmem_shared>> -> memref<8192xf32, #tpu.memory_space<vmem_shared>>
    %dma_wait3A_1632 = arith.constant 0 : i32
    %dma_wait3A_1633 = tpu.memref_slice %dma_wait3A_1631[%dma_wait3A_1632] : memref<8192xf32, #tpu.memory_space<vmem_shared>> -> memref<8192xf32, #tpu.memory_space<vmem_shared>>
    tpu.wait_indirect_dma semaphore(%arg19 : memref<!tpu.dma_semaphore, #tpu.memory_space<semaphore_mem>>) src(%dma_wait3A_1633 : memref<8192xf32, #tpu.memory_space<vmem_shared>>) dst(%dma_wait3A_1625 : memref<128xf32, #tpu.memory_space<vmem>>)
    %dma_wait3A_1634 = arith.constant 62 : i32
    %dma_wait3A_1635 = arith.constant 7936 : i32
    %dma_wait3A_1636 = tpu.memref_slice %arg15[%dma_wait3A_1635] : memref<8192xf32, #tpu.memory_space<vmem>> -> memref<128xf32, #tpu.memory_space<vmem>>
    %dma_wait3A_1637 = arith.constant 0 : i32
    %dma_wait3A_1638 = tpu.memref_slice %arg16[%dma_wait3A_1634, %dma_wait3A_1637] : memref<64x128xi32, #tpu.memory_space<vmem>> -> memref<1x128xi32, #tpu.memory_space<vmem>>
    %dma_wait3A_1639 = tpu.memref_squeeze %dma_wait3A_1638 : memref<1x128xi32, #tpu.memory_space<vmem>> -> memref<128xi32, #tpu.memory_space<vmem>>
    %dma_wait3A_1640 = arith.constant 0 : i32
    %dma_wait3A_1641 = tpu.memref_slice %arg18[%arg1, %dma_wait3A_1640] : memref<16x8192xf32, #tpu.memory_space<vmem_shared>> -> memref<1x8192xf32, #tpu.memory_space<vmem_shared>>
    %dma_wait3A_1642 = tpu.memref_squeeze %dma_wait3A_1641 : memref<1x8192xf32, #tpu.memory_space<vmem_shared>> -> memref<8192xf32, #tpu.memory_space<vmem_shared>>
    %dma_wait3A_1643 = arith.constant 0 : i32
    %dma_wait3A_1644 = tpu.memref_slice %dma_wait3A_1642[%dma_wait3A_1643] : memref<8192xf32, #tpu.memory_space<vmem_shared>> -> memref<8192xf32, #tpu.memory_space<vmem_shared>>
    tpu.wait_indirect_dma semaphore(%arg19 : memref<!tpu.dma_semaphore, #tpu.memory_space<semaphore_mem>>) src(%dma_wait3A_1644 : memref<8192xf32, #tpu.memory_space<vmem_shared>>) dst(%dma_wait3A_1636 : memref<128xf32, #tpu.memory_space<vmem>>)
    %dma_wait3A_1645 = arith.constant 63 : i32
    %dma_wait3A_1646 = arith.constant 8064 : i32
    %dma_wait3A_1647 = tpu.memref_slice %arg15[%dma_wait3A_1646] : memref<8192xf32, #tpu.memory_space<vmem>> -> memref<128xf32, #tpu.memory_space<vmem>>
    %dma_wait3A_1648 = arith.constant 0 : i32
    %dma_wait3A_1649 = tpu.memref_slice %arg16[%dma_wait3A_1645, %dma_wait3A_1648] : memref<64x128xi32, #tpu.memory_space<vmem>> -> memref<1x128xi32, #tpu.memory_space<vmem>>
    %dma_wait3A_1650 = tpu.memref_squeeze %dma_wait3A_1649 : memref<1x128xi32, #tpu.memory_space<vmem>> -> memref<128xi32, #tpu.memory_space<vmem>>
    %dma_wait3A_1651 = arith.constant 0 : i32
    %dma_wait3A_1652 = tpu.memref_slice %arg18[%arg1, %dma_wait3A_1651] : memref<16x8192xf32, #tpu.memory_space<vmem_shared>> -> memref<1x8192xf32, #tpu.memory_space<vmem_shared>>
    %dma_wait3A_1653 = tpu.memref_squeeze %dma_wait3A_1652 : memref<1x8192xf32, #tpu.memory_space<vmem_shared>> -> memref<8192xf32, #tpu.memory_space<vmem_shared>>
    %dma_wait3A_1654 = arith.constant 0 : i32
    %dma_wait3A_1655 = tpu.memref_slice %dma_wait3A_1653[%dma_wait3A_1654] : memref<8192xf32, #tpu.memory_space<vmem_shared>> -> memref<8192xf32, #tpu.memory_space<vmem_shared>>
    tpu.wait_indirect_dma semaphore(%arg19 : memref<!tpu.dma_semaphore, #tpu.memory_space<semaphore_mem>>) src(%dma_wait3A_1655 : memref<8192xf32, #tpu.memory_space<vmem_shared>>) dst(%dma_wait3A_1647 : memref<128xf32, #tpu.memory_space<vmem>>)
    %scan3A_1656 = arith.constant 0 : i32
    %scan3A_1657 = arith.constant 0 : i32
    %scan3A_1658 = arith.constant 32 : i32
    %scan3A_1659 = arith.addi %scan3A_1657, %scan3A_1658 : i32
    %scan3A_1660 = arith.constant 1 : i32
    %scan3A_1661 = scf.for %scan3A_1665 = %scan3A_1657 to %scan3A_1659 step %scan3A_1660 iter_args(%scan3A_1666 = %scan3A_1656) -> (i32)  : i32 {
      %mul3A_1667 = arith.constant 16 : i32
      %mul3A_1668 = arith.muli %scan3A_1665, %mul3A_1667 : i32
      %add3A_1669 = arith.constant 0 : i32
      %add3A_1670 = arith.addi %add3A_1669, %mul3A_1668 : i32
      %get3A = arith.index_cast %add3A_1670 : i32 to index
      %get3A_1671 = tpu.vector_load %arg15[%get3A] {strides = array<i32>} : memref<8192xf32, #tpu.memory_space<vmem>>, vector<16xf32>,
      %get3A_1672 = vector.shape_cast %get3A_1671 : vector<16xf32> to vector<16xf32>
      %mul3A_1673 = arith.constant 16 : i32
      %mul3A_1674 = arith.muli %scan3A_1665, %mul3A_1673 : i32
      %add3A_1675 = arith.constant 512 : i32
      %add3A_1676 = arith.addi %add3A_1675, %mul3A_1674 : i32
      %get3A_1677 = arith.index_cast %add3A_1676 : i32 to index
      %get3A_1678 = tpu.vector_load %arg15[%get3A_1677] {strides = array<i32>} : memref<8192xf32, #tpu.memory_space<vmem>>, vector<16xf32>,
      %get3A_1679 = vector.shape_cast %get3A_1678 : vector<16xf32> to vector<16xf32>
      %add3A_1680 = arith.addf %get3A_1672, %get3A_1679 : vector<16xf32>
      %mul3A_1681 = arith.constant 16 : i32
      %mul3A_1682 = arith.muli %scan3A_1665, %mul3A_1681 : i32
      %add3A_1683 = arith.constant 1024 : i32
      %add3A_1684 = arith.addi %add3A_1683, %mul3A_1682 : i32
      %get3A_1685 = arith.index_cast %add3A_1684 : i32 to index
      %get3A_1686 = tpu.vector_load %arg15[%get3A_1685] {strides = array<i32>} : memref<8192xf32, #tpu.memory_space<vmem>>, vector<16xf32>,
      %get3A_1687 = vector.shape_cast %get3A_1686 : vector<16xf32> to vector<16xf32>
      %add3A_1688 = arith.addf %add3A_1680, %get3A_1687 : vector<16xf32>
      %mul3A_1689 = arith.constant 16 : i32
      %mul3A_1690 = arith.muli %scan3A_1665, %mul3A_1689 : i32
      %add3A_1691 = arith.constant 1536 : i32
      %add3A_1692 = arith.addi %add3A_1691, %mul3A_1690 : i32
      %get3A_1693 = arith.index_cast %add3A_1692 : i32 to index
      %get3A_1694 = tpu.vector_load %arg15[%get3A_1693] {strides = array<i32>} : memref<8192xf32, #tpu.memory_space<vmem>>, vector<16xf32>,
      %get3A_1695 = vector.shape_cast %get3A_1694 : vector<16xf32> to vector<16xf32>
      %add3A_1696 = arith.addf %add3A_1688, %get3A_1695 : vector<16xf32>
      %mul3A_1697 = arith.constant 16 : i32
      %mul3A_1698 = arith.muli %scan3A_1665, %mul3A_1697 : i32
      %add3A_1699 = arith.constant 2048 : i32
      %add3A_1700 = arith.addi %add3A_1699, %mul3A_1698 : i32
      %get3A_1701 = arith.index_cast %add3A_1700 : i32 to index
      %get3A_1702 = tpu.vector_load %arg15[%get3A_1701] {strides = array<i32>} : memref<8192xf32, #tpu.memory_space<vmem>>, vector<16xf32>,
      %get3A_1703 = vector.shape_cast %get3A_1702 : vector<16xf32> to vector<16xf32>
      %add3A_1704 = arith.addf %add3A_1696, %get3A_1703 : vector<16xf32>
      %mul3A_1705 = arith.constant 16 : i32
      %mul3A_1706 = arith.muli %scan3A_1665, %mul3A_1705 : i32
      %add3A_1707 = arith.constant 2560 : i32
      %add3A_1708 = arith.addi %add3A_1707, %mul3A_1706 : i32
      %get3A_1709 = arith.index_cast %add3A_1708 : i32 to index
      %get3A_1710 = tpu.vector_load %arg15[%get3A_1709] {strides = array<i32>} : memref<8192xf32, #tpu.memory_space<vmem>>, vector<16xf32>,
      %get3A_1711 = vector.shape_cast %get3A_1710 : vector<16xf32> to vector<16xf32>
      %add3A_1712 = arith.addf %add3A_1704, %get3A_1711 : vector<16xf32>
      %mul3A_1713 = arith.constant 16 : i32
      %mul3A_1714 = arith.muli %scan3A_1665, %mul3A_1713 : i32
      %add3A_1715 = arith.constant 3072 : i32
      %add3A_1716 = arith.addi %add3A_1715, %mul3A_1714 : i32
      %get3A_1717 = arith.index_cast %add3A_1716 : i32 to index
      %get3A_1718 = tpu.vector_load %arg15[%get3A_1717] {strides = array<i32>} : memref<8192xf32, #tpu.memory_space<vmem>>, vector<16xf32>,
      %get3A_1719 = vector.shape_cast %get3A_1718 : vector<16xf32> to vector<16xf32>
      %add3A_1720 = arith.addf %add3A_1712, %get3A_1719 : vector<16xf32>
      %mul3A_1721 = arith.constant 16 : i32
      %mul3A_1722 = arith.muli %scan3A_1665, %mul3A_1721 : i32
      %add3A_1723 = arith.constant 3584 : i32
      %add3A_1724 = arith.addi %add3A_1723, %mul3A_1722 : i32
      %get3A_1725 = arith.index_cast %add3A_1724 : i32 to index
      %get3A_1726 = tpu.vector_load %arg15[%get3A_1725] {strides = array<i32>} : memref<8192xf32, #tpu.memory_space<vmem>>, vector<16xf32>,
      %get3A_1727 = vector.shape_cast %get3A_1726 : vector<16xf32> to vector<16xf32>
      %add3A_1728 = arith.addf %add3A_1720, %get3A_1727 : vector<16xf32>
      %mul3A_1729 = arith.constant 16 : i32
      %mul3A_1730 = arith.muli %scan3A_1665, %mul3A_1729 : i32
      %add3A_1731 = arith.constant 4096 : i32
      %add3A_1732 = arith.addi %add3A_1731, %mul3A_1730 : i32
      %get3A_1733 = arith.index_cast %add3A_1732 : i32 to index
      %get3A_1734 = tpu.vector_load %arg15[%get3A_1733] {strides = array<i32>} : memref<8192xf32, #tpu.memory_space<vmem>>, vector<16xf32>,
      %get3A_1735 = vector.shape_cast %get3A_1734 : vector<16xf32> to vector<16xf32>
      %add3A_1736 = arith.addf %add3A_1728, %get3A_1735 : vector<16xf32>
      %mul3A_1737 = arith.constant 16 : i32
      %mul3A_1738 = arith.muli %scan3A_1665, %mul3A_1737 : i32
      %add3A_1739 = arith.constant 4608 : i32
      %add3A_1740 = arith.addi %add3A_1739, %mul3A_1738 : i32
      %get3A_1741 = arith.index_cast %add3A_1740 : i32 to index
      %get3A_1742 = tpu.vector_load %arg15[%get3A_1741] {strides = array<i32>} : memref<8192xf32, #tpu.memory_space<vmem>>, vector<16xf32>,
      %get3A_1743 = vector.shape_cast %get3A_1742 : vector<16xf32> to vector<16xf32>
      %add3A_1744 = arith.addf %add3A_1736, %get3A_1743 : vector<16xf32>
      %mul3A_1745 = arith.constant 16 : i32
      %mul3A_1746 = arith.muli %scan3A_1665, %mul3A_1745 : i32
      %add3A_1747 = arith.constant 5120 : i32
      %add3A_1748 = arith.addi %add3A_1747, %mul3A_1746 : i32
      %get3A_1749 = arith.index_cast %add3A_1748 : i32 to index
      %get3A_1750 = tpu.vector_load %arg15[%get3A_1749] {strides = array<i32>} : memref<8192xf32, #tpu.memory_space<vmem>>, vector<16xf32>,
      %get3A_1751 = vector.shape_cast %get3A_1750 : vector<16xf32> to vector<16xf32>
      %add3A_1752 = arith.addf %add3A_1744, %get3A_1751 : vector<16xf32>
      %mul3A_1753 = arith.constant 16 : i32
      %mul3A_1754 = arith.muli %scan3A_1665, %mul3A_1753 : i32
      %add3A_1755 = arith.constant 5632 : i32
      %add3A_1756 = arith.addi %add3A_1755, %mul3A_1754 : i32
      %get3A_1757 = arith.index_cast %add3A_1756 : i32 to index
      %get3A_1758 = tpu.vector_load %arg15[%get3A_1757] {strides = array<i32>} : memref<8192xf32, #tpu.memory_space<vmem>>, vector<16xf32>,
      %get3A_1759 = vector.shape_cast %get3A_1758 : vector<16xf32> to vector<16xf32>
      %add3A_1760 = arith.addf %add3A_1752, %get3A_1759 : vector<16xf32>
      %mul3A_1761 = arith.constant 16 : i32
      %mul3A_1762 = arith.muli %scan3A_1665, %mul3A_1761 : i32
      %add3A_1763 = arith.constant 6144 : i32
      %add3A_1764 = arith.addi %add3A_1763, %mul3A_1762 : i32
      %get3A_1765 = arith.index_cast %add3A_1764 : i32 to index
      %get3A_1766 = tpu.vector_load %arg15[%get3A_1765] {strides = array<i32>} : memref<8192xf32, #tpu.memory_space<vmem>>, vector<16xf32>,
      %get3A_1767 = vector.shape_cast %get3A_1766 : vector<16xf32> to vector<16xf32>
      %add3A_1768 = arith.addf %add3A_1760, %get3A_1767 : vector<16xf32>
      %mul3A_1769 = arith.constant 16 : i32
      %mul3A_1770 = arith.muli %scan3A_1665, %mul3A_1769 : i32
      %add3A_1771 = arith.constant 6656 : i32
      %add3A_1772 = arith.addi %add3A_1771, %mul3A_1770 : i32
      %get3A_1773 = arith.index_cast %add3A_1772 : i32 to index
      %get3A_1774 = tpu.vector_load %arg15[%get3A_1773] {strides = array<i32>} : memref<8192xf32, #tpu.memory_space<vmem>>, vector<16xf32>,
      %get3A_1775 = vector.shape_cast %get3A_1774 : vector<16xf32> to vector<16xf32>
      %add3A_1776 = arith.addf %add3A_1768, %get3A_1775 : vector<16xf32>
      %mul3A_1777 = arith.constant 16 : i32
      %mul3A_1778 = arith.muli %scan3A_1665, %mul3A_1777 : i32
      %add3A_1779 = arith.constant 7168 : i32
      %add3A_1780 = arith.addi %add3A_1779, %mul3A_1778 : i32
      %get3A_1781 = arith.index_cast %add3A_1780 : i32 to index
      %get3A_1782 = tpu.vector_load %arg15[%get3A_1781] {strides = array<i32>} : memref<8192xf32, #tpu.memory_space<vmem>>, vector<16xf32>,
      %get3A_1783 = vector.shape_cast %get3A_1782 : vector<16xf32> to vector<16xf32>
      %add3A_1784 = arith.addf %add3A_1776, %get3A_1783 : vector<16xf32>
      %mul3A_1785 = arith.constant 16 : i32
      %mul3A_1786 = arith.muli %scan3A_1665, %mul3A_1785 : i32
      %add3A_1787 = arith.constant 7680 : i32
      %add3A_1788 = arith.addi %add3A_1787, %mul3A_1786 : i32
      %get3A_1789 = arith.index_cast %add3A_1788 : i32 to index
      %get3A_1790 = tpu.vector_load %arg15[%get3A_1789] {strides = array<i32>} : memref<8192xf32, #tpu.memory_space<vmem>>, vector<16xf32>,
      %get3A_1791 = vector.shape_cast %get3A_1790 : vector<16xf32> to vector<16xf32>
      %add3A_1792 = arith.addf %add3A_1784, %get3A_1791 : vector<16xf32>
      %neg3A = arith.constant 0.000000e+00 : f32
      %neg3A_1793 = vector.broadcast %neg3A : f32 to vector<16xf32>
      %neg3A_1794 = arith.subf %neg3A_1793, %add3A_1792 : vector<16xf32>
      %mul3A_1795 = arith.constant 16 : i32
      %mul3A_1796 = arith.muli %scan3A_1665, %mul3A_1795 : i32
      %swap3A = arith.index_cast %mul3A_1796 : i32 to index
      %swap3A_1797 = tpu.vector_load %arg17[%swap3A] {strides = array<i32>} : memref<512xf32, #tpu.memory_space<vmem>>, vector<16xf32>,
      %swap3A_1798 = vector.shape_cast %swap3A_1797 : vector<16xf32> to vector<16xf32>
      %swap3A_1799 = vector.shape_cast %neg3A_1794 : vector<16xf32> to vector<16xf32>
      tpu.vector_store %arg17[%swap3A], %swap3A_1799 {strides = array<i32>} : memref<512xf32, #tpu.memory_space<vmem>>, vector<16xf32>,
      %scan3A_1800 = arith.constant 0 : i32
      scf.yield %scan3A_1800 : i32
    }
    %scan3A_1662 = arith.constant 32 : i32
    %mul3A_1663 = arith.constant 512 : i32
    %mul3A_1664 = arith.muli %add3A, %mul3A_1663 : i32
    "tpu.region"() ({
      %run_scoped3A = tpu.sem_alloc : memref<!tpu.dma_semaphore, #tpu.memory_space<semaphore_mem>>
      %dma_start3A_1665 = tpu.memref_slice %arg8[%mul3A_1664] : memref<16384xf32, #tpu.memory_space<hbm>> -> memref<512xf32, #tpu.memory_space<hbm>>
      %dma_start3A_1666 = tpu.memref_slice %arg8[%mul3A_1664] : memref<16384xf32, #tpu.memory_space<hbm>> -> memref<512xf32, #tpu.memory_space<hbm>>
      tpu.enqueue_dma source(%arg17 : memref<512xf32, #tpu.memory_space<vmem>>) target(%dma_start3A_1666 : memref<512xf32, #tpu.memory_space<hbm>>) target_semaphore(%run_scoped3A : memref<!tpu.dma_semaphore, #tpu.memory_space<semaphore_mem>>)
      %dma_wait3A_1667 = tpu.memref_slice %arg8[%mul3A_1664] : memref<16384xf32, #tpu.memory_space<hbm>> -> memref<512xf32, #tpu.memory_space<hbm>>
      %dma_wait3A_1668 = tpu.memref_slice %arg8[%mul3A_1664] : memref<16384xf32, #tpu.memory_space<hbm>> -> memref<512xf32, #tpu.memory_space<hbm>>
      tpu.wait_dma2 semaphore(%run_scoped3A : memref<!tpu.dma_semaphore, #tpu.memory_space<semaphore_mem>>) src(%arg17 : memref<512xf32, #tpu.memory_space<vmem>>) dst(%dma_wait3A_1668 : memref<512xf32, #tpu.memory_space<hbm>>)
      tpu.yield
    }) : () -> ()
    return
  }
}

module attributes {stable_mosaic.version = 14 : i64} {
  func.func @_tc_tr_body(%arg0: i32, %arg1: memref<64x8192xf32, #tpu.memory_space<vmem>>, %arg2: memref<2048x128xi32, #tpu.memory_space<vmem>>) attributes {dimension_semantics = [#tpu.dimension_semantics<arbitrary>], iteration_bounds = array<i64: 1>, scalar_prefetch = 0 : i64, scratch_operands = 0 : i64, tpu.core_type = #tpu.core_type<tc>, window_params = [{transform_indices = @transform_0, window_bounds = array<i64: 64, 8192>}, {transform_indices = @transform_1, window_bounds = array<i64: 2048, 128>}]} {
    %iota3A = tpu.iota {dimensions = array<i32: 0>} : vector<64x64xi32>
    %iota3A_0 = tpu.iota {dimensions = array<i32: 1>} : vector<64x64xi32>
    %add3A = arith.constant 0 : i32
    %add3A_1 = vector.broadcast %add3A : i32 to vector<64x64xi32>
    %add3A_2 = arith.addi %iota3A, %add3A_1 : vector<64x64xi32>
    %eq3A = arith.cmpi eq, %add3A_2, %iota3A_0 : vector<64x64xi32>
    %convert_element_type3A = arith.extui %eq3A : vector<64x64xi1> to vector<64x64xi32>
    %convert_element_type3A_3 = arith.sitofp %convert_element_type3A : vector<64x64xi32> to vector<64x64xf32>
    %get3A = arith.constant 0 : index
    %get3A_4 = arith.constant 0 : index
    %get3A_5 = vector.load %arg1[%get3A, %get3A_4] : memref<64x8192xf32, #tpu.memory_space<vmem>>, vector<64x8192xf32>
    %dot_general3A = arith.constant dense<0.000000e+00> : vector<8192x64xf32>
    %dot_general3A_6 = tpu.matmul %get3A_5, %convert_element_type3A_3, %dot_general3A {dimension_numbers = #tpu.dot_dimension_numbers<[0], [0], [1], [1], [0, 1, 1, 1], [], []>, transpose_lhs_hint = false} : vector<64x8192xf32>, vector<64x64xf32>, vector<8192x64xf32> -> vector<8192x64xf32>
    %bitcast_convert_type3A = tpu.bitcast %dot_general3A_6 : vector<8192x64xf32> -> vector<8192x64xi32>
    %slice3A = vector.extract_strided_slice %bitcast_convert_type3A {offsets = [0, 0], sizes = [8192, 32], strides = [1, 1]} : vector<8192x64xi32> to vector<8192x32xi32>
    %shift_right_logical3A = arith.constant 16 : i32
    %shift_right_logical3A_7 = vector.broadcast %shift_right_logical3A : i32 to vector<8192x32xi32>
    %shift_right_logical3A_8 = arith.shrui %slice3A, %shift_right_logical3A_7 : vector<8192x32xi32>
    %slice3A_9 = vector.extract_strided_slice %bitcast_convert_type3A {offsets = [0, 32], sizes = [8192, 32], strides = [1, 1]} : vector<8192x64xi32> to vector<8192x32xi32>
    %and3A = arith.constant -65536 : i32
    %and3A_10 = vector.broadcast %and3A : i32 to vector<8192x32xi32>
    %and3A_11 = arith.andi %slice3A_9, %and3A_10 : vector<8192x32xi32>
    %or3A = arith.ori %and3A_11, %shift_right_logical3A_8 : vector<8192x32xi32>
    %slice3A_12 = vector.extract_strided_slice %or3A {offsets = [0, 0], sizes = [2048, 32], strides = [1, 1]} : vector<8192x32xi32> to vector<2048x32xi32>
    %swap3A = arith.constant 0 : index
    %swap3A_13 = arith.constant 0 : index
    %swap3A_14 = vector.load %arg2[%swap3A, %swap3A_13] : memref<2048x128xi32, #tpu.memory_space<vmem>>, vector<2048x32xi32>
    tpu.vector_store %arg2[%swap3A, %swap3A_13], %slice3A_12 {strides = array<i32>} : memref<2048x128xi32, #tpu.memory_space<vmem>>, vector<2048x32xi32>,
    %slice3A_15 = vector.extract_strided_slice %or3A {offsets = [2048, 0], sizes = [2048, 32], strides = [1, 1]} : vector<8192x32xi32> to vector<2048x32xi32>
    %swap3A_16 = arith.constant 0 : index
    %swap3A_17 = arith.constant 32 : index
    %swap3A_18 = vector.load %arg2[%swap3A_16, %swap3A_17] : memref<2048x128xi32, #tpu.memory_space<vmem>>, vector<2048x32xi32>
    tpu.vector_store %arg2[%swap3A_16, %swap3A_17], %slice3A_15 {strides = array<i32>} : memref<2048x128xi32, #tpu.memory_space<vmem>>, vector<2048x32xi32>,
    %slice3A_19 = vector.extract_strided_slice %or3A {offsets = [4096, 0], sizes = [2048, 32], strides = [1, 1]} : vector<8192x32xi32> to vector<2048x32xi32>
    %swap3A_20 = arith.constant 0 : index
    %swap3A_21 = arith.constant 64 : index
    %swap3A_22 = vector.load %arg2[%swap3A_20, %swap3A_21] : memref<2048x128xi32, #tpu.memory_space<vmem>>, vector<2048x32xi32>
    tpu.vector_store %arg2[%swap3A_20, %swap3A_21], %slice3A_19 {strides = array<i32>} : memref<2048x128xi32, #tpu.memory_space<vmem>>, vector<2048x32xi32>,
    %slice3A_23 = vector.extract_strided_slice %or3A {offsets = [6144, 0], sizes = [2048, 32], strides = [1, 1]} : vector<8192x32xi32> to vector<2048x32xi32>
    %swap3A_24 = arith.constant 0 : index
    %swap3A_25 = arith.constant 96 : index
    %swap3A_26 = vector.load %arg2[%swap3A_24, %swap3A_25] : memref<2048x128xi32, #tpu.memory_space<vmem>>, vector<2048x32xi32>
    tpu.vector_store %arg2[%swap3A_24, %swap3A_25], %slice3A_23 {strides = array<i32>} : memref<2048x128xi32, #tpu.memory_space<vmem>>, vector<2048x32xi32>,
    return
  }
  func.func @transform_0(%arg0: i32) -> (i32, i32) {
    %c0_i32 = arith.constant 0 : i32
    %c0_i32_0 = arith.constant 0 : i32
    return %c0_i32, %arg0 : i32, i32
  }
  func.func @transform_1(%arg0: i32) -> (i32, i32) {
    %c0_i32 = arith.constant 0 : i32
    %c0_i32_0 = arith.constant 0 : i32
    return %arg0, %c0_i32 : i32, i32
  }
}

module attributes {stable_mosaic.version = 14 : i64} {
  func.func @_tc_tr_body(%arg0: i32, %arg1: memref<64x8192xf32, #tpu.memory_space<vmem>>, %arg2: memref<2048x128xi32, #tpu.memory_space<vmem>>) attributes {dimension_semantics = [#tpu.dimension_semantics<arbitrary>], iteration_bounds = array<i64: 123>, scalar_prefetch = 0 : i64, scratch_operands = 0 : i64, tpu.core_type = #tpu.core_type<tc>, window_params = [{transform_indices = @transform_0, window_bounds = array<i64: 64, 8192>}, {transform_indices = @transform_1, window_bounds = array<i64: 2048, 128>}]} {
    %iota3A = tpu.iota {dimensions = array<i32: 0>} : vector<64x64xi32>
    %iota3A_0 = tpu.iota {dimensions = array<i32: 1>} : vector<64x64xi32>
    %add3A = arith.constant 0 : i32
    %add3A_1 = vector.broadcast %add3A : i32 to vector<64x64xi32>
    %add3A_2 = arith.addi %iota3A, %add3A_1 : vector<64x64xi32>
    %eq3A = arith.cmpi eq, %add3A_2, %iota3A_0 : vector<64x64xi32>
    %convert_element_type3A = arith.extui %eq3A : vector<64x64xi1> to vector<64x64xi32>
    %convert_element_type3A_3 = arith.sitofp %convert_element_type3A : vector<64x64xi32> to vector<64x64xf32>
    %get3A = arith.constant 0 : index
    %get3A_4 = arith.constant 0 : index
    %get3A_5 = vector.load %arg1[%get3A, %get3A_4] : memref<64x8192xf32, #tpu.memory_space<vmem>>, vector<64x8192xf32>
    %dot_general3A = arith.constant dense<0.000000e+00> : vector<8192x64xf32>
    %dot_general3A_6 = tpu.matmul %get3A_5, %convert_element_type3A_3, %dot_general3A {dimension_numbers = #tpu.dot_dimension_numbers<[0], [0], [1], [1], [0, 1, 1, 1], [], []>, transpose_lhs_hint = false} : vector<64x8192xf32>, vector<64x64xf32>, vector<8192x64xf32> -> vector<8192x64xf32>
    %bitcast_convert_type3A = tpu.bitcast %dot_general3A_6 : vector<8192x64xf32> -> vector<8192x64xi32>
    %slice3A = vector.extract_strided_slice %bitcast_convert_type3A {offsets = [0, 0], sizes = [8192, 32], strides = [1, 1]} : vector<8192x64xi32> to vector<8192x32xi32>
    %shift_right_logical3A = arith.constant 16 : i32
    %shift_right_logical3A_7 = vector.broadcast %shift_right_logical3A : i32 to vector<8192x32xi32>
    %shift_right_logical3A_8 = arith.shrui %slice3A, %shift_right_logical3A_7 : vector<8192x32xi32>
    %slice3A_9 = vector.extract_strided_slice %bitcast_convert_type3A {offsets = [0, 32], sizes = [8192, 32], strides = [1, 1]} : vector<8192x64xi32> to vector<8192x32xi32>
    %and3A = arith.constant -65536 : i32
    %and3A_10 = vector.broadcast %and3A : i32 to vector<8192x32xi32>
    %and3A_11 = arith.andi %slice3A_9, %and3A_10 : vector<8192x32xi32>
    %or3A = arith.ori %and3A_11, %shift_right_logical3A_8 : vector<8192x32xi32>
    %slice3A_12 = vector.extract_strided_slice %or3A {offsets = [0, 0], sizes = [2048, 32], strides = [1, 1]} : vector<8192x32xi32> to vector<2048x32xi32>
    %swap3A = arith.constant 0 : index
    %swap3A_13 = arith.constant 0 : index
    %swap3A_14 = vector.load %arg2[%swap3A, %swap3A_13] : memref<2048x128xi32, #tpu.memory_space<vmem>>, vector<2048x32xi32>
    tpu.vector_store %arg2[%swap3A, %swap3A_13], %slice3A_12 {strides = array<i32>} : memref<2048x128xi32, #tpu.memory_space<vmem>>, vector<2048x32xi32>,
    %slice3A_15 = vector.extract_strided_slice %or3A {offsets = [2048, 0], sizes = [2048, 32], strides = [1, 1]} : vector<8192x32xi32> to vector<2048x32xi32>
    %swap3A_16 = arith.constant 0 : index
    %swap3A_17 = arith.constant 32 : index
    %swap3A_18 = vector.load %arg2[%swap3A_16, %swap3A_17] : memref<2048x128xi32, #tpu.memory_space<vmem>>, vector<2048x32xi32>
    tpu.vector_store %arg2[%swap3A_16, %swap3A_17], %slice3A_15 {strides = array<i32>} : memref<2048x128xi32, #tpu.memory_space<vmem>>, vector<2048x32xi32>,
    %slice3A_19 = vector.extract_strided_slice %or3A {offsets = [4096, 0], sizes = [2048, 32], strides = [1, 1]} : vector<8192x32xi32> to vector<2048x32xi32>
    %swap3A_20 = arith.constant 0 : index
    %swap3A_21 = arith.constant 64 : index
    %swap3A_22 = vector.load %arg2[%swap3A_20, %swap3A_21] : memref<2048x128xi32, #tpu.memory_space<vmem>>, vector<2048x32xi32>
    tpu.vector_store %arg2[%swap3A_20, %swap3A_21], %slice3A_19 {strides = array<i32>} : memref<2048x128xi32, #tpu.memory_space<vmem>>, vector<2048x32xi32>,
    %slice3A_23 = vector.extract_strided_slice %or3A {offsets = [6144, 0], sizes = [2048, 32], strides = [1, 1]} : vector<8192x32xi32> to vector<2048x32xi32>
    %swap3A_24 = arith.constant 0 : index
    %swap3A_25 = arith.constant 96 : index
    %swap3A_26 = vector.load %arg2[%swap3A_24, %swap3A_25] : memref<2048x128xi32, #tpu.memory_space<vmem>>, vector<2048x32xi32>
    tpu.vector_store %arg2[%swap3A_24, %swap3A_25], %slice3A_23 {strides = array<i32>} : memref<2048x128xi32, #tpu.memory_space<vmem>>, vector<2048x32xi32>,
    return
  }
  func.func @transform_0(%arg0: i32) -> (i32, i32) {
    %c0_i32 = arith.constant 0 : i32
    %c0_i32_0 = arith.constant 0 : i32
    return %c0_i32, %arg0 : i32, i32
  }
  func.func @transform_1(%arg0: i32) -> (i32, i32) {
    %c0_i32 = arith.constant 0 : i32
    %c0_i32_0 = arith.constant 0 : i32
    return %arg0, %c0_i32 : i32, i32
  }
}

</mosaic_0001>

<sc_bundles>
// kernel: _transe.5.cloned.1.call-start
scs
__scs_entry_jumppad:
0x0: {  	(pc) =	sbr.rel $0x88, $3  }
0x1: {  	(tag) =	ssettag $0x0;
	lr =	simm.s32 $0x1  }
0x2: {  	[smem:$0x3F9C] =	sst lr;
	_ =	strace $0xD0000000  }
0x3: {  	_ = 	snop  }
0x4: {  	_ = 	snop  }
0x5: {  	_ = 	snop  }
0x6: {  	_ = 	snop  }
0x7: {  	_ = 	snop  }
__scs_overlays_trampoline_lowered:
0x8: {  	[smem:$0x3FAB] =	sst s0  }
0x9: {  	[smem:$0x3FAC] =	sst s1  }
0xa: {  	[smem:$0x3FAD] =	sst s2  }
0xb: {  	[smem:$0x3FAE] =	sst s3  }
0xc: {  	[smem:$0x3FAF] =	sst s4  }
0xd: {  	[smem:$0x3FB0] =	sst s5  }
0xe: {  	[smem:$0x3FB1] =	sst s6  }
0xf: {  	[smem:$0x3FB2] =	sst s7  }
0x10: {  	[smem:$0x3FB3] =	sst s8  }
0x11: {  	[smem:$0x3FB4] =	sst s9;
	s0 =	simm.s32 @!p0 $0x0  }
0x12: {  	s1 =	sld [smem:$0x3F9A];
	s0 =	simm.s32 @p0 $0x1  }
0x13: {  	[smem:$0x3FB5] =	sst s0;
	s0 =	simm.s32 @!p1 $0x0  }
0x14: {  	s2 =	sld [smem:$0x3F99];
	s0 =	simm.s32 @p1 $0x1  }
0x15: {  	[smem:$0x3FB6] =	sst s0;
	s0 =	simm.s32 @!p2 $0x0  }
0x16: {  	s3 =	sld [smem:$0x3FDB];
	s0 =	simm.s32 @p2 $0x1  }
0x17: {  	s4 =	simm.s32 $0x1BF5;
	[smem:$0x3FB8] =	sst s0  }
0x18: {  	s0 =	sld [smem:$0x3F9B];
	_ =	swait.ge [sflag:s4], $0x0  }
0x19: {  	s7 =	sld [smem:$0x3F9C]  }
0x1a: {  	s8 =	sadd.s32 $0xFFFFE003, lr  }
0x1b: {  	s9 =	sadd.s32 $0xFFFFFEF7, lr;
	s5 =	simm.s32 $0xFFFFFFFF;
	p2 =	slt.u32 s8, $0xFFFFF086  }
0x1c: {  	p1 =	slt.u32 s9, $0xF7A;
	s5 =	simm.s32 @!p2 $0x0  }
0x1d: {  	s5 =	simm.s32 @p1 $0x1;
	p0 =	seq.s32 s7, s2  }
0x1e: {  	s7 =	smul.u32 @!p0 $0xF7A, s2;
	p2 =	seq.s32 @!p0 s5, $0x0  }
0x1f: {  	s9 =	smul.u32 $0xF7A, s1;
	s8 =	simm.s32 @!p0 $0x1BF5;
	p2 =	por !p2, p0  }
0x20: {  	[sflag:s8] =	ssyncset.s32 @!p0 $0xFFFFF086;
	s6 =	sadd.s32 @!p0 s3, s7;
	s7 =	simm.s32 @!p0 $0x108  }
0x21: {  	s3 =	sadd.s32 s3, s9;
	s6 =	sadd.s32 @!p0 $0x88, s6;
	s7 =	simm.s32 @p2 $0x1082  }
0x22: {  	[simem:s7], [sflag:s8] =	dma.local @!p0 [hbm:s6], $0xF7A  }
0x23: {  	s9 =	sor.u32 $0xD0000000, s2;
	s6 =	simm.s32 $0x108;
	_ =	swait.ge @!p0 [sflag:s8], $0x0  }
0x24: {  	s3 =	sadd.s32 $0x88, s3;
	s6 =	simm.s32 @!p1 $0x1082;
	[sflag:s4] =	ssyncset.s32 $0xFFFFF086  }
0x25: {  	[simem:s6], [sflag:s4] =	dma.local [hbm:s3], $0xF7A  }
0x26: {  	[smem:$0x3F9C] =	sst s1;
	(tag) =	ssettag s2;
	_ =	strace s9  }
0x27: {  	s1 =	sld [smem:$0x3FAC]  }
0x28: {  	s2 =	sld [smem:$0x3FAD]  }
0x29: {  	s4 =	sld [smem:$0x3FAF]  }
0x2a: {  	p0 =	seq.s32 s5, $0x0;
	s5 =	sld [smem:$0x3FB0]  }
0x2b: {  	s6 =	sld [smem:$0x3FB1]  }
0x2c: {  	s7 =	sld [smem:$0x3FB2]  }
0x2d: {  	s3 =	simm.s32 $0x108;
	s8 =	sld [smem:$0x3FB3]  }
0x2e: {  	s3 =	simm.s32 @!p0 $0x1082;
	s9 =	sld [smem:$0x3FB4]  }
0x2f: {  	lr =	sadd.s32 s0, s3;
	s0 =	sld [smem:$0x3FAB]  }
0x30: {  	s3 =	sld [smem:$0x3FAE]  }
0x31: {  	[smem:$0x3FB7] =	sst s10  }
0x32: {  	s10 =	sld [smem:$0x3FB5];
	_ =	sdelay $0x3  }
0x33: {  	p0 =	seq.s32 s10, $0x1;
	s10 =	sld [smem:$0x3FB7];
	_ =	sdelay $0x3  }
0x34: {  	[smem:$0x3FB7] =	sst s10  }
0x35: {  	s10 =	sld [smem:$0x3FB6];
	_ =	sdelay $0x3  }
0x36: {  	p1 =	seq.s32 s10, $0x1;
	s10 =	sld [smem:$0x3FB7];
	_ =	sdelay $0x3  }
0x37: {  	[smem:$0x3FB7] =	sst s10  }
0x38: {  	s10 =	sld [smem:$0x3FB8]  }
0x39: {  	_ = 	snop;
	(pc) =	sbr.ind lr, $3  }
0x3a: {  	_ = 	snop  }
0x3b: {  	_ = 	snop  }
0x3c: {  	p2 =	seq.s32 s10, $0x1;
	s10 =	sld [smem:$0x3FB7]  }
0x3d: {  	_ =	shalt  }
0x3e: {  	_ =	shalt  }
0x3f: {  	_ =	shalt  }
0x40: {  	_ =	shalt  }
0x41: {  	_ =	shalt  }
0x42: {  	_ =	shalt  }
0x43: {  	_ =	shalt  }
0x44: {  	_ =	shalt  }
0x45: {  	_ =	shalt  }
0x46: {  	_ =	shalt  }
0x47: {  	_ =	shalt  }
0x48: {  	_ =	shalt  }
0x49: {  	_ =	shalt  }
0x4a: {  	_ =	shalt  }
0x4b: {  	_ =	shalt  }
0x4c: {  	_ =	shalt  }
0x4d: {  	_ =	shalt  }
0x4e: {  	_ =	shalt  }
0x4f: {  	_ =	shalt  }
0x50: {  	_ =	shalt  }
0x51: {  	_ =	shalt  }
0x52: {  	_ =	shalt  }
0x53: {  	_ =	shalt  }
0x54: {  	_ =	shalt  }
0x55: {  	_ =	shalt  }
0x56: {  	_ =	shalt  }
0x57: {  	_ =	shalt  }
0x58: {  	_ =	shalt  }
0x59: {  	_ =	shalt  }
0x5a: {  	_ =	shalt  }
0x5b: {  	_ =	shalt  }
0x5c: {  	_ =	shalt  }
0x5d: {  	_ =	shalt  }
0x5e: {  	_ =	shalt  }
0x5f: {  	_ =	shalt  }
0x60: {  	_ =	shalt  }
0x61: {  	_ =	shalt  }
0x62: {  	_ =	shalt  }
0x63: {  	_ =	shalt  }
0x64: {  	_ =	shalt  }
0x65: {  	_ =	shalt  }
0x66: {  	_ =	shalt  }
0x67: {  	_ =	shalt  }
0x68: {  	_ =	shalt  }
0x69: {  	_ =	shalt  }
0x6a: {  	_ =	shalt  }
0x6b: {  	_ =	shalt  }
0x6c: {  	_ =	shalt  }
0x6d: {  	_ =	shalt  }
0x6e: {  	_ =	shalt  }
0x6f: {  	_ =	shalt  }
0x70: {  	_ =	shalt  }
0x71: {  	_ =	shalt  }
0x72: {  	_ =	shalt  }
0x73: {  	_ =	shalt  }
0x74: {  	_ =	shalt  }
0x75: {  	_ =	shalt  }
0x76: {  	_ =	shalt  }
0x77: {  	_ =	shalt  }
0x78: {  	_ =	shalt  }
0x79: {  	_ =	shalt  }
0x7a: {  	_ =	shalt  }
0x7b: {  	_ =	shalt  }
0x7c: {  	_ =	shalt  }
0x7d: {  	_ =	shalt  }
0x7e: {  	_ =	shalt  }
0x7f: {  	_ =	shalt  }
0x80: {  	_ =	shalt  }
0x81: {  	_ =	shalt  }
0x82: {  	_ =	shalt  }
0x83: {  	_ =	shalt  }
0x84: {  	_ =	shalt  }
0x85: {  	_ =	shalt  }
0x86: {  	_ =	shalt  }
0x87: {  	_ =	shalt  }
.Lfunc_end0:
.L_simem_size_0:
called_computation_lowered:
.L_overlay_start_0:
0x88: {  	s2 =	sld [smem:$0x3FD9]  }
0x89: {  	s3 =	sld [smem:$0x3FFE];
	_ =	sdelay $0x1  }
0x8a: {  	s1 =	srdreg.scid  }
0x8b: {  	s0 =	sand.u32 $0x1, s1  }
0x8c: {  	s17 =	sshll.u32 s0, $0xA;
	s2 =	sadd.s32 s3, s2  }
0x8d: {  	s2 =	sadd.s32 s2, s17  }
0x8e: {  	[smem:$0x3FC3] =	sst s2  }
0x8f: {  	_ = 	snop  }
0x90: {  	s2 =	sld [smem:$0x3FD0];
	(tm) =	ssettm $0x1  }
0x91: {  	s18 =	sld [smem:$0x3FFB];
	_ =	sdelay $0x3  }
0x92: {  	_ =	strace s18  }
0x93: {  	s3 =	sld [smem:$0x3FFC];
	_ =	sdelay $0x3  }
0x94: {  	_ =	strace s3  }
0x95: {  	s3 =	sld [smem:$0x3FFD];
	_ =	sdelay $0x3  }
0x96: {  	_ =	strace s3  }
0x97: {  	_ =	strace $0x8FFFFFFF  }
0x98: {  	s19 =	sld [smem:$0x3FDB];
	_ =	sdelay $0x1  }
0x99: {  	s4 =	simm.s32 $_scs_section_size  }
0x9a: {  	s5 =	simm.s32 $_size__tile_overlayer_lowered;
	s6 =	simm.s32 $_tile_overlayer_lowered  }
0x9b: {  	s22 =	simm.s32 $0x1BFF;
	s21 =	sshll.u32 s6, $0x1;
	s3 =	sadd.s32 s4, s19  }
0x9c: {  	s7 =	simm.s32 $0x0;
	s20 =	sshll.u32 s5, $0x1;
	s5 =	sadd.s32 s21, s3  }
0x9d: {  	[timem:s7], [sflag:s22] =	dma.local [hbm:s5], s20  }
0x9e: {  	_ =	swait.ge [sflag:s22], s20  }
0x9f: {  	s4 =	ssub.s32 $0x0, s20;
	[sflag:s22] =	ssyncset.done $0x0  }
0xa0: {  	[sflag:s22] =	ssyncadd.s32 s4;
	_ =	sdelay $0x1  }
0xa1: {  	s23 =	simm.s32 $0x1B8B  }
0xa2: {  	_ =	swait.ge [sflag:s23], $0x1  }
0xa3: {  	[sflag:s23] =	ssyncset.done $0x0  }
0xa4: {  	s25 =	simm.s32 $0x1B8E;
	s24 =	sld [smem:$0x3FFE];
	[sflag:s23] =	ssyncadd.s32 $0xFFFFFFFF  }
0xa5: {  	s26 =	simm.s32 $execute0_lowered;
	[smem:$0x3FD2] =	sst s25  }
0xa6: {  	s5 =	sshll.u32 s26, $0x1;
	_ =	strace $0x80000046;
	[dreg:$0x1] =	wrdreg $0xFFFFFFFF  }
0xa7: {  	s28 =	simm.s32 $_size_execute0_lowered;
	s3 =	sadd.s32 s3, s5;
	[dreg:$0x0] =	wrdreg $0x0  }
0xa8: {  	s5 =	sshll.u32 s28, $0x1;
	[dreg:$0x2] =	wrdreg s3  }
0xa9: {  	[dreg:$0x3] =	wrdreg s5  }
0xaa: {  	[dreg:$0x4] =	wrdreg $0xC0  }
0xab: {  	_ =	task [dreg:s7], $0x5FFFF  }
0xac: {  	[dreg:$0x1] =	wrdreg $0xFFFFFFFF  }
0xad: {  	[dreg:$0x0] =	wrdreg $0x60  }
0xae: {  	[dreg:$0x2] =	wrdreg s24  }
0xaf: {  	[dreg:$0x3] =	wrdreg s2  }
0xb0: {  	[dreg:$0x4] =	wrdreg $0x108000  }
0xb1: {  	[dreg:$0x5] =	wrdreg $0x9  }
0xb2: {  	_ =	task.clear_ibuf [dreg:s7], $0x6FFFF;
	_ =	strace $0x90000046  }
0xb3: {  	s29 =	simm.s32 $0x9;
	_ =	strace $0x80000048  }
0xb4: {  	_ =	swait.ge [sflag:s29], $0x1  }
0xb5: {  	[sflag:s29] =	ssyncadd.s32 $0xFFFFFFFF  }
0xb6: {  	_ =	strace $0x90000048  }
0xb7: {  	_ =	sfence  }
0xb8: {  	s30 =	sld [smem:$0x0];
	_ =	sdelay $0x2  }
0xb9: {  	s31 =	sshll.u32 s1, $0xD;
	s1 =	sshrl.u32 s1, $0x2  }
0xba: {  	s3 =	sand.u32 $0x4000, s31;
	s1 =	sadd.s32 s1, s30  }
0xbb: {  	s0 =	sor.u32 s3, s0;
	s1 =	sshll.u32 s1, $0x11  }
0xbc: {  	s0 =	sor.u32 s1, s0  }
0xbd: {  	s0 =	sadd.s32 $0x8F2B, s0  }
0xbe: {  	[sflag:s0] =	ssyncadd.remote.s32 $0x1  }
0xbf: {  	_ =	sfence.sel $0xFFFF  }
0xc0: {  	[dreg:$0x0] =	wrdreg $0xFFFFFFFF;
	(pc) =	sbr.abs _section_cstart, $3  }
0xc1: {  	[dreg:$0x1] =	wrdreg $0xFFFFFFFF  }
0xc2: {  	_ =	task.clear_ibuf [dreg:s7], $0x2FFFF;
	_ =	strace $0x9FFFFFFF  }
0xc3: {  	(tm) =	ssettm $0x7FFFFFFF  }
tec
execute0_lowered:
.L_overlay_start_1:
0x0: {  	(tag) =	ssettag $0x1  }
0x1: {  	s0 =	rddreg [dreg:$0x0]  }
0x2: {  	s1 =	rddreg [dreg:$0x1]  }
0x3: {  	s9 =	rddreg [dreg:$0x2];
	s3 =	srdreg.scid  }
0x4: {  	s2 =	simm.s32 $0x0;
	s11 =	stileid.u32;
	s12 =	simm.s32 $0x2  }
0x5: {  	s13 =	simm.s32 $0x200;
	s14 =	simm.s32 $0x400;
	s15 =	simm.s32 $0xE600  }
0x6: {  	s16 =	simm.s32 $0x80;
	s21 =	simm.s32 $0x1;
	s22 =	simm.s32 $0xC600  }
0x7: {  	s30 =	simm.s32 $0x10400;
	s31 =	simm.s32 $0xE400;
	s17 =	simm.s32 $0x10500  }
0x8: {  	s18 =	simm.s32 $0xE500;
	s19 =	simm.s32 $0x10580;
	s20 =	simm.s32 $0xE580  }
0x9: {  	s23 =	simm.s32 $0x10600;
	s24 =	simm.s32 $0x0;
	s3 =	sand.u32 $0x1, s3  }
0xa: {  	[smem:$0x7FF] =	sst s2;
	s4 =	sshll.u32 s11, $0x7;
	s11 =	sshll.u32 s11, $0xD  }
0xb: {  	s5 =	sshll.u32 s3, $0x6;
	_ =	strace $0x80000047;
	s6 =	ssub.s32 $0x2, s3  }
0xc: {  	s3 =	sadd.s32 $0xA400, s0;
	s9 =	sadd.s32 s11, s9;
	s10 =	sor.u32 s5, s4  }
0xd: {  	s7 =	sshrl.u32 s6, $0x1;
	s4 =	sadd.s32 $0x2400, s0;
	s5 =	sadd.s32 $0x800, s0  }
0xe: {  	s8 =	sadd.s32 s10, s0;
	s29 =	ssub.s32 s6, s7;
	s10 =	sadd.s32 s1, s10  }
0xf: {  	s0 =	simm.s32 $0x10480;
	s1 =	simm.s32 $0xE480;
	s6 =	sadd.s32 $0xC00, s8  }
0x10: {  	s7 =	sadd.s32 $0x1400, s8;
	s8 =	sadd.s32 $0x1C00, s8;
	s11 =	smax.u32 s29, $0x1  }
.LBB2_1:
0x11: {  	[tilespmem:s2], [sflag:$0x2] =	stream.linear.gather [hbm4b:s6+s2], $0x200, $0x38;
	[tilespmem:$0x12800] =	vst v63  }
0x12: {  	_ =	swait.ge [sflag:s12], $0x200  }
0x13: {  	[sflag:s12] =	ssyncset.done $0x0  }
0x14: {  	[sflag:s12] =	ssyncadd.s32 $0xFFFFFE00  }
0x15: {  	[tilespmem:s13], [sflag:$0x2] =	stream.linear.gather [hbm4b:s7+s2], $0x200, $0x38;
	[tilespmem:$0x12800] =	vst v63  }
0x16: {  	_ =	swait.ge [sflag:s12], $0x200  }
0x17: {  	[sflag:s12] =	ssyncset.done $0x0  }
0x18: {  	[sflag:s12] =	ssyncadd.s32 $0xFFFFFE00  }
0x19: {  	[tilespmem:s14], [sflag:$0x2] =	stream.linear.gather [hbm4b:s8+s2], $0x200, $0x38;
	[tilespmem:$0x12800] =	vst v63  }
0x1a: {  	_ =	swait.ge [sflag:s12], $0x200  }
0x1b: {  	[sflag:s12] =	ssyncset.done $0x0  }
0x1c: {  	[sflag:s12] =	ssyncadd.s32 $0xFFFFFE00  }
0x1d: {  	[tilespmem:s15], [sflag:$0x2] =	stream.linear.gather [hbm4b:s5+s2], $0x2000, $0x38;
	[tilespmem:$0x12800] =	vst v63  }
0x1e: {  	_ =	swait.ge [sflag:s12], $0x2000  }
0x1f: {  	[sflag:s12] =	ssyncset.done $0x0  }
0x20: {  	s25 =	simm.s32 $0x600;
	[sflag:s12] =	ssyncadd.s32 $0xFFFFE000  }
0x21: {  	[tilespmem:s25], [sflag:$0x1] =	stream.indirect.gather [hbm4b:s3+s16], $0x20, s2, s16, $0xb8;
	[tilespmem:$0x12800] =	vst v63  }
0x22: {  	s26 =	simm.s32 $0x4600  }
0x23: {  	[tilespmem:s26], [sflag:$0x1] =	stream.indirect.gather [hbm4b:s3+s16], $0x20, s13, s16, $0xb8;
	[tilespmem:$0x12800] =	vst v63  }
0x24: {  	s29 =	simm.s32 $0x8600  }
0x25: {  	[tilespmem:s29], [sflag:$0x1] =	stream.indirect.gather [hbm4b:s4+s16], $0x20, s14, s16, $0xb8;
	[tilespmem:$0x12800] =	vst v63  }
0x26: {  	s26 =	simm.s32 $0x1600  }
0x27: {  	[tilespmem:s26], [sflag:$0x1] =	stream.indirect.gather [hbm4b:s3+s16], $0x20, s16, s16, $0xb8;
	[tilespmem:$0x12800] =	vst v63  }
0x28: {  	s29 =	simm.s32 $0x280;
	s26 =	simm.s32 $0x5600  }
0x29: {  	[tilespmem:s26], [sflag:$0x1] =	stream.indirect.gather [hbm4b:s3+s16], $0x20, s29, s16, $0xb8;
	[tilespmem:$0x12800] =	vst v63  }
0x2a: {  	s26 =	simm.s32 $0x480;
	s29 =	simm.s32 $0x9600  }
0x2b: {  	[tilespmem:s29], [sflag:$0x1] =	stream.indirect.gather [hbm4b:s4+s16], $0x20, s26, s16, $0xb8;
	[tilespmem:$0x12800] =	vst v63  }
0x2c: {  	s26 =	simm.s32 $0x100;
	s29 =	simm.s32 $0x2600  }
0x2d: {  	[tilespmem:s29], [sflag:$0x1] =	stream.indirect.gather [hbm4b:s3+s16], $0x20, s26, s16, $0xb8;
	[tilespmem:$0x12800] =	vst v63  }
0x2e: {  	s26 =	simm.s32 $0x300;
	s29 =	simm.s32 $0x6600  }
0x2f: {  	[tilespmem:s29], [sflag:$0x1] =	stream.indirect.gather [hbm4b:s3+s16], $0x20, s26, s16, $0xb8;
	[tilespmem:$0x12800] =	vst v63  }
0x30: {  	s26 =	simm.s32 $0x500;
	s29 =	simm.s32 $0xA600  }
0x31: {  	[tilespmem:s29], [sflag:$0x1] =	stream.indirect.gather [hbm4b:s4+s16], $0x20, s26, s16, $0xb8;
	[tilespmem:$0x12800] =	vst v63  }
0x32: {  	s26 =	simm.s32 $0x180;
	s29 =	simm.s32 $0x3600  }
0x33: {  	[tilespmem:s29], [sflag:$0x1] =	stream.indirect.gather [hbm4b:s3+s16], $0x20, s26, s16, $0xb8;
	[tilespmem:$0x12800] =	vst v63  }
0x34: {  	s26 =	simm.s32 $0x380;
	s29 =	simm.s32 $0x7600  }
0x35: {  	[tilespmem:s29], [sflag:$0x1] =	stream.indirect.gather [hbm4b:s3+s16], $0x20, s26, s16, $0xb8;
	[tilespmem:$0x12800] =	vst v63  }
0x36: {  	s26 =	simm.s32 $0x580;
	s29 =	simm.s32 $0xB600  }
0x37: {  	[tilespmem:s29], [sflag:$0x1] =	stream.indirect.gather [hbm4b:s4+s16], $0x20, s26, s16, $0xb8;
	[tilespmem:$0x12800] =	vst v63  }
0x38: {  	_ =	swait.ge [sflag:s21], $0x1000  }
0x39: {  	[sflag:s21] =	ssyncset.done $0x0  }
0x3a: {  	[sflag:s21] =	ssyncadd.s32 $0xFFFFF000  }
0x3b: {  	_ =	swait.ge [sflag:s21], $0x1000  }
0x3c: {  	[sflag:s21] =	ssyncset.done $0x0  }
0x3d: {  	[sflag:s21] =	ssyncadd.s32 $0xFFFFF000  }
0x3e: {  	_ =	swait.ge [sflag:s21], $0x1000  }
0x3f: {  	[sflag:s21] =	ssyncset.done $0x0  }
0x40: {  	[sflag:s21] =	ssyncadd.s32 $0xFFFFF000  }
0x41: {  	_ =	swait.ge [sflag:s21], $0x1000  }
0x42: {  	[sflag:s21] =	ssyncset.done $0x0  }
0x43: {  	[sflag:s21] =	ssyncadd.s32 $0xFFFFF000  }
0x44: {  	_ =	swait.ge [sflag:s21], $0x1000  }
0x45: {  	[sflag:s21] =	ssyncset.done $0x0  }
0x46: {  	[sflag:s21] =	ssyncadd.s32 $0xFFFFF000  }
0x47: {  	_ =	swait.ge [sflag:s21], $0x1000  }
0x48: {  	[sflag:s21] =	ssyncset.done $0x0  }
0x49: {  	[sflag:s21] =	ssyncadd.s32 $0xFFFFF000  }
0x4a: {  	_ =	swait.ge [sflag:s21], $0x1000  }
0x4b: {  	[sflag:s21] =	ssyncset.done $0x0  }
0x4c: {  	[sflag:s21] =	ssyncadd.s32 $0xFFFFF000  }
0x4d: {  	_ =	swait.ge [sflag:s21], $0x1000  }
0x4e: {  	[sflag:s21] =	ssyncset.done $0x0  }
0x4f: {  	[sflag:s21] =	ssyncadd.s32 $0xFFFFF000  }
0x50: {  	_ =	swait.ge [sflag:s21], $0x1000  }
0x51: {  	[sflag:s21] =	ssyncset.done $0x0  }
0x52: {  	[sflag:s21] =	ssyncadd.s32 $0xFFFFF000  }
0x53: {  	_ =	swait.ge [sflag:s21], $0x1000  }
0x54: {  	[sflag:s21] =	ssyncset.done $0x0  }
0x55: {  	[sflag:s21] =	ssyncadd.s32 $0xFFFFF000  }
0x56: {  	_ =	swait.ge [sflag:s21], $0x1000  }
0x57: {  	[sflag:s21] =	ssyncset.done $0x0  }
0x58: {  	[sflag:s21] =	ssyncadd.s32 $0xFFFFF000  }
0x59: {  	_ =	swait.ge [sflag:s21], $0x1000  }
0x5a: {  	[sflag:s21] =	ssyncset.done $0x0  }
0x5b: {  	s29 =	simm.s32 $0x0;
	[sflag:s21] =	ssyncadd.s32 $0xFFFFF000  }
0x5c: {  	v0 =	vld [tilespmem:s29+$0x610]  }
0x5d: {  	v1 =	vld [tilespmem:s29+$0x600]  }
0x5e: {  	v2 =	vld [tilespmem:s29+$0x8600]  }
0x5f: {  	v3 =	vld [tilespmem:s29+$0x8610]  }
0x60: {  	v4 =	vld [tilespmem:s29+$0x4600];
	_ =	sdelay $0x1  }
0x61: {  	v5 =	vld [tilespmem:s29+$0x4610];
	v6 =	vshll.u32 v0, $0x10;
	v7 =	vand.u32 $0xFFFF0000, v1  }
0x62: {  	v1 =	vshll.u32 v1, $0x10;
	v8 =	vshll.u32 v2, $0x10;
	v2 =	vand.u32 $0xFFFF0000, v2  }
0x63: {  	v61 =	vshll.u32 v3, $0x10;
	v1 =	vadd.f32 v8, v1;
	v2 =	vadd.f32 v2, v7  }
0x64: {  	v62 =	vshll.u32 v4, $0x10;
	v4 =	vand.u32 $0xFFFF0000, v4;
	v6 =	vadd.f32 v61, v6  }
0x65: {  	v1 =	vsub.f32 v1, v62;
	v2 =	vsub.f32 v2, v4  }
0x66: {  	v63 =	vshll.u32 v5, $0x10;
	v0 =	vand.u32 $0xFFFF0000, v0;
	v3 =	vand.u32 $0xFFFF0000, v3  }
0x67: {  	v4 =	vsub.f32 v6, v63;
	v1 =	vand.u32 $0x7FFFFFFF, v1;
	v2 =	vand.u32 $0x7FFFFFFF, v2  }
0x68: {  	v0 =	vadd.f32 v3, v0;
	v2 =	vadd.f32 v2, v1  }
0x69: {  	v3 =	vand.u32 $0x7FFFFFFF, v4;
	v1 =	vand.u32 $0xFFFF0000, v5  }
0x6a: {  	s28 =	simm.s32 $0xC600;
	s25 =	simm.s32 $0x80;
	s26 =	simm.s32 $0xC600;
	v1 =	vsub.f32 v0, v1;
	v0 =	vadd.f32 v3, v2  }
.LBB2_2:
0x6b: {  	p0 =	sne.s32 s25, $0xFF80  }
0x6c: {  	v1 =	vand.u32 $0x7FFFFFFF, v1;
	s28 =	sadd.s32 $0x10, s28;
	s29 =	smov.u32 s25;
	s25 =	sadd.s32 $0x80, s25  }
0x6d: {  	v0 =	vadd.f32 v0, v1  }
0x6e: {  	s29 =	sshra.s32 s29, $0x2  }
0x6f: {  	[tilespmem:s26+$0x0] =	vst v0;
	s26 =	smov.u32 s28  }
0x70: {  	v0 =	vld [tilespmem:s29+$0x610]  }
0x71: {  	v1 =	vld [tilespmem:s29+$0x600]  }
0x72: {  	v2 =	vld [tilespmem:s29+$0x8600]  }
0x73: {  	v3 =	vld [tilespmem:s29+$0x8610]  }
0x74: {  	v4 =	vld [tilespmem:s29+$0x4600]  }
0x75: {  	v5 =	vld [tilespmem:s29+$0x4610];
	v6 =	vshll.u32 v0, $0x10  }
0x76: {  	v0 =	vand.u32 $0xFFFF0000, v0;
	v7 =	vand.u32 $0xFFFF0000, v1  }
0x77: {  	v1 =	vshll.u32 v1, $0x10;
	v8 =	vshll.u32 v2, $0x10;
	v2 =	vand.u32 $0xFFFF0000, v2  }
0x78: {  	v1 =	vadd.f32 v8, v1;
	v2 =	vadd.f32 v2, v7;
	v7 =	vshll.u32 v3, $0x10  }
0x79: {  	v8 =	vshll.u32 v4, $0x10;
	v4 =	vand.u32 $0xFFFF0000, v4;
	v6 =	vadd.f32 v7, v6  }
0x7a: {  	v1 =	vsub.f32 v1, v8;
	v2 =	vsub.f32 v2, v4;
	v4 =	vshll.u32 v5, $0x10  }
.Ltmp0:
0x7b: {  	v3 =	vand.u32 $0xFFFF0000, v3;
	v4 =	vsub.f32 v6, v4;
	(pc) =	sbr.rel @p0 .LBB2_2-.Ltmp0, $4  }
0x7c: {  	v0 =	vadd.f32 v3, v0;
	v1 =	vand.u32 $0x7FFFFFFF, v1;
	v2 =	vand.u32 $0x7FFFFFFF, v2  }
0x7d: {  	v2 =	vadd.f32 v2, v1;
	v1 =	vand.u32 $0xFFFF0000, v5  }
0x7e: {  	v3 =	vand.u32 $0x7FFFFFFF, v4;
	v1 =	vsub.f32 v0, v1  }
0x7f: {  	v0 =	vadd.f32 v3, v2  }
0x80: {  	v1 =	vand.u32 $0x7FFFFFFF, v1  }
0x81: {  	v0 =	vadd.f32 v0, v1;
	_ =	sdelay $0x1  }
0x82: {  	[tilespmem:s26+$0x0] =	vst v0  }
0x83: {  	[spmem:s9] =	stream.linear.scatter [tilespmem:s22], [sflag:$0x2], $0x2000, $0x38;
	[tilespmem:$0x12800] =	vst v63  }
0x84: {  	_ =	swait.ge [sflag:s12], $0x2000  }
0x85: {  	[sflag:s12] =	ssyncset.done $0x0  }
0x86: {  	[sflag:s12] =	ssyncadd.s32 $0xFFFFE000  }
0x87: {  	[tilespmem:s22], [sflag:$0x1] =	stream.indirect.gather [spmem:s9], $0x1, s15, s16, $0xb8;
	[tilespmem:$0x12800] =	vst v63  }
0x88: {  	s25 =	simm.s32 $0xE680;
	s26 =	simm.s32 $0xC680  }
0x89: {  	[tilespmem:s26], [sflag:$0x1] =	stream.indirect.gather [spmem:s9], $0x1, s25, s16, $0xb8;
	[tilespmem:$0x12800] =	vst v63  }
0x8a: {  	s25 =	simm.s32 $0xE700;
	s26 =	simm.s32 $0xC700  }
0x8b: {  	[tilespmem:s26], [sflag:$0x1] =	stream.indirect.gather [spmem:s9], $0x1, s25, s16, $0xb8;
	[tilespmem:$0x12800] =	vst v63  }
0x8c: {  	s25 =	simm.s32 $0xE780;
	s26 =	simm.s32 $0xC780  }
0x8d: {  	[tilespmem:s26], [sflag:$0x1] =	stream.indirect.gather [spmem:s9], $0x1, s25, s16, $0xb8;
	[tilespmem:$0x12800] =	vst v63  }
0x8e: {  	s25 =	simm.s32 $0xE800;
	s26 =	simm.s32 $0xC800  }
0x8f: {  	[tilespmem:s26], [sflag:$0x1] =	stream.indirect.gather [spmem:s9], $0x1, s25, s16, $0xb8;
	[tilespmem:$0x12800] =	vst v63  }
0x90: {  	s25 =	simm.s32 $0xE880;
	s26 =	simm.s32 $0xC880  }
0x91: {  	[tilespmem:s26], [sflag:$0x1] =	stream.indirect.gather [spmem:s9], $0x1, s25, s16, $0xb8;
	[tilespmem:$0x12800] =	vst v63  }
0x92: {  	s25 =	simm.s32 $0xE900;
	s26 =	simm.s32 $0xC900  }
0x93: {  	[tilespmem:s26], [sflag:$0x1] =	stream.indirect.gather [spmem:s9], $0x1, s25, s16, $0xb8;
	[tilespmem:$0x12800] =	vst v63  }
0x94: {  	s25 =	simm.s32 $0xE980;
	s26 =	simm.s32 $0xC980  }
0x95: {  	[tilespmem:s26], [sflag:$0x1] =	stream.indirect.gather [spmem:s9], $0x1, s25, s16, $0xb8;
	[tilespmem:$0x12800] =	vst v63  }
0x96: {  	s25 =	simm.s32 $0xEA00;
	s26 =	simm.s32 $0xCA00  }
0x97: {  	[tilespmem:s26], [sflag:$0x1] =	stream.indirect.gather [spmem:s9], $0x1, s25, s16, $0xb8;
	[tilespmem:$0x12800] =	vst v63  }
0x98: {  	s25 =	simm.s32 $0xEA80;
	s26 =	simm.s32 $0xCA80  }
0x99: {  	[tilespmem:s26], [sflag:$0x1] =	stream.indirect.gather [spmem:s9], $0x1, s25, s16, $0xb8;
	[tilespmem:$0x12800] =	vst v63  }
0x9a: {  	s25 =	simm.s32 $0xEB00;
	s26 =	simm.s32 $0xCB00  }
0x9b: {  	[tilespmem:s26], [sflag:$0x1] =	stream.indirect.gather [spmem:s9], $0x1, s25, s16, $0xb8;
	[tilespmem:$0x12800] =	vst v63  }
0x9c: {  	s25 =	simm.s32 $0xEB80;
	s26 =	simm.s32 $0xCB80  }
0x9d: {  	[tilespmem:s26], [sflag:$0x1] =	stream.indirect.gather [spmem:s9], $0x1, s25, s16, $0xb8;
	[tilespmem:$0x12800] =	vst v63  }
0x9e: {  	s25 =	simm.s32 $0xEC00;
	s26 =	simm.s32 $0xCC00  }
0x9f: {  	[tilespmem:s26], [sflag:$0x1] =	stream.indirect.gather [spmem:s9], $0x1, s25, s16, $0xb8;
	[tilespmem:$0x12800] =	vst v63  }
0xa0: {  	s25 =	simm.s32 $0xEC80;
	s26 =	simm.s32 $0xCC80  }
0xa1: {  	[tilespmem:s26], [sflag:$0x1] =	stream.indirect.gather [spmem:s9], $0x1, s25, s16, $0xb8;
	[tilespmem:$0x12800] =	vst v63  }
0xa2: {  	s25 =	simm.s32 $0xED00;
	s26 =	simm.s32 $0xCD00  }
0xa3: {  	[tilespmem:s26], [sflag:$0x1] =	stream.indirect.gather [spmem:s9], $0x1, s25, s16, $0xb8;
	[tilespmem:$0x12800] =	vst v63  }
0xa4: {  	s25 =	simm.s32 $0xED80;
	s26 =	simm.s32 $0xCD80  }
0xa5: {  	[tilespmem:s26], [sflag:$0x1] =	stream.indirect.gather [spmem:s9], $0x1, s25, s16, $0xb8;
	[tilespmem:$0x12800] =	vst v63  }
0xa6: {  	s25 =	simm.s32 $0xEE00;
	s26 =	simm.s32 $0xCE00  }
0xa7: {  	[tilespmem:s26], [sflag:$0x1] =	stream.indirect.gather [spmem:s9], $0x1, s25, s16, $0xb8;
	[tilespmem:$0x12800] =	vst v63  }
0xa8: {  	s25 =	simm.s32 $0xEE80;
	s26 =	simm.s32 $0xCE80  }
0xa9: {  	[tilespmem:s26], [sflag:$0x1] =	stream.indirect.gather [spmem:s9], $0x1, s25, s16, $0xb8;
	[tilespmem:$0x12800] =	vst v63  }
0xaa: {  	s25 =	simm.s32 $0xEF00;
	s26 =	simm.s32 $0xCF00  }
0xab: {  	[tilespmem:s26], [sflag:$0x1] =	stream.indirect.gather [spmem:s9], $0x1, s25, s16, $0xb8;
	[tilespmem:$0x12800] =	vst v63  }
0xac: {  	s25 =	simm.s32 $0xEF80;
	s26 =	simm.s32 $0xCF80  }
0xad: {  	[tilespmem:s26], [sflag:$0x1] =	stream.indirect.gather [spmem:s9], $0x1, s25, s16, $0xb8;
	[tilespmem:$0x12800] =	vst v63  }
0xae: {  	s25 =	simm.s32 $0xF000;
	s26 =	simm.s32 $0xD000  }
0xaf: {  	[tilespmem:s26], [sflag:$0x1] =	stream.indirect.gather [spmem:s9], $0x1, s25, s16, $0xb8;
	[tilespmem:$0x12800] =	vst v63  }
0xb0: {  	s25 =	simm.s32 $0xF080;
	s26 =	simm.s32 $0xD080  }
0xb1: {  	[tilespmem:s26], [sflag:$0x1] =	stream.indirect.gather [spmem:s9], $0x1, s25, s16, $0xb8;
	[tilespmem:$0x12800] =	vst v63  }
0xb2: {  	s25 =	simm.s32 $0xF100;
	s26 =	simm.s32 $0xD100  }
0xb3: {  	[tilespmem:s26], [sflag:$0x1] =	stream.indirect.gather [spmem:s9], $0x1, s25, s16, $0xb8;
	[tilespmem:$0x12800] =	vst v63  }
0xb4: {  	s25 =	simm.s32 $0xF180;
	s26 =	simm.s32 $0xD180  }
0xb5: {  	[tilespmem:s26], [sflag:$0x1] =	stream.indirect.gather [spmem:s9], $0x1, s25, s16, $0xb8;
	[tilespmem:$0x12800] =	vst v63  }
0xb6: {  	s25 =	simm.s32 $0xF200;
	s26 =	simm.s32 $0xD200  }
0xb7: {  	[tilespmem:s26], [sflag:$0x1] =	stream.indirect.gather [spmem:s9], $0x1, s25, s16, $0xb8;
	[tilespmem:$0x12800] =	vst v63  }
0xb8: {  	s25 =	simm.s32 $0xF280;
	s26 =	simm.s32 $0xD280  }
0xb9: {  	[tilespmem:s26], [sflag:$0x1] =	stream.indirect.gather [spmem:s9], $0x1, s25, s16, $0xb8;
	[tilespmem:$0x12800] =	vst v63  }
0xba: {  	s25 =	simm.s32 $0xF300;
	s26 =	simm.s32 $0xD300  }
0xbb: {  	[tilespmem:s26], [sflag:$0x1] =	stream.indirect.gather [spmem:s9], $0x1, s25, s16, $0xb8;
	[tilespmem:$0x12800] =	vst v63  }
0xbc: {  	s25 =	simm.s32 $0xF380;
	s26 =	simm.s32 $0xD380  }
0xbd: {  	[tilespmem:s26], [sflag:$0x1] =	stream.indirect.gather [spmem:s9], $0x1, s25, s16, $0xb8;
	[tilespmem:$0x12800] =	vst v63  }
0xbe: {  	s25 =	simm.s32 $0xF400;
	s26 =	simm.s32 $0xD400  }
0xbf: {  	[tilespmem:s26], [sflag:$0x1] =	stream.indirect.gather [spmem:s9], $0x1, s25, s16, $0xb8;
	[tilespmem:$0x12800] =	vst v63  }
0xc0: {  	s25 =	simm.s32 $0xF480;
	s26 =	simm.s32 $0xD480  }
0xc1: {  	[tilespmem:s26], [sflag:$0x1] =	stream.indirect.gather [spmem:s9], $0x1, s25, s16, $0xb8;
	[tilespmem:$0x12800] =	vst v63  }
0xc2: {  	s25 =	simm.s32 $0xF500;
	s26 =	simm.s32 $0xD500  }
0xc3: {  	[tilespmem:s26], [sflag:$0x1] =	stream.indirect.gather [spmem:s9], $0x1, s25, s16, $0xb8;
	[tilespmem:$0x12800] =	vst v63  }
0xc4: {  	s25 =	simm.s32 $0xF580;
	s26 =	simm.s32 $0xD580  }
0xc5: {  	[tilespmem:s26], [sflag:$0x1] =	stream.indirect.gather [spmem:s9], $0x1, s25, s16, $0xb8;
	[tilespmem:$0x12800] =	vst v63  }
0xc6: {  	s25 =	simm.s32 $0xF600;
	s26 =	simm.s32 $0xD600  }
0xc7: {  	[tilespmem:s26], [sflag:$0x1] =	stream.indirect.gather [spmem:s9], $0x1, s25, s16, $0xb8;
	[tilespmem:$0x12800] =	vst v63  }
0xc8: {  	s25 =	simm.s32 $0xF680;
	s26 =	simm.s32 $0xD680  }
0xc9: {  	[tilespmem:s26], [sflag:$0x1] =	stream.indirect.gather [spmem:s9], $0x1, s25, s16, $0xb8;
	[tilespmem:$0x12800] =	vst v63  }
0xca: {  	s25 =	simm.s32 $0xF700;
	s26 =	simm.s32 $0xD700  }
0xcb: {  	[tilespmem:s26], [sflag:$0x1] =	stream.indirect.gather [spmem:s9], $0x1, s25, s16, $0xb8;
	[tilespmem:$0x12800] =	vst v63  }
0xcc: {  	s25 =	simm.s32 $0xF780;
	s26 =	simm.s32 $0xD780  }
0xcd: {  	[tilespmem:s26], [sflag:$0x1] =	stream.indirect.gather [spmem:s9], $0x1, s25, s16, $0xb8;
	[tilespmem:$0x12800] =	vst v63  }
0xce: {  	s25 =	simm.s32 $0xF800;
	s26 =	simm.s32 $0xD800  }
0xcf: {  	[tilespmem:s26], [sflag:$0x1] =	stream.indirect.gather [spmem:s9], $0x1, s25, s16, $0xb8;
	[tilespmem:$0x12800] =	vst v63  }
0xd0: {  	s25 =	simm.s32 $0xF880;
	s26 =	simm.s32 $0xD880  }
0xd1: {  	[tilespmem:s26], [sflag:$0x1] =	stream.indirect.gather [spmem:s9], $0x1, s25, s16, $0xb8;
	[tilespmem:$0x12800] =	vst v63  }
0xd2: {  	s25 =	simm.s32 $0xF900;
	s26 =	simm.s32 $0xD900  }
0xd3: {  	[tilespmem:s26], [sflag:$0x1] =	stream.indirect.gather [spmem:s9], $0x1, s25, s16, $0xb8;
	[tilespmem:$0x12800] =	vst v63  }
0xd4: {  	s25 =	simm.s32 $0xF980;
	s26 =	simm.s32 $0xD980  }
0xd5: {  	[tilespmem:s26], [sflag:$0x1] =	stream.indirect.gather [spmem:s9], $0x1, s25, s16, $0xb8;
	[tilespmem:$0x12800] =	vst v63  }
0xd6: {  	s25 =	simm.s32 $0xFA00;
	s26 =	simm.s32 $0xDA00  }
0xd7: {  	[tilespmem:s26], [sflag:$0x1] =	stream.indirect.gather [spmem:s9], $0x1, s25, s16, $0xb8;
	[tilespmem:$0x12800] =	vst v63  }
0xd8: {  	s25 =	simm.s32 $0xFA80;
	s26 =	simm.s32 $0xDA80  }
0xd9: {  	[tilespmem:s26], [sflag:$0x1] =	stream.indirect.gather [spmem:s9], $0x1, s25, s16, $0xb8;
	[tilespmem:$0x12800] =	vst v63  }
0xda: {  	s25 =	simm.s32 $0xFB00;
	s26 =	simm.s32 $0xDB00  }
0xdb: {  	[tilespmem:s26], [sflag:$0x1] =	stream.indirect.gather [spmem:s9], $0x1, s25, s16, $0xb8;
	[tilespmem:$0x12800] =	vst v63  }
0xdc: {  	s25 =	simm.s32 $0xFB80;
	s26 =	simm.s32 $0xDB80  }
0xdd: {  	[tilespmem:s26], [sflag:$0x1] =	stream.indirect.gather [spmem:s9], $0x1, s25, s16, $0xb8;
	[tilespmem:$0x12800] =	vst v63  }
0xde: {  	s25 =	simm.s32 $0xFC00;
	s26 =	simm.s32 $0xDC00  }
0xdf: {  	[tilespmem:s26], [sflag:$0x1] =	stream.indirect.gather [spmem:s9], $0x1, s25, s16, $0xb8;
	[tilespmem:$0x12800] =	vst v63  }
0xe0: {  	s25 =	simm.s32 $0xFC80;
	s26 =	simm.s32 $0xDC80  }
0xe1: {  	[tilespmem:s26], [sflag:$0x1] =	stream.indirect.gather [spmem:s9], $0x1, s25, s16, $0xb8;
	[tilespmem:$0x12800] =	vst v63  }
0xe2: {  	s25 =	simm.s32 $0xFD00;
	s26 =	simm.s32 $0xDD00  }
0xe3: {  	[tilespmem:s26], [sflag:$0x1] =	stream.indirect.gather [spmem:s9], $0x1, s25, s16, $0xb8;
	[tilespmem:$0x12800] =	vst v63  }
0xe4: {  	s25 =	simm.s32 $0xFD80;
	s26 =	simm.s32 $0xDD80  }
0xe5: {  	[tilespmem:s26], [sflag:$0x1] =	stream.indirect.gather [spmem:s9], $0x1, s25, s16, $0xb8;
	[tilespmem:$0x12800] =	vst v63  }
0xe6: {  	s25 =	simm.s32 $0xFE00;
	s26 =	simm.s32 $0xDE00  }
0xe7: {  	[tilespmem:s26], [sflag:$0x1] =	stream.indirect.gather [spmem:s9], $0x1, s25, s16, $0xb8;
	[tilespmem:$0x12800] =	vst v63  }
0xe8: {  	s25 =	simm.s32 $0xFE80;
	s26 =	simm.s32 $0xDE80  }
0xe9: {  	[tilespmem:s26], [sflag:$0x1] =	stream.indirect.gather [spmem:s9], $0x1, s25, s16, $0xb8;
	[tilespmem:$0x12800] =	vst v63  }
0xea: {  	s25 =	simm.s32 $0xFF00;
	s26 =	simm.s32 $0xDF00  }
0xeb: {  	[tilespmem:s26], [sflag:$0x1] =	stream.indirect.gather [spmem:s9], $0x1, s25, s16, $0xb8;
	[tilespmem:$0x12800] =	vst v63  }
0xec: {  	s25 =	simm.s32 $0xFF80;
	s26 =	simm.s32 $0xDF80  }
0xed: {  	[tilespmem:s26], [sflag:$0x1] =	stream.indirect.gather [spmem:s9], $0x1, s25, s16, $0xb8;
	[tilespmem:$0x12800] =	vst v63  }
0xee: {  	s25 =	simm.s32 $0x10000;
	s26 =	simm.s32 $0xE000  }
0xef: {  	[tilespmem:s26], [sflag:$0x1] =	stream.indirect.gather [spmem:s9], $0x1, s25, s16, $0xb8;
	[tilespmem:$0x12800] =	vst v63  }
0xf0: {  	s25 =	simm.s32 $0x10080;
	s26 =	simm.s32 $0xE080  }
0xf1: {  	[tilespmem:s26], [sflag:$0x1] =	stream.indirect.gather [spmem:s9], $0x1, s25, s16, $0xb8;
	[tilespmem:$0x12800] =	vst v63  }
0xf2: {  	s25 =	simm.s32 $0x10100;
	s26 =	simm.s32 $0xE100  }
0xf3: {  	[tilespmem:s26], [sflag:$0x1] =	stream.indirect.gather [spmem:s9], $0x1, s25, s16, $0xb8;
	[tilespmem:$0x12800] =	vst v63  }
0xf4: {  	s25 =	simm.s32 $0x10180;
	s26 =	simm.s32 $0xE180  }
0xf5: {  	[tilespmem:s26], [sflag:$0x1] =	stream.indirect.gather [spmem:s9], $0x1, s25, s16, $0xb8;
	[tilespmem:$0x12800] =	vst v63  }
0xf6: {  	s25 =	simm.s32 $0x10200;
	s26 =	simm.s32 $0xE200  }
0xf7: {  	[tilespmem:s26], [sflag:$0x1] =	stream.indirect.gather [spmem:s9], $0x1, s25, s16, $0xb8;
	[tilespmem:$0x12800] =	vst v63  }
0xf8: {  	s25 =	simm.s32 $0x10280;
	s26 =	simm.s32 $0xE280  }
0xf9: {  	[tilespmem:s26], [sflag:$0x1] =	stream.indirect.gather [spmem:s9], $0x1, s25, s16, $0xb8;
	[tilespmem:$0x12800] =	vst v63  }
0xfa: {  	s25 =	simm.s32 $0x10300;
	s26 =	simm.s32 $0xE300  }
0xfb: {  	[tilespmem:s26], [sflag:$0x1] =	stream.indirect.gather [spmem:s9], $0x1, s25, s16, $0xb8;
	[tilespmem:$0x12800] =	vst v63  }
0xfc: {  	s25 =	simm.s32 $0x10380;
	s26 =	simm.s32 $0xE380  }
0xfd: {  	[tilespmem:s26], [sflag:$0x1] =	stream.indirect.gather [spmem:s9], $0x1, s25, s16, $0xb8;
	[tilespmem:$0x12800] =	vst v63  }
0xfe: {  	_ = 	snop  }
0xff: {  	[tilespmem:s31], [sflag:$0x1] =	stream.indirect.gather [spmem:s9], $0x1, s30, s16, $0xb8;
	[tilespmem:$0x12800] =	vst v63  }
0x100: {  	_ = 	snop  }
0x101: {  	[tilespmem:s1], [sflag:$0x1] =	stream.indirect.gather [spmem:s9], $0x1, s0, s16, $0xb8;
	[tilespmem:$0x12800] =	vst v63  }
0x102: {  	_ = 	snop  }
0x103: {  	[tilespmem:s18], [sflag:$0x1] =	stream.indirect.gather [spmem:s9], $0x1, s17, s16, $0xb8;
	[tilespmem:$0x12800] =	vst v63  }
0x104: {  	_ = 	snop  }
0x105: {  	[tilespmem:s20], [sflag:$0x1] =	stream.indirect.gather [spmem:s9], $0x1, s19, s16, $0xb8;
	[tilespmem:$0x12800] =	vst v63  }
0x106: {  	_ =	swait.ge [sflag:s21], $0x80  }
0x107: {  	[sflag:s21] =	ssyncset.done $0x0  }
0x108: {  	[sflag:s21] =	ssyncadd.s32 $0xFFFFFF80  }
0x109: {  	_ =	swait.ge [sflag:s21], $0x80  }
0x10a: {  	[sflag:s21] =	ssyncset.done $0x0  }
0x10b: {  	[sflag:s21] =	ssyncadd.s32 $0xFFFFFF80  }
0x10c: {  	_ =	swait.ge [sflag:s21], $0x80  }
0x10d: {  	[sflag:s21] =	ssyncset.done $0x0  }
0x10e: {  	[sflag:s21] =	ssyncadd.s32 $0xFFFFFF80  }
0x10f: {  	_ =	swait.ge [sflag:s21], $0x80  }
0x110: {  	[sflag:s21] =	ssyncset.done $0x0  }
0x111: {  	[sflag:s21] =	ssyncadd.s32 $0xFFFFFF80  }
0x112: {  	_ =	swait.ge [sflag:s21], $0x80  }
0x113: {  	[sflag:s21] =	ssyncset.done $0x0  }
0x114: {  	[sflag:s21] =	ssyncadd.s32 $0xFFFFFF80  }
0x115: {  	_ =	swait.ge [sflag:s21], $0x80  }
0x116: {  	[sflag:s21] =	ssyncset.done $0x0  }
0x117: {  	[sflag:s21] =	ssyncadd.s32 $0xFFFFFF80  }
0x118: {  	_ =	swait.ge [sflag:s21], $0x80  }
0x119: {  	[sflag:s21] =	ssyncset.done $0x0  }
0x11a: {  	[sflag:s21] =	ssyncadd.s32 $0xFFFFFF80  }
0x11b: {  	_ =	swait.ge [sflag:s21], $0x80  }
0x11c: {  	[sflag:s21] =	ssyncset.done $0x0  }
0x11d: {  	[sflag:s21] =	ssyncadd.s32 $0xFFFFFF80  }
0x11e: {  	_ =	swait.ge [sflag:s21], $0x80  }
0x11f: {  	[sflag:s21] =	ssyncset.done $0x0  }
0x120: {  	[sflag:s21] =	ssyncadd.s32 $0xFFFFFF80  }
0x121: {  	_ =	swait.ge [sflag:s21], $0x80  }
0x122: {  	[sflag:s21] =	ssyncset.done $0x0  }
0x123: {  	[sflag:s21] =	ssyncadd.s32 $0xFFFFFF80  }
0x124: {  	_ =	swait.ge [sflag:s21], $0x80  }
0x125: {  	[sflag:s21] =	ssyncset.done $0x0  }
0x126: {  	[sflag:s21] =	ssyncadd.s32 $0xFFFFFF80  }
0x127: {  	_ =	swait.ge [sflag:s21], $0x80  }
0x128: {  	[sflag:s21] =	ssyncset.done $0x0  }
0x129: {  	[sflag:s21] =	ssyncadd.s32 $0xFFFFFF80  }
0x12a: {  	_ =	swait.ge [sflag:s21], $0x80  }
0x12b: {  	[sflag:s21] =	ssyncset.done $0x0  }
0x12c: {  	[sflag:s21] =	ssyncadd.s32 $0xFFFFFF80  }
0x12d: {  	_ =	swait.ge [sflag:s21], $0x80  }
0x12e: {  	[sflag:s21] =	ssyncset.done $0x0  }
0x12f: {  	[sflag:s21] =	ssyncadd.s32 $0xFFFFFF80  }
0x130: {  	_ =	swait.ge [sflag:s21], $0x80  }
0x131: {  	[sflag:s21] =	ssyncset.done $0x0  }
0x132: {  	[sflag:s21] =	ssyncadd.s32 $0xFFFFFF80  }
0x133: {  	_ =	swait.ge [sflag:s21], $0x80  }
0x134: {  	[sflag:s21] =	ssyncset.done $0x0  }
0x135: {  	[sflag:s21] =	ssyncadd.s32 $0xFFFFFF80  }
0x136: {  	_ =	swait.ge [sflag:s21], $0x80  }
0x137: {  	[sflag:s21] =	ssyncset.done $0x0  }
0x138: {  	[sflag:s21] =	ssyncadd.s32 $0xFFFFFF80  }
0x139: {  	_ =	swait.ge [sflag:s21], $0x80  }
0x13a: {  	[sflag:s21] =	ssyncset.done $0x0  }
0x13b: {  	[sflag:s21] =	ssyncadd.s32 $0xFFFFFF80  }
0x13c: {  	_ =	swait.ge [sflag:s21], $0x80  }
0x13d: {  	[sflag:s21] =	ssyncset.done $0x0  }
0x13e: {  	[sflag:s21] =	ssyncadd.s32 $0xFFFFFF80  }
0x13f: {  	_ =	swait.ge [sflag:s21], $0x80  }
0x140: {  	[sflag:s21] =	ssyncset.done $0x0  }
0x141: {  	[sflag:s21] =	ssyncadd.s32 $0xFFFFFF80  }
0x142: {  	_ =	swait.ge [sflag:s21], $0x80  }
0x143: {  	[sflag:s21] =	ssyncset.done $0x0  }
0x144: {  	[sflag:s21] =	ssyncadd.s32 $0xFFFFFF80  }
0x145: {  	_ =	swait.ge [sflag:s21], $0x80  }
0x146: {  	[sflag:s21] =	ssyncset.done $0x0  }
0x147: {  	[sflag:s21] =	ssyncadd.s32 $0xFFFFFF80  }
0x148: {  	_ =	swait.ge [sflag:s21], $0x80  }
0x149: {  	[sflag:s21] =	ssyncset.done $0x0  }
0x14a: {  	[sflag:s21] =	ssyncadd.s32 $0xFFFFFF80  }
0x14b: {  	_ =	swait.ge [sflag:s21], $0x80  }
0x14c: {  	[sflag:s21] =	ssyncset.done $0x0  }
0x14d: {  	[sflag:s21] =	ssyncadd.s32 $0xFFFFFF80  }
0x14e: {  	_ =	swait.ge [sflag:s21], $0x80  }
0x14f: {  	[sflag:s21] =	ssyncset.done $0x0  }
0x150: {  	[sflag:s21] =	ssyncadd.s32 $0xFFFFFF80  }
0x151: {  	_ =	swait.ge [sflag:s21], $0x80  }
0x152: {  	[sflag:s21] =	ssyncset.done $0x0  }
0x153: {  	[sflag:s21] =	ssyncadd.s32 $0xFFFFFF80  }
0x154: {  	_ =	swait.ge [sflag:s21], $0x80  }
0x155: {  	[sflag:s21] =	ssyncset.done $0x0  }
0x156: {  	[sflag:s21] =	ssyncadd.s32 $0xFFFFFF80  }
0x157: {  	_ =	swait.ge [sflag:s21], $0x80  }
0x158: {  	[sflag:s21] =	ssyncset.done $0x0  }
0x159: {  	[sflag:s21] =	ssyncadd.s32 $0xFFFFFF80  }
0x15a: {  	_ =	swait.ge [sflag:s21], $0x80  }
0x15b: {  	[sflag:s21] =	ssyncset.done $0x0  }
0x15c: {  	[sflag:s21] =	ssyncadd.s32 $0xFFFFFF80  }
0x15d: {  	_ =	swait.ge [sflag:s21], $0x80  }
0x15e: {  	[sflag:s21] =	ssyncset.done $0x0  }
0x15f: {  	[sflag:s21] =	ssyncadd.s32 $0xFFFFFF80  }
0x160: {  	_ =	swait.ge [sflag:s21], $0x80  }
0x161: {  	[sflag:s21] =	ssyncset.done $0x0  }
0x162: {  	[sflag:s21] =	ssyncadd.s32 $0xFFFFFF80  }
0x163: {  	_ =	swait.ge [sflag:s21], $0x80  }
0x164: {  	[sflag:s21] =	ssyncset.done $0x0  }
0x165: {  	[sflag:s21] =	ssyncadd.s32 $0xFFFFFF80  }
0x166: {  	_ =	swait.ge [sflag:s21], $0x80  }
0x167: {  	[sflag:s21] =	ssyncset.done $0x0  }
0x168: {  	[sflag:s21] =	ssyncadd.s32 $0xFFFFFF80  }
0x169: {  	_ =	swait.ge [sflag:s21], $0x80  }
0x16a: {  	[sflag:s21] =	ssyncset.done $0x0  }
0x16b: {  	[sflag:s21] =	ssyncadd.s32 $0xFFFFFF80  }
0x16c: {  	_ =	swait.ge [sflag:s21], $0x80  }
0x16d: {  	[sflag:s21] =	ssyncset.done $0x0  }
0x16e: {  	[sflag:s21] =	ssyncadd.s32 $0xFFFFFF80  }
0x16f: {  	_ =	swait.ge [sflag:s21], $0x80  }
0x170: {  	[sflag:s21] =	ssyncset.done $0x0  }
0x171: {  	[sflag:s21] =	ssyncadd.s32 $0xFFFFFF80  }
0x172: {  	_ =	swait.ge [sflag:s21], $0x80  }
0x173: {  	[sflag:s21] =	ssyncset.done $0x0  }
0x174: {  	[sflag:s21] =	ssyncadd.s32 $0xFFFFFF80  }
0x175: {  	_ =	swait.ge [sflag:s21], $0x80  }
0x176: {  	[sflag:s21] =	ssyncset.done $0x0  }
0x177: {  	[sflag:s21] =	ssyncadd.s32 $0xFFFFFF80  }
0x178: {  	_ =	swait.ge [sflag:s21], $0x80  }
0x179: {  	[sflag:s21] =	ssyncset.done $0x0  }
0x17a: {  	[sflag:s21] =	ssyncadd.s32 $0xFFFFFF80  }
0x17b: {  	_ =	swait.ge [sflag:s21], $0x80  }
0x17c: {  	[sflag:s21] =	ssyncset.done $0x0  }
0x17d: {  	[sflag:s21] =	ssyncadd.s32 $0xFFFFFF80  }
0x17e: {  	_ =	swait.ge [sflag:s21], $0x80  }
0x17f: {  	[sflag:s21] =	ssyncset.done $0x0  }
0x180: {  	[sflag:s21] =	ssyncadd.s32 $0xFFFFFF80  }
0x181: {  	_ =	swait.ge [sflag:s21], $0x80  }
0x182: {  	[sflag:s21] =	ssyncset.done $0x0  }
0x183: {  	[sflag:s21] =	ssyncadd.s32 $0xFFFFFF80  }
0x184: {  	_ =	swait.ge [sflag:s21], $0x80  }
0x185: {  	[sflag:s21] =	ssyncset.done $0x0  }
0x186: {  	[sflag:s21] =	ssyncadd.s32 $0xFFFFFF80  }
0x187: {  	_ =	swait.ge [sflag:s21], $0x80  }
0x188: {  	[sflag:s21] =	ssyncset.done $0x0  }
0x189: {  	[sflag:s21] =	ssyncadd.s32 $0xFFFFFF80  }
0x18a: {  	_ =	swait.ge [sflag:s21], $0x80  }
0x18b: {  	[sflag:s21] =	ssyncset.done $0x0  }
0x18c: {  	[sflag:s21] =	ssyncadd.s32 $0xFFFFFF80  }
0x18d: {  	_ =	swait.ge [sflag:s21], $0x80  }
0x18e: {  	[sflag:s21] =	ssyncset.done $0x0  }
0x18f: {  	[sflag:s21] =	ssyncadd.s32 $0xFFFFFF80  }
0x190: {  	_ =	swait.ge [sflag:s21], $0x80  }
0x191: {  	[sflag:s21] =	ssyncset.done $0x0  }
0x192: {  	[sflag:s21] =	ssyncadd.s32 $0xFFFFFF80  }
0x193: {  	_ =	swait.ge [sflag:s21], $0x80  }
0x194: {  	[sflag:s21] =	ssyncset.done $0x0  }
0x195: {  	[sflag:s21] =	ssyncadd.s32 $0xFFFFFF80  }
0x196: {  	_ =	swait.ge [sflag:s21], $0x80  }
0x197: {  	[sflag:s21] =	ssyncset.done $0x0  }
0x198: {  	[sflag:s21] =	ssyncadd.s32 $0xFFFFFF80  }
0x199: {  	_ =	swait.ge [sflag:s21], $0x80  }
0x19a: {  	[sflag:s21] =	ssyncset.done $0x0  }
0x19b: {  	[sflag:s21] =	ssyncadd.s32 $0xFFFFFF80  }
0x19c: {  	_ =	swait.ge [sflag:s21], $0x80  }
0x19d: {  	[sflag:s21] =	ssyncset.done $0x0  }
0x19e: {  	[sflag:s21] =	ssyncadd.s32 $0xFFFFFF80  }
0x19f: {  	_ =	swait.ge [sflag:s21], $0x80  }
0x1a0: {  	[sflag:s21] =	ssyncset.done $0x0  }
0x1a1: {  	[sflag:s21] =	ssyncadd.s32 $0xFFFFFF80  }
0x1a2: {  	_ =	swait.ge [sflag:s21], $0x80  }
0x1a3: {  	[sflag:s21] =	ssyncset.done $0x0  }
0x1a4: {  	[sflag:s21] =	ssyncadd.s32 $0xFFFFFF80  }
0x1a5: {  	_ =	swait.ge [sflag:s21], $0x80  }
0x1a6: {  	[sflag:s21] =	ssyncset.done $0x0  }
0x1a7: {  	[sflag:s21] =	ssyncadd.s32 $0xFFFFFF80  }
0x1a8: {  	_ =	swait.ge [sflag:s21], $0x80  }
0x1a9: {  	[sflag:s21] =	ssyncset.done $0x0  }
0x1aa: {  	[sflag:s21] =	ssyncadd.s32 $0xFFFFFF80  }
0x1ab: {  	_ =	swait.ge [sflag:s21], $0x80  }
0x1ac: {  	[sflag:s21] =	ssyncset.done $0x0  }
0x1ad: {  	[sflag:s21] =	ssyncadd.s32 $0xFFFFFF80  }
0x1ae: {  	_ =	swait.ge [sflag:s21], $0x80  }
0x1af: {  	[sflag:s21] =	ssyncset.done $0x0  }
0x1b0: {  	[sflag:s21] =	ssyncadd.s32 $0xFFFFFF80  }
0x1b1: {  	_ =	swait.ge [sflag:s21], $0x80  }
0x1b2: {  	[sflag:s21] =	ssyncset.done $0x0  }
0x1b3: {  	[sflag:s21] =	ssyncadd.s32 $0xFFFFFF80  }
0x1b4: {  	_ =	swait.ge [sflag:s21], $0x80  }
0x1b5: {  	[sflag:s21] =	ssyncset.done $0x0  }
0x1b6: {  	[sflag:s21] =	ssyncadd.s32 $0xFFFFFF80  }
0x1b7: {  	_ =	swait.ge [sflag:s21], $0x80  }
0x1b8: {  	[sflag:s21] =	ssyncset.done $0x0  }
0x1b9: {  	[sflag:s21] =	ssyncadd.s32 $0xFFFFFF80  }
0x1ba: {  	_ =	swait.ge [sflag:s21], $0x80  }
0x1bb: {  	[sflag:s21] =	ssyncset.done $0x0  }
0x1bc: {  	[sflag:s21] =	ssyncadd.s32 $0xFFFFFF80  }
0x1bd: {  	_ =	swait.ge [sflag:s21], $0x80  }
0x1be: {  	[sflag:s21] =	ssyncset.done $0x0  }
0x1bf: {  	[sflag:s21] =	ssyncadd.s32 $0xFFFFFF80  }
0x1c0: {  	_ =	swait.ge [sflag:s21], $0x80  }
0x1c1: {  	[sflag:s21] =	ssyncset.done $0x0  }
0x1c2: {  	[sflag:s21] =	ssyncadd.s32 $0xFFFFFF80  }
0x1c3: {  	_ =	swait.ge [sflag:s21], $0x80  }
0x1c4: {  	[sflag:s21] =	ssyncset.done $0x0  }
0x1c5: {  	s26 =	simm.s32 $0x0;
	[sflag:s21] =	ssyncadd.s32 $0xFFFFFF80  }
0x1c6: {  	v0 =	vld [tilespmem:s26+$0xC600]  }
0x1c7: {  	v1 =	vld [tilespmem:s26+$0xC800];
	_ =	sdelay $0x1  }
0x1c8: {  	v2 =	vld [tilespmem:s26+$0xCA00];
	_ =	sdelay $0x1  }
0x1c9: {  	v3 =	vld [tilespmem:s26+$0xCC00]  }
0x1ca: {  	v0 =	vadd.f32 v1, v0  }
0x1cb: {  	v1 =	vld [tilespmem:s26+$0xCE00]  }
0x1cc: {  	v0 =	vadd.f32 v2, v0  }
0x1cd: {  	v2 =	vld [tilespmem:s26+$0xD000]  }
0x1ce: {  	v0 =	vadd.f32 v3, v0  }
0x1cf: {  	v3 =	vld [tilespmem:s26+$0xD200]  }
0x1d0: {  	v0 =	vadd.f32 v1, v0  }
0x1d1: {  	v1 =	vld [tilespmem:s26+$0xD400]  }
0x1d2: {  	s25 =	simm.s32 $0x10;
	v4 =	vld [tilespmem:s26+$0xD600];
	v0 =	vadd.f32 v2, v0  }
0x1d3: {  	v5 =	vld [tilespmem:s25+$0xC600]  }
0x1d4: {  	v2 =	vld [tilespmem:s26+$0xD800];
	v0 =	vadd.f32 v3, v0  }
0x1d5: {  	v3 =	vld [tilespmem:s25+$0xC800]  }
0x1d6: {  	v6 =	vld [tilespmem:s25+$0xCA00];
	v0 =	vadd.f32 v1, v0  }
0x1d7: {  	v1 =	vld [tilespmem:s26+$0xDA00]  }
0x1d8: {  	v7 =	vld [tilespmem:s25+$0xCC00];
	v0 =	vadd.f32 v4, v0  }
0x1d9: {  	v4 =	vld [tilespmem:s26+$0xDC00]  }
0x1da: {  	v3 =	vadd.f32 v3, v5;
	v5 =	vld [tilespmem:s25+$0xCE00];
	v0 =	vadd.f32 v2, v0  }
0x1db: {  	v2 =	vld [tilespmem:s26+$0xDE00]  }
0x1dc: {  	v8 =	vld [tilespmem:s25+$0xD000];
	v3 =	vadd.f32 v6, v3;
	v0 =	vadd.f32 v1, v0  }
0x1dd: {  	v6 =	vld [tilespmem:s26+$0xE000]  }
0x1de: {  	v9 =	vld [tilespmem:s25+$0xD200];
	v1 =	vadd.f32 v7, v3;
	v0 =	vadd.f32 v4, v0  }
0x1df: {  	v7 =	vld [tilespmem:s26+$0xE200]  }
0x1e0: {  	v3 =	vld [tilespmem:s25+$0xD400];
	v4 =	vadd.f32 v5, v1;
	v2 =	vadd.f32 v2, v0  }
0x1e1: {  	v1 =	vld [tilespmem:s26+$0xE400]  }
0x1e2: {  	v0 =	vld [tilespmem:s25+$0xD800];
	v5 =	vadd.f32 v8, v4;
	v6 =	vadd.f32 v6, v2  }
0x1e3: {  	s28 =	simm.s32 $0x20;
	v4 =	vld [tilespmem:s25+$0xD600]  }
0x1e4: {  	s29 =	simm.s32 $0xC0;
	v2 =	vld [tilespmem:s28+$0xC600];
	v5 =	vadd.f32 v9, v5;
	v6 =	vadd.f32 v7, v6  }
.LBB2_4:
0x1e5: {  	p0 =	sne.s32 s29, $0x7C0;
	v7 =	vld [tilespmem:s28+$0xC800]  }
0x1e6: {  	v3 =	vadd.f32 v3, v5;
	v5 =	vld [tilespmem:s25+$0xDA00];
	v1 =	vadd.f32 v1, v6  }
0x1e7: {  	v6 =	vld [tilespmem:s28+$0xCA00]  }
0x1e8: {  	v3 =	vadd.f32 v4, v3;
	v4 =	vld [tilespmem:s25+$0xDC00];
	v1 =	vsub.f32 $0.0e+00, v1  }
0x1e9: {  	v8 =	vld [tilespmem:s28+$0xCC00]  }
0x1ea: {  	v2 =	vadd.f32 v7, v2;
	v0 =	vadd.f32 v0, v3;
	v3 =	vld [tilespmem:s25+$0xDE00];
	[tilespmem:s26+$0x10600] =	vst v1;
	s26 =	smov.u32 s25;
	s25 =	smov.u32 s28  }
0x1eb: {  	v1 =	vld [tilespmem:s25+$0xCE00]  }
0x1ec: {  	v2 =	vadd.f32 v6, v2;
	v0 =	vadd.f32 v5, v0;
	v5 =	vld [tilespmem:s26+$0xE000]  }
0x1ed: {  	v6 =	vld [tilespmem:s25+$0xD000]  }
0x1ee: {  	v2 =	vadd.f32 v8, v2;
	v0 =	vadd.f32 v4, v0;
	v7 =	vld [tilespmem:s26+$0xE200]  }
0x1ef: {  	v8 =	vld [tilespmem:s25+$0xD200]  }
.Ltmp1:
0x1f0: {  	v2 =	vadd.f32 v1, v2;
	v4 =	vadd.f32 v3, v0;
	v1 =	vld [tilespmem:s26+$0xE400];
	(pc) =	sbr.rel @p0 .LBB2_4-.Ltmp1, $4  }
0x1f1: {  	v3 =	vld [tilespmem:s25+$0xD400]  }
0x1f2: {  	v6 =	vadd.f32 v6, v2;
	v0 =	vld [tilespmem:s25+$0xD800];
	v9 =	vadd.f32 v5, v4  }
0x1f3: {  	s28 =	sshra.s32 s29, $0x2;
	v4 =	vld [tilespmem:s25+$0xD600]  }
0x1f4: {  	s29 =	sadd.s32 $0x40, s29;
	v2 =	vld [tilespmem:s28+$0xC600];
	v5 =	vadd.f32 v8, v6;
	v6 =	vadd.f32 v7, v9  }
0x1f5: {  	v7 =	vld [tilespmem:s28+$0xC800]  }
0x1f6: {  	v8 =	vld [tilespmem:s25+$0xDA00];
	v1 =	vadd.f32 v1, v6  }
0x1f7: {  	v47 =	vld [tilespmem:s28+$0xCA00]  }
0x1f8: {  	v9 =	vld [tilespmem:s25+$0xDC00];
	v3 =	vadd.f32 v3, v5;
	v1 =	vsub.f32 $0.0e+00, v1  }
0x1f9: {  	v48 =	vld [tilespmem:s28+$0xCC00]  }
0x1fa: {  	v10 =	vld [tilespmem:s25+$0xDE00];
	v3 =	vadd.f32 v4, v3;
	v2 =	vadd.f32 v7, v2;
	[tilespmem:s26+$0x10600] =	vst v1  }
0x1fb: {  	v1 =	vld [tilespmem:s28+$0xCE00]  }
0x1fc: {  	v0 =	vadd.f32 v0, v3;
	v2 =	vadd.f32 v47, v2  }
0x1fd: {  	v49 =	vld [tilespmem:s28+$0xD000]  }
0x1fe: {  	v50 =	vld [tilespmem:s25+$0xE000];
	v0 =	vadd.f32 v8, v0;
	v2 =	vadd.f32 v48, v2  }
0x1ff: {  	v51 =	vld [tilespmem:s28+$0xD200]  }
0x200: {  	v52 =	vld [tilespmem:s25+$0xE200];
	v0 =	vadd.f32 v9, v0;
	v1 =	vadd.f32 v1, v2  }
0x201: {  	v53 =	vld [tilespmem:s28+$0xD400]  }
0x202: {  	v54 =	vld [tilespmem:s25+$0xE400];
	v0 =	vadd.f32 v10, v0;
	v1 =	vadd.f32 v49, v1  }
0x203: {  	v55 =	vld [tilespmem:s28+$0xD600]  }
0x204: {  	v0 =	vadd.f32 v50, v0;
	v1 =	vadd.f32 v51, v1  }
0x205: {  	v56 =	vld [tilespmem:s28+$0xD800]  }
0x206: {  	v0 =	vadd.f32 v52, v0;
	v1 =	vadd.f32 v53, v1  }
0x207: {  	v57 =	vld [tilespmem:s28+$0xDA00]  }
0x208: {  	v0 =	vadd.f32 v54, v0;
	v1 =	vadd.f32 v55, v1  }
0x209: {  	v58 =	vld [tilespmem:s28+$0xDC00]  }
0x20a: {  	v0 =	vsub.f32 $0.0e+00, v0;
	v1 =	vadd.f32 v56, v1  }
0x20b: {  	v59 =	vld [tilespmem:s28+$0xDE00]  }
0x20c: {  	[tilespmem:s25+$0x10600] =	vst v0;
	v60 =	vadd.f32 v57, v1  }
0x20d: {  	v61 =	vld [tilespmem:s28+$0xE000]  }
0x20e: {  	v0 =	vadd.f32 v58, v60  }
0x20f: {  	v62 =	vld [tilespmem:s28+$0xE200]  }
0x210: {  	v0 =	vadd.f32 v59, v0  }
0x211: {  	v63 =	vld [tilespmem:s28+$0xE400]  }
0x212: {  	v0 =	vadd.f32 v61, v0;
	_ =	sdelay $0x1  }
0x213: {  	v0 =	vadd.f32 v62, v0;
	_ =	sdelay $0x1  }
0x214: {  	v0 =	vadd.f32 v63, v0;
	_ =	sdelay $0x1  }
0x215: {  	s24 =	sadd.s32 $0x1, s24;
	v0 =	vsub.f32 $0.0e+00, v0  }
0x216: {  	p0 =	sne.s32 s24, s11  }
.Ltmp2:
0x217: {  	[tilespmem:s28+$0x10600] =	vst v0;
	(pc) =	sbr.rel @p0 .LBB2_1-.Ltmp2, $4  }
0x218: {  	[hbm4b:s10+s2] =	stream.linear.scatter [tilespmem:s23], [sflag:$0x2], $0x200, $0x38;
	[tilespmem:$0x12800] =	vst v63  }
0x219: {  	_ =	swait.ge [sflag:s12], $0x200  }
0x21a: {  	[sflag:s12] =	ssyncset.done $0x0  }
0x21b: {  	[sflag:s12] =	ssyncadd.s32 $0xFFFFFE00  }
0x21c: {  	_ =	sfence.sel $0x180000  }
0x21d: {  	[bflag:$0x0] =	sbarrier.arrive $0xFFFF  }
0x21e: {  	_ =	strace $0x90000047  }
0x21f: {  	s0 =	stileid.u32;
	[bflag:$0x2] =	sbarrier.arrive $0xFFFF  }
0x220: {  	p0 =	sne.s32 s0, $0x0;
	s0 =	rddreg [dreg:$0x3]  }
0x221: {  	s0 =	sadd.s32 @!p0 $0x100000, s0  }
0x222: {  	[sflag:s0] =	ssyncadd.tile.s32 @!p0 $0x1;
	_ =	shalt  }
.Lfunc_end2:
_tile_overlayer_lowered:
.L_overlay_start_2:
0x223: {  	(tag) =	ssettag $0x2  }
0x224: {  	s0 =	rddreg [dreg:$0x0];
	s2 =	stileid.u32  }
0x225: {  	s1 =	rddreg [dreg:$0x1];
	p0 =	sne.s32 s2, $0x0  }
0x226: {  	s3 =	rddreg [dreg:$0x2];
	[bflag:$0x3] =	sbarrier.arrive $0xFFFF;
	s2 =	simm.s32 @!p0 $0x1C02  }
0x227: {  	[timem:s3], [sflag:s2] =	dma.local @!p0 [hbm:s0], s1  }
0x228: {  	s0 =	simm.s32 @!p0 $0x2  }
0x229: {  	_ =	swait.ge @!p0 [sflag:s0], s1  }
0x22a: {  	s1 =	ssub.s32 @!p0 $0x0, s1;
	[sflag:s0] =	ssyncset.done @!p0 $0x0  }
0x22b: {  	[sflag:s0] =	ssyncadd.s32 @!p0 s1  }
0x22c: {  	[bflag:$0x3] =	sbarrier.arrive $0xFFFF  }
0x22d: {  	_ =	shalt  }

</sc_bundles>
